<compile_context>
chip_gen: v7x
topology: tpu7x:2x2x1
jax: 0.10.2.dev20260603
libtpu: 0.0.44.dev20260713+nightly
codegen_flags: <defaults>
</compile_context>

<pallas_src>
import functools

import jax
import jax.numpy as jnp
from jax import lax
from jax.experimental import pallas as pl
from jax.experimental.pallas import tpu as pltpu, tpu_sc as plsc

OUT = 7
ROIS = 512
ROI_BLOCK = 64
C = 256
LVL_H = (200, 100, 50, 25)
LVL_BASE = (0, 80000, 100000, 105000)
LVL_BHW = (40000, 10000, 2500, 625)
TABLE_ROWS = 106250

NC, NS = 2, 16
NW = NC * NS
ROIS_PER_W = ROIS // NW


def _sel(lvl, vals, dtype):
    out = jnp.full(lvl.shape, vals[3], dtype=dtype)
    for l in (2, 1, 0):
        out = jnp.where(lvl == l, jnp.asarray(vals[l], dtype), out)
    return out


def _prologue_body(raw_ref, idx_ref, w_ref):
    raw = raw_ref[...]
    i = pl.program_id(0)
    rid = i * ROI_BLOCK + lax.broadcasted_iota(jnp.int32, (ROI_BLOCK, 1), 0)
    b = rid // 256

    x1 = raw[:, 0:1] * 600.0
    y1 = raw[:, 1:2] * 600.0
    x2 = x1 + 16.0 + raw[:, 2:3] * 200.0
    y2 = y1 + 16.0 + raw[:, 3:4] * 200.0
    area = (x2 - x1) * (y2 - y1)
    size = jnp.sqrt(area)
    lvlf = jnp.floor(4.0 + jnp.log2(size / 224.0 + 1e-8))
    lvl = jnp.clip(lvlf, 2.0, 5.0).astype(jnp.int32) - 2

    scale = _sel(lvl, (0.25, 0.125, 0.0625, 0.03125), jnp.float32)
    Hs = _sel(lvl, LVL_H, jnp.int32)
    Ws = Hs
    base = _sel(lvl, LVL_BASE, jnp.int32) + b * _sel(lvl, LVL_BHW, jnp.int32)
    Hf = Hs.astype(jnp.float32)
    Wf = Hf

    x1s = x1 * scale - 0.5
    y1s = y1 * scale - 0.5
    x2s = x2 * scale - 0.5
    y2s = y2 * scale - 0.5
    bin_w = (x2s - x1s) / OUT
    bin_h = (y2s - y1s) / OUT

    J = lax.broadcasted_iota(jnp.int32, (1, 784), 1)
    syi = J // 56
    sxi = (J % 56) // 4
    cr = J % 4
    gy = (syi // 2).astype(jnp.float32) + ((syi % 2).astype(jnp.float32) + 0.5) / 2.0
    gx = (sxi // 2).astype(jnp.float32) + ((sxi % 2).astype(jnp.float32) + 0.5) / 2.0

    sy = y1s + gy * bin_h
    sx = x1s + gx * bin_w
    vy = (sy > -1.0) & (sy < Hf)
    vx = (sx > -1.0) & (sx < Wf)
    yc = jnp.clip(sy, 0.0, Hf - 1.0)
    xc = jnp.clip(sx, 0.0, Wf - 1.0)
    y0f = jnp.floor(yc)
    x0f = jnp.floor(xc)
    y0i = y0f.astype(jnp.int32)
    x0i = x0f.astype(jnp.int32)
    y1i = jnp.minimum(y0i + 1, Hs - 1)
    x1i = jnp.minimum(x0i + 1, Ws - 1)
    ly = yc - y0f
    lx = xc - x0f
    hy = 1.0 - ly
    hx = 1.0 - lx

    yhi = cr >= 2
    xhi = (cr % 2) == 1
    yidx = jnp.where(yhi, y1i, y0i)
    wy = jnp.where(yhi, ly, hy)
    xidx = jnp.where(xhi, x1i, x0i)
    wx = jnp.where(xhi, lx, hx)

    idx = base + yidx * Ws + xidx
    wgt = jnp.where(vy & vx, wy * wx * 0.25, 0.0)
    idx_ref[...] = idx
    w_ref[...] = wgt


def _run_prologue(raw):
    grid = ROIS // ROI_BLOCK
    return pl.pallas_call(
        _prologue_body,
        grid=(grid,),
        in_specs=[pl.BlockSpec((ROI_BLOCK, 4), lambda i: (i, 0))],
        out_specs=[
            pl.BlockSpec((ROI_BLOCK, 784), lambda i: (i, 0)),
            pl.BlockSpec((ROI_BLOCK, 784), lambda i: (i, 0)),
        ],
        out_shape=[
            jax.ShapeDtypeStruct((ROIS, 784), jnp.int32),
            jax.ShapeDtypeStruct((ROIS, 784), jnp.float32),
        ],
    )(raw)


CHUNKS = ROIS_PER_W * OUT


def _sc_body(table, idxs, ws, out,
             idx0, idx1, w0, w1, rows0, rows1, out0, out1,
             sem0, sem1, osem0, osem1):
    idx_v = (idx0, idx1)
    w_v = (w0, w1)
    rows_v = (rows0, rows1)
    out_v = (out0, out1)
    sems = (sem0, sem1)
    osems = (osem0, osem1)
    wid = lax.axis_index("s") * NC + lax.axis_index("c")
    roi0 = wid * ROIS_PER_W

    def stage(t, b):
        n = roi0 + t // OUT
        ph = t % OUT
        pltpu.sync_copy(idxs.at[n, ph], idx_v[b])
        pltpu.sync_copy(ws.at[n, ph], w_v[b])
        pltpu.async_copy(table.at[idx_v[b]], rows_v[b], sems[b])

    stage(jnp.int32(0), 0)

    def tt_body(tt, _):
        for b in (0, 1):
            t = tt * 2 + b
            nb = 1 - b

            @pl.when(t + 1 < CHUNKS)
            def _():
                stage(t + 1, nb)

            pltpu.make_async_copy(table.at[idx_v[b]], rows_v[b], sems[b]).wait()
            n = roi0 + t // OUT
            ph = t % OUT

            @pl.when(t >= 2)
            def _():
                n2 = roi0 + (t - 2) // OUT
                ph2 = (t - 2) % OUT
                pltpu.make_async_copy(out_v[b], out.at[n2, ph2], osems[b]).wait()

            def pw_body(pw, _, b=b):
                accs = [jnp.zeros((16,), jnp.float32) for _ in range(16)]
                for iy in range(2):
                    for j in range(8):
                        kk = iy * 56 + pw * 8 + j
                        wv = w_v[b][kk]
                        for c in range(16):
                            accs[c] = accs[c] + wv * rows_v[b][kk, pl.ds(c * 16, 16)]
                for c in range(16):
                    out_v[b][pw, pl.ds(c * 16, 16)] = accs[c]
                return 0

            lax.fori_loop(0, OUT, pw_body, 0)
            pltpu.async_copy(out_v[b], out.at[n, ph], osems[b])
        return 0

    lax.fori_loop(0, CHUNKS // 2, tt_body, 0)

    for b in (0, 1):
        t = CHUNKS - 2 + b
        n2 = roi0 + t // OUT
        ph2 = t % OUT
        pltpu.make_async_copy(out_v[b], out.at[n2, ph2], osems[b]).wait()


def _run_sc(table, idx, w):
    mesh = plsc.VectorSubcoreMesh(core_axis_name="c", subcore_axis_name="s")
    f = functools.partial(
        pl.kernel,
        out_type=jax.ShapeDtypeStruct((ROIS, OUT, OUT, C), jnp.float32),
        mesh=mesh,
        scratch_types=[
            pltpu.VMEM((112,), jnp.int32),
            pltpu.VMEM((112,), jnp.int32),
            pltpu.VMEM((112, 16), jnp.float32),
            pltpu.VMEM((112, 16), jnp.float32),
            pltpu.VMEM((112, C), jnp.float32),
            pltpu.VMEM((112, C), jnp.float32),
            pltpu.VMEM((OUT, C), jnp.float32),
            pltpu.VMEM((OUT, C), jnp.float32),
            pltpu.SemaphoreType.DMA,
            pltpu.SemaphoreType.DMA,
            pltpu.SemaphoreType.DMA,
            pltpu.SemaphoreType.DMA,
        ],
    )(_sc_body)
    return f(table, idx, w)


def kernel(feat_p2, feat_p3, feat_p4, feat_p5, boxes_raw):
    feats = (feat_p2, feat_p3, feat_p4, feat_p5)
    table = jnp.concatenate(
        [f.transpose(0, 2, 3, 1).reshape(-1, C) for f in feats], axis=0
    )
    raw = boxes_raw.reshape(ROIS, 4)
    idx_flat, w_flat = _run_prologue(raw)
    idx = idx_flat.reshape(ROIS, OUT, 112)
    w = jnp.broadcast_to(
        w_flat.reshape(ROIS, OUT, 112, 1), (ROIS, OUT, 112, 16)
    )
    out = _run_sc(table, idx, w)
    return out.transpose(0, 3, 1, 2)

# --- scband reference (transcript-rebuilt; emitter-appended) ---
"""Pipeline reference for scband-roi-pooler-31851477467447 (READ-ONLY COPY).

The authoritative reference and input builder live on the scoring server;
editing this copy changes nothing except your own understanding.
"""

import jax, jax.numpy as jnp
import numpy as np

OUT = 7
SR = 2
SCALES = (0.25, 0.125, 0.0625, 0.03125)
CANON_SIZE = 224.0
CANON_LEVEL = 4.0
MIN_LEVEL = 2
MAX_LEVEL = 5


def _roi_align(feat, boxes, bidx, scale):
    # feat: [B, C, H, W]; boxes: [N, 4] in image coords; bidx: [N] int32
    # ROIAlignV2 (aligned=True), sampling_ratio=SR, output OUT x OUT
    B, C, H, W = feat.shape
    off = 0.5
    x1 = boxes[:, 0] * scale - off
    y1 = boxes[:, 1] * scale - off
    x2 = boxes[:, 2] * scale - off
    y2 = boxes[:, 3] * scale - off
    roi_w = x2 - x1
    roi_h = y2 - y1
    bin_w = roi_w / OUT
    bin_h = roi_h / OUT
    ph = jnp.arange(OUT, dtype=jnp.float32)
    pw = jnp.arange(OUT, dtype=jnp.float32)
    iy = (jnp.arange(SR, dtype=jnp.float32) + 0.5) / SR
    ix = (jnp.arange(SR, dtype=jnp.float32) + 0.5) / SR
    # sample coordinates: y -> [N, OUT, 1, SR, 1], x -> [N, 1, OUT, 1, SR]
    y = y1[:, None, None, None, None] + (ph[None, :, None, None, None] + iy[None, None, None, :, None]) * bin_h[:, None, None, None, None]
    x = x1[:, None, None, None, None] + (pw[None, None, :, None, None] + ix[None, None, None, None, :]) * bin_w[:, None, None, None, None]
    valid = (y > -1.0) & (y < H) & (x > -1.0) & (x < W)
    yc = jnp.clip(y, 0.0, H - 1)
    xc = jnp.clip(x, 0.0, W - 1)
    y0 = jnp.floor(yc)
    x0 = jnp.floor(xc)
    y0i = y0.astype(jnp.int32)
    x0i = x0.astype(jnp.int32)
    y1i = jnp.minimum(y0i + 1, H - 1)
    x1i = jnp.minimum(x0i + 1, W - 1)
    ly = yc - y0
    lx = xc - x0
    hy = 1.0 - ly
    hx = 1.0 - lx
    bi = bidx[:, None, None, None, None]

    def g(yyi, xxi):
        # advanced indexing separated by slice -> [N, OUT, OUT, SR, SR, C]
        return feat[bi, :, yyi, xxi]

    val = (hy * hx)[..., None] * g(y0i, x0i)
    val = val + (hy * lx)[..., None] * g(y0i, x1i)
    val = val + (ly * hx)[..., None] * g(y1i, x0i)
    val = val + (ly * lx)[..., None] * g(y1i, x1i)
    val = jnp.where(valid[..., None], val, 0.0)
    pooled = val.mean(axis=(3, 4))  # [N, OUT, OUT, C]
    return jnp.transpose(pooled, (0, 3, 1, 2))  # [N, C, OUT, OUT]


def _make_boxes(boxes_raw):
    # map raw uniform[0,1) values to valid (x1, y1, x2, y2) boxes on an 800x800 image
    x1 = boxes_raw[..., 0] * 600.0
    y1 = boxes_raw[..., 1] * 600.0
    x2 = x1 + 16.0 + boxes_raw[..., 2] * 200.0
    y2 = y1 + 16.0 + boxes_raw[..., 3] * 200.0
    return jnp.stack([x1, y1, x2, y2], axis=-1)


def _forward(feats, boxes_raw):
    B, R, _ = boxes_raw.shape
    boxes = _make_boxes(boxes_raw).reshape(B * R, 4)
    # convert_boxes_to_pooler_format: batch index per roi
    bidx = jnp.repeat(jnp.arange(B, dtype=jnp.int32), R)
    # assign_boxes_to_levels
    area = (boxes[:, 2] - boxes[:, 0]) * (boxes[:, 3] - boxes[:, 1])
    sizes = jnp.sqrt(area)
    lvl = jnp.floor(CANON_LEVEL + jnp.log2(sizes / CANON_SIZE + 1e-8))
    lvl = jnp.clip(lvl, MIN_LEVEL, MAX_LEVEL).astype(jnp.int32) - MIN_LEVEL
    C = feats[0].shape[1]
    out = jnp.zeros((B * R, C, OUT, OUT), dtype=feats[0].dtype)
    for l, (feat, scale) in enumerate(zip(feats, SCALES)):
        pooled = _roi_align(feat, boxes, bidx, scale)
        out = jnp.where((lvl == l)[:, None, None, None], pooled, out)
    return out


def setup_inputs(seed: int = 0) -> dict:
    key = jax.random.key(seed)
    k1, k2, k3, k4, k5 = jax.random.split(key, 5)
    feat_p2 = jax.random.normal(k1, (2, 256, 200, 200), dtype=jnp.float32)
    feat_p3 = jax.random.normal(k2, (2, 256, 100, 100), dtype=jnp.float32)
    feat_p4 = jax.random.normal(k3, (2, 256, 50, 50), dtype=jnp.float32)
    feat_p5 = jax.random.normal(k4, (2, 256, 25, 25), dtype=jnp.float32)
    boxes_raw = jax.random.uniform(k5, (2, 256, 4), dtype=jnp.float32)
    return {"feat_p2": feat_p2, "feat_p3": feat_p3, "feat_p4": feat_p4, "feat_p5": feat_p5, "boxes_raw": boxes_raw}


def reference(feat_p2, feat_p3, feat_p4, feat_p5, boxes_raw):
    return _forward((feat_p2, feat_p3, feat_p4, feat_p5), boxes_raw)

if __name__ == "__main__":
    import jax
    _d = setup_inputs()
    print(jax.jit(kernel)(*tuple(_d.values())))

</pallas_src>

<mosaic_0001>
#map = affine_map<(d0, d1) -> (0, 0)>
#map1 = affine_map<(d0, d1) -> (0, 0, 0)>
#map2 = affine_map<(d0, d1) -> (0, 0, 0, 0)>
module attributes {stable_mosaic.version = 14 : i64} {
  func.func @_sc_body(%arg0: i32, %arg1: i32, %arg2: memref<106250x256xf32, #tpu.memory_space<hbm>>, %arg3: memref<512x7x112xi32, #tpu.memory_space<hbm>>, %arg4: memref<512x7x112x16xf32, #tpu.memory_space<hbm>>, %arg5: memref<512x7x7x256xf32, #tpu.memory_space<hbm>>, %arg6: memref<112xi32, #tpu.memory_space<vmem>>, %arg7: memref<112xi32, #tpu.memory_space<vmem>>, %arg8: memref<112x16xf32, #tpu.memory_space<vmem>>, %arg9: memref<112x16xf32, #tpu.memory_space<vmem>>, %arg10: memref<112x256xf32, #tpu.memory_space<vmem>>, %arg11: memref<112x256xf32, #tpu.memory_space<vmem>>, %arg12: memref<7x256xf32, #tpu.memory_space<vmem>>, %arg13: memref<7x256xf32, #tpu.memory_space<vmem>>, %arg14: memref<!tpu.dma_semaphore, #tpu.memory_space<semaphore_mem>>, %arg15: memref<!tpu.dma_semaphore, #tpu.memory_space<semaphore_mem>>, %arg16: memref<!tpu.dma_semaphore, #tpu.memory_space<semaphore_mem>>, %arg17: memref<!tpu.dma_semaphore, #tpu.memory_space<semaphore_mem>>) attributes {dimension_semantics = [#tpu.dimension_semantics<core_parallel>, #tpu.dimension_semantics<subcore_parallel>], iteration_bounds = array<i64: 2, 16>, scalar_prefetch = 0 : i64, scratch_operands = 12 : i64, tpu.core_type = #tpu.core_type<sc_vector_subcore>, window_params = [{transform_indices = #map}, {transform_indices = #map1}, {transform_indices = #map2}, {transform_indices = #map2}]} {
    %mul3A = arith.constant 2 : i32
    %mul3A_0 = arith.muli %arg1, %mul3A : i32
    %add3A = arith.addi %mul3A_0, %arg0 : i32
    %mul3A_1 = arith.constant 16 : i32
    %mul3A_2 = arith.muli %add3A, %mul3A_1 : i32
    %jit3A = arith.constant 0 : i32
    %jit3A_3 = arith.constant 7 : i32
    %div3A = arith.divsi %jit3A, %jit3A_3 : i32
    %sign3A = arith.constant 0 : i32
    %sign3A_4 = arith.cmpi sgt, %jit3A, %sign3A : i32
    %sign3A_5 = arith.extui %sign3A_4 : i1 to i32
    %sign3A_6 = arith.constant 0 : i32
    %sign3A_7 = arith.cmpi slt, %jit3A, %sign3A_6 : i32
    %sign3A_8 = arith.extui %sign3A_7 : i1 to i32
    %sign3A_9 = arith.subi %sign3A_5, %sign3A_8 : i32
    %sign3A_10 = arith.constant 0 : i32
    %sign3A_11 = arith.cmpi sgt, %jit3A_3, %sign3A_10 : i32
    %sign3A_12 = arith.extui %sign3A_11 : i1 to i32
    %sign3A_13 = arith.constant 0 : i32
    %sign3A_14 = arith.cmpi slt, %jit3A_3, %sign3A_13 : i32
    %sign3A_15 = arith.extui %sign3A_14 : i1 to i32
    %sign3A_16 = arith.subi %sign3A_12, %sign3A_15 : i32
    %ne3A = arith.cmpi ne, %sign3A_9, %sign3A_16 : i32
    %rem3A = arith.remsi %jit3A, %jit3A_3 : i32
    %ne3A_17 = arith.constant 0 : i32
    %ne3A_18 = arith.cmpi ne, %rem3A, %ne3A_17 : i32
    %and3A = arith.andi %ne3A, %ne3A_18 : i1
    %sub3A = arith.constant 1 : i32
    %sub3A_19 = arith.subi %div3A, %sub3A : i32
    %select_n3A = arith.select %and3A, %sub3A_19, %div3A : i32
    %add3A_20 = arith.addi %mul3A_2, %select_n3A : i32
    %jit3A_21 = arith.constant 0 : i32
    %jit3A_22 = arith.constant 7 : i32
    %eq3A = arith.constant 0 : i32
    %eq3A_23 = arith.cmpi eq, %jit3A_22, %eq3A : i32
    %jit3A_24 = arith.constant 1 : i32
    %select_n3A_25 = arith.select %eq3A_23, %jit3A_24, %jit3A_22 : i32
    %rem3A_26 = arith.remsi %jit3A_21, %select_n3A_25 : i32
    %ne3A_27 = arith.constant 0 : i32
    %ne3A_28 = arith.cmpi ne, %rem3A_26, %ne3A_27 : i32
    %lt3A = arith.constant 0 : i32
    %lt3A_29 = arith.cmpi slt, %rem3A_26, %lt3A : i32
    %lt3A_30 = arith.constant 0 : i32
    %lt3A_31 = arith.cmpi slt, %select_n3A_25, %lt3A_30 : i32
    %ne3A_32 = arith.xori %lt3A_29, %lt3A_31 : i1
    %and3A_33 = arith.andi %ne3A_32, %ne3A_28 : i1
    %add3A_34 = arith.addi %rem3A_26, %select_n3A_25 : i32
    %select_n3A_35 = arith.select %and3A_33, %add3A_34, %rem3A_26 : i32
    "tpu.region"() ({
      %run_scoped3A = tpu.sem_alloc : memref<!tpu.dma_semaphore, #tpu.memory_space<semaphore_mem>>
      %dma_start3A_65 = arith.constant 0 : i32
      %dma_start3A_66 = tpu.memref_slice %arg3[%add3A_20, %select_n3A_35, %dma_start3A_65] : memref<512x7x112xi32, #tpu.memory_space<hbm>> -> memref<1x1x112xi32, #tpu.memory_space<hbm>>
      %dma_start3A_67 = tpu.memref_squeeze %dma_start3A_66 : memref<1x1x112xi32, #tpu.memory_space<hbm>> -> memref<112xi32, #tpu.memory_space<hbm>>
      %dma_start3A_68 = arith.constant 0 : i32
      %dma_start3A_69 = tpu.memref_slice %arg3[%add3A_20, %select_n3A_35, %dma_start3A_68] : memref<512x7x112xi32, #tpu.memory_space<hbm>> -> memref<1x1x112xi32, #tpu.memory_space<hbm>>
      %dma_start3A_70 = tpu.memref_squeeze %dma_start3A_69 : memref<1x1x112xi32, #tpu.memory_space<hbm>> -> memref<112xi32, #tpu.memory_space<hbm>>
      tpu.enqueue_dma source(%dma_start3A_70 : memref<112xi32, #tpu.memory_space<hbm>>) target(%arg6 : memref<112xi32, #tpu.memory_space<vmem>>) target_semaphore(%run_scoped3A : memref<!tpu.dma_semaphore, #tpu.memory_space<semaphore_mem>>)
      %dma_wait3A_71 = arith.constant 0 : i32
      %dma_wait3A_72 = tpu.memref_slice %arg3[%add3A_20, %select_n3A_35, %dma_wait3A_71] : memref<512x7x112xi32, #tpu.memory_space<hbm>> -> memref<1x1x112xi32, #tpu.memory_space<hbm>>
      %dma_wait3A_73 = tpu.memref_squeeze %dma_wait3A_72 : memref<1x1x112xi32, #tpu.memory_space<hbm>> -> memref<112xi32, #tpu.memory_space<hbm>>
      %dma_wait3A_74 = arith.constant 0 : i32
      %dma_wait3A_75 = tpu.memref_slice %arg3[%add3A_20, %select_n3A_35, %dma_wait3A_74] : memref<512x7x112xi32, #tpu.memory_space<hbm>> -> memref<1x1x112xi32, #tpu.memory_space<hbm>>
      %dma_wait3A_76 = tpu.memref_squeeze %dma_wait3A_75 : memref<1x1x112xi32, #tpu.memory_space<hbm>> -> memref<112xi32, #tpu.memory_space<hbm>>
      tpu.wait_dma2 semaphore(%run_scoped3A : memref<!tpu.dma_semaphore, #tpu.memory_space<semaphore_mem>>) src(%dma_wait3A_76 : memref<112xi32, #tpu.memory_space<hbm>>) dst(%arg6 : memref<112xi32, #tpu.memory_space<vmem>>)
      tpu.yield
    }) : () -> ()
    "tpu.region"() ({
      %run_scoped3A = tpu.sem_alloc : memref<!tpu.dma_semaphore, #tpu.memory_space<semaphore_mem>>
      %dma_start3A_65 = arith.constant 0 : i32
      %dma_start3A_66 = arith.constant 0 : i32
      %dma_start3A_67 = tpu.memref_slice %arg4[%add3A_20, %select_n3A_35, %dma_start3A_65, %dma_start3A_66] : memref<512x7x112x16xf32, #tpu.memory_space<hbm>> -> memref<1x1x112x16xf32, #tpu.memory_space<hbm>>
      %dma_start3A_68 = tpu.memref_squeeze %dma_start3A_67 : memref<1x1x112x16xf32, #tpu.memory_space<hbm>> -> memref<112x16xf32, #tpu.memory_space<hbm>>
      %dma_start3A_69 = arith.constant 0 : i32
      %dma_start3A_70 = arith.constant 0 : i32
      %dma_start3A_71 = tpu.memref_slice %arg4[%add3A_20, %select_n3A_35, %dma_start3A_69, %dma_start3A_70] : memref<512x7x112x16xf32, #tpu.memory_space<hbm>> -> memref<1x1x112x16xf32, #tpu.memory_space<hbm>>
      %dma_start3A_72 = tpu.memref_squeeze %dma_start3A_71 : memref<1x1x112x16xf32, #tpu.memory_space<hbm>> -> memref<112x16xf32, #tpu.memory_space<hbm>>
      tpu.enqueue_dma source(%dma_start3A_72 : memref<112x16xf32, #tpu.memory_space<hbm>>) target(%arg8 : memref<112x16xf32, #tpu.memory_space<vmem>>) target_semaphore(%run_scoped3A : memref<!tpu.dma_semaphore, #tpu.memory_space<semaphore_mem>>)
      %dma_wait3A_73 = arith.constant 0 : i32
      %dma_wait3A_74 = arith.constant 0 : i32
      %dma_wait3A_75 = tpu.memref_slice %arg4[%add3A_20, %select_n3A_35, %dma_wait3A_73, %dma_wait3A_74] : memref<512x7x112x16xf32, #tpu.memory_space<hbm>> -> memref<1x1x112x16xf32, #tpu.memory_space<hbm>>
      %dma_wait3A_76 = tpu.memref_squeeze %dma_wait3A_75 : memref<1x1x112x16xf32, #tpu.memory_space<hbm>> -> memref<112x16xf32, #tpu.memory_space<hbm>>
      %dma_wait3A_77 = arith.constant 0 : i32
      %dma_wait3A_78 = arith.constant 0 : i32
      %dma_wait3A_79 = tpu.memref_slice %arg4[%add3A_20, %select_n3A_35, %dma_wait3A_77, %dma_wait3A_78] : memref<512x7x112x16xf32, #tpu.memory_space<hbm>> -> memref<1x1x112x16xf32, #tpu.memory_space<hbm>>
      %dma_wait3A_80 = tpu.memref_squeeze %dma_wait3A_79 : memref<1x1x112x16xf32, #tpu.memory_space<hbm>> -> memref<112x16xf32, #tpu.memory_space<hbm>>
      tpu.wait_dma2 semaphore(%run_scoped3A : memref<!tpu.dma_semaphore, #tpu.memory_space<semaphore_mem>>) src(%dma_wait3A_80 : memref<112x16xf32, #tpu.memory_space<hbm>>) dst(%arg8 : memref<112x16xf32, #tpu.memory_space<vmem>>)
      tpu.yield
    }) : () -> ()
    %dma_start3A = arith.constant 0 : i32
    %dma_start3A_36 = arith.constant 0 : i32
    %dma_start3A_37 = tpu.memref_slice %arg2[%dma_start3A, %dma_start3A_36] : memref<106250x256xf32, #tpu.memory_space<hbm>> -> memref<106250x256xf32, #tpu.memory_space<hbm>>
    tpu.enqueue_indirect_dma source(%dma_start3A_37 : memref<106250x256xf32, #tpu.memory_space<hbm>>) target(%arg10 : memref<112x256xf32, #tpu.memory_space<vmem>>) offsets(%arg6 : memref<112xi32, #tpu.memory_space<vmem>>) semaphore(%arg14 : memref<!tpu.dma_semaphore, #tpu.memory_space<semaphore_mem>>)
    %scan3A = arith.constant 0 : i32
    %scan3A_38 = arith.constant 0 : i32
    %scan3A_39 = arith.constant 56 : i32
    %scan3A_40 = arith.addi %scan3A_38, %scan3A_39 : i32
    %scan3A_41 = arith.constant 1 : i32
    %scan3A_42 = scf.for %scan3A_65 = %scan3A_38 to %scan3A_40 step %scan3A_41 iter_args(%scan3A_66 = %scan3A) -> (i32)  : i32 {
      %mul3A_67 = arith.constant 2 : i32
      %mul3A_68 = arith.muli %scan3A_65, %mul3A_67 : i32
      %add3A_69 = arith.constant 0 : i32
      %add3A_70 = arith.addi %mul3A_68, %add3A_69 : i32
      %add3A_71 = arith.constant 1 : i32
      %add3A_72 = arith.addi %add3A_70, %add3A_71 : i32
      %lt3A_73 = arith.constant 112 : i32
      %lt3A_74 = arith.cmpi slt, %add3A_72, %lt3A_73 : i32
      %convert_element_type3A = arith.extui %lt3A_74 : i1 to i32
      %cond3A = arith.constant 0 : i32
      %cond3A_75 = arith.cmpi ne, %convert_element_type3A, %cond3A : i32
      scf.if %cond3A_75 {
        %add3A_215 = arith.constant 1 : i32
        %add3A_216 = arith.addi %add3A_70, %add3A_215 : i32
        %jit3A_217 = arith.constant 7 : i32
        %div3A_218 = arith.divsi %add3A_216, %jit3A_217 : i32
        %sign3A_219 = arith.constant 0 : i32
        %sign3A_220 = arith.cmpi sgt, %add3A_216, %sign3A_219 : i32
        %sign3A_221 = arith.extui %sign3A_220 : i1 to i32
        %sign3A_222 = arith.constant 0 : i32
        %sign3A_223 = arith.cmpi slt, %add3A_216, %sign3A_222 : i32
        %sign3A_224 = arith.extui %sign3A_223 : i1 to i32
        %sign3A_225 = arith.subi %sign3A_221, %sign3A_224 : i32
        %sign3A_226 = arith.constant 0 : i32
        %sign3A_227 = arith.cmpi sgt, %jit3A_217, %sign3A_226 : i32
        %sign3A_228 = arith.extui %sign3A_227 : i1 to i32
        %sign3A_229 = arith.constant 0 : i32
        %sign3A_230 = arith.cmpi slt, %jit3A_217, %sign3A_229 : i32
        %sign3A_231 = arith.extui %sign3A_230 : i1 to i32
        %sign3A_232 = arith.subi %sign3A_228, %sign3A_231 : i32
        %ne3A_233 = arith.cmpi ne, %sign3A_225, %sign3A_232 : i32
        %rem3A_234 = arith.remsi %add3A_216, %jit3A_217 : i32
        %ne3A_235 = arith.constant 0 : i32
        %ne3A_236 = arith.cmpi ne, %rem3A_234, %ne3A_235 : i32
        %and3A_237 = arith.andi %ne3A_233, %ne3A_236 : i1
        %sub3A_238 = arith.constant 1 : i32
        %sub3A_239 = arith.subi %div3A_218, %sub3A_238 : i32
        %select_n3A_240 = arith.select %and3A_237, %sub3A_239, %div3A_218 : i32
        %add3A_241 = arith.addi %mul3A_2, %select_n3A_240 : i32
        %jit3A_242 = arith.constant 7 : i32
        %eq3A_243 = arith.constant 0 : i32
        %eq3A_244 = arith.cmpi eq, %jit3A_242, %eq3A_243 : i32
        %jit3A_245 = arith.constant 1 : i32
        %select_n3A_246 = arith.select %eq3A_244, %jit3A_245, %jit3A_242 : i32
        %rem3A_247 = arith.remsi %add3A_216, %select_n3A_246 : i32
        %ne3A_248 = arith.constant 0 : i32
        %ne3A_249 = arith.cmpi ne, %rem3A_247, %ne3A_248 : i32
        %lt3A_250 = arith.constant 0 : i32
        %lt3A_251 = arith.cmpi slt, %rem3A_247, %lt3A_250 : i32
        %lt3A_252 = arith.constant 0 : i32
        %lt3A_253 = arith.cmpi slt, %select_n3A_246, %lt3A_252 : i32
        %ne3A_254 = arith.xori %lt3A_251, %lt3A_253 : i1
        %and3A_255 = arith.andi %ne3A_254, %ne3A_249 : i1
        %add3A_256 = arith.addi %rem3A_247, %select_n3A_246 : i32
        %select_n3A_257 = arith.select %and3A_255, %add3A_256, %rem3A_247 : i32
        "tpu.region"() ({
          %run_scoped3A = tpu.sem_alloc : memref<!tpu.dma_semaphore, #tpu.memory_space<semaphore_mem>>
          %dma_start3A_261 = arith.constant 0 : i32
          %dma_start3A_262 = tpu.memref_slice %arg3[%add3A_241, %select_n3A_257, %dma_start3A_261] : memref<512x7x112xi32, #tpu.memory_space<hbm>> -> memref<1x1x112xi32, #tpu.memory_space<hbm>>
          %dma_start3A_263 = tpu.memref_squeeze %dma_start3A_262 : memref<1x1x112xi32, #tpu.memory_space<hbm>> -> memref<112xi32, #tpu.memory_space<hbm>>
          %dma_start3A_264 = arith.constant 0 : i32
          %dma_start3A_265 = tpu.memref_slice %arg3[%add3A_241, %select_n3A_257, %dma_start3A_264] : memref<512x7x112xi32, #tpu.memory_space<hbm>> -> memref<1x1x112xi32, #tpu.memory_space<hbm>>
          %dma_start3A_266 = tpu.memref_squeeze %dma_start3A_265 : memref<1x1x112xi32, #tpu.memory_space<hbm>> -> memref<112xi32, #tpu.memory_space<hbm>>
          tpu.enqueue_dma source(%dma_start3A_266 : memref<112xi32, #tpu.memory_space<hbm>>) target(%arg7 : memref<112xi32, #tpu.memory_space<vmem>>) target_semaphore(%run_scoped3A : memref<!tpu.dma_semaphore, #tpu.memory_space<semaphore_mem>>)
          %dma_wait3A_267 = arith.constant 0 : i32
          %dma_wait3A_268 = tpu.memref_slice %arg3[%add3A_241, %select_n3A_257, %dma_wait3A_267] : memref<512x7x112xi32, #tpu.memory_space<hbm>> -> memref<1x1x112xi32, #tpu.memory_space<hbm>>
          %dma_wait3A_269 = tpu.memref_squeeze %dma_wait3A_268 : memref<1x1x112xi32, #tpu.memory_space<hbm>> -> memref<112xi32, #tpu.memory_space<hbm>>
          %dma_wait3A_270 = arith.constant 0 : i32
          %dma_wait3A_271 = tpu.memref_slice %arg3[%add3A_241, %select_n3A_257, %dma_wait3A_270] : memref<512x7x112xi32, #tpu.memory_space<hbm>> -> memref<1x1x112xi32, #tpu.memory_space<hbm>>
          %dma_wait3A_272 = tpu.memref_squeeze %dma_wait3A_271 : memref<1x1x112xi32, #tpu.memory_space<hbm>> -> memref<112xi32, #tpu.memory_space<hbm>>
          tpu.wait_dma2 semaphore(%run_scoped3A : memref<!tpu.dma_semaphore, #tpu.memory_space<semaphore_mem>>) src(%dma_wait3A_272 : memref<112xi32, #tpu.memory_space<hbm>>) dst(%arg7 : memref<112xi32, #tpu.memory_space<vmem>>)
          tpu.yield
        }) : () -> ()
        "tpu.region"() ({
          %run_scoped3A = tpu.sem_alloc : memref<!tpu.dma_semaphore, #tpu.memory_space<semaphore_mem>>
          %dma_start3A_261 = arith.constant 0 : i32
          %dma_start3A_262 = arith.constant 0 : i32
          %dma_start3A_263 = tpu.memref_slice %arg4[%add3A_241, %select_n3A_257, %dma_start3A_261, %dma_start3A_262] : memref<512x7x112x16xf32, #tpu.memory_space<hbm>> -> memref<1x1x112x16xf32, #tpu.memory_space<hbm>>
          %dma_start3A_264 = tpu.memref_squeeze %dma_start3A_263 : memref<1x1x112x16xf32, #tpu.memory_space<hbm>> -> memref<112x16xf32, #tpu.memory_space<hbm>>
          %dma_start3A_265 = arith.constant 0 : i32
          %dma_start3A_266 = arith.constant 0 : i32
          %dma_start3A_267 = tpu.memref_slice %arg4[%add3A_241, %select_n3A_257, %dma_start3A_265, %dma_start3A_266] : memref<512x7x112x16xf32, #tpu.memory_space<hbm>> -> memref<1x1x112x16xf32, #tpu.memory_space<hbm>>
          %dma_start3A_268 = tpu.memref_squeeze %dma_start3A_267 : memref<1x1x112x16xf32, #tpu.memory_space<hbm>> -> memref<112x16xf32, #tpu.memory_space<hbm>>
          tpu.enqueue_dma source(%dma_start3A_268 : memref<112x16xf32, #tpu.memory_space<hbm>>) target(%arg9 : memref<112x16xf32, #tpu.memory_space<vmem>>) target_semaphore(%run_scoped3A : memref<!tpu.dma_semaphore, #tpu.memory_space<semaphore_mem>>)
          %dma_wait3A_269 = arith.constant 0 : i32
          %dma_wait3A_270 = arith.constant 0 : i32
          %dma_wait3A_271 = tpu.memref_slice %arg4[%add3A_241, %select_n3A_257, %dma_wait3A_269, %dma_wait3A_270] : memref<512x7x112x16xf32, #tpu.memory_space<hbm>> -> memref<1x1x112x16xf32, #tpu.memory_space<hbm>>
          %dma_wait3A_272 = tpu.memref_squeeze %dma_wait3A_271 : memref<1x1x112x16xf32, #tpu.memory_space<hbm>> -> memref<112x16xf32, #tpu.memory_space<hbm>>
          %dma_wait3A_273 = arith.constant 0 : i32
          %dma_wait3A_274 = arith.constant 0 : i32
          %dma_wait3A_275 = tpu.memref_slice %arg4[%add3A_241, %select_n3A_257, %dma_wait3A_273, %dma_wait3A_274] : memref<512x7x112x16xf32, #tpu.memory_space<hbm>> -> memref<1x1x112x16xf32, #tpu.memory_space<hbm>>
          %dma_wait3A_276 = tpu.memref_squeeze %dma_wait3A_275 : memref<1x1x112x16xf32, #tpu.memory_space<hbm>> -> memref<112x16xf32, #tpu.memory_space<hbm>>
          tpu.wait_dma2 semaphore(%run_scoped3A : memref<!tpu.dma_semaphore, #tpu.memory_space<semaphore_mem>>) src(%dma_wait3A_276 : memref<112x16xf32, #tpu.memory_space<hbm>>) dst(%arg9 : memref<112x16xf32, #tpu.memory_space<vmem>>)
          tpu.yield
        }) : () -> ()
        %dma_start3A_258 = arith.constant 0 : i32
        %dma_start3A_259 = arith.constant 0 : i32
        %dma_start3A_260 = tpu.memref_slice %arg2[%dma_start3A_258, %dma_start3A_259] : memref<106250x256xf32, #tpu.memory_space<hbm>> -> memref<106250x256xf32, #tpu.memory_space<hbm>>
        tpu.enqueue_indirect_dma source(%dma_start3A_260 : memref<106250x256xf32, #tpu.memory_space<hbm>>) target(%arg11 : memref<112x256xf32, #tpu.memory_space<vmem>>) offsets(%arg7 : memref<112xi32, #tpu.memory_space<vmem>>) semaphore(%arg15 : memref<!tpu.dma_semaphore, #tpu.memory_space<semaphore_mem>>)
      } else {
      }
      %dma_wait3A_76 = arith.constant 0 : i32
      %dma_wait3A_77 = arith.constant 0 : i32
      %dma_wait3A_78 = tpu.memref_slice %arg2[%dma_wait3A_76, %dma_wait3A_77] : memref<106250x256xf32, #tpu.memory_space<hbm>> -> memref<106250x256xf32, #tpu.memory_space<hbm>>
      tpu.wait_indirect_dma semaphore(%arg14 : memref<!tpu.dma_semaphore, #tpu.memory_space<semaphore_mem>>) src(%dma_wait3A_78 : memref<106250x256xf32, #tpu.memory_space<hbm>>) dst(%arg10 : memref<112x256xf32, #tpu.memory_space<vmem>>)
      %jit3A_79 = arith.constant 7 : i32
      %div3A_80 = arith.divsi %add3A_70, %jit3A_79 : i32
      %sign3A_81 = arith.constant 0 : i32
      %sign3A_82 = arith.cmpi sgt, %add3A_70, %sign3A_81 : i32
      %sign3A_83 = arith.extui %sign3A_82 : i1 to i32
      %sign3A_84 = arith.constant 0 : i32
      %sign3A_85 = arith.cmpi slt, %add3A_70, %sign3A_84 : i32
      %sign3A_86 = arith.extui %sign3A_85 : i1 to i32
      %sign3A_87 = arith.subi %sign3A_83, %sign3A_86 : i32
      %sign3A_88 = arith.constant 0 : i32
      %sign3A_89 = arith.cmpi sgt, %jit3A_79, %sign3A_88 : i32
      %sign3A_90 = arith.extui %sign3A_89 : i1 to i32
      %sign3A_91 = arith.constant 0 : i32
      %sign3A_92 = arith.cmpi slt, %jit3A_79, %sign3A_91 : i32
      %sign3A_93 = arith.extui %sign3A_92 : i1 to i32
      %sign3A_94 = arith.subi %sign3A_90, %sign3A_93 : i32
      %ne3A_95 = arith.cmpi ne, %sign3A_87, %sign3A_94 : i32
      %rem3A_96 = arith.remsi %add3A_70, %jit3A_79 : i32
      %ne3A_97 = arith.constant 0 : i32
      %ne3A_98 = arith.cmpi ne, %rem3A_96, %ne3A_97 : i32
      %and3A_99 = arith.andi %ne3A_95, %ne3A_98 : i1
      %sub3A_100 = arith.constant 1 : i32
      %sub3A_101 = arith.subi %div3A_80, %sub3A_100 : i32
      %select_n3A_102 = arith.select %and3A_99, %sub3A_101, %div3A_80 : i32
      %add3A_103 = arith.addi %mul3A_2, %select_n3A_102 : i32
      %jit3A_104 = arith.constant 7 : i32
      %eq3A_105 = arith.constant 0 : i32
      %eq3A_106 = arith.cmpi eq, %jit3A_104, %eq3A_105 : i32
      %jit3A_107 = arith.constant 1 : i32
      %select_n3A_108 = arith.select %eq3A_106, %jit3A_107, %jit3A_104 : i32
      %rem3A_109 = arith.remsi %add3A_70, %select_n3A_108 : i32
      %ne3A_110 = arith.constant 0 : i32
      %ne3A_111 = arith.cmpi ne, %rem3A_109, %ne3A_110 : i32
      %lt3A_112 = arith.constant 0 : i32
      %lt3A_113 = arith.cmpi slt, %rem3A_109, %lt3A_112 : i32
      %lt3A_114 = arith.constant 0 : i32
      %lt3A_115 = arith.cmpi slt, %select_n3A_108, %lt3A_114 : i32
      %ne3A_116 = arith.xori %lt3A_113, %lt3A_115 : i1
      %and3A_117 = arith.andi %ne3A_116, %ne3A_111 : i1
      %add3A_118 = arith.addi %rem3A_109, %select_n3A_108 : i32
      %select_n3A_119 = arith.select %and3A_117, %add3A_118, %rem3A_109 : i32
      %ge3A = arith.constant 2 : i32
      %ge3A_120 = arith.cmpi sge, %add3A_70, %ge3A : i32
      %convert_element_type3A_121 = arith.extui %ge3A_120 : i1 to i32
      %cond3A_122 = arith.constant 0 : i32
      %cond3A_123 = arith.cmpi ne, %convert_element_type3A_121, %cond3A_122 : i32
      scf.if %cond3A_123 {
        %sub3A_215 = arith.constant 2 : i32
        %sub3A_216 = arith.subi %add3A_70, %sub3A_215 : i32
        %jit3A_217 = arith.constant 7 : i32
        %div3A_218 = arith.divsi %sub3A_216, %jit3A_217 : i32
        %sign3A_219 = arith.constant 0 : i32
        %sign3A_220 = arith.cmpi sgt, %sub3A_216, %sign3A_219 : i32
        %sign3A_221 = arith.extui %sign3A_220 : i1 to i32
        %sign3A_222 = arith.constant 0 : i32
        %sign3A_223 = arith.cmpi slt, %sub3A_216, %sign3A_222 : i32
        %sign3A_224 = arith.extui %sign3A_223 : i1 to i32
        %sign3A_225 = arith.subi %sign3A_221, %sign3A_224 : i32
        %sign3A_226 = arith.constant 0 : i32
        %sign3A_227 = arith.cmpi sgt, %jit3A_217, %sign3A_226 : i32
        %sign3A_228 = arith.extui %sign3A_227 : i1 to i32
        %sign3A_229 = arith.constant 0 : i32
        %sign3A_230 = arith.cmpi slt, %jit3A_217, %sign3A_229 : i32
        %sign3A_231 = arith.extui %sign3A_230 : i1 to i32
        %sign3A_232 = arith.subi %sign3A_228, %sign3A_231 : i32
        %ne3A_233 = arith.cmpi ne, %sign3A_225, %sign3A_232 : i32
        %rem3A_234 = arith.remsi %sub3A_216, %jit3A_217 : i32
        %ne3A_235 = arith.constant 0 : i32
        %ne3A_236 = arith.cmpi ne, %rem3A_234, %ne3A_235 : i32
        %and3A_237 = arith.andi %ne3A_233, %ne3A_236 : i1
        %sub3A_238 = arith.constant 1 : i32
        %sub3A_239 = arith.subi %div3A_218, %sub3A_238 : i32
        %select_n3A_240 = arith.select %and3A_237, %sub3A_239, %div3A_218 : i32
        %add3A_241 = arith.addi %mul3A_2, %select_n3A_240 : i32
        %sub3A_242 = arith.constant 2 : i32
        %sub3A_243 = arith.subi %add3A_70, %sub3A_242 : i32
        %jit3A_244 = arith.constant 7 : i32
        %eq3A_245 = arith.constant 0 : i32
        %eq3A_246 = arith.cmpi eq, %jit3A_244, %eq3A_245 : i32
        %jit3A_247 = arith.constant 1 : i32
        %select_n3A_248 = arith.select %eq3A_246, %jit3A_247, %jit3A_244 : i32
        %rem3A_249 = arith.remsi %sub3A_243, %select_n3A_248 : i32
        %ne3A_250 = arith.constant 0 : i32
        %ne3A_251 = arith.cmpi ne, %rem3A_249, %ne3A_250 : i32
        %lt3A_252 = arith.constant 0 : i32
        %lt3A_253 = arith.cmpi slt, %rem3A_249, %lt3A_252 : i32
        %lt3A_254 = arith.constant 0 : i32
        %lt3A_255 = arith.cmpi slt, %select_n3A_248, %lt3A_254 : i32
        %ne3A_256 = arith.xori %lt3A_253, %lt3A_255 : i1
        %and3A_257 = arith.andi %ne3A_256, %ne3A_251 : i1
        %add3A_258 = arith.addi %rem3A_249, %select_n3A_248 : i32
        %select_n3A_259 = arith.select %and3A_257, %add3A_258, %rem3A_249 : i32
        %dma_wait3A_260 = arith.constant 0 : i32
        %dma_wait3A_261 = arith.constant 0 : i32
        %dma_wait3A_262 = tpu.memref_slice %arg5[%add3A_241, %select_n3A_259, %dma_wait3A_260, %dma_wait3A_261] : memref<512x7x7x256xf32, #tpu.memory_space<hbm>> -> memref<1x1x7x256xf32, #tpu.memory_space<hbm>>
        %dma_wait3A_263 = tpu.memref_squeeze %dma_wait3A_262 : memref<1x1x7x256xf32, #tpu.memory_space<hbm>> -> memref<7x256xf32, #tpu.memory_space<hbm>>
        %dma_wait3A_264 = arith.constant 0 : i32
        %dma_wait3A_265 = arith.constant 0 : i32
        %dma_wait3A_266 = tpu.memref_slice %arg5[%add3A_241, %select_n3A_259, %dma_wait3A_264, %dma_wait3A_265] : memref<512x7x7x256xf32, #tpu.memory_space<hbm>> -> memref<1x1x7x256xf32, #tpu.memory_space<hbm>>
        %dma_wait3A_267 = tpu.memref_squeeze %dma_wait3A_266 : memref<1x1x7x256xf32, #tpu.memory_space<hbm>> -> memref<7x256xf32, #tpu.memory_space<hbm>>
        tpu.wait_dma2 semaphore(%arg16 : memref<!tpu.dma_semaphore, #tpu.memory_space<semaphore_mem>>) src(%arg12 : memref<7x256xf32, #tpu.memory_space<vmem>>) dst(%dma_wait3A_267 : memref<7x256xf32, #tpu.memory_space<hbm>>)
      } else {
      }
      %scan3A_124 = arith.constant 0 : i32
      %scan3A_125 = arith.constant 0 : i32
      %scan3A_126 = arith.constant 7 : i32
      %scan3A_127 = arith.addi %scan3A_125, %scan3A_126 : i32
      %scan3A_128 = arith.constant 1 : i32
      %scan3A_129 = scf.for %scan3A_215 = %scan3A_125 to %scan3A_127 step %scan3A_128 iter_args(%scan3A_216 = %scan3A_124) -> (i32)  : i32 {
        %broadcast_in_dim3A = arith.constant 0.000000e+00 : f32
        %broadcast_in_dim3A_217 = vector.broadcast %broadcast_in_dim3A : f32 to vector<16xf32>
        %broadcast_in_dim3A_218 = arith.constant 0.000000e+00 : f32
        %broadcast_in_dim3A_219 = vector.broadcast %broadcast_in_dim3A_218 : f32 to vector<16xf32>
        %broadcast_in_dim3A_220 = arith.constant 0.000000e+00 : f32
        %broadcast_in_dim3A_221 = vector.broadcast %broadcast_in_dim3A_220 : f32 to vector<16xf32>
        %broadcast_in_dim3A_222 = arith.constant 0.000000e+00 : f32
        %broadcast_in_dim3A_223 = vector.broadcast %broadcast_in_dim3A_222 : f32 to vector<16xf32>
        %broadcast_in_dim3A_224 = arith.constant 0.000000e+00 : f32
        %broadcast_in_dim3A_225 = vector.broadcast %broadcast_in_dim3A_224 : f32 to vector<16xf32>
        %broadcast_in_dim3A_226 = arith.constant 0.000000e+00 : f32
        %broadcast_in_dim3A_227 = vector.broadcast %broadcast_in_dim3A_226 : f32 to vector<16xf32>
        %broadcast_in_dim3A_228 = arith.constant 0.000000e+00 : f32
        %broadcast_in_dim3A_229 = vector.broadcast %broadcast_in_dim3A_228 : f32 to vector<16xf32>
        %broadcast_in_dim3A_230 = arith.constant 0.000000e+00 : f32
        %broadcast_in_dim3A_231 = vector.broadcast %broadcast_in_dim3A_230 : f32 to vector<16xf32>
        %broadcast_in_dim3A_232 = arith.constant 0.000000e+00 : f32
        %broadcast_in_dim3A_233 = vector.broadcast %broadcast_in_dim3A_232 : f32 to vector<16xf32>
        %broadcast_in_dim3A_234 = arith.constant 0.000000e+00 : f32
        %broadcast_in_dim3A_235 = vector.broadcast %broadcast_in_dim3A_234 : f32 to vector<16xf32>
        %broadcast_in_dim3A_236 = arith.constant 0.000000e+00 : f32
        %broadcast_in_dim3A_237 = vector.broadcast %broadcast_in_dim3A_236 : f32 to vector<16xf32>
        %broadcast_in_dim3A_238 = arith.constant 0.000000e+00 : f32
        %broadcast_in_dim3A_239 = vector.broadcast %broadcast_in_dim3A_238 : f32 to vector<16xf32>
        %broadcast_in_dim3A_240 = arith.constant 0.000000e+00 : f32
        %broadcast_in_dim3A_241 = vector.broadcast %broadcast_in_dim3A_240 : f32 to vector<16xf32>
        %broadcast_in_dim3A_242 = arith.constant 0.000000e+00 : f32
        %broadcast_in_dim3A_243 = vector.broadcast %broadcast_in_dim3A_242 : f32 to vector<16xf32>
        %broadcast_in_dim3A_244 = arith.constant 0.000000e+00 : f32
        %broadcast_in_dim3A_245 = vector.broadcast %broadcast_in_dim3A_244 : f32 to vector<16xf32>
        %broadcast_in_dim3A_246 = arith.constant 0.000000e+00 : f32
        %broadcast_in_dim3A_247 = vector.broadcast %broadcast_in_dim3A_246 : f32 to vector<16xf32>
        %mul3A_248 = arith.constant 8 : i32
        %mul3A_249 = arith.muli %scan3A_215, %mul3A_248 : i32
        %add3A_250 = arith.constant 0 : i32
        %add3A_251 = arith.addi %add3A_250, %mul3A_249 : i32
        %add3A_252 = arith.constant 0 : i32
        %add3A_253 = arith.addi %add3A_251, %add3A_252 : i32
        %get3A = arith.index_cast %add3A_253 : i32 to index
        %get3A_254 = arith.constant 0 : index
        %get3A_255 = tpu.vector_load %arg8[%get3A, %get3A_254] {strides = array<i32>} : memref<112x16xf32, #tpu.memory_space<vmem>>, vector<1x16xf32>,
        %get3A_256 = vector.shape_cast %get3A_255 : vector<1x16xf32> to vector<16xf32>
        %get3A_257 = arith.index_cast %add3A_253 : i32 to index
        %get3A_258 = arith.constant 0 : index
        %get3A_259 = tpu.vector_load %arg10[%get3A_257, %get3A_258] {strides = array<i32>} : memref<112x256xf32, #tpu.memory_space<vmem>>, vector<1x16xf32>,
        %get3A_260 = vector.shape_cast %get3A_259 : vector<1x16xf32> to vector<16xf32>
        %mul3A_261 = arith.mulf %get3A_256, %get3A_260 : vector<16xf32>
        %add3A_262 = arith.addf %broadcast_in_dim3A_217, %mul3A_261 : vector<16xf32>
        %get3A_263 = arith.index_cast %add3A_253 : i32 to index
        %get3A_264 = arith.constant 16 : index
        %get3A_265 = tpu.vector_load %arg10[%get3A_263, %get3A_264] {strides = array<i32>} : memref<112x256xf32, #tpu.memory_space<vmem>>, vector<1x16xf32>,
        %get3A_266 = vector.shape_cast %get3A_265 : vector<1x16xf32> to vector<16xf32>
        %mul3A_267 = arith.mulf %get3A_256, %get3A_266 : vector<16xf32>
        %add3A_268 = arith.addf %broadcast_in_dim3A_219, %mul3A_267 : vector<16xf32>
        %get3A_269 = arith.index_cast %add3A_253 : i32 to index
        %get3A_270 = arith.constant 32 : index
        %get3A_271 = tpu.vector_load %arg10[%get3A_269, %get3A_270] {strides = array<i32>} : memref<112x256xf32, #tpu.memory_space<vmem>>, vector<1x16xf32>,
        %get3A_272 = vector.shape_cast %get3A_271 : vector<1x16xf32> to vector<16xf32>
        %mul3A_273 = arith.mulf %get3A_256, %get3A_272 : vector<16xf32>
        %add3A_274 = arith.addf %broadcast_in_dim3A_221, %mul3A_273 : vector<16xf32>
        %get3A_275 = arith.index_cast %add3A_253 : i32 to index
        %get3A_276 = arith.constant 48 : index
        %get3A_277 = tpu.vector_load %arg10[%get3A_275, %get3A_276] {strides = array<i32>} : memref<112x256xf32, #tpu.memory_space<vmem>>, vector<1x16xf32>,
        %get3A_278 = vector.shape_cast %get3A_277 : vector<1x16xf32> to vector<16xf32>
        %mul3A_279 = arith.mulf %get3A_256, %get3A_278 : vector<16xf32>
        %add3A_280 = arith.addf %broadcast_in_dim3A_223, %mul3A_279 : vector<16xf32>
        %get3A_281 = arith.index_cast %add3A_253 : i32 to index
        %get3A_282 = arith.constant 64 : index
        %get3A_283 = tpu.vector_load %arg10[%get3A_281, %get3A_282] {strides = array<i32>} : memref<112x256xf32, #tpu.memory_space<vmem>>, vector<1x16xf32>,
        %get3A_284 = vector.shape_cast %get3A_283 : vector<1x16xf32> to vector<16xf32>
        %mul3A_285 = arith.mulf %get3A_256, %get3A_284 : vector<16xf32>
        %add3A_286 = arith.addf %broadcast_in_dim3A_225, %mul3A_285 : vector<16xf32>
        %get3A_287 = arith.index_cast %add3A_253 : i32 to index
        %get3A_288 = arith.constant 80 : index
        %get3A_289 = tpu.vector_load %arg10[%get3A_287, %get3A_288] {strides = array<i32>} : memref<112x256xf32, #tpu.memory_space<vmem>>, vector<1x16xf32>,
        %get3A_290 = vector.shape_cast %get3A_289 : vector<1x16xf32> to vector<16xf32>
        %mul3A_291 = arith.mulf %get3A_256, %get3A_290 : vector<16xf32>
        %add3A_292 = arith.addf %broadcast_in_dim3A_227, %mul3A_291 : vector<16xf32>
        %get3A_293 = arith.index_cast %add3A_253 : i32 to index
        %get3A_294 = arith.constant 96 : index
        %get3A_295 = tpu.vector_load %arg10[%get3A_293, %get3A_294] {strides = array<i32>} : memref<112x256xf32, #tpu.memory_space<vmem>>, vector<1x16xf32>,
        %get3A_296 = vector.shape_cast %get3A_295 : vector<1x16xf32> to vector<16xf32>
        %mul3A_297 = arith.mulf %get3A_256, %get3A_296 : vector<16xf32>
        %add3A_298 = arith.addf %broadcast_in_dim3A_229, %mul3A_297 : vector<16xf32>
        %get3A_299 = arith.index_cast %add3A_253 : i32 to index
        %get3A_300 = arith.constant 112 : index
        %get3A_301 = tpu.vector_load %arg10[%get3A_299, %get3A_300] {strides = array<i32>} : memref<112x256xf32, #tpu.memory_space<vmem>>, vector<1x16xf32>,
        %get3A_302 = vector.shape_cast %get3A_301 : vector<1x16xf32> to vector<16xf32>
        %mul3A_303 = arith.mulf %get3A_256, %get3A_302 : vector<16xf32>
        %add3A_304 = arith.addf %broadcast_in_dim3A_231, %mul3A_303 : vector<16xf32>
        %get3A_305 = arith.index_cast %add3A_253 : i32 to index
        %get3A_306 = arith.constant 128 : index
        %get3A_307 = tpu.vector_load %arg10[%get3A_305, %get3A_306] {strides = array<i32>} : memref<112x256xf32, #tpu.memory_space<vmem>>, vector<1x16xf32>,
        %get3A_308 = vector.shape_cast %get3A_307 : vector<1x16xf32> to vector<16xf32>
        %mul3A_309 = arith.mulf %get3A_256, %get3A_308 : vector<16xf32>
        %add3A_310 = arith.addf %broadcast_in_dim3A_233, %mul3A_309 : vector<16xf32>
        %get3A_311 = arith.index_cast %add3A_253 : i32 to index
        %get3A_312 = arith.constant 144 : index
        %get3A_313 = tpu.vector_load %arg10[%get3A_311, %get3A_312] {strides = array<i32>} : memref<112x256xf32, #tpu.memory_space<vmem>>, vector<1x16xf32>,
        %get3A_314 = vector.shape_cast %get3A_313 : vector<1x16xf32> to vector<16xf32>
        %mul3A_315 = arith.mulf %get3A_256, %get3A_314 : vector<16xf32>
        %add3A_316 = arith.addf %broadcast_in_dim3A_235, %mul3A_315 : vector<16xf32>
        %get3A_317 = arith.index_cast %add3A_253 : i32 to index
        %get3A_318 = arith.constant 160 : index
        %get3A_319 = tpu.vector_load %arg10[%get3A_317, %get3A_318] {strides = array<i32>} : memref<112x256xf32, #tpu.memory_space<vmem>>, vector<1x16xf32>,
        %get3A_320 = vector.shape_cast %get3A_319 : vector<1x16xf32> to vector<16xf32>
        %mul3A_321 = arith.mulf %get3A_256, %get3A_320 : vector<16xf32>
        %add3A_322 = arith.addf %broadcast_in_dim3A_237, %mul3A_321 : vector<16xf32>
        %get3A_323 = arith.index_cast %add3A_253 : i32 to index
        %get3A_324 = arith.constant 176 : index
        %get3A_325 = tpu.vector_load %arg10[%get3A_323, %get3A_324] {strides = array<i32>} : memref<112x256xf32, #tpu.memory_space<vmem>>, vector<1x16xf32>,
        %get3A_326 = vector.shape_cast %get3A_325 : vector<1x16xf32> to vector<16xf32>
        %mul3A_327 = arith.mulf %get3A_256, %get3A_326 : vector<16xf32>
        %add3A_328 = arith.addf %broadcast_in_dim3A_239, %mul3A_327 : vector<16xf32>
        %get3A_329 = arith.index_cast %add3A_253 : i32 to index
        %get3A_330 = arith.constant 192 : index
        %get3A_331 = tpu.vector_load %arg10[%get3A_329, %get3A_330] {strides = array<i32>} : memref<112x256xf32, #tpu.memory_space<vmem>>, vector<1x16xf32>,
        %get3A_332 = vector.shape_cast %get3A_331 : vector<1x16xf32> to vector<16xf32>
        %mul3A_333 = arith.mulf %get3A_256, %get3A_332 : vector<16xf32>
        %add3A_334 = arith.addf %broadcast_in_dim3A_241, %mul3A_333 : vector<16xf32>
        %get3A_335 = arith.index_cast %add3A_253 : i32 to index
        %get3A_336 = arith.constant 208 : index
        %get3A_337 = tpu.vector_load %arg10[%get3A_335, %get3A_336] {strides = array<i32>} : memref<112x256xf32, #tpu.memory_space<vmem>>, vector<1x16xf32>,
        %get3A_338 = vector.shape_cast %get3A_337 : vector<1x16xf32> to vector<16xf32>
        %mul3A_339 = arith.mulf %get3A_256, %get3A_338 : vector<16xf32>
        %add3A_340 = arith.addf %broadcast_in_dim3A_243, %mul3A_339 : vector<16xf32>
        %get3A_341 = arith.index_cast %add3A_253 : i32 to index
        %get3A_342 = arith.constant 224 : index
        %get3A_343 = tpu.vector_load %arg10[%get3A_341, %get3A_342] {strides = array<i32>} : memref<112x256xf32, #tpu.memory_space<vmem>>, vector<1x16xf32>,
        %get3A_344 = vector.shape_cast %get3A_343 : vector<1x16xf32> to vector<16xf32>
        %mul3A_345 = arith.mulf %get3A_256, %get3A_344 : vector<16xf32>
        %add3A_346 = arith.addf %broadcast_in_dim3A_245, %mul3A_345 : vector<16xf32>
        %get3A_347 = arith.index_cast %add3A_253 : i32 to index
        %get3A_348 = arith.constant 240 : index
        %get3A_349 = tpu.vector_load %arg10[%get3A_347, %get3A_348] {strides = array<i32>} : memref<112x256xf32, #tpu.memory_space<vmem>>, vector<1x16xf32>,
        %get3A_350 = vector.shape_cast %get3A_349 : vector<1x16xf32> to vector<16xf32>
        %mul3A_351 = arith.mulf %get3A_256, %get3A_350 : vector<16xf32>
        %add3A_352 = arith.addf %broadcast_in_dim3A_247, %mul3A_351 : vector<16xf32>
        %mul3A_353 = arith.constant 8 : i32
        %mul3A_354 = arith.muli %scan3A_215, %mul3A_353 : i32
        %add3A_355 = arith.constant 0 : i32
        %add3A_356 = arith.addi %add3A_355, %mul3A_354 : i32
        %add3A_357 = arith.constant 1 : i32
        %add3A_358 = arith.addi %add3A_356, %add3A_357 : i32
        %get3A_359 = arith.index_cast %add3A_358 : i32 to index
        %get3A_360 = arith.constant 0 : index
        %get3A_361 = tpu.vector_load %arg8[%get3A_359, %get3A_360] {strides = array<i32>} : memref<112x16xf32, #tpu.memory_space<vmem>>, vector<1x16xf32>,
        %get3A_362 = vector.shape_cast %get3A_361 : vector<1x16xf32> to vector<16xf32>
        %get3A_363 = arith.index_cast %add3A_358 : i32 to index
        %get3A_364 = arith.constant 0 : index
        %get3A_365 = tpu.vector_load %arg10[%get3A_363, %get3A_364] {strides = array<i32>} : memref<112x256xf32, #tpu.memory_space<vmem>>, vector<1x16xf32>,
        %get3A_366 = vector.shape_cast %get3A_365 : vector<1x16xf32> to vector<16xf32>
        %mul3A_367 = arith.mulf %get3A_362, %get3A_366 : vector<16xf32>
        %add3A_368 = arith.addf %add3A_262, %mul3A_367 : vector<16xf32>
        %get3A_369 = arith.index_cast %add3A_358 : i32 to index
        %get3A_370 = arith.constant 16 : index
        %get3A_371 = tpu.vector_load %arg10[%get3A_369, %get3A_370] {strides = array<i32>} : memref<112x256xf32, #tpu.memory_space<vmem>>, vector<1x16xf32>,
        %get3A_372 = vector.shape_cast %get3A_371 : vector<1x16xf32> to vector<16xf32>
        %mul3A_373 = arith.mulf %get3A_362, %get3A_372 : vector<16xf32>
        %add3A_374 = arith.addf %add3A_268, %mul3A_373 : vector<16xf32>
        %get3A_375 = arith.index_cast %add3A_358 : i32 to index
        %get3A_376 = arith.constant 32 : index
        %get3A_377 = tpu.vector_load %arg10[%get3A_375, %get3A_376] {strides = array<i32>} : memref<112x256xf32, #tpu.memory_space<vmem>>, vector<1x16xf32>,
        %get3A_378 = vector.shape_cast %get3A_377 : vector<1x16xf32> to vector<16xf32>
        %mul3A_379 = arith.mulf %get3A_362, %get3A_378 : vector<16xf32>
        %add3A_380 = arith.addf %add3A_274, %mul3A_379 : vector<16xf32>
        %get3A_381 = arith.index_cast %add3A_358 : i32 to index
        %get3A_382 = arith.constant 48 : index
        %get3A_383 = tpu.vector_load %arg10[%get3A_381, %get3A_382] {strides = array<i32>} : memref<112x256xf32, #tpu.memory_space<vmem>>, vector<1x16xf32>,
        %get3A_384 = vector.shape_cast %get3A_383 : vector<1x16xf32> to vector<16xf32>
        %mul3A_385 = arith.mulf %get3A_362, %get3A_384 : vector<16xf32>
        %add3A_386 = arith.addf %add3A_280, %mul3A_385 : vector<16xf32>
        %get3A_387 = arith.index_cast %add3A_358 : i32 to index
        %get3A_388 = arith.constant 64 : index
        %get3A_389 = tpu.vector_load %arg10[%get3A_387, %get3A_388] {strides = array<i32>} : memref<112x256xf32, #tpu.memory_space<vmem>>, vector<1x16xf32>,
        %get3A_390 = vector.shape_cast %get3A_389 : vector<1x16xf32> to vector<16xf32>
        %mul3A_391 = arith.mulf %get3A_362, %get3A_390 : vector<16xf32>
        %add3A_392 = arith.addf %add3A_286, %mul3A_391 : vector<16xf32>
        %get3A_393 = arith.index_cast %add3A_358 : i32 to index
        %get3A_394 = arith.constant 80 : index
        %get3A_395 = tpu.vector_load %arg10[%get3A_393, %get3A_394] {strides = array<i32>} : memref<112x256xf32, #tpu.memory_space<vmem>>, vector<1x16xf32>,
        %get3A_396 = vector.shape_cast %get3A_395 : vector<1x16xf32> to vector<16xf32>
        %mul3A_397 = arith.mulf %get3A_362, %get3A_396 : vector<16xf32>
        %add3A_398 = arith.addf %add3A_292, %mul3A_397 : vector<16xf32>
        %get3A_399 = arith.index_cast %add3A_358 : i32 to index
        %get3A_400 = arith.constant 96 : index
        %get3A_401 = tpu.vector_load %arg10[%get3A_399, %get3A_400] {strides = array<i32>} : memref<112x256xf32, #tpu.memory_space<vmem>>, vector<1x16xf32>,
        %get3A_402 = vector.shape_cast %get3A_401 : vector<1x16xf32> to vector<16xf32>
        %mul3A_403 = arith.mulf %get3A_362, %get3A_402 : vector<16xf32>
        %add3A_404 = arith.addf %add3A_298, %mul3A_403 : vector<16xf32>
        %get3A_405 = arith.index_cast %add3A_358 : i32 to index
        %get3A_406 = arith.constant 112 : index
        %get3A_407 = tpu.vector_load %arg10[%get3A_405, %get3A_406] {strides = array<i32>} : memref<112x256xf32, #tpu.memory_space<vmem>>, vector<1x16xf32>,
        %get3A_408 = vector.shape_cast %get3A_407 : vector<1x16xf32> to vector<16xf32>
        %mul3A_409 = arith.mulf %get3A_362, %get3A_408 : vector<16xf32>
        %add3A_410 = arith.addf %add3A_304, %mul3A_409 : vector<16xf32>
        %get3A_411 = arith.index_cast %add3A_358 : i32 to index
        %get3A_412 = arith.constant 128 : index
        %get3A_413 = tpu.vector_load %arg10[%get3A_411, %get3A_412] {strides = array<i32>} : memref<112x256xf32, #tpu.memory_space<vmem>>, vector<1x16xf32>,
        %get3A_414 = vector.shape_cast %get3A_413 : vector<1x16xf32> to vector<16xf32>
        %mul3A_415 = arith.mulf %get3A_362, %get3A_414 : vector<16xf32>
        %add3A_416 = arith.addf %add3A_310, %mul3A_415 : vector<16xf32>
        %get3A_417 = arith.index_cast %add3A_358 : i32 to index
        %get3A_418 = arith.constant 144 : index
        %get3A_419 = tpu.vector_load %arg10[%get3A_417, %get3A_418] {strides = array<i32>} : memref<112x256xf32, #tpu.memory_space<vmem>>, vector<1x16xf32>,
        %get3A_420 = vector.shape_cast %get3A_419 : vector<1x16xf32> to vector<16xf32>
        %mul3A_421 = arith.mulf %get3A_362, %get3A_420 : vector<16xf32>
        %add3A_422 = arith.addf %add3A_316, %mul3A_421 : vector<16xf32>
        %get3A_423 = arith.index_cast %add3A_358 : i32 to index
        %get3A_424 = arith.constant 160 : index
        %get3A_425 = tpu.vector_load %arg10[%get3A_423, %get3A_424] {strides = array<i32>} : memref<112x256xf32, #tpu.memory_space<vmem>>, vector<1x16xf32>,
        %get3A_426 = vector.shape_cast %get3A_425 : vector<1x16xf32> to vector<16xf32>
        %mul3A_427 = arith.mulf %get3A_362, %get3A_426 : vector<16xf32>
        %add3A_428 = arith.addf %add3A_322, %mul3A_427 : vector<16xf32>
        %get3A_429 = arith.index_cast %add3A_358 : i32 to index
        %get3A_430 = arith.constant 176 : index
        %get3A_431 = tpu.vector_load %arg10[%get3A_429, %get3A_430] {strides = array<i32>} : memref<112x256xf32, #tpu.memory_space<vmem>>, vector<1x16xf32>,
        %get3A_432 = vector.shape_cast %get3A_431 : vector<1x16xf32> to vector<16xf32>
        %mul3A_433 = arith.mulf %get3A_362, %get3A_432 : vector<16xf32>
        %add3A_434 = arith.addf %add3A_328, %mul3A_433 : vector<16xf32>
        %get3A_435 = arith.index_cast %add3A_358 : i32 to index
        %get3A_436 = arith.constant 192 : index
        %get3A_437 = tpu.vector_load %arg10[%get3A_435, %get3A_436] {strides = array<i32>} : memref<112x256xf32, #tpu.memory_space<vmem>>, vector<1x16xf32>,
        %get3A_438 = vector.shape_cast %get3A_437 : vector<1x16xf32> to vector<16xf32>
        %mul3A_439 = arith.mulf %get3A_362, %get3A_438 : vector<16xf32>
        %add3A_440 = arith.addf %add3A_334, %mul3A_439 : vector<16xf32>
        %get3A_441 = arith.index_cast %add3A_358 : i32 to index
        %get3A_442 = arith.constant 208 : index
        %get3A_443 = tpu.vector_load %arg10[%get3A_441, %get3A_442] {strides = array<i32>} : memref<112x256xf32, #tpu.memory_space<vmem>>, vector<1x16xf32>,
        %get3A_444 = vector.shape_cast %get3A_443 : vector<1x16xf32> to vector<16xf32>
        %mul3A_445 = arith.mulf %get3A_362, %get3A_444 : vector<16xf32>
        %add3A_446 = arith.addf %add3A_340, %mul3A_445 : vector<16xf32>
        %get3A_447 = arith.index_cast %add3A_358 : i32 to index
        %get3A_448 = arith.constant 224 : index
        %get3A_449 = tpu.vector_load %arg10[%get3A_447, %get3A_448] {strides = array<i32>} : memref<112x256xf32, #tpu.memory_space<vmem>>, vector<1x16xf32>,
        %get3A_450 = vector.shape_cast %get3A_449 : vector<1x16xf32> to vector<16xf32>
        %mul3A_451 = arith.mulf %get3A_362, %get3A_450 : vector<16xf32>
        %add3A_452 = arith.addf %add3A_346, %mul3A_451 : vector<16xf32>
        %get3A_453 = arith.index_cast %add3A_358 : i32 to index
        %get3A_454 = arith.constant 240 : index
        %get3A_455 = tpu.vector_load %arg10[%get3A_453, %get3A_454] {strides = array<i32>} : memref<112x256xf32, #tpu.memory_space<vmem>>, vector<1x16xf32>,
        %get3A_456 = vector.shape_cast %get3A_455 : vector<1x16xf32> to vector<16xf32>
        %mul3A_457 = arith.mulf %get3A_362, %get3A_456 : vector<16xf32>
        %add3A_458 = arith.addf %add3A_352, %mul3A_457 : vector<16xf32>
        %mul3A_459 = arith.constant 8 : i32
        %mul3A_460 = arith.muli %scan3A_215, %mul3A_459 : i32
        %add3A_461 = arith.constant 0 : i32
        %add3A_462 = arith.addi %add3A_461, %mul3A_460 : i32
        %add3A_463 = arith.constant 2 : i32
        %add3A_464 = arith.addi %add3A_462, %add3A_463 : i32
        %get3A_465 = arith.index_cast %add3A_464 : i32 to index
        %get3A_466 = arith.constant 0 : index
        %get3A_467 = tpu.vector_load %arg8[%get3A_465, %get3A_466] {strides = array<i32>} : memref<112x16xf32, #tpu.memory_space<vmem>>, vector<1x16xf32>,
        %get3A_468 = vector.shape_cast %get3A_467 : vector<1x16xf32> to vector<16xf32>
        %get3A_469 = arith.index_cast %add3A_464 : i32 to index
        %get3A_470 = arith.constant 0 : index
        %get3A_471 = tpu.vector_load %arg10[%get3A_469, %get3A_470] {strides = array<i32>} : memref<112x256xf32, #tpu.memory_space<vmem>>, vector<1x16xf32>,
        %get3A_472 = vector.shape_cast %get3A_471 : vector<1x16xf32> to vector<16xf32>
        %mul3A_473 = arith.mulf %get3A_468, %get3A_472 : vector<16xf32>
        %add3A_474 = arith.addf %add3A_368, %mul3A_473 : vector<16xf32>
        %get3A_475 = arith.index_cast %add3A_464 : i32 to index
        %get3A_476 = arith.constant 16 : index
        %get3A_477 = tpu.vector_load %arg10[%get3A_475, %get3A_476] {strides = array<i32>} : memref<112x256xf32, #tpu.memory_space<vmem>>, vector<1x16xf32>,
        %get3A_478 = vector.shape_cast %get3A_477 : vector<1x16xf32> to vector<16xf32>
        %mul3A_479 = arith.mulf %get3A_468, %get3A_478 : vector<16xf32>
        %add3A_480 = arith.addf %add3A_374, %mul3A_479 : vector<16xf32>
        %get3A_481 = arith.index_cast %add3A_464 : i32 to index
        %get3A_482 = arith.constant 32 : index
        %get3A_483 = tpu.vector_load %arg10[%get3A_481, %get3A_482] {strides = array<i32>} : memref<112x256xf32, #tpu.memory_space<vmem>>, vector<1x16xf32>,
        %get3A_484 = vector.shape_cast %get3A_483 : vector<1x16xf32> to vector<16xf32>
        %mul3A_485 = arith.mulf %get3A_468, %get3A_484 : vector<16xf32>
        %add3A_486 = arith.addf %add3A_380, %mul3A_485 : vector<16xf32>
        %get3A_487 = arith.index_cast %add3A_464 : i32 to index
        %get3A_488 = arith.constant 48 : index
        %get3A_489 = tpu.vector_load %arg10[%get3A_487, %get3A_488] {strides = array<i32>} : memref<112x256xf32, #tpu.memory_space<vmem>>, vector<1x16xf32>,
        %get3A_490 = vector.shape_cast %get3A_489 : vector<1x16xf32> to vector<16xf32>
        %mul3A_491 = arith.mulf %get3A_468, %get3A_490 : vector<16xf32>
        %add3A_492 = arith.addf %add3A_386, %mul3A_491 : vector<16xf32>
        %get3A_493 = arith.index_cast %add3A_464 : i32 to index
        %get3A_494 = arith.constant 64 : index
        %get3A_495 = tpu.vector_load %arg10[%get3A_493, %get3A_494] {strides = array<i32>} : memref<112x256xf32, #tpu.memory_space<vmem>>, vector<1x16xf32>,
        %get3A_496 = vector.shape_cast %get3A_495 : vector<1x16xf32> to vector<16xf32>
        %mul3A_497 = arith.mulf %get3A_468, %get3A_496 : vector<16xf32>
        %add3A_498 = arith.addf %add3A_392, %mul3A_497 : vector<16xf32>
        %get3A_499 = arith.index_cast %add3A_464 : i32 to index
        %get3A_500 = arith.constant 80 : index
        %get3A_501 = tpu.vector_load %arg10[%get3A_499, %get3A_500] {strides = array<i32>} : memref<112x256xf32, #tpu.memory_space<vmem>>, vector<1x16xf32>,
        %get3A_502 = vector.shape_cast %get3A_501 : vector<1x16xf32> to vector<16xf32>
        %mul3A_503 = arith.mulf %get3A_468, %get3A_502 : vector<16xf32>
        %add3A_504 = arith.addf %add3A_398, %mul3A_503 : vector<16xf32>
        %get3A_505 = arith.index_cast %add3A_464 : i32 to index
        %get3A_506 = arith.constant 96 : index
        %get3A_507 = tpu.vector_load %arg10[%get3A_505, %get3A_506] {strides = array<i32>} : memref<112x256xf32, #tpu.memory_space<vmem>>, vector<1x16xf32>,
        %get3A_508 = vector.shape_cast %get3A_507 : vector<1x16xf32> to vector<16xf32>
        %mul3A_509 = arith.mulf %get3A_468, %get3A_508 : vector<16xf32>
        %add3A_510 = arith.addf %add3A_404, %mul3A_509 : vector<16xf32>
        %get3A_511 = arith.index_cast %add3A_464 : i32 to index
        %get3A_512 = arith.constant 112 : index
        %get3A_513 = tpu.vector_load %arg10[%get3A_511, %get3A_512] {strides = array<i32>} : memref<112x256xf32, #tpu.memory_space<vmem>>, vector<1x16xf32>,
        %get3A_514 = vector.shape_cast %get3A_513 : vector<1x16xf32> to vector<16xf32>
        %mul3A_515 = arith.mulf %get3A_468, %get3A_514 : vector<16xf32>
        %add3A_516 = arith.addf %add3A_410, %mul3A_515 : vector<16xf32>
        %get3A_517 = arith.index_cast %add3A_464 : i32 to index
        %get3A_518 = arith.constant 128 : index
        %get3A_519 = tpu.vector_load %arg10[%get3A_517, %get3A_518] {strides = array<i32>} : memref<112x256xf32, #tpu.memory_space<vmem>>, vector<1x16xf32>,
        %get3A_520 = vector.shape_cast %get3A_519 : vector<1x16xf32> to vector<16xf32>
        %mul3A_521 = arith.mulf %get3A_468, %get3A_520 : vector<16xf32>
        %add3A_522 = arith.addf %add3A_416, %mul3A_521 : vector<16xf32>
        %get3A_523 = arith.index_cast %add3A_464 : i32 to index
        %get3A_524 = arith.constant 144 : index
        %get3A_525 = tpu.vector_load %arg10[%get3A_523, %get3A_524] {strides = array<i32>} : memref<112x256xf32, #tpu.memory_space<vmem>>, vector<1x16xf32>,
        %get3A_526 = vector.shape_cast %get3A_525 : vector<1x16xf32> to vector<16xf32>
        %mul3A_527 = arith.mulf %get3A_468, %get3A_526 : vector<16xf32>
        %add3A_528 = arith.addf %add3A_422, %mul3A_527 : vector<16xf32>
        %get3A_529 = arith.index_cast %add3A_464 : i32 to index
        %get3A_530 = arith.constant 160 : index
        %get3A_531 = tpu.vector_load %arg10[%get3A_529, %get3A_530] {strides = array<i32>} : memref<112x256xf32, #tpu.memory_space<vmem>>, vector<1x16xf32>,
        %get3A_532 = vector.shape_cast %get3A_531 : vector<1x16xf32> to vector<16xf32>
        %mul3A_533 = arith.mulf %get3A_468, %get3A_532 : vector<16xf32>
        %add3A_534 = arith.addf %add3A_428, %mul3A_533 : vector<16xf32>
        %get3A_535 = arith.index_cast %add3A_464 : i32 to index
        %get3A_536 = arith.constant 176 : index
        %get3A_537 = tpu.vector_load %arg10[%get3A_535, %get3A_536] {strides = array<i32>} : memref<112x256xf32, #tpu.memory_space<vmem>>, vector<1x16xf32>,
        %get3A_538 = vector.shape_cast %get3A_537 : vector<1x16xf32> to vector<16xf32>
        %mul3A_539 = arith.mulf %get3A_468, %get3A_538 : vector<16xf32>
        %add3A_540 = arith.addf %add3A_434, %mul3A_539 : vector<16xf32>
        %get3A_541 = arith.index_cast %add3A_464 : i32 to index
        %get3A_542 = arith.constant 192 : index
        %get3A_543 = tpu.vector_load %arg10[%get3A_541, %get3A_542] {strides = array<i32>} : memref<112x256xf32, #tpu.memory_space<vmem>>, vector<1x16xf32>,
        %get3A_544 = vector.shape_cast %get3A_543 : vector<1x16xf32> to vector<16xf32>
        %mul3A_545 = arith.mulf %get3A_468, %get3A_544 : vector<16xf32>
        %add3A_546 = arith.addf %add3A_440, %mul3A_545 : vector<16xf32>
        %get3A_547 = arith.index_cast %add3A_464 : i32 to index
        %get3A_548 = arith.constant 208 : index
        %get3A_549 = tpu.vector_load %arg10[%get3A_547, %get3A_548] {strides = array<i32>} : memref<112x256xf32, #tpu.memory_space<vmem>>, vector<1x16xf32>,
        %get3A_550 = vector.shape_cast %get3A_549 : vector<1x16xf32> to vector<16xf32>
        %mul3A_551 = arith.mulf %get3A_468, %get3A_550 : vector<16xf32>
        %add3A_552 = arith.addf %add3A_446, %mul3A_551 : vector<16xf32>
        %get3A_553 = arith.index_cast %add3A_464 : i32 to index
        %get3A_554 = arith.constant 224 : index
        %get3A_555 = tpu.vector_load %arg10[%get3A_553, %get3A_554] {strides = array<i32>} : memref<112x256xf32, #tpu.memory_space<vmem>>, vector<1x16xf32>,
        %get3A_556 = vector.shape_cast %get3A_555 : vector<1x16xf32> to vector<16xf32>
        %mul3A_557 = arith.mulf %get3A_468, %get3A_556 : vector<16xf32>
        %add3A_558 = arith.addf %add3A_452, %mul3A_557 : vector<16xf32>
        %get3A_559 = arith.index_cast %add3A_464 : i32 to index
        %get3A_560 = arith.constant 240 : index
        %get3A_561 = tpu.vector_load %arg10[%get3A_559, %get3A_560] {strides = array<i32>} : memref<112x256xf32, #tpu.memory_space<vmem>>, vector<1x16xf32>,
        %get3A_562 = vector.shape_cast %get3A_561 : vector<1x16xf32> to vector<16xf32>
        %mul3A_563 = arith.mulf %get3A_468, %get3A_562 : vector<16xf32>
        %add3A_564 = arith.addf %add3A_458, %mul3A_563 : vector<16xf32>
        %mul3A_565 = arith.constant 8 : i32
        %mul3A_566 = arith.muli %scan3A_215, %mul3A_565 : i32
        %add3A_567 = arith.constant 0 : i32
        %add3A_568 = arith.addi %add3A_567, %mul3A_566 : i32
        %add3A_569 = arith.constant 3 : i32
        %add3A_570 = arith.addi %add3A_568, %add3A_569 : i32
        %get3A_571 = arith.index_cast %add3A_570 : i32 to index
        %get3A_572 = arith.constant 0 : index
        %get3A_573 = tpu.vector_load %arg8[%get3A_571, %get3A_572] {strides = array<i32>} : memref<112x16xf32, #tpu.memory_space<vmem>>, vector<1x16xf32>,
        %get3A_574 = vector.shape_cast %get3A_573 : vector<1x16xf32> to vector<16xf32>
        %get3A_575 = arith.index_cast %add3A_570 : i32 to index
        %get3A_576 = arith.constant 0 : index
        %get3A_577 = tpu.vector_load %arg10[%get3A_575, %get3A_576] {strides = array<i32>} : memref<112x256xf32, #tpu.memory_space<vmem>>, vector<1x16xf32>,
        %get3A_578 = vector.shape_cast %get3A_577 : vector<1x16xf32> to vector<16xf32>
        %mul3A_579 = arith.mulf %get3A_574, %get3A_578 : vector<16xf32>
        %add3A_580 = arith.addf %add3A_474, %mul3A_579 : vector<16xf32>
        %get3A_581 = arith.index_cast %add3A_570 : i32 to index
        %get3A_582 = arith.constant 16 : index
        %get3A_583 = tpu.vector_load %arg10[%get3A_581, %get3A_582] {strides = array<i32>} : memref<112x256xf32, #tpu.memory_space<vmem>>, vector<1x16xf32>,
        %get3A_584 = vector.shape_cast %get3A_583 : vector<1x16xf32> to vector<16xf32>
        %mul3A_585 = arith.mulf %get3A_574, %get3A_584 : vector<16xf32>
        %add3A_586 = arith.addf %add3A_480, %mul3A_585 : vector<16xf32>
        %get3A_587 = arith.index_cast %add3A_570 : i32 to index
        %get3A_588 = arith.constant 32 : index
        %get3A_589 = tpu.vector_load %arg10[%get3A_587, %get3A_588] {strides = array<i32>} : memref<112x256xf32, #tpu.memory_space<vmem>>, vector<1x16xf32>,
        %get3A_590 = vector.shape_cast %get3A_589 : vector<1x16xf32> to vector<16xf32>
        %mul3A_591 = arith.mulf %get3A_574, %get3A_590 : vector<16xf32>
        %add3A_592 = arith.addf %add3A_486, %mul3A_591 : vector<16xf32>
        %get3A_593 = arith.index_cast %add3A_570 : i32 to index
        %get3A_594 = arith.constant 48 : index
        %get3A_595 = tpu.vector_load %arg10[%get3A_593, %get3A_594] {strides = array<i32>} : memref<112x256xf32, #tpu.memory_space<vmem>>, vector<1x16xf32>,
        %get3A_596 = vector.shape_cast %get3A_595 : vector<1x16xf32> to vector<16xf32>
        %mul3A_597 = arith.mulf %get3A_574, %get3A_596 : vector<16xf32>
        %add3A_598 = arith.addf %add3A_492, %mul3A_597 : vector<16xf32>
        %get3A_599 = arith.index_cast %add3A_570 : i32 to index
        %get3A_600 = arith.constant 64 : index
        %get3A_601 = tpu.vector_load %arg10[%get3A_599, %get3A_600] {strides = array<i32>} : memref<112x256xf32, #tpu.memory_space<vmem>>, vector<1x16xf32>,
        %get3A_602 = vector.shape_cast %get3A_601 : vector<1x16xf32> to vector<16xf32>
        %mul3A_603 = arith.mulf %get3A_574, %get3A_602 : vector<16xf32>
        %add3A_604 = arith.addf %add3A_498, %mul3A_603 : vector<16xf32>
        %get3A_605 = arith.index_cast %add3A_570 : i32 to index
        %get3A_606 = arith.constant 80 : index
        %get3A_607 = tpu.vector_load %arg10[%get3A_605, %get3A_606] {strides = array<i32>} : memref<112x256xf32, #tpu.memory_space<vmem>>, vector<1x16xf32>,
        %get3A_608 = vector.shape_cast %get3A_607 : vector<1x16xf32> to vector<16xf32>
        %mul3A_609 = arith.mulf %get3A_574, %get3A_608 : vector<16xf32>
        %add3A_610 = arith.addf %add3A_504, %mul3A_609 : vector<16xf32>
        %get3A_611 = arith.index_cast %add3A_570 : i32 to index
        %get3A_612 = arith.constant 96 : index
        %get3A_613 = tpu.vector_load %arg10[%get3A_611, %get3A_612] {strides = array<i32>} : memref<112x256xf32, #tpu.memory_space<vmem>>, vector<1x16xf32>,
        %get3A_614 = vector.shape_cast %get3A_613 : vector<1x16xf32> to vector<16xf32>
        %mul3A_615 = arith.mulf %get3A_574, %get3A_614 : vector<16xf32>
        %add3A_616 = arith.addf %add3A_510, %mul3A_615 : vector<16xf32>
        %get3A_617 = arith.index_cast %add3A_570 : i32 to index
        %get3A_618 = arith.constant 112 : index
        %get3A_619 = tpu.vector_load %arg10[%get3A_617, %get3A_618] {strides = array<i32>} : memref<112x256xf32, #tpu.memory_space<vmem>>, vector<1x16xf32>,
        %get3A_620 = vector.shape_cast %get3A_619 : vector<1x16xf32> to vector<16xf32>
        %mul3A_621 = arith.mulf %get3A_574, %get3A_620 : vector<16xf32>
        %add3A_622 = arith.addf %add3A_516, %mul3A_621 : vector<16xf32>
        %get3A_623 = arith.index_cast %add3A_570 : i32 to index
        %get3A_624 = arith.constant 128 : index
        %get3A_625 = tpu.vector_load %arg10[%get3A_623, %get3A_624] {strides = array<i32>} : memref<112x256xf32, #tpu.memory_space<vmem>>, vector<1x16xf32>,
        %get3A_626 = vector.shape_cast %get3A_625 : vector<1x16xf32> to vector<16xf32>
        %mul3A_627 = arith.mulf %get3A_574, %get3A_626 : vector<16xf32>
        %add3A_628 = arith.addf %add3A_522, %mul3A_627 : vector<16xf32>
        %get3A_629 = arith.index_cast %add3A_570 : i32 to index
        %get3A_630 = arith.constant 144 : index
        %get3A_631 = tpu.vector_load %arg10[%get3A_629, %get3A_630] {strides = array<i32>} : memref<112x256xf32, #tpu.memory_space<vmem>>, vector<1x16xf32>,
        %get3A_632 = vector.shape_cast %get3A_631 : vector<1x16xf32> to vector<16xf32>
        %mul3A_633 = arith.mulf %get3A_574, %get3A_632 : vector<16xf32>
        %add3A_634 = arith.addf %add3A_528, %mul3A_633 : vector<16xf32>
        %get3A_635 = arith.index_cast %add3A_570 : i32 to index
        %get3A_636 = arith.constant 160 : index
        %get3A_637 = tpu.vector_load %arg10[%get3A_635, %get3A_636] {strides = array<i32>} : memref<112x256xf32, #tpu.memory_space<vmem>>, vector<1x16xf32>,
        %get3A_638 = vector.shape_cast %get3A_637 : vector<1x16xf32> to vector<16xf32>
        %mul3A_639 = arith.mulf %get3A_574, %get3A_638 : vector<16xf32>
        %add3A_640 = arith.addf %add3A_534, %mul3A_639 : vector<16xf32>
        %get3A_641 = arith.index_cast %add3A_570 : i32 to index
        %get3A_642 = arith.constant 176 : index
        %get3A_643 = tpu.vector_load %arg10[%get3A_641, %get3A_642] {strides = array<i32>} : memref<112x256xf32, #tpu.memory_space<vmem>>, vector<1x16xf32>,
        %get3A_644 = vector.shape_cast %get3A_643 : vector<1x16xf32> to vector<16xf32>
        %mul3A_645 = arith.mulf %get3A_574, %get3A_644 : vector<16xf32>
        %add3A_646 = arith.addf %add3A_540, %mul3A_645 : vector<16xf32>
        %get3A_647 = arith.index_cast %add3A_570 : i32 to index
        %get3A_648 = arith.constant 192 : index
        %get3A_649 = tpu.vector_load %arg10[%get3A_647, %get3A_648] {strides = array<i32>} : memref<112x256xf32, #tpu.memory_space<vmem>>, vector<1x16xf32>,
        %get3A_650 = vector.shape_cast %get3A_649 : vector<1x16xf32> to vector<16xf32>
        %mul3A_651 = arith.mulf %get3A_574, %get3A_650 : vector<16xf32>
        %add3A_652 = arith.addf %add3A_546, %mul3A_651 : vector<16xf32>
        %get3A_653 = arith.index_cast %add3A_570 : i32 to index
        %get3A_654 = arith.constant 208 : index
        %get3A_655 = tpu.vector_load %arg10[%get3A_653, %get3A_654] {strides = array<i32>} : memref<112x256xf32, #tpu.memory_space<vmem>>, vector<1x16xf32>,
        %get3A_656 = vector.shape_cast %get3A_655 : vector<1x16xf32> to vector<16xf32>
        %mul3A_657 = arith.mulf %get3A_574, %get3A_656 : vector<16xf32>
        %add3A_658 = arith.addf %add3A_552, %mul3A_657 : vector<16xf32>
        %get3A_659 = arith.index_cast %add3A_570 : i32 to index
        %get3A_660 = arith.constant 224 : index
        %get3A_661 = tpu.vector_load %arg10[%get3A_659, %get3A_660] {strides = array<i32>} : memref<112x256xf32, #tpu.memory_space<vmem>>, vector<1x16xf32>,
        %get3A_662 = vector.shape_cast %get3A_661 : vector<1x16xf32> to vector<16xf32>
        %mul3A_663 = arith.mulf %get3A_574, %get3A_662 : vector<16xf32>
        %add3A_664 = arith.addf %add3A_558, %mul3A_663 : vector<16xf32>
        %get3A_665 = arith.index_cast %add3A_570 : i32 to index
        %get3A_666 = arith.constant 240 : index
        %get3A_667 = tpu.vector_load %arg10[%get3A_665, %get3A_666] {strides = array<i32>} : memref<112x256xf32, #tpu.memory_space<vmem>>, vector<1x16xf32>,
        %get3A_668 = vector.shape_cast %get3A_667 : vector<1x16xf32> to vector<16xf32>
        %mul3A_669 = arith.mulf %get3A_574, %get3A_668 : vector<16xf32>
        %add3A_670 = arith.addf %add3A_564, %mul3A_669 : vector<16xf32>
        %mul3A_671 = arith.constant 8 : i32
        %mul3A_672 = arith.muli %scan3A_215, %mul3A_671 : i32
        %add3A_673 = arith.constant 0 : i32
        %add3A_674 = arith.addi %add3A_673, %mul3A_672 : i32
        %add3A_675 = arith.constant 4 : i32
        %add3A_676 = arith.addi %add3A_674, %add3A_675 : i32
        %get3A_677 = arith.index_cast %add3A_676 : i32 to index
        %get3A_678 = arith.constant 0 : index
        %get3A_679 = tpu.vector_load %arg8[%get3A_677, %get3A_678] {strides = array<i32>} : memref<112x16xf32, #tpu.memory_space<vmem>>, vector<1x16xf32>,
        %get3A_680 = vector.shape_cast %get3A_679 : vector<1x16xf32> to vector<16xf32>
        %get3A_681 = arith.index_cast %add3A_676 : i32 to index
        %get3A_682 = arith.constant 0 : index
        %get3A_683 = tpu.vector_load %arg10[%get3A_681, %get3A_682] {strides = array<i32>} : memref<112x256xf32, #tpu.memory_space<vmem>>, vector<1x16xf32>,
        %get3A_684 = vector.shape_cast %get3A_683 : vector<1x16xf32> to vector<16xf32>
        %mul3A_685 = arith.mulf %get3A_680, %get3A_684 : vector<16xf32>
        %add3A_686 = arith.addf %add3A_580, %mul3A_685 : vector<16xf32>
        %get3A_687 = arith.index_cast %add3A_676 : i32 to index
        %get3A_688 = arith.constant 16 : index
        %get3A_689 = tpu.vector_load %arg10[%get3A_687, %get3A_688] {strides = array<i32>} : memref<112x256xf32, #tpu.memory_space<vmem>>, vector<1x16xf32>,
        %get3A_690 = vector.shape_cast %get3A_689 : vector<1x16xf32> to vector<16xf32>
        %mul3A_691 = arith.mulf %get3A_680, %get3A_690 : vector<16xf32>
        %add3A_692 = arith.addf %add3A_586, %mul3A_691 : vector<16xf32>
        %get3A_693 = arith.index_cast %add3A_676 : i32 to index
        %get3A_694 = arith.constant 32 : index
        %get3A_695 = tpu.vector_load %arg10[%get3A_693, %get3A_694] {strides = array<i32>} : memref<112x256xf32, #tpu.memory_space<vmem>>, vector<1x16xf32>,
        %get3A_696 = vector.shape_cast %get3A_695 : vector<1x16xf32> to vector<16xf32>
        %mul3A_697 = arith.mulf %get3A_680, %get3A_696 : vector<16xf32>
        %add3A_698 = arith.addf %add3A_592, %mul3A_697 : vector<16xf32>
        %get3A_699 = arith.index_cast %add3A_676 : i32 to index
        %get3A_700 = arith.constant 48 : index
        %get3A_701 = tpu.vector_load %arg10[%get3A_699, %get3A_700] {strides = array<i32>} : memref<112x256xf32, #tpu.memory_space<vmem>>, vector<1x16xf32>,
        %get3A_702 = vector.shape_cast %get3A_701 : vector<1x16xf32> to vector<16xf32>
        %mul3A_703 = arith.mulf %get3A_680, %get3A_702 : vector<16xf32>
        %add3A_704 = arith.addf %add3A_598, %mul3A_703 : vector<16xf32>
        %get3A_705 = arith.index_cast %add3A_676 : i32 to index
        %get3A_706 = arith.constant 64 : index
        %get3A_707 = tpu.vector_load %arg10[%get3A_705, %get3A_706] {strides = array<i32>} : memref<112x256xf32, #tpu.memory_space<vmem>>, vector<1x16xf32>,
        %get3A_708 = vector.shape_cast %get3A_707 : vector<1x16xf32> to vector<16xf32>
        %mul3A_709 = arith.mulf %get3A_680, %get3A_708 : vector<16xf32>
        %add3A_710 = arith.addf %add3A_604, %mul3A_709 : vector<16xf32>
        %get3A_711 = arith.index_cast %add3A_676 : i32 to index
        %get3A_712 = arith.constant 80 : index
        %get3A_713 = tpu.vector_load %arg10[%get3A_711, %get3A_712] {strides = array<i32>} : memref<112x256xf32, #tpu.memory_space<vmem>>, vector<1x16xf32>,
        %get3A_714 = vector.shape_cast %get3A_713 : vector<1x16xf32> to vector<16xf32>
        %mul3A_715 = arith.mulf %get3A_680, %get3A_714 : vector<16xf32>
        %add3A_716 = arith.addf %add3A_610, %mul3A_715 : vector<16xf32>
        %get3A_717 = arith.index_cast %add3A_676 : i32 to index
        %get3A_718 = arith.constant 96 : index
        %get3A_719 = tpu.vector_load %arg10[%get3A_717, %get3A_718] {strides = array<i32>} : memref<112x256xf32, #tpu.memory_space<vmem>>, vector<1x16xf32>,
        %get3A_720 = vector.shape_cast %get3A_719 : vector<1x16xf32> to vector<16xf32>
        %mul3A_721 = arith.mulf %get3A_680, %get3A_720 : vector<16xf32>
        %add3A_722 = arith.addf %add3A_616, %mul3A_721 : vector<16xf32>
        %get3A_723 = arith.index_cast %add3A_676 : i32 to index
        %get3A_724 = arith.constant 112 : index
        %get3A_725 = tpu.vector_load %arg10[%get3A_723, %get3A_724] {strides = array<i32>} : memref<112x256xf32, #tpu.memory_space<vmem>>, vector<1x16xf32>,
        %get3A_726 = vector.shape_cast %get3A_725 : vector<1x16xf32> to vector<16xf32>
        %mul3A_727 = arith.mulf %get3A_680, %get3A_726 : vector<16xf32>
        %add3A_728 = arith.addf %add3A_622, %mul3A_727 : vector<16xf32>
        %get3A_729 = arith.index_cast %add3A_676 : i32 to index
        %get3A_730 = arith.constant 128 : index
        %get3A_731 = tpu.vector_load %arg10[%get3A_729, %get3A_730] {strides = array<i32>} : memref<112x256xf32, #tpu.memory_space<vmem>>, vector<1x16xf32>,
        %get3A_732 = vector.shape_cast %get3A_731 : vector<1x16xf32> to vector<16xf32>
        %mul3A_733 = arith.mulf %get3A_680, %get3A_732 : vector<16xf32>
        %add3A_734 = arith.addf %add3A_628, %mul3A_733 : vector<16xf32>
        %get3A_735 = arith.index_cast %add3A_676 : i32 to index
        %get3A_736 = arith.constant 144 : index
        %get3A_737 = tpu.vector_load %arg10[%get3A_735, %get3A_736] {strides = array<i32>} : memref<112x256xf32, #tpu.memory_space<vmem>>, vector<1x16xf32>,
        %get3A_738 = vector.shape_cast %get3A_737 : vector<1x16xf32> to vector<16xf32>
        %mul3A_739 = arith.mulf %get3A_680, %get3A_738 : vector<16xf32>
        %add3A_740 = arith.addf %add3A_634, %mul3A_739 : vector<16xf32>
        %get3A_741 = arith.index_cast %add3A_676 : i32 to index
        %get3A_742 = arith.constant 160 : index
        %get3A_743 = tpu.vector_load %arg10[%get3A_741, %get3A_742] {strides = array<i32>} : memref<112x256xf32, #tpu.memory_space<vmem>>, vector<1x16xf32>,
        %get3A_744 = vector.shape_cast %get3A_743 : vector<1x16xf32> to vector<16xf32>
        %mul3A_745 = arith.mulf %get3A_680, %get3A_744 : vector<16xf32>
        %add3A_746 = arith.addf %add3A_640, %mul3A_745 : vector<16xf32>
        %get3A_747 = arith.index_cast %add3A_676 : i32 to index
        %get3A_748 = arith.constant 176 : index
        %get3A_749 = tpu.vector_load %arg10[%get3A_747, %get3A_748] {strides = array<i32>} : memref<112x256xf32, #tpu.memory_space<vmem>>, vector<1x16xf32>,
        %get3A_750 = vector.shape_cast %get3A_749 : vector<1x16xf32> to vector<16xf32>
        %mul3A_751 = arith.mulf %get3A_680, %get3A_750 : vector<16xf32>
        %add3A_752 = arith.addf %add3A_646, %mul3A_751 : vector<16xf32>
        %get3A_753 = arith.index_cast %add3A_676 : i32 to index
        %get3A_754 = arith.constant 192 : index
        %get3A_755 = tpu.vector_load %arg10[%get3A_753, %get3A_754] {strides = array<i32>} : memref<112x256xf32, #tpu.memory_space<vmem>>, vector<1x16xf32>,
        %get3A_756 = vector.shape_cast %get3A_755 : vector<1x16xf32> to vector<16xf32>
        %mul3A_757 = arith.mulf %get3A_680, %get3A_756 : vector<16xf32>
        %add3A_758 = arith.addf %add3A_652, %mul3A_757 : vector<16xf32>
        %get3A_759 = arith.index_cast %add3A_676 : i32 to index
        %get3A_760 = arith.constant 208 : index
        %get3A_761 = tpu.vector_load %arg10[%get3A_759, %get3A_760] {strides = array<i32>} : memref<112x256xf32, #tpu.memory_space<vmem>>, vector<1x16xf32>,
        %get3A_762 = vector.shape_cast %get3A_761 : vector<1x16xf32> to vector<16xf32>
        %mul3A_763 = arith.mulf %get3A_680, %get3A_762 : vector<16xf32>
        %add3A_764 = arith.addf %add3A_658, %mul3A_763 : vector<16xf32>
        %get3A_765 = arith.index_cast %add3A_676 : i32 to index
        %get3A_766 = arith.constant 224 : index
        %get3A_767 = tpu.vector_load %arg10[%get3A_765, %get3A_766] {strides = array<i32>} : memref<112x256xf32, #tpu.memory_space<vmem>>, vector<1x16xf32>,
        %get3A_768 = vector.shape_cast %get3A_767 : vector<1x16xf32> to vector<16xf32>
        %mul3A_769 = arith.mulf %get3A_680, %get3A_768 : vector<16xf32>
        %add3A_770 = arith.addf %add3A_664, %mul3A_769 : vector<16xf32>
        %get3A_771 = arith.index_cast %add3A_676 : i32 to index
        %get3A_772 = arith.constant 240 : index
        %get3A_773 = tpu.vector_load %arg10[%get3A_771, %get3A_772] {strides = array<i32>} : memref<112x256xf32, #tpu.memory_space<vmem>>, vector<1x16xf32>,
        %get3A_774 = vector.shape_cast %get3A_773 : vector<1x16xf32> to vector<16xf32>
        %mul3A_775 = arith.mulf %get3A_680, %get3A_774 : vector<16xf32>
        %add3A_776 = arith.addf %add3A_670, %mul3A_775 : vector<16xf32>
        %mul3A_777 = arith.constant 8 : i32
        %mul3A_778 = arith.muli %scan3A_215, %mul3A_777 : i32
        %add3A_779 = arith.constant 0 : i32
        %add3A_780 = arith.addi %add3A_779, %mul3A_778 : i32
        %add3A_781 = arith.constant 5 : i32
        %add3A_782 = arith.addi %add3A_780, %add3A_781 : i32
        %get3A_783 = arith.index_cast %add3A_782 : i32 to index
        %get3A_784 = arith.constant 0 : index
        %get3A_785 = tpu.vector_load %arg8[%get3A_783, %get3A_784] {strides = array<i32>} : memref<112x16xf32, #tpu.memory_space<vmem>>, vector<1x16xf32>,
        %get3A_786 = vector.shape_cast %get3A_785 : vector<1x16xf32> to vector<16xf32>
        %get3A_787 = arith.index_cast %add3A_782 : i32 to index
        %get3A_788 = arith.constant 0 : index
        %get3A_789 = tpu.vector_load %arg10[%get3A_787, %get3A_788] {strides = array<i32>} : memref<112x256xf32, #tpu.memory_space<vmem>>, vector<1x16xf32>,
        %get3A_790 = vector.shape_cast %get3A_789 : vector<1x16xf32> to vector<16xf32>
        %mul3A_791 = arith.mulf %get3A_786, %get3A_790 : vector<16xf32>
        %add3A_792 = arith.addf %add3A_686, %mul3A_791 : vector<16xf32>
        %get3A_793 = arith.index_cast %add3A_782 : i32 to index
        %get3A_794 = arith.constant 16 : index
        %get3A_795 = tpu.vector_load %arg10[%get3A_793, %get3A_794] {strides = array<i32>} : memref<112x256xf32, #tpu.memory_space<vmem>>, vector<1x16xf32>,
        %get3A_796 = vector.shape_cast %get3A_795 : vector<1x16xf32> to vector<16xf32>
        %mul3A_797 = arith.mulf %get3A_786, %get3A_796 : vector<16xf32>
        %add3A_798 = arith.addf %add3A_692, %mul3A_797 : vector<16xf32>
        %get3A_799 = arith.index_cast %add3A_782 : i32 to index
        %get3A_800 = arith.constant 32 : index
        %get3A_801 = tpu.vector_load %arg10[%get3A_799, %get3A_800] {strides = array<i32>} : memref<112x256xf32, #tpu.memory_space<vmem>>, vector<1x16xf32>,
        %get3A_802 = vector.shape_cast %get3A_801 : vector<1x16xf32> to vector<16xf32>
        %mul3A_803 = arith.mulf %get3A_786, %get3A_802 : vector<16xf32>
        %add3A_804 = arith.addf %add3A_698, %mul3A_803 : vector<16xf32>
        %get3A_805 = arith.index_cast %add3A_782 : i32 to index
        %get3A_806 = arith.constant 48 : index
        %get3A_807 = tpu.vector_load %arg10[%get3A_805, %get3A_806] {strides = array<i32>} : memref<112x256xf32, #tpu.memory_space<vmem>>, vector<1x16xf32>,
        %get3A_808 = vector.shape_cast %get3A_807 : vector<1x16xf32> to vector<16xf32>
        %mul3A_809 = arith.mulf %get3A_786, %get3A_808 : vector<16xf32>
        %add3A_810 = arith.addf %add3A_704, %mul3A_809 : vector<16xf32>
        %get3A_811 = arith.index_cast %add3A_782 : i32 to index
        %get3A_812 = arith.constant 64 : index
        %get3A_813 = tpu.vector_load %arg10[%get3A_811, %get3A_812] {strides = array<i32>} : memref<112x256xf32, #tpu.memory_space<vmem>>, vector<1x16xf32>,
        %get3A_814 = vector.shape_cast %get3A_813 : vector<1x16xf32> to vector<16xf32>
        %mul3A_815 = arith.mulf %get3A_786, %get3A_814 : vector<16xf32>
        %add3A_816 = arith.addf %add3A_710, %mul3A_815 : vector<16xf32>
        %get3A_817 = arith.index_cast %add3A_782 : i32 to index
        %get3A_818 = arith.constant 80 : index
        %get3A_819 = tpu.vector_load %arg10[%get3A_817, %get3A_818] {strides = array<i32>} : memref<112x256xf32, #tpu.memory_space<vmem>>, vector<1x16xf32>,
        %get3A_820 = vector.shape_cast %get3A_819 : vector<1x16xf32> to vector<16xf32>
        %mul3A_821 = arith.mulf %get3A_786, %get3A_820 : vector<16xf32>
        %add3A_822 = arith.addf %add3A_716, %mul3A_821 : vector<16xf32>
        %get3A_823 = arith.index_cast %add3A_782 : i32 to index
        %get3A_824 = arith.constant 96 : index
        %get3A_825 = tpu.vector_load %arg10[%get3A_823, %get3A_824] {strides = array<i32>} : memref<112x256xf32, #tpu.memory_space<vmem>>, vector<1x16xf32>,
        %get3A_826 = vector.shape_cast %get3A_825 : vector<1x16xf32> to vector<16xf32>
        %mul3A_827 = arith.mulf %get3A_786, %get3A_826 : vector<16xf32>
        %add3A_828 = arith.addf %add3A_722, %mul3A_827 : vector<16xf32>
        %get3A_829 = arith.index_cast %add3A_782 : i32 to index
        %get3A_830 = arith.constant 112 : index
        %get3A_831 = tpu.vector_load %arg10[%get3A_829, %get3A_830] {strides = array<i32>} : memref<112x256xf32, #tpu.memory_space<vmem>>, vector<1x16xf32>,
        %get3A_832 = vector.shape_cast %get3A_831 : vector<1x16xf32> to vector<16xf32>
        %mul3A_833 = arith.mulf %get3A_786, %get3A_832 : vector<16xf32>
        %add3A_834 = arith.addf %add3A_728, %mul3A_833 : vector<16xf32>
        %get3A_835 = arith.index_cast %add3A_782 : i32 to index
        %get3A_836 = arith.constant 128 : index
        %get3A_837 = tpu.vector_load %arg10[%get3A_835, %get3A_836] {strides = array<i32>} : memref<112x256xf32, #tpu.memory_space<vmem>>, vector<1x16xf32>,
        %get3A_838 = vector.shape_cast %get3A_837 : vector<1x16xf32> to vector<16xf32>
        %mul3A_839 = arith.mulf %get3A_786, %get3A_838 : vector<16xf32>
        %add3A_840 = arith.addf %add3A_734, %mul3A_839 : vector<16xf32>
        %get3A_841 = arith.index_cast %add3A_782 : i32 to index
        %get3A_842 = arith.constant 144 : index
        %get3A_843 = tpu.vector_load %arg10[%get3A_841, %get3A_842] {strides = array<i32>} : memref<112x256xf32, #tpu.memory_space<vmem>>, vector<1x16xf32>,
        %get3A_844 = vector.shape_cast %get3A_843 : vector<1x16xf32> to vector<16xf32>
        %mul3A_845 = arith.mulf %get3A_786, %get3A_844 : vector<16xf32>
        %add3A_846 = arith.addf %add3A_740, %mul3A_845 : vector<16xf32>
        %get3A_847 = arith.index_cast %add3A_782 : i32 to index
        %get3A_848 = arith.constant 160 : index
        %get3A_849 = tpu.vector_load %arg10[%get3A_847, %get3A_848] {strides = array<i32>} : memref<112x256xf32, #tpu.memory_space<vmem>>, vector<1x16xf32>,
        %get3A_850 = vector.shape_cast %get3A_849 : vector<1x16xf32> to vector<16xf32>
        %mul3A_851 = arith.mulf %get3A_786, %get3A_850 : vector<16xf32>
        %add3A_852 = arith.addf %add3A_746, %mul3A_851 : vector<16xf32>
        %get3A_853 = arith.index_cast %add3A_782 : i32 to index
        %get3A_854 = arith.constant 176 : index
        %get3A_855 = tpu.vector_load %arg10[%get3A_853, %get3A_854] {strides = array<i32>} : memref<112x256xf32, #tpu.memory_space<vmem>>, vector<1x16xf32>,
        %get3A_856 = vector.shape_cast %get3A_855 : vector<1x16xf32> to vector<16xf32>
        %mul3A_857 = arith.mulf %get3A_786, %get3A_856 : vector<16xf32>
        %add3A_858 = arith.addf %add3A_752, %mul3A_857 : vector<16xf32>
        %get3A_859 = arith.index_cast %add3A_782 : i32 to index
        %get3A_860 = arith.constant 192 : index
        %get3A_861 = tpu.vector_load %arg10[%get3A_859, %get3A_860] {strides = array<i32>} : memref<112x256xf32, #tpu.memory_space<vmem>>, vector<1x16xf32>,
        %get3A_862 = vector.shape_cast %get3A_861 : vector<1x16xf32> to vector<16xf32>
        %mul3A_863 = arith.mulf %get3A_786, %get3A_862 : vector<16xf32>
        %add3A_864 = arith.addf %add3A_758, %mul3A_863 : vector<16xf32>
        %get3A_865 = arith.index_cast %add3A_782 : i32 to index
        %get3A_866 = arith.constant 208 : index
        %get3A_867 = tpu.vector_load %arg10[%get3A_865, %get3A_866] {strides = array<i32>} : memref<112x256xf32, #tpu.memory_space<vmem>>, vector<1x16xf32>,
        %get3A_868 = vector.shape_cast %get3A_867 : vector<1x16xf32> to vector<16xf32>
        %mul3A_869 = arith.mulf %get3A_786, %get3A_868 : vector<16xf32>
        %add3A_870 = arith.addf %add3A_764, %mul3A_869 : vector<16xf32>
        %get3A_871 = arith.index_cast %add3A_782 : i32 to index
        %get3A_872 = arith.constant 224 : index
        %get3A_873 = tpu.vector_load %arg10[%get3A_871, %get3A_872] {strides = array<i32>} : memref<112x256xf32, #tpu.memory_space<vmem>>, vector<1x16xf32>,
        %get3A_874 = vector.shape_cast %get3A_873 : vector<1x16xf32> to vector<16xf32>
        %mul3A_875 = arith.mulf %get3A_786, %get3A_874 : vector<16xf32>
        %add3A_876 = arith.addf %add3A_770, %mul3A_875 : vector<16xf32>
        %get3A_877 = arith.index_cast %add3A_782 : i32 to index
        %get3A_878 = arith.constant 240 : index
        %get3A_879 = tpu.vector_load %arg10[%get3A_877, %get3A_878] {strides = array<i32>} : memref<112x256xf32, #tpu.memory_space<vmem>>, vector<1x16xf32>,
        %get3A_880 = vector.shape_cast %get3A_879 : vector<1x16xf32> to vector<16xf32>
        %mul3A_881 = arith.mulf %get3A_786, %get3A_880 : vector<16xf32>
        %add3A_882 = arith.addf %add3A_776, %mul3A_881 : vector<16xf32>
        %mul3A_883 = arith.constant 8 : i32
        %mul3A_884 = arith.muli %scan3A_215, %mul3A_883 : i32
        %add3A_885 = arith.constant 0 : i32
        %add3A_886 = arith.addi %add3A_885, %mul3A_884 : i32
        %add3A_887 = arith.constant 6 : i32
        %add3A_888 = arith.addi %add3A_886, %add3A_887 : i32
        %get3A_889 = arith.index_cast %add3A_888 : i32 to index
        %get3A_890 = arith.constant 0 : index
        %get3A_891 = tpu.vector_load %arg8[%get3A_889, %get3A_890] {strides = array<i32>} : memref<112x16xf32, #tpu.memory_space<vmem>>, vector<1x16xf32>,
        %get3A_892 = vector.shape_cast %get3A_891 : vector<1x16xf32> to vector<16xf32>
        %get3A_893 = arith.index_cast %add3A_888 : i32 to index
        %get3A_894 = arith.constant 0 : index
        %get3A_895 = tpu.vector_load %arg10[%get3A_893, %get3A_894] {strides = array<i32>} : memref<112x256xf32, #tpu.memory_space<vmem>>, vector<1x16xf32>,
        %get3A_896 = vector.shape_cast %get3A_895 : vector<1x16xf32> to vector<16xf32>
        %mul3A_897 = arith.mulf %get3A_892, %get3A_896 : vector<16xf32>
        %add3A_898 = arith.addf %add3A_792, %mul3A_897 : vector<16xf32>
        %get3A_899 = arith.index_cast %add3A_888 : i32 to index
        %get3A_900 = arith.constant 16 : index
        %get3A_901 = tpu.vector_load %arg10[%get3A_899, %get3A_900] {strides = array<i32>} : memref<112x256xf32, #tpu.memory_space<vmem>>, vector<1x16xf32>,
        %get3A_902 = vector.shape_cast %get3A_901 : vector<1x16xf32> to vector<16xf32>
        %mul3A_903 = arith.mulf %get3A_892, %get3A_902 : vector<16xf32>
        %add3A_904 = arith.addf %add3A_798, %mul3A_903 : vector<16xf32>
        %get3A_905 = arith.index_cast %add3A_888 : i32 to index
        %get3A_906 = arith.constant 32 : index
        %get3A_907 = tpu.vector_load %arg10[%get3A_905, %get3A_906] {strides = array<i32>} : memref<112x256xf32, #tpu.memory_space<vmem>>, vector<1x16xf32>,
        %get3A_908 = vector.shape_cast %get3A_907 : vector<1x16xf32> to vector<16xf32>
        %mul3A_909 = arith.mulf %get3A_892, %get3A_908 : vector<16xf32>
        %add3A_910 = arith.addf %add3A_804, %mul3A_909 : vector<16xf32>
        %get3A_911 = arith.index_cast %add3A_888 : i32 to index
        %get3A_912 = arith.constant 48 : index
        %get3A_913 = tpu.vector_load %arg10[%get3A_911, %get3A_912] {strides = array<i32>} : memref<112x256xf32, #tpu.memory_space<vmem>>, vector<1x16xf32>,
        %get3A_914 = vector.shape_cast %get3A_913 : vector<1x16xf32> to vector<16xf32>
        %mul3A_915 = arith.mulf %get3A_892, %get3A_914 : vector<16xf32>
        %add3A_916 = arith.addf %add3A_810, %mul3A_915 : vector<16xf32>
        %get3A_917 = arith.index_cast %add3A_888 : i32 to index
        %get3A_918 = arith.constant 64 : index
        %get3A_919 = tpu.vector_load %arg10[%get3A_917, %get3A_918] {strides = array<i32>} : memref<112x256xf32, #tpu.memory_space<vmem>>, vector<1x16xf32>,
        %get3A_920 = vector.shape_cast %get3A_919 : vector<1x16xf32> to vector<16xf32>
        %mul3A_921 = arith.mulf %get3A_892, %get3A_920 : vector<16xf32>
        %add3A_922 = arith.addf %add3A_816, %mul3A_921 : vector<16xf32>
        %get3A_923 = arith.index_cast %add3A_888 : i32 to index
        %get3A_924 = arith.constant 80 : index
        %get3A_925 = tpu.vector_load %arg10[%get3A_923, %get3A_924] {strides = array<i32>} : memref<112x256xf32, #tpu.memory_space<vmem>>, vector<1x16xf32>,
        %get3A_926 = vector.shape_cast %get3A_925 : vector<1x16xf32> to vector<16xf32>
        %mul3A_927 = arith.mulf %get3A_892, %get3A_926 : vector<16xf32>
        %add3A_928 = arith.addf %add3A_822, %mul3A_927 : vector<16xf32>
        %get3A_929 = arith.index_cast %add3A_888 : i32 to index
        %get3A_930 = arith.constant 96 : index
        %get3A_931 = tpu.vector_load %arg10[%get3A_929, %get3A_930] {strides = array<i32>} : memref<112x256xf32, #tpu.memory_space<vmem>>, vector<1x16xf32>,
        %get3A_932 = vector.shape_cast %get3A_931 : vector<1x16xf32> to vector<16xf32>
        %mul3A_933 = arith.mulf %get3A_892, %get3A_932 : vector<16xf32>
        %add3A_934 = arith.addf %add3A_828, %mul3A_933 : vector<16xf32>
        %get3A_935 = arith.index_cast %add3A_888 : i32 to index
        %get3A_936 = arith.constant 112 : index
        %get3A_937 = tpu.vector_load %arg10[%get3A_935, %get3A_936] {strides = array<i32>} : memref<112x256xf32, #tpu.memory_space<vmem>>, vector<1x16xf32>,
        %get3A_938 = vector.shape_cast %get3A_937 : vector<1x16xf32> to vector<16xf32>
        %mul3A_939 = arith.mulf %get3A_892, %get3A_938 : vector<16xf32>
        %add3A_940 = arith.addf %add3A_834, %mul3A_939 : vector<16xf32>
        %get3A_941 = arith.index_cast %add3A_888 : i32 to index
        %get3A_942 = arith.constant 128 : index
        %get3A_943 = tpu.vector_load %arg10[%get3A_941, %get3A_942] {strides = array<i32>} : memref<112x256xf32, #tpu.memory_space<vmem>>, vector<1x16xf32>,
        %get3A_944 = vector.shape_cast %get3A_943 : vector<1x16xf32> to vector<16xf32>
        %mul3A_945 = arith.mulf %get3A_892, %get3A_944 : vector<16xf32>
        %add3A_946 = arith.addf %add3A_840, %mul3A_945 : vector<16xf32>
        %get3A_947 = arith.index_cast %add3A_888 : i32 to index
        %get3A_948 = arith.constant 144 : index
        %get3A_949 = tpu.vector_load %arg10[%get3A_947, %get3A_948] {strides = array<i32>} : memref<112x256xf32, #tpu.memory_space<vmem>>, vector<1x16xf32>,
        %get3A_950 = vector.shape_cast %get3A_949 : vector<1x16xf32> to vector<16xf32>
        %mul3A_951 = arith.mulf %get3A_892, %get3A_950 : vector<16xf32>
        %add3A_952 = arith.addf %add3A_846, %mul3A_951 : vector<16xf32>
        %get3A_953 = arith.index_cast %add3A_888 : i32 to index
        %get3A_954 = arith.constant 160 : index
        %get3A_955 = tpu.vector_load %arg10[%get3A_953, %get3A_954] {strides = array<i32>} : memref<112x256xf32, #tpu.memory_space<vmem>>, vector<1x16xf32>,
        %get3A_956 = vector.shape_cast %get3A_955 : vector<1x16xf32> to vector<16xf32>
        %mul3A_957 = arith.mulf %get3A_892, %get3A_956 : vector<16xf32>
        %add3A_958 = arith.addf %add3A_852, %mul3A_957 : vector<16xf32>
        %get3A_959 = arith.index_cast %add3A_888 : i32 to index
        %get3A_960 = arith.constant 176 : index
        %get3A_961 = tpu.vector_load %arg10[%get3A_959, %get3A_960] {strides = array<i32>} : memref<112x256xf32, #tpu.memory_space<vmem>>, vector<1x16xf32>,
        %get3A_962 = vector.shape_cast %get3A_961 : vector<1x16xf32> to vector<16xf32>
        %mul3A_963 = arith.mulf %get3A_892, %get3A_962 : vector<16xf32>
        %add3A_964 = arith.addf %add3A_858, %mul3A_963 : vector<16xf32>
        %get3A_965 = arith.index_cast %add3A_888 : i32 to index
        %get3A_966 = arith.constant 192 : index
        %get3A_967 = tpu.vector_load %arg10[%get3A_965, %get3A_966] {strides = array<i32>} : memref<112x256xf32, #tpu.memory_space<vmem>>, vector<1x16xf32>,
        %get3A_968 = vector.shape_cast %get3A_967 : vector<1x16xf32> to vector<16xf32>
        %mul3A_969 = arith.mulf %get3A_892, %get3A_968 : vector<16xf32>
        %add3A_970 = arith.addf %add3A_864, %mul3A_969 : vector<16xf32>
        %get3A_971 = arith.index_cast %add3A_888 : i32 to index
        %get3A_972 = arith.constant 208 : index
        %get3A_973 = tpu.vector_load %arg10[%get3A_971, %get3A_972] {strides = array<i32>} : memref<112x256xf32, #tpu.memory_space<vmem>>, vector<1x16xf32>,
        %get3A_974 = vector.shape_cast %get3A_973 : vector<1x16xf32> to vector<16xf32>
        %mul3A_975 = arith.mulf %get3A_892, %get3A_974 : vector<16xf32>
        %add3A_976 = arith.addf %add3A_870, %mul3A_975 : vector<16xf32>
        %get3A_977 = arith.index_cast %add3A_888 : i32 to index
        %get3A_978 = arith.constant 224 : index
        %get3A_979 = tpu.vector_load %arg10[%get3A_977, %get3A_978] {strides = array<i32>} : memref<112x256xf32, #tpu.memory_space<vmem>>, vector<1x16xf32>,
        %get3A_980 = vector.shape_cast %get3A_979 : vector<1x16xf32> to vector<16xf32>
        %mul3A_981 = arith.mulf %get3A_892, %get3A_980 : vector<16xf32>
        %add3A_982 = arith.addf %add3A_876, %mul3A_981 : vector<16xf32>
        %get3A_983 = arith.index_cast %add3A_888 : i32 to index
        %get3A_984 = arith.constant 240 : index
        %get3A_985 = tpu.vector_load %arg10[%get3A_983, %get3A_984] {strides = array<i32>} : memref<112x256xf32, #tpu.memory_space<vmem>>, vector<1x16xf32>,
        %get3A_986 = vector.shape_cast %get3A_985 : vector<1x16xf32> to vector<16xf32>
        %mul3A_987 = arith.mulf %get3A_892, %get3A_986 : vector<16xf32>
        %add3A_988 = arith.addf %add3A_882, %mul3A_987 : vector<16xf32>
        %mul3A_989 = arith.constant 8 : i32
        %mul3A_990 = arith.muli %scan3A_215, %mul3A_989 : i32
        %add3A_991 = arith.constant 0 : i32
        %add3A_992 = arith.addi %add3A_991, %mul3A_990 : i32
        %add3A_993 = arith.constant 7 : i32
        %add3A_994 = arith.addi %add3A_992, %add3A_993 : i32
        %get3A_995 = arith.index_cast %add3A_994 : i32 to index
        %get3A_996 = arith.constant 0 : index
        %get3A_997 = tpu.vector_load %arg8[%get3A_995, %get3A_996] {strides = array<i32>} : memref<112x16xf32, #tpu.memory_space<vmem>>, vector<1x16xf32>,
        %get3A_998 = vector.shape_cast %get3A_997 : vector<1x16xf32> to vector<16xf32>
        %get3A_999 = arith.index_cast %add3A_994 : i32 to index
        %get3A_1000 = arith.constant 0 : index
        %get3A_1001 = tpu.vector_load %arg10[%get3A_999, %get3A_1000] {strides = array<i32>} : memref<112x256xf32, #tpu.memory_space<vmem>>, vector<1x16xf32>,
        %get3A_1002 = vector.shape_cast %get3A_1001 : vector<1x16xf32> to vector<16xf32>
        %mul3A_1003 = arith.mulf %get3A_998, %get3A_1002 : vector<16xf32>
        %add3A_1004 = arith.addf %add3A_898, %mul3A_1003 : vector<16xf32>
        %get3A_1005 = arith.index_cast %add3A_994 : i32 to index
        %get3A_1006 = arith.constant 16 : index
        %get3A_1007 = tpu.vector_load %arg10[%get3A_1005, %get3A_1006] {strides = array<i32>} : memref<112x256xf32, #tpu.memory_space<vmem>>, vector<1x16xf32>,
        %get3A_1008 = vector.shape_cast %get3A_1007 : vector<1x16xf32> to vector<16xf32>
        %mul3A_1009 = arith.mulf %get3A_998, %get3A_1008 : vector<16xf32>
        %add3A_1010 = arith.addf %add3A_904, %mul3A_1009 : vector<16xf32>
        %get3A_1011 = arith.index_cast %add3A_994 : i32 to index
        %get3A_1012 = arith.constant 32 : index
        %get3A_1013 = tpu.vector_load %arg10[%get3A_1011, %get3A_1012] {strides = array<i32>} : memref<112x256xf32, #tpu.memory_space<vmem>>, vector<1x16xf32>,
        %get3A_1014 = vector.shape_cast %get3A_1013 : vector<1x16xf32> to vector<16xf32>
        %mul3A_1015 = arith.mulf %get3A_998, %get3A_1014 : vector<16xf32>
        %add3A_1016 = arith.addf %add3A_910, %mul3A_1015 : vector<16xf32>
        %get3A_1017 = arith.index_cast %add3A_994 : i32 to index
        %get3A_1018 = arith.constant 48 : index
        %get3A_1019 = tpu.vector_load %arg10[%get3A_1017, %get3A_1018] {strides = array<i32>} : memref<112x256xf32, #tpu.memory_space<vmem>>, vector<1x16xf32>,
        %get3A_1020 = vector.shape_cast %get3A_1019 : vector<1x16xf32> to vector<16xf32>
        %mul3A_1021 = arith.mulf %get3A_998, %get3A_1020 : vector<16xf32>
        %add3A_1022 = arith.addf %add3A_916, %mul3A_1021 : vector<16xf32>
        %get3A_1023 = arith.index_cast %add3A_994 : i32 to index
        %get3A_1024 = arith.constant 64 : index
        %get3A_1025 = tpu.vector_load %arg10[%get3A_1023, %get3A_1024] {strides = array<i32>} : memref<112x256xf32, #tpu.memory_space<vmem>>, vector<1x16xf32>,
        %get3A_1026 = vector.shape_cast %get3A_1025 : vector<1x16xf32> to vector<16xf32>
        %mul3A_1027 = arith.mulf %get3A_998, %get3A_1026 : vector<16xf32>
        %add3A_1028 = arith.addf %add3A_922, %mul3A_1027 : vector<16xf32>
        %get3A_1029 = arith.index_cast %add3A_994 : i32 to index
        %get3A_1030 = arith.constant 80 : index
        %get3A_1031 = tpu.vector_load %arg10[%get3A_1029, %get3A_1030] {strides = array<i32>} : memref<112x256xf32, #tpu.memory_space<vmem>>, vector<1x16xf32>,
        %get3A_1032 = vector.shape_cast %get3A_1031 : vector<1x16xf32> to vector<16xf32>
        %mul3A_1033 = arith.mulf %get3A_998, %get3A_1032 : vector<16xf32>
        %add3A_1034 = arith.addf %add3A_928, %mul3A_1033 : vector<16xf32>
        %get3A_1035 = arith.index_cast %add3A_994 : i32 to index
        %get3A_1036 = arith.constant 96 : index
        %get3A_1037 = tpu.vector_load %arg10[%get3A_1035, %get3A_1036] {strides = array<i32>} : memref<112x256xf32, #tpu.memory_space<vmem>>, vector<1x16xf32>,
        %get3A_1038 = vector.shape_cast %get3A_1037 : vector<1x16xf32> to vector<16xf32>
        %mul3A_1039 = arith.mulf %get3A_998, %get3A_1038 : vector<16xf32>
        %add3A_1040 = arith.addf %add3A_934, %mul3A_1039 : vector<16xf32>
        %get3A_1041 = arith.index_cast %add3A_994 : i32 to index
        %get3A_1042 = arith.constant 112 : index
        %get3A_1043 = tpu.vector_load %arg10[%get3A_1041, %get3A_1042] {strides = array<i32>} : memref<112x256xf32, #tpu.memory_space<vmem>>, vector<1x16xf32>,
        %get3A_1044 = vector.shape_cast %get3A_1043 : vector<1x16xf32> to vector<16xf32>
        %mul3A_1045 = arith.mulf %get3A_998, %get3A_1044 : vector<16xf32>
        %add3A_1046 = arith.addf %add3A_940, %mul3A_1045 : vector<16xf32>
        %get3A_1047 = arith.index_cast %add3A_994 : i32 to index
        %get3A_1048 = arith.constant 128 : index
        %get3A_1049 = tpu.vector_load %arg10[%get3A_1047, %get3A_1048] {strides = array<i32>} : memref<112x256xf32, #tpu.memory_space<vmem>>, vector<1x16xf32>,
        %get3A_1050 = vector.shape_cast %get3A_1049 : vector<1x16xf32> to vector<16xf32>
        %mul3A_1051 = arith.mulf %get3A_998, %get3A_1050 : vector<16xf32>
        %add3A_1052 = arith.addf %add3A_946, %mul3A_1051 : vector<16xf32>
        %get3A_1053 = arith.index_cast %add3A_994 : i32 to index
        %get3A_1054 = arith.constant 144 : index
        %get3A_1055 = tpu.vector_load %arg10[%get3A_1053, %get3A_1054] {strides = array<i32>} : memref<112x256xf32, #tpu.memory_space<vmem>>, vector<1x16xf32>,
        %get3A_1056 = vector.shape_cast %get3A_1055 : vector<1x16xf32> to vector<16xf32>
        %mul3A_1057 = arith.mulf %get3A_998, %get3A_1056 : vector<16xf32>
        %add3A_1058 = arith.addf %add3A_952, %mul3A_1057 : vector<16xf32>
        %get3A_1059 = arith.index_cast %add3A_994 : i32 to index
        %get3A_1060 = arith.constant 160 : index
        %get3A_1061 = tpu.vector_load %arg10[%get3A_1059, %get3A_1060] {strides = array<i32>} : memref<112x256xf32, #tpu.memory_space<vmem>>, vector<1x16xf32>,
        %get3A_1062 = vector.shape_cast %get3A_1061 : vector<1x16xf32> to vector<16xf32>
        %mul3A_1063 = arith.mulf %get3A_998, %get3A_1062 : vector<16xf32>
        %add3A_1064 = arith.addf %add3A_958, %mul3A_1063 : vector<16xf32>
        %get3A_1065 = arith.index_cast %add3A_994 : i32 to index
        %get3A_1066 = arith.constant 176 : index
        %get3A_1067 = tpu.vector_load %arg10[%get3A_1065, %get3A_1066] {strides = array<i32>} : memref<112x256xf32, #tpu.memory_space<vmem>>, vector<1x16xf32>,
        %get3A_1068 = vector.shape_cast %get3A_1067 : vector<1x16xf32> to vector<16xf32>
        %mul3A_1069 = arith.mulf %get3A_998, %get3A_1068 : vector<16xf32>
        %add3A_1070 = arith.addf %add3A_964, %mul3A_1069 : vector<16xf32>
        %get3A_1071 = arith.index_cast %add3A_994 : i32 to index
        %get3A_1072 = arith.constant 192 : index
        %get3A_1073 = tpu.vector_load %arg10[%get3A_1071, %get3A_1072] {strides = array<i32>} : memref<112x256xf32, #tpu.memory_space<vmem>>, vector<1x16xf32>,
        %get3A_1074 = vector.shape_cast %get3A_1073 : vector<1x16xf32> to vector<16xf32>
        %mul3A_1075 = arith.mulf %get3A_998, %get3A_1074 : vector<16xf32>
        %add3A_1076 = arith.addf %add3A_970, %mul3A_1075 : vector<16xf32>
        %get3A_1077 = arith.index_cast %add3A_994 : i32 to index
        %get3A_1078 = arith.constant 208 : index
        %get3A_1079 = tpu.vector_load %arg10[%get3A_1077, %get3A_1078] {strides = array<i32>} : memref<112x256xf32, #tpu.memory_space<vmem>>, vector<1x16xf32>,
        %get3A_1080 = vector.shape_cast %get3A_1079 : vector<1x16xf32> to vector<16xf32>
        %mul3A_1081 = arith.mulf %get3A_998, %get3A_1080 : vector<16xf32>
        %add3A_1082 = arith.addf %add3A_976, %mul3A_1081 : vector<16xf32>
        %get3A_1083 = arith.index_cast %add3A_994 : i32 to index
        %get3A_1084 = arith.constant 224 : index
        %get3A_1085 = tpu.vector_load %arg10[%get3A_1083, %get3A_1084] {strides = array<i32>} : memref<112x256xf32, #tpu.memory_space<vmem>>, vector<1x16xf32>,
        %get3A_1086 = vector.shape_cast %get3A_1085 : vector<1x16xf32> to vector<16xf32>
        %mul3A_1087 = arith.mulf %get3A_998, %get3A_1086 : vector<16xf32>
        %add3A_1088 = arith.addf %add3A_982, %mul3A_1087 : vector<16xf32>
        %get3A_1089 = arith.index_cast %add3A_994 : i32 to index
        %get3A_1090 = arith.constant 240 : index
        %get3A_1091 = tpu.vector_load %arg10[%get3A_1089, %get3A_1090] {strides = array<i32>} : memref<112x256xf32, #tpu.memory_space<vmem>>, vector<1x16xf32>,
        %get3A_1092 = vector.shape_cast %get3A_1091 : vector<1x16xf32> to vector<16xf32>
        %mul3A_1093 = arith.mulf %get3A_998, %get3A_1092 : vector<16xf32>
        %add3A_1094 = arith.addf %add3A_988, %mul3A_1093 : vector<16xf32>
        %mul3A_1095 = arith.constant 8 : i32
        %mul3A_1096 = arith.muli %scan3A_215, %mul3A_1095 : i32
        %add3A_1097 = arith.constant 56 : i32
        %add3A_1098 = arith.addi %add3A_1097, %mul3A_1096 : i32
        %add3A_1099 = arith.constant 0 : i32
        %add3A_1100 = arith.addi %add3A_1098, %add3A_1099 : i32
        %get3A_1101 = arith.index_cast %add3A_1100 : i32 to index
        %get3A_1102 = arith.constant 0 : index
        %get3A_1103 = tpu.vector_load %arg8[%get3A_1101, %get3A_1102] {strides = array<i32>} : memref<112x16xf32, #tpu.memory_space<vmem>>, vector<1x16xf32>,
        %get3A_1104 = vector.shape_cast %get3A_1103 : vector<1x16xf32> to vector<16xf32>
        %get3A_1105 = arith.index_cast %add3A_1100 : i32 to index
        %get3A_1106 = arith.constant 0 : index
        %get3A_1107 = tpu.vector_load %arg10[%get3A_1105, %get3A_1106] {strides = array<i32>} : memref<112x256xf32, #tpu.memory_space<vmem>>, vector<1x16xf32>,
        %get3A_1108 = vector.shape_cast %get3A_1107 : vector<1x16xf32> to vector<16xf32>
        %mul3A_1109 = arith.mulf %get3A_1104, %get3A_1108 : vector<16xf32>
        %add3A_1110 = arith.addf %add3A_1004, %mul3A_1109 : vector<16xf32>
        %get3A_1111 = arith.index_cast %add3A_1100 : i32 to index
        %get3A_1112 = arith.constant 16 : index
        %get3A_1113 = tpu.vector_load %arg10[%get3A_1111, %get3A_1112] {strides = array<i32>} : memref<112x256xf32, #tpu.memory_space<vmem>>, vector<1x16xf32>,
        %get3A_1114 = vector.shape_cast %get3A_1113 : vector<1x16xf32> to vector<16xf32>
        %mul3A_1115 = arith.mulf %get3A_1104, %get3A_1114 : vector<16xf32>
        %add3A_1116 = arith.addf %add3A_1010, %mul3A_1115 : vector<16xf32>
        %get3A_1117 = arith.index_cast %add3A_1100 : i32 to index
        %get3A_1118 = arith.constant 32 : index
        %get3A_1119 = tpu.vector_load %arg10[%get3A_1117, %get3A_1118] {strides = array<i32>} : memref<112x256xf32, #tpu.memory_space<vmem>>, vector<1x16xf32>,
        %get3A_1120 = vector.shape_cast %get3A_1119 : vector<1x16xf32> to vector<16xf32>
        %mul3A_1121 = arith.mulf %get3A_1104, %get3A_1120 : vector<16xf32>
        %add3A_1122 = arith.addf %add3A_1016, %mul3A_1121 : vector<16xf32>
        %get3A_1123 = arith.index_cast %add3A_1100 : i32 to index
        %get3A_1124 = arith.constant 48 : index
        %get3A_1125 = tpu.vector_load %arg10[%get3A_1123, %get3A_1124] {strides = array<i32>} : memref<112x256xf32, #tpu.memory_space<vmem>>, vector<1x16xf32>,
        %get3A_1126 = vector.shape_cast %get3A_1125 : vector<1x16xf32> to vector<16xf32>
        %mul3A_1127 = arith.mulf %get3A_1104, %get3A_1126 : vector<16xf32>
        %add3A_1128 = arith.addf %add3A_1022, %mul3A_1127 : vector<16xf32>
        %get3A_1129 = arith.index_cast %add3A_1100 : i32 to index
        %get3A_1130 = arith.constant 64 : index
        %get3A_1131 = tpu.vector_load %arg10[%get3A_1129, %get3A_1130] {strides = array<i32>} : memref<112x256xf32, #tpu.memory_space<vmem>>, vector<1x16xf32>,
        %get3A_1132 = vector.shape_cast %get3A_1131 : vector<1x16xf32> to vector<16xf32>
        %mul3A_1133 = arith.mulf %get3A_1104, %get3A_1132 : vector<16xf32>
        %add3A_1134 = arith.addf %add3A_1028, %mul3A_1133 : vector<16xf32>
        %get3A_1135 = arith.index_cast %add3A_1100 : i32 to index
        %get3A_1136 = arith.constant 80 : index
        %get3A_1137 = tpu.vector_load %arg10[%get3A_1135, %get3A_1136] {strides = array<i32>} : memref<112x256xf32, #tpu.memory_space<vmem>>, vector<1x16xf32>,
        %get3A_1138 = vector.shape_cast %get3A_1137 : vector<1x16xf32> to vector<16xf32>
        %mul3A_1139 = arith.mulf %get3A_1104, %get3A_1138 : vector<16xf32>
        %add3A_1140 = arith.addf %add3A_1034, %mul3A_1139 : vector<16xf32>
        %get3A_1141 = arith.index_cast %add3A_1100 : i32 to index
        %get3A_1142 = arith.constant 96 : index
        %get3A_1143 = tpu.vector_load %arg10[%get3A_1141, %get3A_1142] {strides = array<i32>} : memref<112x256xf32, #tpu.memory_space<vmem>>, vector<1x16xf32>,
        %get3A_1144 = vector.shape_cast %get3A_1143 : vector<1x16xf32> to vector<16xf32>
        %mul3A_1145 = arith.mulf %get3A_1104, %get3A_1144 : vector<16xf32>
        %add3A_1146 = arith.addf %add3A_1040, %mul3A_1145 : vector<16xf32>
        %get3A_1147 = arith.index_cast %add3A_1100 : i32 to index
        %get3A_1148 = arith.constant 112 : index
        %get3A_1149 = tpu.vector_load %arg10[%get3A_1147, %get3A_1148] {strides = array<i32>} : memref<112x256xf32, #tpu.memory_space<vmem>>, vector<1x16xf32>,
        %get3A_1150 = vector.shape_cast %get3A_1149 : vector<1x16xf32> to vector<16xf32>
        %mul3A_1151 = arith.mulf %get3A_1104, %get3A_1150 : vector<16xf32>
        %add3A_1152 = arith.addf %add3A_1046, %mul3A_1151 : vector<16xf32>
        %get3A_1153 = arith.index_cast %add3A_1100 : i32 to index
        %get3A_1154 = arith.constant 128 : index
        %get3A_1155 = tpu.vector_load %arg10[%get3A_1153, %get3A_1154] {strides = array<i32>} : memref<112x256xf32, #tpu.memory_space<vmem>>, vector<1x16xf32>,
        %get3A_1156 = vector.shape_cast %get3A_1155 : vector<1x16xf32> to vector<16xf32>
        %mul3A_1157 = arith.mulf %get3A_1104, %get3A_1156 : vector<16xf32>
        %add3A_1158 = arith.addf %add3A_1052, %mul3A_1157 : vector<16xf32>
        %get3A_1159 = arith.index_cast %add3A_1100 : i32 to index
        %get3A_1160 = arith.constant 144 : index
        %get3A_1161 = tpu.vector_load %arg10[%get3A_1159, %get3A_1160] {strides = array<i32>} : memref<112x256xf32, #tpu.memory_space<vmem>>, vector<1x16xf32>,
        %get3A_1162 = vector.shape_cast %get3A_1161 : vector<1x16xf32> to vector<16xf32>
        %mul3A_1163 = arith.mulf %get3A_1104, %get3A_1162 : vector<16xf32>
        %add3A_1164 = arith.addf %add3A_1058, %mul3A_1163 : vector<16xf32>
        %get3A_1165 = arith.index_cast %add3A_1100 : i32 to index
        %get3A_1166 = arith.constant 160 : index
        %get3A_1167 = tpu.vector_load %arg10[%get3A_1165, %get3A_1166] {strides = array<i32>} : memref<112x256xf32, #tpu.memory_space<vmem>>, vector<1x16xf32>,
        %get3A_1168 = vector.shape_cast %get3A_1167 : vector<1x16xf32> to vector<16xf32>
        %mul3A_1169 = arith.mulf %get3A_1104, %get3A_1168 : vector<16xf32>
        %add3A_1170 = arith.addf %add3A_1064, %mul3A_1169 : vector<16xf32>
        %get3A_1171 = arith.index_cast %add3A_1100 : i32 to index
        %get3A_1172 = arith.constant 176 : index
        %get3A_1173 = tpu.vector_load %arg10[%get3A_1171, %get3A_1172] {strides = array<i32>} : memref<112x256xf32, #tpu.memory_space<vmem>>, vector<1x16xf32>,
        %get3A_1174 = vector.shape_cast %get3A_1173 : vector<1x16xf32> to vector<16xf32>
        %mul3A_1175 = arith.mulf %get3A_1104, %get3A_1174 : vector<16xf32>
        %add3A_1176 = arith.addf %add3A_1070, %mul3A_1175 : vector<16xf32>
        %get3A_1177 = arith.index_cast %add3A_1100 : i32 to index
        %get3A_1178 = arith.constant 192 : index
        %get3A_1179 = tpu.vector_load %arg10[%get3A_1177, %get3A_1178] {strides = array<i32>} : memref<112x256xf32, #tpu.memory_space<vmem>>, vector<1x16xf32>,
        %get3A_1180 = vector.shape_cast %get3A_1179 : vector<1x16xf32> to vector<16xf32>
        %mul3A_1181 = arith.mulf %get3A_1104, %get3A_1180 : vector<16xf32>
        %add3A_1182 = arith.addf %add3A_1076, %mul3A_1181 : vector<16xf32>
        %get3A_1183 = arith.index_cast %add3A_1100 : i32 to index
        %get3A_1184 = arith.constant 208 : index
        %get3A_1185 = tpu.vector_load %arg10[%get3A_1183, %get3A_1184] {strides = array<i32>} : memref<112x256xf32, #tpu.memory_space<vmem>>, vector<1x16xf32>,
        %get3A_1186 = vector.shape_cast %get3A_1185 : vector<1x16xf32> to vector<16xf32>
        %mul3A_1187 = arith.mulf %get3A_1104, %get3A_1186 : vector<16xf32>
        %add3A_1188 = arith.addf %add3A_1082, %mul3A_1187 : vector<16xf32>
        %get3A_1189 = arith.index_cast %add3A_1100 : i32 to index
        %get3A_1190 = arith.constant 224 : index
        %get3A_1191 = tpu.vector_load %arg10[%get3A_1189, %get3A_1190] {strides = array<i32>} : memref<112x256xf32, #tpu.memory_space<vmem>>, vector<1x16xf32>,
        %get3A_1192 = vector.shape_cast %get3A_1191 : vector<1x16xf32> to vector<16xf32>
        %mul3A_1193 = arith.mulf %get3A_1104, %get3A_1192 : vector<16xf32>
        %add3A_1194 = arith.addf %add3A_1088, %mul3A_1193 : vector<16xf32>
        %get3A_1195 = arith.index_cast %add3A_1100 : i32 to index
        %get3A_1196 = arith.constant 240 : index
        %get3A_1197 = tpu.vector_load %arg10[%get3A_1195, %get3A_1196] {strides = array<i32>} : memref<112x256xf32, #tpu.memory_space<vmem>>, vector<1x16xf32>,
        %get3A_1198 = vector.shape_cast %get3A_1197 : vector<1x16xf32> to vector<16xf32>
        %mul3A_1199 = arith.mulf %get3A_1104, %get3A_1198 : vector<16xf32>
        %add3A_1200 = arith.addf %add3A_1094, %mul3A_1199 : vector<16xf32>
        %mul3A_1201 = arith.constant 8 : i32
        %mul3A_1202 = arith.muli %scan3A_215, %mul3A_1201 : i32
        %add3A_1203 = arith.constant 56 : i32
        %add3A_1204 = arith.addi %add3A_1203, %mul3A_1202 : i32
        %add3A_1205 = arith.constant 1 : i32
        %add3A_1206 = arith.addi %add3A_1204, %add3A_1205 : i32
        %get3A_1207 = arith.index_cast %add3A_1206 : i32 to index
        %get3A_1208 = arith.constant 0 : index
        %get3A_1209 = tpu.vector_load %arg8[%get3A_1207, %get3A_1208] {strides = array<i32>} : memref<112x16xf32, #tpu.memory_space<vmem>>, vector<1x16xf32>,
        %get3A_1210 = vector.shape_cast %get3A_1209 : vector<1x16xf32> to vector<16xf32>
        %get3A_1211 = arith.index_cast %add3A_1206 : i32 to index
        %get3A_1212 = arith.constant 0 : index
        %get3A_1213 = tpu.vector_load %arg10[%get3A_1211, %get3A_1212] {strides = array<i32>} : memref<112x256xf32, #tpu.memory_space<vmem>>, vector<1x16xf32>,
        %get3A_1214 = vector.shape_cast %get3A_1213 : vector<1x16xf32> to vector<16xf32>
        %mul3A_1215 = arith.mulf %get3A_1210, %get3A_1214 : vector<16xf32>
        %add3A_1216 = arith.addf %add3A_1110, %mul3A_1215 : vector<16xf32>
        %get3A_1217 = arith.index_cast %add3A_1206 : i32 to index
        %get3A_1218 = arith.constant 16 : index
        %get3A_1219 = tpu.vector_load %arg10[%get3A_1217, %get3A_1218] {strides = array<i32>} : memref<112x256xf32, #tpu.memory_space<vmem>>, vector<1x16xf32>,
        %get3A_1220 = vector.shape_cast %get3A_1219 : vector<1x16xf32> to vector<16xf32>
        %mul3A_1221 = arith.mulf %get3A_1210, %get3A_1220 : vector<16xf32>
        %add3A_1222 = arith.addf %add3A_1116, %mul3A_1221 : vector<16xf32>
        %get3A_1223 = arith.index_cast %add3A_1206 : i32 to index
        %get3A_1224 = arith.constant 32 : index
        %get3A_1225 = tpu.vector_load %arg10[%get3A_1223, %get3A_1224] {strides = array<i32>} : memref<112x256xf32, #tpu.memory_space<vmem>>, vector<1x16xf32>,
        %get3A_1226 = vector.shape_cast %get3A_1225 : vector<1x16xf32> to vector<16xf32>
        %mul3A_1227 = arith.mulf %get3A_1210, %get3A_1226 : vector<16xf32>
        %add3A_1228 = arith.addf %add3A_1122, %mul3A_1227 : vector<16xf32>
        %get3A_1229 = arith.index_cast %add3A_1206 : i32 to index
        %get3A_1230 = arith.constant 48 : index
        %get3A_1231 = tpu.vector_load %arg10[%get3A_1229, %get3A_1230] {strides = array<i32>} : memref<112x256xf32, #tpu.memory_space<vmem>>, vector<1x16xf32>,
        %get3A_1232 = vector.shape_cast %get3A_1231 : vector<1x16xf32> to vector<16xf32>
        %mul3A_1233 = arith.mulf %get3A_1210, %get3A_1232 : vector<16xf32>
        %add3A_1234 = arith.addf %add3A_1128, %mul3A_1233 : vector<16xf32>
        %get3A_1235 = arith.index_cast %add3A_1206 : i32 to index
        %get3A_1236 = arith.constant 64 : index
        %get3A_1237 = tpu.vector_load %arg10[%get3A_1235, %get3A_1236] {strides = array<i32>} : memref<112x256xf32, #tpu.memory_space<vmem>>, vector<1x16xf32>,
        %get3A_1238 = vector.shape_cast %get3A_1237 : vector<1x16xf32> to vector<16xf32>
        %mul3A_1239 = arith.mulf %get3A_1210, %get3A_1238 : vector<16xf32>
        %add3A_1240 = arith.addf %add3A_1134, %mul3A_1239 : vector<16xf32>
        %get3A_1241 = arith.index_cast %add3A_1206 : i32 to index
        %get3A_1242 = arith.constant 80 : index
        %get3A_1243 = tpu.vector_load %arg10[%get3A_1241, %get3A_1242] {strides = array<i32>} : memref<112x256xf32, #tpu.memory_space<vmem>>, vector<1x16xf32>,
        %get3A_1244 = vector.shape_cast %get3A_1243 : vector<1x16xf32> to vector<16xf32>
        %mul3A_1245 = arith.mulf %get3A_1210, %get3A_1244 : vector<16xf32>
        %add3A_1246 = arith.addf %add3A_1140, %mul3A_1245 : vector<16xf32>
        %get3A_1247 = arith.index_cast %add3A_1206 : i32 to index
        %get3A_1248 = arith.constant 96 : index
        %get3A_1249 = tpu.vector_load %arg10[%get3A_1247, %get3A_1248] {strides = array<i32>} : memref<112x256xf32, #tpu.memory_space<vmem>>, vector<1x16xf32>,
        %get3A_1250 = vector.shape_cast %get3A_1249 : vector<1x16xf32> to vector<16xf32>
        %mul3A_1251 = arith.mulf %get3A_1210, %get3A_1250 : vector<16xf32>
        %add3A_1252 = arith.addf %add3A_1146, %mul3A_1251 : vector<16xf32>
        %get3A_1253 = arith.index_cast %add3A_1206 : i32 to index
        %get3A_1254 = arith.constant 112 : index
        %get3A_1255 = tpu.vector_load %arg10[%get3A_1253, %get3A_1254] {strides = array<i32>} : memref<112x256xf32, #tpu.memory_space<vmem>>, vector<1x16xf32>,
        %get3A_1256 = vector.shape_cast %get3A_1255 : vector<1x16xf32> to vector<16xf32>
        %mul3A_1257 = arith.mulf %get3A_1210, %get3A_1256 : vector<16xf32>
        %add3A_1258 = arith.addf %add3A_1152, %mul3A_1257 : vector<16xf32>
        %get3A_1259 = arith.index_cast %add3A_1206 : i32 to index
        %get3A_1260 = arith.constant 128 : index
        %get3A_1261 = tpu.vector_load %arg10[%get3A_1259, %get3A_1260] {strides = array<i32>} : memref<112x256xf32, #tpu.memory_space<vmem>>, vector<1x16xf32>,
        %get3A_1262 = vector.shape_cast %get3A_1261 : vector<1x16xf32> to vector<16xf32>
        %mul3A_1263 = arith.mulf %get3A_1210, %get3A_1262 : vector<16xf32>
        %add3A_1264 = arith.addf %add3A_1158, %mul3A_1263 : vector<16xf32>
        %get3A_1265 = arith.index_cast %add3A_1206 : i32 to index
        %get3A_1266 = arith.constant 144 : index
        %get3A_1267 = tpu.vector_load %arg10[%get3A_1265, %get3A_1266] {strides = array<i32>} : memref<112x256xf32, #tpu.memory_space<vmem>>, vector<1x16xf32>,
        %get3A_1268 = vector.shape_cast %get3A_1267 : vector<1x16xf32> to vector<16xf32>
        %mul3A_1269 = arith.mulf %get3A_1210, %get3A_1268 : vector<16xf32>
        %add3A_1270 = arith.addf %add3A_1164, %mul3A_1269 : vector<16xf32>
        %get3A_1271 = arith.index_cast %add3A_1206 : i32 to index
        %get3A_1272 = arith.constant 160 : index
        %get3A_1273 = tpu.vector_load %arg10[%get3A_1271, %get3A_1272] {strides = array<i32>} : memref<112x256xf32, #tpu.memory_space<vmem>>, vector<1x16xf32>,
        %get3A_1274 = vector.shape_cast %get3A_1273 : vector<1x16xf32> to vector<16xf32>
        %mul3A_1275 = arith.mulf %get3A_1210, %get3A_1274 : vector<16xf32>
        %add3A_1276 = arith.addf %add3A_1170, %mul3A_1275 : vector<16xf32>
        %get3A_1277 = arith.index_cast %add3A_1206 : i32 to index
        %get3A_1278 = arith.constant 176 : index
        %get3A_1279 = tpu.vector_load %arg10[%get3A_1277, %get3A_1278] {strides = array<i32>} : memref<112x256xf32, #tpu.memory_space<vmem>>, vector<1x16xf32>,
        %get3A_1280 = vector.shape_cast %get3A_1279 : vector<1x16xf32> to vector<16xf32>
        %mul3A_1281 = arith.mulf %get3A_1210, %get3A_1280 : vector<16xf32>
        %add3A_1282 = arith.addf %add3A_1176, %mul3A_1281 : vector<16xf32>
        %get3A_1283 = arith.index_cast %add3A_1206 : i32 to index
        %get3A_1284 = arith.constant 192 : index
        %get3A_1285 = tpu.vector_load %arg10[%get3A_1283, %get3A_1284] {strides = array<i32>} : memref<112x256xf32, #tpu.memory_space<vmem>>, vector<1x16xf32>,
        %get3A_1286 = vector.shape_cast %get3A_1285 : vector<1x16xf32> to vector<16xf32>
        %mul3A_1287 = arith.mulf %get3A_1210, %get3A_1286 : vector<16xf32>
        %add3A_1288 = arith.addf %add3A_1182, %mul3A_1287 : vector<16xf32>
        %get3A_1289 = arith.index_cast %add3A_1206 : i32 to index
        %get3A_1290 = arith.constant 208 : index
        %get3A_1291 = tpu.vector_load %arg10[%get3A_1289, %get3A_1290] {strides = array<i32>} : memref<112x256xf32, #tpu.memory_space<vmem>>, vector<1x16xf32>,
        %get3A_1292 = vector.shape_cast %get3A_1291 : vector<1x16xf32> to vector<16xf32>
        %mul3A_1293 = arith.mulf %get3A_1210, %get3A_1292 : vector<16xf32>
        %add3A_1294 = arith.addf %add3A_1188, %mul3A_1293 : vector<16xf32>
        %get3A_1295 = arith.index_cast %add3A_1206 : i32 to index
        %get3A_1296 = arith.constant 224 : index
        %get3A_1297 = tpu.vector_load %arg10[%get3A_1295, %get3A_1296] {strides = array<i32>} : memref<112x256xf32, #tpu.memory_space<vmem>>, vector<1x16xf32>,
        %get3A_1298 = vector.shape_cast %get3A_1297 : vector<1x16xf32> to vector<16xf32>
        %mul3A_1299 = arith.mulf %get3A_1210, %get3A_1298 : vector<16xf32>
        %add3A_1300 = arith.addf %add3A_1194, %mul3A_1299 : vector<16xf32>
        %get3A_1301 = arith.index_cast %add3A_1206 : i32 to index
        %get3A_1302 = arith.constant 240 : index
        %get3A_1303 = tpu.vector_load %arg10[%get3A_1301, %get3A_1302] {strides = array<i32>} : memref<112x256xf32, #tpu.memory_space<vmem>>, vector<1x16xf32>,
        %get3A_1304 = vector.shape_cast %get3A_1303 : vector<1x16xf32> to vector<16xf32>
        %mul3A_1305 = arith.mulf %get3A_1210, %get3A_1304 : vector<16xf32>
        %add3A_1306 = arith.addf %add3A_1200, %mul3A_1305 : vector<16xf32>
        %mul3A_1307 = arith.constant 8 : i32
        %mul3A_1308 = arith.muli %scan3A_215, %mul3A_1307 : i32
        %add3A_1309 = arith.constant 56 : i32
        %add3A_1310 = arith.addi %add3A_1309, %mul3A_1308 : i32
        %add3A_1311 = arith.constant 2 : i32
        %add3A_1312 = arith.addi %add3A_1310, %add3A_1311 : i32
        %get3A_1313 = arith.index_cast %add3A_1312 : i32 to index
        %get3A_1314 = arith.constant 0 : index
        %get3A_1315 = tpu.vector_load %arg8[%get3A_1313, %get3A_1314] {strides = array<i32>} : memref<112x16xf32, #tpu.memory_space<vmem>>, vector<1x16xf32>,
        %get3A_1316 = vector.shape_cast %get3A_1315 : vector<1x16xf32> to vector<16xf32>
        %get3A_1317 = arith.index_cast %add3A_1312 : i32 to index
        %get3A_1318 = arith.constant 0 : index
        %get3A_1319 = tpu.vector_load %arg10[%get3A_1317, %get3A_1318] {strides = array<i32>} : memref<112x256xf32, #tpu.memory_space<vmem>>, vector<1x16xf32>,
        %get3A_1320 = vector.shape_cast %get3A_1319 : vector<1x16xf32> to vector<16xf32>
        %mul3A_1321 = arith.mulf %get3A_1316, %get3A_1320 : vector<16xf32>
        %add3A_1322 = arith.addf %add3A_1216, %mul3A_1321 : vector<16xf32>
        %get3A_1323 = arith.index_cast %add3A_1312 : i32 to index
        %get3A_1324 = arith.constant 16 : index
        %get3A_1325 = tpu.vector_load %arg10[%get3A_1323, %get3A_1324] {strides = array<i32>} : memref<112x256xf32, #tpu.memory_space<vmem>>, vector<1x16xf32>,
        %get3A_1326 = vector.shape_cast %get3A_1325 : vector<1x16xf32> to vector<16xf32>
        %mul3A_1327 = arith.mulf %get3A_1316, %get3A_1326 : vector<16xf32>
        %add3A_1328 = arith.addf %add3A_1222, %mul3A_1327 : vector<16xf32>
        %get3A_1329 = arith.index_cast %add3A_1312 : i32 to index
        %get3A_1330 = arith.constant 32 : index
        %get3A_1331 = tpu.vector_load %arg10[%get3A_1329, %get3A_1330] {strides = array<i32>} : memref<112x256xf32, #tpu.memory_space<vmem>>, vector<1x16xf32>,
        %get3A_1332 = vector.shape_cast %get3A_1331 : vector<1x16xf32> to vector<16xf32>
        %mul3A_1333 = arith.mulf %get3A_1316, %get3A_1332 : vector<16xf32>
        %add3A_1334 = arith.addf %add3A_1228, %mul3A_1333 : vector<16xf32>
        %get3A_1335 = arith.index_cast %add3A_1312 : i32 to index
        %get3A_1336 = arith.constant 48 : index
        %get3A_1337 = tpu.vector_load %arg10[%get3A_1335, %get3A_1336] {strides = array<i32>} : memref<112x256xf32, #tpu.memory_space<vmem>>, vector<1x16xf32>,
        %get3A_1338 = vector.shape_cast %get3A_1337 : vector<1x16xf32> to vector<16xf32>
        %mul3A_1339 = arith.mulf %get3A_1316, %get3A_1338 : vector<16xf32>
        %add3A_1340 = arith.addf %add3A_1234, %mul3A_1339 : vector<16xf32>
        %get3A_1341 = arith.index_cast %add3A_1312 : i32 to index
        %get3A_1342 = arith.constant 64 : index
        %get3A_1343 = tpu.vector_load %arg10[%get3A_1341, %get3A_1342] {strides = array<i32>} : memref<112x256xf32, #tpu.memory_space<vmem>>, vector<1x16xf32>,
        %get3A_1344 = vector.shape_cast %get3A_1343 : vector<1x16xf32> to vector<16xf32>
        %mul3A_1345 = arith.mulf %get3A_1316, %get3A_1344 : vector<16xf32>
        %add3A_1346 = arith.addf %add3A_1240, %mul3A_1345 : vector<16xf32>
        %get3A_1347 = arith.index_cast %add3A_1312 : i32 to index
        %get3A_1348 = arith.constant 80 : index
        %get3A_1349 = tpu.vector_load %arg10[%get3A_1347, %get3A_1348] {strides = array<i32>} : memref<112x256xf32, #tpu.memory_space<vmem>>, vector<1x16xf32>,
        %get3A_1350 = vector.shape_cast %get3A_1349 : vector<1x16xf32> to vector<16xf32>
        %mul3A_1351 = arith.mulf %get3A_1316, %get3A_1350 : vector<16xf32>
        %add3A_1352 = arith.addf %add3A_1246, %mul3A_1351 : vector<16xf32>
        %get3A_1353 = arith.index_cast %add3A_1312 : i32 to index
        %get3A_1354 = arith.constant 96 : index
        %get3A_1355 = tpu.vector_load %arg10[%get3A_1353, %get3A_1354] {strides = array<i32>} : memref<112x256xf32, #tpu.memory_space<vmem>>, vector<1x16xf32>,
        %get3A_1356 = vector.shape_cast %get3A_1355 : vector<1x16xf32> to vector<16xf32>
        %mul3A_1357 = arith.mulf %get3A_1316, %get3A_1356 : vector<16xf32>
        %add3A_1358 = arith.addf %add3A_1252, %mul3A_1357 : vector<16xf32>
        %get3A_1359 = arith.index_cast %add3A_1312 : i32 to index
        %get3A_1360 = arith.constant 112 : index
        %get3A_1361 = tpu.vector_load %arg10[%get3A_1359, %get3A_1360] {strides = array<i32>} : memref<112x256xf32, #tpu.memory_space<vmem>>, vector<1x16xf32>,
        %get3A_1362 = vector.shape_cast %get3A_1361 : vector<1x16xf32> to vector<16xf32>
        %mul3A_1363 = arith.mulf %get3A_1316, %get3A_1362 : vector<16xf32>
        %add3A_1364 = arith.addf %add3A_1258, %mul3A_1363 : vector<16xf32>
        %get3A_1365 = arith.index_cast %add3A_1312 : i32 to index
        %get3A_1366 = arith.constant 128 : index
        %get3A_1367 = tpu.vector_load %arg10[%get3A_1365, %get3A_1366] {strides = array<i32>} : memref<112x256xf32, #tpu.memory_space<vmem>>, vector<1x16xf32>,
        %get3A_1368 = vector.shape_cast %get3A_1367 : vector<1x16xf32> to vector<16xf32>
        %mul3A_1369 = arith.mulf %get3A_1316, %get3A_1368 : vector<16xf32>
        %add3A_1370 = arith.addf %add3A_1264, %mul3A_1369 : vector<16xf32>
        %get3A_1371 = arith.index_cast %add3A_1312 : i32 to index
        %get3A_1372 = arith.constant 144 : index
        %get3A_1373 = tpu.vector_load %arg10[%get3A_1371, %get3A_1372] {strides = array<i32>} : memref<112x256xf32, #tpu.memory_space<vmem>>, vector<1x16xf32>,
        %get3A_1374 = vector.shape_cast %get3A_1373 : vector<1x16xf32> to vector<16xf32>
        %mul3A_1375 = arith.mulf %get3A_1316, %get3A_1374 : vector<16xf32>
        %add3A_1376 = arith.addf %add3A_1270, %mul3A_1375 : vector<16xf32>
        %get3A_1377 = arith.index_cast %add3A_1312 : i32 to index
        %get3A_1378 = arith.constant 160 : index
        %get3A_1379 = tpu.vector_load %arg10[%get3A_1377, %get3A_1378] {strides = array<i32>} : memref<112x256xf32, #tpu.memory_space<vmem>>, vector<1x16xf32>,
        %get3A_1380 = vector.shape_cast %get3A_1379 : vector<1x16xf32> to vector<16xf32>
        %mul3A_1381 = arith.mulf %get3A_1316, %get3A_1380 : vector<16xf32>
        %add3A_1382 = arith.addf %add3A_1276, %mul3A_1381 : vector<16xf32>
        %get3A_1383 = arith.index_cast %add3A_1312 : i32 to index
        %get3A_1384 = arith.constant 176 : index
        %get3A_1385 = tpu.vector_load %arg10[%get3A_1383, %get3A_1384] {strides = array<i32>} : memref<112x256xf32, #tpu.memory_space<vmem>>, vector<1x16xf32>,
        %get3A_1386 = vector.shape_cast %get3A_1385 : vector<1x16xf32> to vector<16xf32>
        %mul3A_1387 = arith.mulf %get3A_1316, %get3A_1386 : vector<16xf32>
        %add3A_1388 = arith.addf %add3A_1282, %mul3A_1387 : vector<16xf32>
        %get3A_1389 = arith.index_cast %add3A_1312 : i32 to index
        %get3A_1390 = arith.constant 192 : index
        %get3A_1391 = tpu.vector_load %arg10[%get3A_1389, %get3A_1390] {strides = array<i32>} : memref<112x256xf32, #tpu.memory_space<vmem>>, vector<1x16xf32>,
        %get3A_1392 = vector.shape_cast %get3A_1391 : vector<1x16xf32> to vector<16xf32>
        %mul3A_1393 = arith.mulf %get3A_1316, %get3A_1392 : vector<16xf32>
        %add3A_1394 = arith.addf %add3A_1288, %mul3A_1393 : vector<16xf32>
        %get3A_1395 = arith.index_cast %add3A_1312 : i32 to index
        %get3A_1396 = arith.constant 208 : index
        %get3A_1397 = tpu.vector_load %arg10[%get3A_1395, %get3A_1396] {strides = array<i32>} : memref<112x256xf32, #tpu.memory_space<vmem>>, vector<1x16xf32>,
        %get3A_1398 = vector.shape_cast %get3A_1397 : vector<1x16xf32> to vector<16xf32>
        %mul3A_1399 = arith.mulf %get3A_1316, %get3A_1398 : vector<16xf32>
        %add3A_1400 = arith.addf %add3A_1294, %mul3A_1399 : vector<16xf32>
        %get3A_1401 = arith.index_cast %add3A_1312 : i32 to index
        %get3A_1402 = arith.constant 224 : index
        %get3A_1403 = tpu.vector_load %arg10[%get3A_1401, %get3A_1402] {strides = array<i32>} : memref<112x256xf32, #tpu.memory_space<vmem>>, vector<1x16xf32>,
        %get3A_1404 = vector.shape_cast %get3A_1403 : vector<1x16xf32> to vector<16xf32>
        %mul3A_1405 = arith.mulf %get3A_1316, %get3A_1404 : vector<16xf32>
        %add3A_1406 = arith.addf %add3A_1300, %mul3A_1405 : vector<16xf32>
        %get3A_1407 = arith.index_cast %add3A_1312 : i32 to index
        %get3A_1408 = arith.constant 240 : index
        %get3A_1409 = tpu.vector_load %arg10[%get3A_1407, %get3A_1408] {strides = array<i32>} : memref<112x256xf32, #tpu.memory_space<vmem>>, vector<1x16xf32>,
        %get3A_1410 = vector.shape_cast %get3A_1409 : vector<1x16xf32> to vector<16xf32>
        %mul3A_1411 = arith.mulf %get3A_1316, %get3A_1410 : vector<16xf32>
        %add3A_1412 = arith.addf %add3A_1306, %mul3A_1411 : vector<16xf32>
        %mul3A_1413 = arith.constant 8 : i32
        %mul3A_1414 = arith.muli %scan3A_215, %mul3A_1413 : i32
        %add3A_1415 = arith.constant 56 : i32
        %add3A_1416 = arith.addi %add3A_1415, %mul3A_1414 : i32
        %add3A_1417 = arith.constant 3 : i32
        %add3A_1418 = arith.addi %add3A_1416, %add3A_1417 : i32
        %get3A_1419 = arith.index_cast %add3A_1418 : i32 to index
        %get3A_1420 = arith.constant 0 : index
        %get3A_1421 = tpu.vector_load %arg8[%get3A_1419, %get3A_1420] {strides = array<i32>} : memref<112x16xf32, #tpu.memory_space<vmem>>, vector<1x16xf32>,
        %get3A_1422 = vector.shape_cast %get3A_1421 : vector<1x16xf32> to vector<16xf32>
        %get3A_1423 = arith.index_cast %add3A_1418 : i32 to index
        %get3A_1424 = arith.constant 0 : index
        %get3A_1425 = tpu.vector_load %arg10[%get3A_1423, %get3A_1424] {strides = array<i32>} : memref<112x256xf32, #tpu.memory_space<vmem>>, vector<1x16xf32>,
        %get3A_1426 = vector.shape_cast %get3A_1425 : vector<1x16xf32> to vector<16xf32>
        %mul3A_1427 = arith.mulf %get3A_1422, %get3A_1426 : vector<16xf32>
        %add3A_1428 = arith.addf %add3A_1322, %mul3A_1427 : vector<16xf32>
        %get3A_1429 = arith.index_cast %add3A_1418 : i32 to index
        %get3A_1430 = arith.constant 16 : index
        %get3A_1431 = tpu.vector_load %arg10[%get3A_1429, %get3A_1430] {strides = array<i32>} : memref<112x256xf32, #tpu.memory_space<vmem>>, vector<1x16xf32>,
        %get3A_1432 = vector.shape_cast %get3A_1431 : vector<1x16xf32> to vector<16xf32>
        %mul3A_1433 = arith.mulf %get3A_1422, %get3A_1432 : vector<16xf32>
        %add3A_1434 = arith.addf %add3A_1328, %mul3A_1433 : vector<16xf32>
        %get3A_1435 = arith.index_cast %add3A_1418 : i32 to index
        %get3A_1436 = arith.constant 32 : index
        %get3A_1437 = tpu.vector_load %arg10[%get3A_1435, %get3A_1436] {strides = array<i32>} : memref<112x256xf32, #tpu.memory_space<vmem>>, vector<1x16xf32>,
        %get3A_1438 = vector.shape_cast %get3A_1437 : vector<1x16xf32> to vector<16xf32>
        %mul3A_1439 = arith.mulf %get3A_1422, %get3A_1438 : vector<16xf32>
        %add3A_1440 = arith.addf %add3A_1334, %mul3A_1439 : vector<16xf32>
        %get3A_1441 = arith.index_cast %add3A_1418 : i32 to index
        %get3A_1442 = arith.constant 48 : index
        %get3A_1443 = tpu.vector_load %arg10[%get3A_1441, %get3A_1442] {strides = array<i32>} : memref<112x256xf32, #tpu.memory_space<vmem>>, vector<1x16xf32>,
        %get3A_1444 = vector.shape_cast %get3A_1443 : vector<1x16xf32> to vector<16xf32>
        %mul3A_1445 = arith.mulf %get3A_1422, %get3A_1444 : vector<16xf32>
        %add3A_1446 = arith.addf %add3A_1340, %mul3A_1445 : vector<16xf32>
        %get3A_1447 = arith.index_cast %add3A_1418 : i32 to index
        %get3A_1448 = arith.constant 64 : index
        %get3A_1449 = tpu.vector_load %arg10[%get3A_1447, %get3A_1448] {strides = array<i32>} : memref<112x256xf32, #tpu.memory_space<vmem>>, vector<1x16xf32>,
        %get3A_1450 = vector.shape_cast %get3A_1449 : vector<1x16xf32> to vector<16xf32>
        %mul3A_1451 = arith.mulf %get3A_1422, %get3A_1450 : vector<16xf32>
        %add3A_1452 = arith.addf %add3A_1346, %mul3A_1451 : vector<16xf32>
        %get3A_1453 = arith.index_cast %add3A_1418 : i32 to index
        %get3A_1454 = arith.constant 80 : index
        %get3A_1455 = tpu.vector_load %arg10[%get3A_1453, %get3A_1454] {strides = array<i32>} : memref<112x256xf32, #tpu.memory_space<vmem>>, vector<1x16xf32>,
        %get3A_1456 = vector.shape_cast %get3A_1455 : vector<1x16xf32> to vector<16xf32>
        %mul3A_1457 = arith.mulf %get3A_1422, %get3A_1456 : vector<16xf32>
        %add3A_1458 = arith.addf %add3A_1352, %mul3A_1457 : vector<16xf32>
        %get3A_1459 = arith.index_cast %add3A_1418 : i32 to index
        %get3A_1460 = arith.constant 96 : index
        %get3A_1461 = tpu.vector_load %arg10[%get3A_1459, %get3A_1460] {strides = array<i32>} : memref<112x256xf32, #tpu.memory_space<vmem>>, vector<1x16xf32>,
        %get3A_1462 = vector.shape_cast %get3A_1461 : vector<1x16xf32> to vector<16xf32>
        %mul3A_1463 = arith.mulf %get3A_1422, %get3A_1462 : vector<16xf32>
        %add3A_1464 = arith.addf %add3A_1358, %mul3A_1463 : vector<16xf32>
        %get3A_1465 = arith.index_cast %add3A_1418 : i32 to index
        %get3A_1466 = arith.constant 112 : index
        %get3A_1467 = tpu.vector_load %arg10[%get3A_1465, %get3A_1466] {strides = array<i32>} : memref<112x256xf32, #tpu.memory_space<vmem>>, vector<1x16xf32>,
        %get3A_1468 = vector.shape_cast %get3A_1467 : vector<1x16xf32> to vector<16xf32>
        %mul3A_1469 = arith.mulf %get3A_1422, %get3A_1468 : vector<16xf32>
        %add3A_1470 = arith.addf %add3A_1364, %mul3A_1469 : vector<16xf32>
        %get3A_1471 = arith.index_cast %add3A_1418 : i32 to index
        %get3A_1472 = arith.constant 128 : index
        %get3A_1473 = tpu.vector_load %arg10[%get3A_1471, %get3A_1472] {strides = array<i32>} : memref<112x256xf32, #tpu.memory_space<vmem>>, vector<1x16xf32>,
        %get3A_1474 = vector.shape_cast %get3A_1473 : vector<1x16xf32> to vector<16xf32>
        %mul3A_1475 = arith.mulf %get3A_1422, %get3A_1474 : vector<16xf32>
        %add3A_1476 = arith.addf %add3A_1370, %mul3A_1475 : vector<16xf32>
        %get3A_1477 = arith.index_cast %add3A_1418 : i32 to index
        %get3A_1478 = arith.constant 144 : index
        %get3A_1479 = tpu.vector_load %arg10[%get3A_1477, %get3A_1478] {strides = array<i32>} : memref<112x256xf32, #tpu.memory_space<vmem>>, vector<1x16xf32>,
        %get3A_1480 = vector.shape_cast %get3A_1479 : vector<1x16xf32> to vector<16xf32>
        %mul3A_1481 = arith.mulf %get3A_1422, %get3A_1480 : vector<16xf32>
        %add3A_1482 = arith.addf %add3A_1376, %mul3A_1481 : vector<16xf32>
        %get3A_1483 = arith.index_cast %add3A_1418 : i32 to index
        %get3A_1484 = arith.constant 160 : index
        %get3A_1485 = tpu.vector_load %arg10[%get3A_1483, %get3A_1484] {strides = array<i32>} : memref<112x256xf32, #tpu.memory_space<vmem>>, vector<1x16xf32>,
        %get3A_1486 = vector.shape_cast %get3A_1485 : vector<1x16xf32> to vector<16xf32>
        %mul3A_1487 = arith.mulf %get3A_1422, %get3A_1486 : vector<16xf32>
        %add3A_1488 = arith.addf %add3A_1382, %mul3A_1487 : vector<16xf32>
        %get3A_1489 = arith.index_cast %add3A_1418 : i32 to index
        %get3A_1490 = arith.constant 176 : index
        %get3A_1491 = tpu.vector_load %arg10[%get3A_1489, %get3A_1490] {strides = array<i32>} : memref<112x256xf32, #tpu.memory_space<vmem>>, vector<1x16xf32>,
        %get3A_1492 = vector.shape_cast %get3A_1491 : vector<1x16xf32> to vector<16xf32>
        %mul3A_1493 = arith.mulf %get3A_1422, %get3A_1492 : vector<16xf32>
        %add3A_1494 = arith.addf %add3A_1388, %mul3A_1493 : vector<16xf32>
        %get3A_1495 = arith.index_cast %add3A_1418 : i32 to index
        %get3A_1496 = arith.constant 192 : index
        %get3A_1497 = tpu.vector_load %arg10[%get3A_1495, %get3A_1496] {strides = array<i32>} : memref<112x256xf32, #tpu.memory_space<vmem>>, vector<1x16xf32>,
        %get3A_1498 = vector.shape_cast %get3A_1497 : vector<1x16xf32> to vector<16xf32>
        %mul3A_1499 = arith.mulf %get3A_1422, %get3A_1498 : vector<16xf32>
        %add3A_1500 = arith.addf %add3A_1394, %mul3A_1499 : vector<16xf32>
        %get3A_1501 = arith.index_cast %add3A_1418 : i32 to index
        %get3A_1502 = arith.constant 208 : index
        %get3A_1503 = tpu.vector_load %arg10[%get3A_1501, %get3A_1502] {strides = array<i32>} : memref<112x256xf32, #tpu.memory_space<vmem>>, vector<1x16xf32>,
        %get3A_1504 = vector.shape_cast %get3A_1503 : vector<1x16xf32> to vector<16xf32>
        %mul3A_1505 = arith.mulf %get3A_1422, %get3A_1504 : vector<16xf32>
        %add3A_1506 = arith.addf %add3A_1400, %mul3A_1505 : vector<16xf32>
        %get3A_1507 = arith.index_cast %add3A_1418 : i32 to index
        %get3A_1508 = arith.constant 224 : index
        %get3A_1509 = tpu.vector_load %arg10[%get3A_1507, %get3A_1508] {strides = array<i32>} : memref<112x256xf32, #tpu.memory_space<vmem>>, vector<1x16xf32>,
        %get3A_1510 = vector.shape_cast %get3A_1509 : vector<1x16xf32> to vector<16xf32>
        %mul3A_1511 = arith.mulf %get3A_1422, %get3A_1510 : vector<16xf32>
        %add3A_1512 = arith.addf %add3A_1406, %mul3A_1511 : vector<16xf32>
        %get3A_1513 = arith.index_cast %add3A_1418 : i32 to index
        %get3A_1514 = arith.constant 240 : index
        %get3A_1515 = tpu.vector_load %arg10[%get3A_1513, %get3A_1514] {strides = array<i32>} : memref<112x256xf32, #tpu.memory_space<vmem>>, vector<1x16xf32>,
        %get3A_1516 = vector.shape_cast %get3A_1515 : vector<1x16xf32> to vector<16xf32>
        %mul3A_1517 = arith.mulf %get3A_1422, %get3A_1516 : vector<16xf32>
        %add3A_1518 = arith.addf %add3A_1412, %mul3A_1517 : vector<16xf32>
        %mul3A_1519 = arith.constant 8 : i32
        %mul3A_1520 = arith.muli %scan3A_215, %mul3A_1519 : i32
        %add3A_1521 = arith.constant 56 : i32
        %add3A_1522 = arith.addi %add3A_1521, %mul3A_1520 : i32
        %add3A_1523 = arith.constant 4 : i32
        %add3A_1524 = arith.addi %add3A_1522, %add3A_1523 : i32
        %get3A_1525 = arith.index_cast %add3A_1524 : i32 to index
        %get3A_1526 = arith.constant 0 : index
        %get3A_1527 = tpu.vector_load %arg8[%get3A_1525, %get3A_1526] {strides = array<i32>} : memref<112x16xf32, #tpu.memory_space<vmem>>, vector<1x16xf32>,
        %get3A_1528 = vector.shape_cast %get3A_1527 : vector<1x16xf32> to vector<16xf32>
        %get3A_1529 = arith.index_cast %add3A_1524 : i32 to index
        %get3A_1530 = arith.constant 0 : index
        %get3A_1531 = tpu.vector_load %arg10[%get3A_1529, %get3A_1530] {strides = array<i32>} : memref<112x256xf32, #tpu.memory_space<vmem>>, vector<1x16xf32>,
        %get3A_1532 = vector.shape_cast %get3A_1531 : vector<1x16xf32> to vector<16xf32>
        %mul3A_1533 = arith.mulf %get3A_1528, %get3A_1532 : vector<16xf32>
        %add3A_1534 = arith.addf %add3A_1428, %mul3A_1533 : vector<16xf32>
        %get3A_1535 = arith.index_cast %add3A_1524 : i32 to index
        %get3A_1536 = arith.constant 16 : index
        %get3A_1537 = tpu.vector_load %arg10[%get3A_1535, %get3A_1536] {strides = array<i32>} : memref<112x256xf32, #tpu.memory_space<vmem>>, vector<1x16xf32>,
        %get3A_1538 = vector.shape_cast %get3A_1537 : vector<1x16xf32> to vector<16xf32>
        %mul3A_1539 = arith.mulf %get3A_1528, %get3A_1538 : vector<16xf32>
        %add3A_1540 = arith.addf %add3A_1434, %mul3A_1539 : vector<16xf32>
        %get3A_1541 = arith.index_cast %add3A_1524 : i32 to index
        %get3A_1542 = arith.constant 32 : index
        %get3A_1543 = tpu.vector_load %arg10[%get3A_1541, %get3A_1542] {strides = array<i32>} : memref<112x256xf32, #tpu.memory_space<vmem>>, vector<1x16xf32>,
        %get3A_1544 = vector.shape_cast %get3A_1543 : vector<1x16xf32> to vector<16xf32>
        %mul3A_1545 = arith.mulf %get3A_1528, %get3A_1544 : vector<16xf32>
        %add3A_1546 = arith.addf %add3A_1440, %mul3A_1545 : vector<16xf32>
        %get3A_1547 = arith.index_cast %add3A_1524 : i32 to index
        %get3A_1548 = arith.constant 48 : index
        %get3A_1549 = tpu.vector_load %arg10[%get3A_1547, %get3A_1548] {strides = array<i32>} : memref<112x256xf32, #tpu.memory_space<vmem>>, vector<1x16xf32>,
        %get3A_1550 = vector.shape_cast %get3A_1549 : vector<1x16xf32> to vector<16xf32>
        %mul3A_1551 = arith.mulf %get3A_1528, %get3A_1550 : vector<16xf32>
        %add3A_1552 = arith.addf %add3A_1446, %mul3A_1551 : vector<16xf32>
        %get3A_1553 = arith.index_cast %add3A_1524 : i32 to index
        %get3A_1554 = arith.constant 64 : index
        %get3A_1555 = tpu.vector_load %arg10[%get3A_1553, %get3A_1554] {strides = array<i32>} : memref<112x256xf32, #tpu.memory_space<vmem>>, vector<1x16xf32>,
        %get3A_1556 = vector.shape_cast %get3A_1555 : vector<1x16xf32> to vector<16xf32>
        %mul3A_1557 = arith.mulf %get3A_1528, %get3A_1556 : vector<16xf32>
        %add3A_1558 = arith.addf %add3A_1452, %mul3A_1557 : vector<16xf32>
        %get3A_1559 = arith.index_cast %add3A_1524 : i32 to index
        %get3A_1560 = arith.constant 80 : index
        %get3A_1561 = tpu.vector_load %arg10[%get3A_1559, %get3A_1560] {strides = array<i32>} : memref<112x256xf32, #tpu.memory_space<vmem>>, vector<1x16xf32>,
        %get3A_1562 = vector.shape_cast %get3A_1561 : vector<1x16xf32> to vector<16xf32>
        %mul3A_1563 = arith.mulf %get3A_1528, %get3A_1562 : vector<16xf32>
        %add3A_1564 = arith.addf %add3A_1458, %mul3A_1563 : vector<16xf32>
        %get3A_1565 = arith.index_cast %add3A_1524 : i32 to index
        %get3A_1566 = arith.constant 96 : index
        %get3A_1567 = tpu.vector_load %arg10[%get3A_1565, %get3A_1566] {strides = array<i32>} : memref<112x256xf32, #tpu.memory_space<vmem>>, vector<1x16xf32>,
        %get3A_1568 = vector.shape_cast %get3A_1567 : vector<1x16xf32> to vector<16xf32>
        %mul3A_1569 = arith.mulf %get3A_1528, %get3A_1568 : vector<16xf32>
        %add3A_1570 = arith.addf %add3A_1464, %mul3A_1569 : vector<16xf32>
        %get3A_1571 = arith.index_cast %add3A_1524 : i32 to index
        %get3A_1572 = arith.constant 112 : index
        %get3A_1573 = tpu.vector_load %arg10[%get3A_1571, %get3A_1572] {strides = array<i32>} : memref<112x256xf32, #tpu.memory_space<vmem>>, vector<1x16xf32>,
        %get3A_1574 = vector.shape_cast %get3A_1573 : vector<1x16xf32> to vector<16xf32>
        %mul3A_1575 = arith.mulf %get3A_1528, %get3A_1574 : vector<16xf32>
        %add3A_1576 = arith.addf %add3A_1470, %mul3A_1575 : vector<16xf32>
        %get3A_1577 = arith.index_cast %add3A_1524 : i32 to index
        %get3A_1578 = arith.constant 128 : index
        %get3A_1579 = tpu.vector_load %arg10[%get3A_1577, %get3A_1578] {strides = array<i32>} : memref<112x256xf32, #tpu.memory_space<vmem>>, vector<1x16xf32>,
        %get3A_1580 = vector.shape_cast %get3A_1579 : vector<1x16xf32> to vector<16xf32>
        %mul3A_1581 = arith.mulf %get3A_1528, %get3A_1580 : vector<16xf32>
        %add3A_1582 = arith.addf %add3A_1476, %mul3A_1581 : vector<16xf32>
        %get3A_1583 = arith.index_cast %add3A_1524 : i32 to index
        %get3A_1584 = arith.constant 144 : index
        %get3A_1585 = tpu.vector_load %arg10[%get3A_1583, %get3A_1584] {strides = array<i32>} : memref<112x256xf32, #tpu.memory_space<vmem>>, vector<1x16xf32>,
        %get3A_1586 = vector.shape_cast %get3A_1585 : vector<1x16xf32> to vector<16xf32>
        %mul3A_1587 = arith.mulf %get3A_1528, %get3A_1586 : vector<16xf32>
        %add3A_1588 = arith.addf %add3A_1482, %mul3A_1587 : vector<16xf32>
        %get3A_1589 = arith.index_cast %add3A_1524 : i32 to index
        %get3A_1590 = arith.constant 160 : index
        %get3A_1591 = tpu.vector_load %arg10[%get3A_1589, %get3A_1590] {strides = array<i32>} : memref<112x256xf32, #tpu.memory_space<vmem>>, vector<1x16xf32>,
        %get3A_1592 = vector.shape_cast %get3A_1591 : vector<1x16xf32> to vector<16xf32>
        %mul3A_1593 = arith.mulf %get3A_1528, %get3A_1592 : vector<16xf32>
        %add3A_1594 = arith.addf %add3A_1488, %mul3A_1593 : vector<16xf32>
        %get3A_1595 = arith.index_cast %add3A_1524 : i32 to index
        %get3A_1596 = arith.constant 176 : index
        %get3A_1597 = tpu.vector_load %arg10[%get3A_1595, %get3A_1596] {strides = array<i32>} : memref<112x256xf32, #tpu.memory_space<vmem>>, vector<1x16xf32>,
        %get3A_1598 = vector.shape_cast %get3A_1597 : vector<1x16xf32> to vector<16xf32>
        %mul3A_1599 = arith.mulf %get3A_1528, %get3A_1598 : vector<16xf32>
        %add3A_1600 = arith.addf %add3A_1494, %mul3A_1599 : vector<16xf32>
        %get3A_1601 = arith.index_cast %add3A_1524 : i32 to index
        %get3A_1602 = arith.constant 192 : index
        %get3A_1603 = tpu.vector_load %arg10[%get3A_1601, %get3A_1602] {strides = array<i32>} : memref<112x256xf32, #tpu.memory_space<vmem>>, vector<1x16xf32>,
        %get3A_1604 = vector.shape_cast %get3A_1603 : vector<1x16xf32> to vector<16xf32>
        %mul3A_1605 = arith.mulf %get3A_1528, %get3A_1604 : vector<16xf32>
        %add3A_1606 = arith.addf %add3A_1500, %mul3A_1605 : vector<16xf32>
        %get3A_1607 = arith.index_cast %add3A_1524 : i32 to index
        %get3A_1608 = arith.constant 208 : index
        %get3A_1609 = tpu.vector_load %arg10[%get3A_1607, %get3A_1608] {strides = array<i32>} : memref<112x256xf32, #tpu.memory_space<vmem>>, vector<1x16xf32>,
        %get3A_1610 = vector.shape_cast %get3A_1609 : vector<1x16xf32> to vector<16xf32>
        %mul3A_1611 = arith.mulf %get3A_1528, %get3A_1610 : vector<16xf32>
        %add3A_1612 = arith.addf %add3A_1506, %mul3A_1611 : vector<16xf32>
        %get3A_1613 = arith.index_cast %add3A_1524 : i32 to index
        %get3A_1614 = arith.constant 224 : index
        %get3A_1615 = tpu.vector_load %arg10[%get3A_1613, %get3A_1614] {strides = array<i32>} : memref<112x256xf32, #tpu.memory_space<vmem>>, vector<1x16xf32>,
        %get3A_1616 = vector.shape_cast %get3A_1615 : vector<1x16xf32> to vector<16xf32>
        %mul3A_1617 = arith.mulf %get3A_1528, %get3A_1616 : vector<16xf32>
        %add3A_1618 = arith.addf %add3A_1512, %mul3A_1617 : vector<16xf32>
        %get3A_1619 = arith.index_cast %add3A_1524 : i32 to index
        %get3A_1620 = arith.constant 240 : index
        %get3A_1621 = tpu.vector_load %arg10[%get3A_1619, %get3A_1620] {strides = array<i32>} : memref<112x256xf32, #tpu.memory_space<vmem>>, vector<1x16xf32>,
        %get3A_1622 = vector.shape_cast %get3A_1621 : vector<1x16xf32> to vector<16xf32>
        %mul3A_1623 = arith.mulf %get3A_1528, %get3A_1622 : vector<16xf32>
        %add3A_1624 = arith.addf %add3A_1518, %mul3A_1623 : vector<16xf32>
        %mul3A_1625 = arith.constant 8 : i32
        %mul3A_1626 = arith.muli %scan3A_215, %mul3A_1625 : i32
        %add3A_1627 = arith.constant 56 : i32
        %add3A_1628 = arith.addi %add3A_1627, %mul3A_1626 : i32
        %add3A_1629 = arith.constant 5 : i32
        %add3A_1630 = arith.addi %add3A_1628, %add3A_1629 : i32
        %get3A_1631 = arith.index_cast %add3A_1630 : i32 to index
        %get3A_1632 = arith.constant 0 : index
        %get3A_1633 = tpu.vector_load %arg8[%get3A_1631, %get3A_1632] {strides = array<i32>} : memref<112x16xf32, #tpu.memory_space<vmem>>, vector<1x16xf32>,
        %get3A_1634 = vector.shape_cast %get3A_1633 : vector<1x16xf32> to vector<16xf32>
        %get3A_1635 = arith.index_cast %add3A_1630 : i32 to index
        %get3A_1636 = arith.constant 0 : index
        %get3A_1637 = tpu.vector_load %arg10[%get3A_1635, %get3A_1636] {strides = array<i32>} : memref<112x256xf32, #tpu.memory_space<vmem>>, vector<1x16xf32>,
        %get3A_1638 = vector.shape_cast %get3A_1637 : vector<1x16xf32> to vector<16xf32>
        %mul3A_1639 = arith.mulf %get3A_1634, %get3A_1638 : vector<16xf32>
        %add3A_1640 = arith.addf %add3A_1534, %mul3A_1639 : vector<16xf32>
        %get3A_1641 = arith.index_cast %add3A_1630 : i32 to index
        %get3A_1642 = arith.constant 16 : index
        %get3A_1643 = tpu.vector_load %arg10[%get3A_1641, %get3A_1642] {strides = array<i32>} : memref<112x256xf32, #tpu.memory_space<vmem>>, vector<1x16xf32>,
        %get3A_1644 = vector.shape_cast %get3A_1643 : vector<1x16xf32> to vector<16xf32>
        %mul3A_1645 = arith.mulf %get3A_1634, %get3A_1644 : vector<16xf32>
        %add3A_1646 = arith.addf %add3A_1540, %mul3A_1645 : vector<16xf32>
        %get3A_1647 = arith.index_cast %add3A_1630 : i32 to index
        %get3A_1648 = arith.constant 32 : index
        %get3A_1649 = tpu.vector_load %arg10[%get3A_1647, %get3A_1648] {strides = array<i32>} : memref<112x256xf32, #tpu.memory_space<vmem>>, vector<1x16xf32>,
        %get3A_1650 = vector.shape_cast %get3A_1649 : vector<1x16xf32> to vector<16xf32>
        %mul3A_1651 = arith.mulf %get3A_1634, %get3A_1650 : vector<16xf32>
        %add3A_1652 = arith.addf %add3A_1546, %mul3A_1651 : vector<16xf32>
        %get3A_1653 = arith.index_cast %add3A_1630 : i32 to index
        %get3A_1654 = arith.constant 48 : index
        %get3A_1655 = tpu.vector_load %arg10[%get3A_1653, %get3A_1654] {strides = array<i32>} : memref<112x256xf32, #tpu.memory_space<vmem>>, vector<1x16xf32>,
        %get3A_1656 = vector.shape_cast %get3A_1655 : vector<1x16xf32> to vector<16xf32>
        %mul3A_1657 = arith.mulf %get3A_1634, %get3A_1656 : vector<16xf32>
        %add3A_1658 = arith.addf %add3A_1552, %mul3A_1657 : vector<16xf32>
        %get3A_1659 = arith.index_cast %add3A_1630 : i32 to index
        %get3A_1660 = arith.constant 64 : index
        %get3A_1661 = tpu.vector_load %arg10[%get3A_1659, %get3A_1660] {strides = array<i32>} : memref<112x256xf32, #tpu.memory_space<vmem>>, vector<1x16xf32>,
        %get3A_1662 = vector.shape_cast %get3A_1661 : vector<1x16xf32> to vector<16xf32>
        %mul3A_1663 = arith.mulf %get3A_1634, %get3A_1662 : vector<16xf32>
        %add3A_1664 = arith.addf %add3A_1558, %mul3A_1663 : vector<16xf32>
        %get3A_1665 = arith.index_cast %add3A_1630 : i32 to index
        %get3A_1666 = arith.constant 80 : index
        %get3A_1667 = tpu.vector_load %arg10[%get3A_1665, %get3A_1666] {strides = array<i32>} : memref<112x256xf32, #tpu.memory_space<vmem>>, vector<1x16xf32>,
        %get3A_1668 = vector.shape_cast %get3A_1667 : vector<1x16xf32> to vector<16xf32>
        %mul3A_1669 = arith.mulf %get3A_1634, %get3A_1668 : vector<16xf32>
        %add3A_1670 = arith.addf %add3A_1564, %mul3A_1669 : vector<16xf32>
        %get3A_1671 = arith.index_cast %add3A_1630 : i32 to index
        %get3A_1672 = arith.constant 96 : index
        %get3A_1673 = tpu.vector_load %arg10[%get3A_1671, %get3A_1672] {strides = array<i32>} : memref<112x256xf32, #tpu.memory_space<vmem>>, vector<1x16xf32>,
        %get3A_1674 = vector.shape_cast %get3A_1673 : vector<1x16xf32> to vector<16xf32>
        %mul3A_1675 = arith.mulf %get3A_1634, %get3A_1674 : vector<16xf32>
        %add3A_1676 = arith.addf %add3A_1570, %mul3A_1675 : vector<16xf32>
        %get3A_1677 = arith.index_cast %add3A_1630 : i32 to index
        %get3A_1678 = arith.constant 112 : index
        %get3A_1679 = tpu.vector_load %arg10[%get3A_1677, %get3A_1678] {strides = array<i32>} : memref<112x256xf32, #tpu.memory_space<vmem>>, vector<1x16xf32>,
        %get3A_1680 = vector.shape_cast %get3A_1679 : vector<1x16xf32> to vector<16xf32>
        %mul3A_1681 = arith.mulf %get3A_1634, %get3A_1680 : vector<16xf32>
        %add3A_1682 = arith.addf %add3A_1576, %mul3A_1681 : vector<16xf32>
        %get3A_1683 = arith.index_cast %add3A_1630 : i32 to index
        %get3A_1684 = arith.constant 128 : index
        %get3A_1685 = tpu.vector_load %arg10[%get3A_1683, %get3A_1684] {strides = array<i32>} : memref<112x256xf32, #tpu.memory_space<vmem>>, vector<1x16xf32>,
        %get3A_1686 = vector.shape_cast %get3A_1685 : vector<1x16xf32> to vector<16xf32>
        %mul3A_1687 = arith.mulf %get3A_1634, %get3A_1686 : vector<16xf32>
        %add3A_1688 = arith.addf %add3A_1582, %mul3A_1687 : vector<16xf32>
        %get3A_1689 = arith.index_cast %add3A_1630 : i32 to index
        %get3A_1690 = arith.constant 144 : index
        %get3A_1691 = tpu.vector_load %arg10[%get3A_1689, %get3A_1690] {strides = array<i32>} : memref<112x256xf32, #tpu.memory_space<vmem>>, vector<1x16xf32>,
        %get3A_1692 = vector.shape_cast %get3A_1691 : vector<1x16xf32> to vector<16xf32>
        %mul3A_1693 = arith.mulf %get3A_1634, %get3A_1692 : vector<16xf32>
        %add3A_1694 = arith.addf %add3A_1588, %mul3A_1693 : vector<16xf32>
        %get3A_1695 = arith.index_cast %add3A_1630 : i32 to index
        %get3A_1696 = arith.constant 160 : index
        %get3A_1697 = tpu.vector_load %arg10[%get3A_1695, %get3A_1696] {strides = array<i32>} : memref<112x256xf32, #tpu.memory_space<vmem>>, vector<1x16xf32>,
        %get3A_1698 = vector.shape_cast %get3A_1697 : vector<1x16xf32> to vector<16xf32>
        %mul3A_1699 = arith.mulf %get3A_1634, %get3A_1698 : vector<16xf32>
        %add3A_1700 = arith.addf %add3A_1594, %mul3A_1699 : vector<16xf32>
        %get3A_1701 = arith.index_cast %add3A_1630 : i32 to index
        %get3A_1702 = arith.constant 176 : index
        %get3A_1703 = tpu.vector_load %arg10[%get3A_1701, %get3A_1702] {strides = array<i32>} : memref<112x256xf32, #tpu.memory_space<vmem>>, vector<1x16xf32>,
        %get3A_1704 = vector.shape_cast %get3A_1703 : vector<1x16xf32> to vector<16xf32>
        %mul3A_1705 = arith.mulf %get3A_1634, %get3A_1704 : vector<16xf32>
        %add3A_1706 = arith.addf %add3A_1600, %mul3A_1705 : vector<16xf32>
        %get3A_1707 = arith.index_cast %add3A_1630 : i32 to index
        %get3A_1708 = arith.constant 192 : index
        %get3A_1709 = tpu.vector_load %arg10[%get3A_1707, %get3A_1708] {strides = array<i32>} : memref<112x256xf32, #tpu.memory_space<vmem>>, vector<1x16xf32>,
        %get3A_1710 = vector.shape_cast %get3A_1709 : vector<1x16xf32> to vector<16xf32>
        %mul3A_1711 = arith.mulf %get3A_1634, %get3A_1710 : vector<16xf32>
        %add3A_1712 = arith.addf %add3A_1606, %mul3A_1711 : vector<16xf32>
        %get3A_1713 = arith.index_cast %add3A_1630 : i32 to index
        %get3A_1714 = arith.constant 208 : index
        %get3A_1715 = tpu.vector_load %arg10[%get3A_1713, %get3A_1714] {strides = array<i32>} : memref<112x256xf32, #tpu.memory_space<vmem>>, vector<1x16xf32>,
        %get3A_1716 = vector.shape_cast %get3A_1715 : vector<1x16xf32> to vector<16xf32>
        %mul3A_1717 = arith.mulf %get3A_1634, %get3A_1716 : vector<16xf32>
        %add3A_1718 = arith.addf %add3A_1612, %mul3A_1717 : vector<16xf32>
        %get3A_1719 = arith.index_cast %add3A_1630 : i32 to index
        %get3A_1720 = arith.constant 224 : index
        %get3A_1721 = tpu.vector_load %arg10[%get3A_1719, %get3A_1720] {strides = array<i32>} : memref<112x256xf32, #tpu.memory_space<vmem>>, vector<1x16xf32>,
        %get3A_1722 = vector.shape_cast %get3A_1721 : vector<1x16xf32> to vector<16xf32>
        %mul3A_1723 = arith.mulf %get3A_1634, %get3A_1722 : vector<16xf32>
        %add3A_1724 = arith.addf %add3A_1618, %mul3A_1723 : vector<16xf32>
        %get3A_1725 = arith.index_cast %add3A_1630 : i32 to index
        %get3A_1726 = arith.constant 240 : index
        %get3A_1727 = tpu.vector_load %arg10[%get3A_1725, %get3A_1726] {strides = array<i32>} : memref<112x256xf32, #tpu.memory_space<vmem>>, vector<1x16xf32>,
        %get3A_1728 = vector.shape_cast %get3A_1727 : vector<1x16xf32> to vector<16xf32>
        %mul3A_1729 = arith.mulf %get3A_1634, %get3A_1728 : vector<16xf32>
        %add3A_1730 = arith.addf %add3A_1624, %mul3A_1729 : vector<16xf32>
        %mul3A_1731 = arith.constant 8 : i32
        %mul3A_1732 = arith.muli %scan3A_215, %mul3A_1731 : i32
        %add3A_1733 = arith.constant 56 : i32
        %add3A_1734 = arith.addi %add3A_1733, %mul3A_1732 : i32
        %add3A_1735 = arith.constant 6 : i32
        %add3A_1736 = arith.addi %add3A_1734, %add3A_1735 : i32
        %get3A_1737 = arith.index_cast %add3A_1736 : i32 to index
        %get3A_1738 = arith.constant 0 : index
        %get3A_1739 = tpu.vector_load %arg8[%get3A_1737, %get3A_1738] {strides = array<i32>} : memref<112x16xf32, #tpu.memory_space<vmem>>, vector<1x16xf32>,
        %get3A_1740 = vector.shape_cast %get3A_1739 : vector<1x16xf32> to vector<16xf32>
        %get3A_1741 = arith.index_cast %add3A_1736 : i32 to index
        %get3A_1742 = arith.constant 0 : index
        %get3A_1743 = tpu.vector_load %arg10[%get3A_1741, %get3A_1742] {strides = array<i32>} : memref<112x256xf32, #tpu.memory_space<vmem>>, vector<1x16xf32>,
        %get3A_1744 = vector.shape_cast %get3A_1743 : vector<1x16xf32> to vector<16xf32>
        %mul3A_1745 = arith.mulf %get3A_1740, %get3A_1744 : vector<16xf32>
        %add3A_1746 = arith.addf %add3A_1640, %mul3A_1745 : vector<16xf32>
        %get3A_1747 = arith.index_cast %add3A_1736 : i32 to index
        %get3A_1748 = arith.constant 16 : index
        %get3A_1749 = tpu.vector_load %arg10[%get3A_1747, %get3A_1748] {strides = array<i32>} : memref<112x256xf32, #tpu.memory_space<vmem>>, vector<1x16xf32>,
        %get3A_1750 = vector.shape_cast %get3A_1749 : vector<1x16xf32> to vector<16xf32>
        %mul3A_1751 = arith.mulf %get3A_1740, %get3A_1750 : vector<16xf32>
        %add3A_1752 = arith.addf %add3A_1646, %mul3A_1751 : vector<16xf32>
        %get3A_1753 = arith.index_cast %add3A_1736 : i32 to index
        %get3A_1754 = arith.constant 32 : index
        %get3A_1755 = tpu.vector_load %arg10[%get3A_1753, %get3A_1754] {strides = array<i32>} : memref<112x256xf32, #tpu.memory_space<vmem>>, vector<1x16xf32>,
        %get3A_1756 = vector.shape_cast %get3A_1755 : vector<1x16xf32> to vector<16xf32>
        %mul3A_1757 = arith.mulf %get3A_1740, %get3A_1756 : vector<16xf32>
        %add3A_1758 = arith.addf %add3A_1652, %mul3A_1757 : vector<16xf32>
        %get3A_1759 = arith.index_cast %add3A_1736 : i32 to index
        %get3A_1760 = arith.constant 48 : index
        %get3A_1761 = tpu.vector_load %arg10[%get3A_1759, %get3A_1760] {strides = array<i32>} : memref<112x256xf32, #tpu.memory_space<vmem>>, vector<1x16xf32>,
        %get3A_1762 = vector.shape_cast %get3A_1761 : vector<1x16xf32> to vector<16xf32>
        %mul3A_1763 = arith.mulf %get3A_1740, %get3A_1762 : vector<16xf32>
        %add3A_1764 = arith.addf %add3A_1658, %mul3A_1763 : vector<16xf32>
        %get3A_1765 = arith.index_cast %add3A_1736 : i32 to index
        %get3A_1766 = arith.constant 64 : index
        %get3A_1767 = tpu.vector_load %arg10[%get3A_1765, %get3A_1766] {strides = array<i32>} : memref<112x256xf32, #tpu.memory_space<vmem>>, vector<1x16xf32>,
        %get3A_1768 = vector.shape_cast %get3A_1767 : vector<1x16xf32> to vector<16xf32>
        %mul3A_1769 = arith.mulf %get3A_1740, %get3A_1768 : vector<16xf32>
        %add3A_1770 = arith.addf %add3A_1664, %mul3A_1769 : vector<16xf32>
        %get3A_1771 = arith.index_cast %add3A_1736 : i32 to index
        %get3A_1772 = arith.constant 80 : index
        %get3A_1773 = tpu.vector_load %arg10[%get3A_1771, %get3A_1772] {strides = array<i32>} : memref<112x256xf32, #tpu.memory_space<vmem>>, vector<1x16xf32>,
        %get3A_1774 = vector.shape_cast %get3A_1773 : vector<1x16xf32> to vector<16xf32>
        %mul3A_1775 = arith.mulf %get3A_1740, %get3A_1774 : vector<16xf32>
        %add3A_1776 = arith.addf %add3A_1670, %mul3A_1775 : vector<16xf32>
        %get3A_1777 = arith.index_cast %add3A_1736 : i32 to index
        %get3A_1778 = arith.constant 96 : index
        %get3A_1779 = tpu.vector_load %arg10[%get3A_1777, %get3A_1778] {strides = array<i32>} : memref<112x256xf32, #tpu.memory_space<vmem>>, vector<1x16xf32>,
        %get3A_1780 = vector.shape_cast %get3A_1779 : vector<1x16xf32> to vector<16xf32>
        %mul3A_1781 = arith.mulf %get3A_1740, %get3A_1780 : vector<16xf32>
        %add3A_1782 = arith.addf %add3A_1676, %mul3A_1781 : vector<16xf32>
        %get3A_1783 = arith.index_cast %add3A_1736 : i32 to index
        %get3A_1784 = arith.constant 112 : index
        %get3A_1785 = tpu.vector_load %arg10[%get3A_1783, %get3A_1784] {strides = array<i32>} : memref<112x256xf32, #tpu.memory_space<vmem>>, vector<1x16xf32>,
        %get3A_1786 = vector.shape_cast %get3A_1785 : vector<1x16xf32> to vector<16xf32>
        %mul3A_1787 = arith.mulf %get3A_1740, %get3A_1786 : vector<16xf32>
        %add3A_1788 = arith.addf %add3A_1682, %mul3A_1787 : vector<16xf32>
        %get3A_1789 = arith.index_cast %add3A_1736 : i32 to index
        %get3A_1790 = arith.constant 128 : index
        %get3A_1791 = tpu.vector_load %arg10[%get3A_1789, %get3A_1790] {strides = array<i32>} : memref<112x256xf32, #tpu.memory_space<vmem>>, vector<1x16xf32>,
        %get3A_1792 = vector.shape_cast %get3A_1791 : vector<1x16xf32> to vector<16xf32>
        %mul3A_1793 = arith.mulf %get3A_1740, %get3A_1792 : vector<16xf32>
        %add3A_1794 = arith.addf %add3A_1688, %mul3A_1793 : vector<16xf32>
        %get3A_1795 = arith.index_cast %add3A_1736 : i32 to index
        %get3A_1796 = arith.constant 144 : index
        %get3A_1797 = tpu.vector_load %arg10[%get3A_1795, %get3A_1796] {strides = array<i32>} : memref<112x256xf32, #tpu.memory_space<vmem>>, vector<1x16xf32>,
        %get3A_1798 = vector.shape_cast %get3A_1797 : vector<1x16xf32> to vector<16xf32>
        %mul3A_1799 = arith.mulf %get3A_1740, %get3A_1798 : vector<16xf32>
        %add3A_1800 = arith.addf %add3A_1694, %mul3A_1799 : vector<16xf32>
        %get3A_1801 = arith.index_cast %add3A_1736 : i32 to index
        %get3A_1802 = arith.constant 160 : index
        %get3A_1803 = tpu.vector_load %arg10[%get3A_1801, %get3A_1802] {strides = array<i32>} : memref<112x256xf32, #tpu.memory_space<vmem>>, vector<1x16xf32>,
        %get3A_1804 = vector.shape_cast %get3A_1803 : vector<1x16xf32> to vector<16xf32>
        %mul3A_1805 = arith.mulf %get3A_1740, %get3A_1804 : vector<16xf32>
        %add3A_1806 = arith.addf %add3A_1700, %mul3A_1805 : vector<16xf32>
        %get3A_1807 = arith.index_cast %add3A_1736 : i32 to index
        %get3A_1808 = arith.constant 176 : index
        %get3A_1809 = tpu.vector_load %arg10[%get3A_1807, %get3A_1808] {strides = array<i32>} : memref<112x256xf32, #tpu.memory_space<vmem>>, vector<1x16xf32>,
        %get3A_1810 = vector.shape_cast %get3A_1809 : vector<1x16xf32> to vector<16xf32>
        %mul3A_1811 = arith.mulf %get3A_1740, %get3A_1810 : vector<16xf32>
        %add3A_1812 = arith.addf %add3A_1706, %mul3A_1811 : vector<16xf32>
        %get3A_1813 = arith.index_cast %add3A_1736 : i32 to index
        %get3A_1814 = arith.constant 192 : index
        %get3A_1815 = tpu.vector_load %arg10[%get3A_1813, %get3A_1814] {strides = array<i32>} : memref<112x256xf32, #tpu.memory_space<vmem>>, vector<1x16xf32>,
        %get3A_1816 = vector.shape_cast %get3A_1815 : vector<1x16xf32> to vector<16xf32>
        %mul3A_1817 = arith.mulf %get3A_1740, %get3A_1816 : vector<16xf32>
        %add3A_1818 = arith.addf %add3A_1712, %mul3A_1817 : vector<16xf32>
        %get3A_1819 = arith.index_cast %add3A_1736 : i32 to index
        %get3A_1820 = arith.constant 208 : index
        %get3A_1821 = tpu.vector_load %arg10[%get3A_1819, %get3A_1820] {strides = array<i32>} : memref<112x256xf32, #tpu.memory_space<vmem>>, vector<1x16xf32>,
        %get3A_1822 = vector.shape_cast %get3A_1821 : vector<1x16xf32> to vector<16xf32>
        %mul3A_1823 = arith.mulf %get3A_1740, %get3A_1822 : vector<16xf32>
        %add3A_1824 = arith.addf %add3A_1718, %mul3A_1823 : vector<16xf32>
        %get3A_1825 = arith.index_cast %add3A_1736 : i32 to index
        %get3A_1826 = arith.constant 224 : index
        %get3A_1827 = tpu.vector_load %arg10[%get3A_1825, %get3A_1826] {strides = array<i32>} : memref<112x256xf32, #tpu.memory_space<vmem>>, vector<1x16xf32>,
        %get3A_1828 = vector.shape_cast %get3A_1827 : vector<1x16xf32> to vector<16xf32>
        %mul3A_1829 = arith.mulf %get3A_1740, %get3A_1828 : vector<16xf32>
        %add3A_1830 = arith.addf %add3A_1724, %mul3A_1829 : vector<16xf32>
        %get3A_1831 = arith.index_cast %add3A_1736 : i32 to index
        %get3A_1832 = arith.constant 240 : index
        %get3A_1833 = tpu.vector_load %arg10[%get3A_1831, %get3A_1832] {strides = array<i32>} : memref<112x256xf32, #tpu.memory_space<vmem>>, vector<1x16xf32>,
        %get3A_1834 = vector.shape_cast %get3A_1833 : vector<1x16xf32> to vector<16xf32>
        %mul3A_1835 = arith.mulf %get3A_1740, %get3A_1834 : vector<16xf32>
        %add3A_1836 = arith.addf %add3A_1730, %mul3A_1835 : vector<16xf32>
        %mul3A_1837 = arith.constant 8 : i32
        %mul3A_1838 = arith.muli %scan3A_215, %mul3A_1837 : i32
        %add3A_1839 = arith.constant 56 : i32
        %add3A_1840 = arith.addi %add3A_1839, %mul3A_1838 : i32
        %add3A_1841 = arith.constant 7 : i32
        %add3A_1842 = arith.addi %add3A_1840, %add3A_1841 : i32
        %get3A_1843 = arith.index_cast %add3A_1842 : i32 to index
        %get3A_1844 = arith.constant 0 : index
        %get3A_1845 = tpu.vector_load %arg8[%get3A_1843, %get3A_1844] {strides = array<i32>} : memref<112x16xf32, #tpu.memory_space<vmem>>, vector<1x16xf32>,
        %get3A_1846 = vector.shape_cast %get3A_1845 : vector<1x16xf32> to vector<16xf32>
        %get3A_1847 = arith.index_cast %add3A_1842 : i32 to index
        %get3A_1848 = arith.constant 0 : index
        %get3A_1849 = tpu.vector_load %arg10[%get3A_1847, %get3A_1848] {strides = array<i32>} : memref<112x256xf32, #tpu.memory_space<vmem>>, vector<1x16xf32>,
        %get3A_1850 = vector.shape_cast %get3A_1849 : vector<1x16xf32> to vector<16xf32>
        %mul3A_1851 = arith.mulf %get3A_1846, %get3A_1850 : vector<16xf32>
        %add3A_1852 = arith.addf %add3A_1746, %mul3A_1851 : vector<16xf32>
        %get3A_1853 = arith.index_cast %add3A_1842 : i32 to index
        %get3A_1854 = arith.constant 16 : index
        %get3A_1855 = tpu.vector_load %arg10[%get3A_1853, %get3A_1854] {strides = array<i32>} : memref<112x256xf32, #tpu.memory_space<vmem>>, vector<1x16xf32>,
        %get3A_1856 = vector.shape_cast %get3A_1855 : vector<1x16xf32> to vector<16xf32>
        %mul3A_1857 = arith.mulf %get3A_1846, %get3A_1856 : vector<16xf32>
        %add3A_1858 = arith.addf %add3A_1752, %mul3A_1857 : vector<16xf32>
        %get3A_1859 = arith.index_cast %add3A_1842 : i32 to index
        %get3A_1860 = arith.constant 32 : index
        %get3A_1861 = tpu.vector_load %arg10[%get3A_1859, %get3A_1860] {strides = array<i32>} : memref<112x256xf32, #tpu.memory_space<vmem>>, vector<1x16xf32>,
        %get3A_1862 = vector.shape_cast %get3A_1861 : vector<1x16xf32> to vector<16xf32>
        %mul3A_1863 = arith.mulf %get3A_1846, %get3A_1862 : vector<16xf32>
        %add3A_1864 = arith.addf %add3A_1758, %mul3A_1863 : vector<16xf32>
        %get3A_1865 = arith.index_cast %add3A_1842 : i32 to index
        %get3A_1866 = arith.constant 48 : index
        %get3A_1867 = tpu.vector_load %arg10[%get3A_1865, %get3A_1866] {strides = array<i32>} : memref<112x256xf32, #tpu.memory_space<vmem>>, vector<1x16xf32>,
        %get3A_1868 = vector.shape_cast %get3A_1867 : vector<1x16xf32> to vector<16xf32>
        %mul3A_1869 = arith.mulf %get3A_1846, %get3A_1868 : vector<16xf32>
        %add3A_1870 = arith.addf %add3A_1764, %mul3A_1869 : vector<16xf32>
        %get3A_1871 = arith.index_cast %add3A_1842 : i32 to index
        %get3A_1872 = arith.constant 64 : index
        %get3A_1873 = tpu.vector_load %arg10[%get3A_1871, %get3A_1872] {strides = array<i32>} : memref<112x256xf32, #tpu.memory_space<vmem>>, vector<1x16xf32>,
        %get3A_1874 = vector.shape_cast %get3A_1873 : vector<1x16xf32> to vector<16xf32>
        %mul3A_1875 = arith.mulf %get3A_1846, %get3A_1874 : vector<16xf32>
        %add3A_1876 = arith.addf %add3A_1770, %mul3A_1875 : vector<16xf32>
        %get3A_1877 = arith.index_cast %add3A_1842 : i32 to index
        %get3A_1878 = arith.constant 80 : index
        %get3A_1879 = tpu.vector_load %arg10[%get3A_1877, %get3A_1878] {strides = array<i32>} : memref<112x256xf32, #tpu.memory_space<vmem>>, vector<1x16xf32>,
        %get3A_1880 = vector.shape_cast %get3A_1879 : vector<1x16xf32> to vector<16xf32>
        %mul3A_1881 = arith.mulf %get3A_1846, %get3A_1880 : vector<16xf32>
        %add3A_1882 = arith.addf %add3A_1776, %mul3A_1881 : vector<16xf32>
        %get3A_1883 = arith.index_cast %add3A_1842 : i32 to index
        %get3A_1884 = arith.constant 96 : index
        %get3A_1885 = tpu.vector_load %arg10[%get3A_1883, %get3A_1884] {strides = array<i32>} : memref<112x256xf32, #tpu.memory_space<vmem>>, vector<1x16xf32>,
        %get3A_1886 = vector.shape_cast %get3A_1885 : vector<1x16xf32> to vector<16xf32>
        %mul3A_1887 = arith.mulf %get3A_1846, %get3A_1886 : vector<16xf32>
        %add3A_1888 = arith.addf %add3A_1782, %mul3A_1887 : vector<16xf32>
        %get3A_1889 = arith.index_cast %add3A_1842 : i32 to index
        %get3A_1890 = arith.constant 112 : index
        %get3A_1891 = tpu.vector_load %arg10[%get3A_1889, %get3A_1890] {strides = array<i32>} : memref<112x256xf32, #tpu.memory_space<vmem>>, vector<1x16xf32>,
        %get3A_1892 = vector.shape_cast %get3A_1891 : vector<1x16xf32> to vector<16xf32>
        %mul3A_1893 = arith.mulf %get3A_1846, %get3A_1892 : vector<16xf32>
        %add3A_1894 = arith.addf %add3A_1788, %mul3A_1893 : vector<16xf32>
        %get3A_1895 = arith.index_cast %add3A_1842 : i32 to index
        %get3A_1896 = arith.constant 128 : index
        %get3A_1897 = tpu.vector_load %arg10[%get3A_1895, %get3A_1896] {strides = array<i32>} : memref<112x256xf32, #tpu.memory_space<vmem>>, vector<1x16xf32>,
        %get3A_1898 = vector.shape_cast %get3A_1897 : vector<1x16xf32> to vector<16xf32>
        %mul3A_1899 = arith.mulf %get3A_1846, %get3A_1898 : vector<16xf32>
        %add3A_1900 = arith.addf %add3A_1794, %mul3A_1899 : vector<16xf32>
        %get3A_1901 = arith.index_cast %add3A_1842 : i32 to index
        %get3A_1902 = arith.constant 144 : index
        %get3A_1903 = tpu.vector_load %arg10[%get3A_1901, %get3A_1902] {strides = array<i32>} : memref<112x256xf32, #tpu.memory_space<vmem>>, vector<1x16xf32>,
        %get3A_1904 = vector.shape_cast %get3A_1903 : vector<1x16xf32> to vector<16xf32>
        %mul3A_1905 = arith.mulf %get3A_1846, %get3A_1904 : vector<16xf32>
        %add3A_1906 = arith.addf %add3A_1800, %mul3A_1905 : vector<16xf32>
        %get3A_1907 = arith.index_cast %add3A_1842 : i32 to index
        %get3A_1908 = arith.constant 160 : index
        %get3A_1909 = tpu.vector_load %arg10[%get3A_1907, %get3A_1908] {strides = array<i32>} : memref<112x256xf32, #tpu.memory_space<vmem>>, vector<1x16xf32>,
        %get3A_1910 = vector.shape_cast %get3A_1909 : vector<1x16xf32> to vector<16xf32>
        %mul3A_1911 = arith.mulf %get3A_1846, %get3A_1910 : vector<16xf32>
        %add3A_1912 = arith.addf %add3A_1806, %mul3A_1911 : vector<16xf32>
        %get3A_1913 = arith.index_cast %add3A_1842 : i32 to index
        %get3A_1914 = arith.constant 176 : index
        %get3A_1915 = tpu.vector_load %arg10[%get3A_1913, %get3A_1914] {strides = array<i32>} : memref<112x256xf32, #tpu.memory_space<vmem>>, vector<1x16xf32>,
        %get3A_1916 = vector.shape_cast %get3A_1915 : vector<1x16xf32> to vector<16xf32>
        %mul3A_1917 = arith.mulf %get3A_1846, %get3A_1916 : vector<16xf32>
        %add3A_1918 = arith.addf %add3A_1812, %mul3A_1917 : vector<16xf32>
        %get3A_1919 = arith.index_cast %add3A_1842 : i32 to index
        %get3A_1920 = arith.constant 192 : index
        %get3A_1921 = tpu.vector_load %arg10[%get3A_1919, %get3A_1920] {strides = array<i32>} : memref<112x256xf32, #tpu.memory_space<vmem>>, vector<1x16xf32>,
        %get3A_1922 = vector.shape_cast %get3A_1921 : vector<1x16xf32> to vector<16xf32>
        %mul3A_1923 = arith.mulf %get3A_1846, %get3A_1922 : vector<16xf32>
        %add3A_1924 = arith.addf %add3A_1818, %mul3A_1923 : vector<16xf32>
        %get3A_1925 = arith.index_cast %add3A_1842 : i32 to index
        %get3A_1926 = arith.constant 208 : index
        %get3A_1927 = tpu.vector_load %arg10[%get3A_1925, %get3A_1926] {strides = array<i32>} : memref<112x256xf32, #tpu.memory_space<vmem>>, vector<1x16xf32>,
        %get3A_1928 = vector.shape_cast %get3A_1927 : vector<1x16xf32> to vector<16xf32>
        %mul3A_1929 = arith.mulf %get3A_1846, %get3A_1928 : vector<16xf32>
        %add3A_1930 = arith.addf %add3A_1824, %mul3A_1929 : vector<16xf32>
        %get3A_1931 = arith.index_cast %add3A_1842 : i32 to index
        %get3A_1932 = arith.constant 224 : index
        %get3A_1933 = tpu.vector_load %arg10[%get3A_1931, %get3A_1932] {strides = array<i32>} : memref<112x256xf32, #tpu.memory_space<vmem>>, vector<1x16xf32>,
        %get3A_1934 = vector.shape_cast %get3A_1933 : vector<1x16xf32> to vector<16xf32>
        %mul3A_1935 = arith.mulf %get3A_1846, %get3A_1934 : vector<16xf32>
        %add3A_1936 = arith.addf %add3A_1830, %mul3A_1935 : vector<16xf32>
        %get3A_1937 = arith.index_cast %add3A_1842 : i32 to index
        %get3A_1938 = arith.constant 240 : index
        %get3A_1939 = tpu.vector_load %arg10[%get3A_1937, %get3A_1938] {strides = array<i32>} : memref<112x256xf32, #tpu.memory_space<vmem>>, vector<1x16xf32>,
        %get3A_1940 = vector.shape_cast %get3A_1939 : vector<1x16xf32> to vector<16xf32>
        %mul3A_1941 = arith.mulf %get3A_1846, %get3A_1940 : vector<16xf32>
        %add3A_1942 = arith.addf %add3A_1836, %mul3A_1941 : vector<16xf32>
        %swap3A = arith.index_cast %scan3A_215 : i32 to index
        %swap3A_1943 = arith.constant 0 : index
        %swap3A_1944 = tpu.vector_load %arg12[%swap3A, %swap3A_1943] {strides = array<i32>} : memref<7x256xf32, #tpu.memory_space<vmem>>, vector<1x16xf32>,
        %swap3A_1945 = vector.shape_cast %swap3A_1944 : vector<1x16xf32> to vector<16xf32>
        %swap3A_1946 = vector.shape_cast %add3A_1852 : vector<16xf32> to vector<1x16xf32>
        tpu.vector_store %arg12[%swap3A, %swap3A_1943], %swap3A_1946 {strides = array<i32>} : memref<7x256xf32, #tpu.memory_space<vmem>>, vector<1x16xf32>,
        %swap3A_1947 = arith.index_cast %scan3A_215 : i32 to index
        %swap3A_1948 = arith.constant 16 : index
        %swap3A_1949 = tpu.vector_load %arg12[%swap3A_1947, %swap3A_1948] {strides = array<i32>} : memref<7x256xf32, #tpu.memory_space<vmem>>, vector<1x16xf32>,
        %swap3A_1950 = vector.shape_cast %swap3A_1949 : vector<1x16xf32> to vector<16xf32>
        %swap3A_1951 = vector.shape_cast %add3A_1858 : vector<16xf32> to vector<1x16xf32>
        tpu.vector_store %arg12[%swap3A_1947, %swap3A_1948], %swap3A_1951 {strides = array<i32>} : memref<7x256xf32, #tpu.memory_space<vmem>>, vector<1x16xf32>,
        %swap3A_1952 = arith.index_cast %scan3A_215 : i32 to index
        %swap3A_1953 = arith.constant 32 : index
        %swap3A_1954 = tpu.vector_load %arg12[%swap3A_1952, %swap3A_1953] {strides = array<i32>} : memref<7x256xf32, #tpu.memory_space<vmem>>, vector<1x16xf32>,
        %swap3A_1955 = vector.shape_cast %swap3A_1954 : vector<1x16xf32> to vector<16xf32>
        %swap3A_1956 = vector.shape_cast %add3A_1864 : vector<16xf32> to vector<1x16xf32>
        tpu.vector_store %arg12[%swap3A_1952, %swap3A_1953], %swap3A_1956 {strides = array<i32>} : memref<7x256xf32, #tpu.memory_space<vmem>>, vector<1x16xf32>,
        %swap3A_1957 = arith.index_cast %scan3A_215 : i32 to index
        %swap3A_1958 = arith.constant 48 : index
        %swap3A_1959 = tpu.vector_load %arg12[%swap3A_1957, %swap3A_1958] {strides = array<i32>} : memref<7x256xf32, #tpu.memory_space<vmem>>, vector<1x16xf32>,
        %swap3A_1960 = vector.shape_cast %swap3A_1959 : vector<1x16xf32> to vector<16xf32>
        %swap3A_1961 = vector.shape_cast %add3A_1870 : vector<16xf32> to vector<1x16xf32>
        tpu.vector_store %arg12[%swap3A_1957, %swap3A_1958], %swap3A_1961 {strides = array<i32>} : memref<7x256xf32, #tpu.memory_space<vmem>>, vector<1x16xf32>,
        %swap3A_1962 = arith.index_cast %scan3A_215 : i32 to index
        %swap3A_1963 = arith.constant 64 : index
        %swap3A_1964 = tpu.vector_load %arg12[%swap3A_1962, %swap3A_1963] {strides = array<i32>} : memref<7x256xf32, #tpu.memory_space<vmem>>, vector<1x16xf32>,
        %swap3A_1965 = vector.shape_cast %swap3A_1964 : vector<1x16xf32> to vector<16xf32>
        %swap3A_1966 = vector.shape_cast %add3A_1876 : vector<16xf32> to vector<1x16xf32>
        tpu.vector_store %arg12[%swap3A_1962, %swap3A_1963], %swap3A_1966 {strides = array<i32>} : memref<7x256xf32, #tpu.memory_space<vmem>>, vector<1x16xf32>,
        %swap3A_1967 = arith.index_cast %scan3A_215 : i32 to index
        %swap3A_1968 = arith.constant 80 : index
        %swap3A_1969 = tpu.vector_load %arg12[%swap3A_1967, %swap3A_1968] {strides = array<i32>} : memref<7x256xf32, #tpu.memory_space<vmem>>, vector<1x16xf32>,
        %swap3A_1970 = vector.shape_cast %swap3A_1969 : vector<1x16xf32> to vector<16xf32>
        %swap3A_1971 = vector.shape_cast %add3A_1882 : vector<16xf32> to vector<1x16xf32>
        tpu.vector_store %arg12[%swap3A_1967, %swap3A_1968], %swap3A_1971 {strides = array<i32>} : memref<7x256xf32, #tpu.memory_space<vmem>>, vector<1x16xf32>,
        %swap3A_1972 = arith.index_cast %scan3A_215 : i32 to index
        %swap3A_1973 = arith.constant 96 : index
        %swap3A_1974 = tpu.vector_load %arg12[%swap3A_1972, %swap3A_1973] {strides = array<i32>} : memref<7x256xf32, #tpu.memory_space<vmem>>, vector<1x16xf32>,
        %swap3A_1975 = vector.shape_cast %swap3A_1974 : vector<1x16xf32> to vector<16xf32>
        %swap3A_1976 = vector.shape_cast %add3A_1888 : vector<16xf32> to vector<1x16xf32>
        tpu.vector_store %arg12[%swap3A_1972, %swap3A_1973], %swap3A_1976 {strides = array<i32>} : memref<7x256xf32, #tpu.memory_space<vmem>>, vector<1x16xf32>,
        %swap3A_1977 = arith.index_cast %scan3A_215 : i32 to index
        %swap3A_1978 = arith.constant 112 : index
        %swap3A_1979 = tpu.vector_load %arg12[%swap3A_1977, %swap3A_1978] {strides = array<i32>} : memref<7x256xf32, #tpu.memory_space<vmem>>, vector<1x16xf32>,
        %swap3A_1980 = vector.shape_cast %swap3A_1979 : vector<1x16xf32> to vector<16xf32>
        %swap3A_1981 = vector.shape_cast %add3A_1894 : vector<16xf32> to vector<1x16xf32>
        tpu.vector_store %arg12[%swap3A_1977, %swap3A_1978], %swap3A_1981 {strides = array<i32>} : memref<7x256xf32, #tpu.memory_space<vmem>>, vector<1x16xf32>,
        %swap3A_1982 = arith.index_cast %scan3A_215 : i32 to index
        %swap3A_1983 = arith.constant 128 : index
        %swap3A_1984 = tpu.vector_load %arg12[%swap3A_1982, %swap3A_1983] {strides = array<i32>} : memref<7x256xf32, #tpu.memory_space<vmem>>, vector<1x16xf32>,
        %swap3A_1985 = vector.shape_cast %swap3A_1984 : vector<1x16xf32> to vector<16xf32>
        %swap3A_1986 = vector.shape_cast %add3A_1900 : vector<16xf32> to vector<1x16xf32>
        tpu.vector_store %arg12[%swap3A_1982, %swap3A_1983], %swap3A_1986 {strides = array<i32>} : memref<7x256xf32, #tpu.memory_space<vmem>>, vector<1x16xf32>,
        %swap3A_1987 = arith.index_cast %scan3A_215 : i32 to index
        %swap3A_1988 = arith.constant 144 : index
        %swap3A_1989 = tpu.vector_load %arg12[%swap3A_1987, %swap3A_1988] {strides = array<i32>} : memref<7x256xf32, #tpu.memory_space<vmem>>, vector<1x16xf32>,
        %swap3A_1990 = vector.shape_cast %swap3A_1989 : vector<1x16xf32> to vector<16xf32>
        %swap3A_1991 = vector.shape_cast %add3A_1906 : vector<16xf32> to vector<1x16xf32>
        tpu.vector_store %arg12[%swap3A_1987, %swap3A_1988], %swap3A_1991 {strides = array<i32>} : memref<7x256xf32, #tpu.memory_space<vmem>>, vector<1x16xf32>,
        %swap3A_1992 = arith.index_cast %scan3A_215 : i32 to index
        %swap3A_1993 = arith.constant 160 : index
        %swap3A_1994 = tpu.vector_load %arg12[%swap3A_1992, %swap3A_1993] {strides = array<i32>} : memref<7x256xf32, #tpu.memory_space<vmem>>, vector<1x16xf32>,
        %swap3A_1995 = vector.shape_cast %swap3A_1994 : vector<1x16xf32> to vector<16xf32>
        %swap3A_1996 = vector.shape_cast %add3A_1912 : vector<16xf32> to vector<1x16xf32>
        tpu.vector_store %arg12[%swap3A_1992, %swap3A_1993], %swap3A_1996 {strides = array<i32>} : memref<7x256xf32, #tpu.memory_space<vmem>>, vector<1x16xf32>,
        %swap3A_1997 = arith.index_cast %scan3A_215 : i32 to index
        %swap3A_1998 = arith.constant 176 : index
        %swap3A_1999 = tpu.vector_load %arg12[%swap3A_1997, %swap3A_1998] {strides = array<i32>} : memref<7x256xf32, #tpu.memory_space<vmem>>, vector<1x16xf32>,
        %swap3A_2000 = vector.shape_cast %swap3A_1999 : vector<1x16xf32> to vector<16xf32>
        %swap3A_2001 = vector.shape_cast %add3A_1918 : vector<16xf32> to vector<1x16xf32>
        tpu.vector_store %arg12[%swap3A_1997, %swap3A_1998], %swap3A_2001 {strides = array<i32>} : memref<7x256xf32, #tpu.memory_space<vmem>>, vector<1x16xf32>,
        %swap3A_2002 = arith.index_cast %scan3A_215 : i32 to index
        %swap3A_2003 = arith.constant 192 : index
        %swap3A_2004 = tpu.vector_load %arg12[%swap3A_2002, %swap3A_2003] {strides = array<i32>} : memref<7x256xf32, #tpu.memory_space<vmem>>, vector<1x16xf32>,
        %swap3A_2005 = vector.shape_cast %swap3A_2004 : vector<1x16xf32> to vector<16xf32>
        %swap3A_2006 = vector.shape_cast %add3A_1924 : vector<16xf32> to vector<1x16xf32>
        tpu.vector_store %arg12[%swap3A_2002, %swap3A_2003], %swap3A_2006 {strides = array<i32>} : memref<7x256xf32, #tpu.memory_space<vmem>>, vector<1x16xf32>,
        %swap3A_2007 = arith.index_cast %scan3A_215 : i32 to index
        %swap3A_2008 = arith.constant 208 : index
        %swap3A_2009 = tpu.vector_load %arg12[%swap3A_2007, %swap3A_2008] {strides = array<i32>} : memref<7x256xf32, #tpu.memory_space<vmem>>, vector<1x16xf32>,
        %swap3A_2010 = vector.shape_cast %swap3A_2009 : vector<1x16xf32> to vector<16xf32>
        %swap3A_2011 = vector.shape_cast %add3A_1930 : vector<16xf32> to vector<1x16xf32>
        tpu.vector_store %arg12[%swap3A_2007, %swap3A_2008], %swap3A_2011 {strides = array<i32>} : memref<7x256xf32, #tpu.memory_space<vmem>>, vector<1x16xf32>,
        %swap3A_2012 = arith.index_cast %scan3A_215 : i32 to index
        %swap3A_2013 = arith.constant 224 : index
        %swap3A_2014 = tpu.vector_load %arg12[%swap3A_2012, %swap3A_2013] {strides = array<i32>} : memref<7x256xf32, #tpu.memory_space<vmem>>, vector<1x16xf32>,
        %swap3A_2015 = vector.shape_cast %swap3A_2014 : vector<1x16xf32> to vector<16xf32>
        %swap3A_2016 = vector.shape_cast %add3A_1936 : vector<16xf32> to vector<1x16xf32>
        tpu.vector_store %arg12[%swap3A_2012, %swap3A_2013], %swap3A_2016 {strides = array<i32>} : memref<7x256xf32, #tpu.memory_space<vmem>>, vector<1x16xf32>,
        %swap3A_2017 = arith.index_cast %scan3A_215 : i32 to index
        %swap3A_2018 = arith.constant 240 : index
        %swap3A_2019 = tpu.vector_load %arg12[%swap3A_2017, %swap3A_2018] {strides = array<i32>} : memref<7x256xf32, #tpu.memory_space<vmem>>, vector<1x16xf32>,
        %swap3A_2020 = vector.shape_cast %swap3A_2019 : vector<1x16xf32> to vector<16xf32>
        %swap3A_2021 = vector.shape_cast %add3A_1942 : vector<16xf32> to vector<1x16xf32>
        tpu.vector_store %arg12[%swap3A_2017, %swap3A_2018], %swap3A_2021 {strides = array<i32>} : memref<7x256xf32, #tpu.memory_space<vmem>>, vector<1x16xf32>,
        %scan3A_2022 = arith.constant 0 : i32
        scf.yield %scan3A_2022 : i32
      }
      %scan3A_130 = arith.constant 7 : i32
      %dma_start3A_131 = arith.constant 0 : i32
      %dma_start3A_132 = arith.constant 0 : i32
      %dma_start3A_133 = tpu.memref_slice %arg5[%add3A_103, %select_n3A_119, %dma_start3A_131, %dma_start3A_132] : memref<512x7x7x256xf32, #tpu.memory_space<hbm>> -> memref<1x1x7x256xf32, #tpu.memory_space<hbm>>
      %dma_start3A_134 = tpu.memref_squeeze %dma_start3A_133 : memref<1x1x7x256xf32, #tpu.memory_space<hbm>> -> memref<7x256xf32, #tpu.memory_space<hbm>>
      %dma_start3A_135 = arith.constant 0 : i32
      %dma_start3A_136 = arith.constant 0 : i32
      %dma_start3A_137 = tpu.memref_slice %arg5[%add3A_103, %select_n3A_119, %dma_start3A_135, %dma_start3A_136] : memref<512x7x7x256xf32, #tpu.memory_space<hbm>> -> memref<1x1x7x256xf32, #tpu.memory_space<hbm>>
      %dma_start3A_138 = tpu.memref_squeeze %dma_start3A_137 : memref<1x1x7x256xf32, #tpu.memory_space<hbm>> -> memref<7x256xf32, #tpu.memory_space<hbm>>
      tpu.enqueue_dma source(%arg12 : memref<7x256xf32, #tpu.memory_space<vmem>>) target(%dma_start3A_138 : memref<7x256xf32, #tpu.memory_space<hbm>>) target_semaphore(%arg16 : memref<!tpu.dma_semaphore, #tpu.memory_space<semaphore_mem>>)
      %mul3A_139 = arith.constant 2 : i32
      %mul3A_140 = arith.muli %scan3A_65, %mul3A_139 : i32
      %add3A_141 = arith.constant 1 : i32
      %add3A_142 = arith.addi %mul3A_140, %add3A_141 : i32
      %add3A_143 = arith.constant 1 : i32
      %add3A_144 = arith.addi %add3A_142, %add3A_143 : i32
      %lt3A_145 = arith.constant 112 : i32
      %lt3A_146 = arith.cmpi slt, %add3A_144, %lt3A_145 : i32
      %convert_element_type3A_147 = arith.extui %lt3A_146 : i1 to i32
      %cond3A_148 = arith.constant 0 : i32
      %cond3A_149 = arith.cmpi ne, %convert_element_type3A_147, %cond3A_148 : i32
      scf.if %cond3A_149 {
        %add3A_215 = arith.constant 1 : i32
        %add3A_216 = arith.addi %add3A_142, %add3A_215 : i32
        %jit3A_217 = arith.constant 7 : i32
        %div3A_218 = arith.divsi %add3A_216, %jit3A_217 : i32
        %sign3A_219 = arith.constant 0 : i32
        %sign3A_220 = arith.cmpi sgt, %add3A_216, %sign3A_219 : i32
        %sign3A_221 = arith.extui %sign3A_220 : i1 to i32
        %sign3A_222 = arith.constant 0 : i32
        %sign3A_223 = arith.cmpi slt, %add3A_216, %sign3A_222 : i32
        %sign3A_224 = arith.extui %sign3A_223 : i1 to i32
        %sign3A_225 = arith.subi %sign3A_221, %sign3A_224 : i32
        %sign3A_226 = arith.constant 0 : i32
        %sign3A_227 = arith.cmpi sgt, %jit3A_217, %sign3A_226 : i32
        %sign3A_228 = arith.extui %sign3A_227 : i1 to i32
        %sign3A_229 = arith.constant 0 : i32
        %sign3A_230 = arith.cmpi slt, %jit3A_217, %sign3A_229 : i32
        %sign3A_231 = arith.extui %sign3A_230 : i1 to i32
        %sign3A_232 = arith.subi %sign3A_228, %sign3A_231 : i32
        %ne3A_233 = arith.cmpi ne, %sign3A_225, %sign3A_232 : i32
        %rem3A_234 = arith.remsi %add3A_216, %jit3A_217 : i32
        %ne3A_235 = arith.constant 0 : i32
        %ne3A_236 = arith.cmpi ne, %rem3A_234, %ne3A_235 : i32
        %and3A_237 = arith.andi %ne3A_233, %ne3A_236 : i1
        %sub3A_238 = arith.constant 1 : i32
        %sub3A_239 = arith.subi %div3A_218, %sub3A_238 : i32
        %select_n3A_240 = arith.select %and3A_237, %sub3A_239, %div3A_218 : i32
        %add3A_241 = arith.addi %mul3A_2, %select_n3A_240 : i32
        %jit3A_242 = arith.constant 7 : i32
        %eq3A_243 = arith.constant 0 : i32
        %eq3A_244 = arith.cmpi eq, %jit3A_242, %eq3A_243 : i32
        %jit3A_245 = arith.constant 1 : i32
        %select_n3A_246 = arith.select %eq3A_244, %jit3A_245, %jit3A_242 : i32
        %rem3A_247 = arith.remsi %add3A_216, %select_n3A_246 : i32
        %ne3A_248 = arith.constant 0 : i32
        %ne3A_249 = arith.cmpi ne, %rem3A_247, %ne3A_248 : i32
        %lt3A_250 = arith.constant 0 : i32
        %lt3A_251 = arith.cmpi slt, %rem3A_247, %lt3A_250 : i32
        %lt3A_252 = arith.constant 0 : i32
        %lt3A_253 = arith.cmpi slt, %select_n3A_246, %lt3A_252 : i32
        %ne3A_254 = arith.xori %lt3A_251, %lt3A_253 : i1
        %and3A_255 = arith.andi %ne3A_254, %ne3A_249 : i1
        %add3A_256 = arith.addi %rem3A_247, %select_n3A_246 : i32
        %select_n3A_257 = arith.select %and3A_255, %add3A_256, %rem3A_247 : i32
        "tpu.region"() ({
          %run_scoped3A = tpu.sem_alloc : memref<!tpu.dma_semaphore, #tpu.memory_space<semaphore_mem>>
          %dma_start3A_261 = arith.constant 0 : i32
          %dma_start3A_262 = tpu.memref_slice %arg3[%add3A_241, %select_n3A_257, %dma_start3A_261] : memref<512x7x112xi32, #tpu.memory_space<hbm>> -> memref<1x1x112xi32, #tpu.memory_space<hbm>>
          %dma_start3A_263 = tpu.memref_squeeze %dma_start3A_262 : memref<1x1x112xi32, #tpu.memory_space<hbm>> -> memref<112xi32, #tpu.memory_space<hbm>>
          %dma_start3A_264 = arith.constant 0 : i32
          %dma_start3A_265 = tpu.memref_slice %arg3[%add3A_241, %select_n3A_257, %dma_start3A_264] : memref<512x7x112xi32, #tpu.memory_space<hbm>> -> memref<1x1x112xi32, #tpu.memory_space<hbm>>
          %dma_start3A_266 = tpu.memref_squeeze %dma_start3A_265 : memref<1x1x112xi32, #tpu.memory_space<hbm>> -> memref<112xi32, #tpu.memory_space<hbm>>
          tpu.enqueue_dma source(%dma_start3A_266 : memref<112xi32, #tpu.memory_space<hbm>>) target(%arg6 : memref<112xi32, #tpu.memory_space<vmem>>) target_semaphore(%run_scoped3A : memref<!tpu.dma_semaphore, #tpu.memory_space<semaphore_mem>>)
          %dma_wait3A_267 = arith.constant 0 : i32
          %dma_wait3A_268 = tpu.memref_slice %arg3[%add3A_241, %select_n3A_257, %dma_wait3A_267] : memref<512x7x112xi32, #tpu.memory_space<hbm>> -> memref<1x1x112xi32, #tpu.memory_space<hbm>>
          %dma_wait3A_269 = tpu.memref_squeeze %dma_wait3A_268 : memref<1x1x112xi32, #tpu.memory_space<hbm>> -> memref<112xi32, #tpu.memory_space<hbm>>
          %dma_wait3A_270 = arith.constant 0 : i32
          %dma_wait3A_271 = tpu.memref_slice %arg3[%add3A_241, %select_n3A_257, %dma_wait3A_270] : memref<512x7x112xi32, #tpu.memory_space<hbm>> -> memref<1x1x112xi32, #tpu.memory_space<hbm>>
          %dma_wait3A_272 = tpu.memref_squeeze %dma_wait3A_271 : memref<1x1x112xi32, #tpu.memory_space<hbm>> -> memref<112xi32, #tpu.memory_space<hbm>>
          tpu.wait_dma2 semaphore(%run_scoped3A : memref<!tpu.dma_semaphore, #tpu.memory_space<semaphore_mem>>) src(%dma_wait3A_272 : memref<112xi32, #tpu.memory_space<hbm>>) dst(%arg6 : memref<112xi32, #tpu.memory_space<vmem>>)
          tpu.yield
        }) : () -> ()
        "tpu.region"() ({
          %run_scoped3A = tpu.sem_alloc : memref<!tpu.dma_semaphore, #tpu.memory_space<semaphore_mem>>
          %dma_start3A_261 = arith.constant 0 : i32
          %dma_start3A_262 = arith.constant 0 : i32
          %dma_start3A_263 = tpu.memref_slice %arg4[%add3A_241, %select_n3A_257, %dma_start3A_261, %dma_start3A_262] : memref<512x7x112x16xf32, #tpu.memory_space<hbm>> -> memref<1x1x112x16xf32, #tpu.memory_space<hbm>>
          %dma_start3A_264 = tpu.memref_squeeze %dma_start3A_263 : memref<1x1x112x16xf32, #tpu.memory_space<hbm>> -> memref<112x16xf32, #tpu.memory_space<hbm>>
          %dma_start3A_265 = arith.constant 0 : i32
          %dma_start3A_266 = arith.constant 0 : i32
          %dma_start3A_267 = tpu.memref_slice %arg4[%add3A_241, %select_n3A_257, %dma_start3A_265, %dma_start3A_266] : memref<512x7x112x16xf32, #tpu.memory_space<hbm>> -> memref<1x1x112x16xf32, #tpu.memory_space<hbm>>
          %dma_start3A_268 = tpu.memref_squeeze %dma_start3A_267 : memref<1x1x112x16xf32, #tpu.memory_space<hbm>> -> memref<112x16xf32, #tpu.memory_space<hbm>>
          tpu.enqueue_dma source(%dma_start3A_268 : memref<112x16xf32, #tpu.memory_space<hbm>>) target(%arg8 : memref<112x16xf32, #tpu.memory_space<vmem>>) target_semaphore(%run_scoped3A : memref<!tpu.dma_semaphore, #tpu.memory_space<semaphore_mem>>)
          %dma_wait3A_269 = arith.constant 0 : i32
          %dma_wait3A_270 = arith.constant 0 : i32
          %dma_wait3A_271 = tpu.memref_slice %arg4[%add3A_241, %select_n3A_257, %dma_wait3A_269, %dma_wait3A_270] : memref<512x7x112x16xf32, #tpu.memory_space<hbm>> -> memref<1x1x112x16xf32, #tpu.memory_space<hbm>>
          %dma_wait3A_272 = tpu.memref_squeeze %dma_wait3A_271 : memref<1x1x112x16xf32, #tpu.memory_space<hbm>> -> memref<112x16xf32, #tpu.memory_space<hbm>>
          %dma_wait3A_273 = arith.constant 0 : i32
          %dma_wait3A_274 = arith.constant 0 : i32
          %dma_wait3A_275 = tpu.memref_slice %arg4[%add3A_241, %select_n3A_257, %dma_wait3A_273, %dma_wait3A_274] : memref<512x7x112x16xf32, #tpu.memory_space<hbm>> -> memref<1x1x112x16xf32, #tpu.memory_space<hbm>>
          %dma_wait3A_276 = tpu.memref_squeeze %dma_wait3A_275 : memref<1x1x112x16xf32, #tpu.memory_space<hbm>> -> memref<112x16xf32, #tpu.memory_space<hbm>>
          tpu.wait_dma2 semaphore(%run_scoped3A : memref<!tpu.dma_semaphore, #tpu.memory_space<semaphore_mem>>) src(%dma_wait3A_276 : memref<112x16xf32, #tpu.memory_space<hbm>>) dst(%arg8 : memref<112x16xf32, #tpu.memory_space<vmem>>)
          tpu.yield
        }) : () -> ()
        %dma_start3A_258 = arith.constant 0 : i32
        %dma_start3A_259 = arith.constant 0 : i32
        %dma_start3A_260 = tpu.memref_slice %arg2[%dma_start3A_258, %dma_start3A_259] : memref<106250x256xf32, #tpu.memory_space<hbm>> -> memref<106250x256xf32, #tpu.memory_space<hbm>>
        tpu.enqueue_indirect_dma source(%dma_start3A_260 : memref<106250x256xf32, #tpu.memory_space<hbm>>) target(%arg10 : memref<112x256xf32, #tpu.memory_space<vmem>>) offsets(%arg6 : memref<112xi32, #tpu.memory_space<vmem>>) semaphore(%arg14 : memref<!tpu.dma_semaphore, #tpu.memory_space<semaphore_mem>>)
      } else {
      }
      %dma_wait3A_150 = arith.constant 0 : i32
      %dma_wait3A_151 = arith.constant 0 : i32
      %dma_wait3A_152 = tpu.memref_slice %arg2[%dma_wait3A_150, %dma_wait3A_151] : memref<106250x256xf32, #tpu.memory_space<hbm>> -> memref<106250x256xf32, #tpu.memory_space<hbm>>
      tpu.wait_indirect_dma semaphore(%arg15 : memref<!tpu.dma_semaphore, #tpu.memory_space<semaphore_mem>>) src(%dma_wait3A_152 : memref<106250x256xf32, #tpu.memory_space<hbm>>) dst(%arg11 : memref<112x256xf32, #tpu.memory_space<vmem>>)
      %jit3A_153 = arith.constant 7 : i32
      %div3A_154 = arith.divsi %add3A_142, %jit3A_153 : i32
      %sign3A_155 = arith.constant 0 : i32
      %sign3A_156 = arith.cmpi sgt, %add3A_142, %sign3A_155 : i32
      %sign3A_157 = arith.extui %sign3A_156 : i1 to i32
      %sign3A_158 = arith.constant 0 : i32
      %sign3A_159 = arith.cmpi slt, %add3A_142, %sign3A_158 : i32
      %sign3A_160 = arith.extui %sign3A_159 : i1 to i32
      %sign3A_161 = arith.subi %sign3A_157, %sign3A_160 : i32
      %sign3A_162 = arith.constant 0 : i32
      %sign3A_163 = arith.cmpi sgt, %jit3A_153, %sign3A_162 : i32
      %sign3A_164 = arith.extui %sign3A_163 : i1 to i32
      %sign3A_165 = arith.constant 0 : i32
      %sign3A_166 = arith.cmpi slt, %jit3A_153, %sign3A_165 : i32
      %sign3A_167 = arith.extui %sign3A_166 : i1 to i32
      %sign3A_168 = arith.subi %sign3A_164, %sign3A_167 : i32
      %ne3A_169 = arith.cmpi ne, %sign3A_161, %sign3A_168 : i32
      %rem3A_170 = arith.remsi %add3A_142, %jit3A_153 : i32
      %ne3A_171 = arith.constant 0 : i32
      %ne3A_172 = arith.cmpi ne, %rem3A_170, %ne3A_171 : i32
      %and3A_173 = arith.andi %ne3A_169, %ne3A_172 : i1
      %sub3A_174 = arith.constant 1 : i32
      %sub3A_175 = arith.subi %div3A_154, %sub3A_174 : i32
      %select_n3A_176 = arith.select %and3A_173, %sub3A_175, %div3A_154 : i32
      %add3A_177 = arith.addi %mul3A_2, %select_n3A_176 : i32
      %jit3A_178 = arith.constant 7 : i32
      %eq3A_179 = arith.constant 0 : i32
      %eq3A_180 = arith.cmpi eq, %jit3A_178, %eq3A_179 : i32
      %jit3A_181 = arith.constant 1 : i32
      %select_n3A_182 = arith.select %eq3A_180, %jit3A_181, %jit3A_178 : i32
      %rem3A_183 = arith.remsi %add3A_142, %select_n3A_182 : i32
      %ne3A_184 = arith.constant 0 : i32
      %ne3A_185 = arith.cmpi ne, %rem3A_183, %ne3A_184 : i32
      %lt3A_186 = arith.constant 0 : i32
      %lt3A_187 = arith.cmpi slt, %rem3A_183, %lt3A_186 : i32
      %lt3A_188 = arith.constant 0 : i32
      %lt3A_189 = arith.cmpi slt, %select_n3A_182, %lt3A_188 : i32
      %ne3A_190 = arith.xori %lt3A_187, %lt3A_189 : i1
      %and3A_191 = arith.andi %ne3A_190, %ne3A_185 : i1
      %add3A_192 = arith.addi %rem3A_183, %select_n3A_182 : i32
      %select_n3A_193 = arith.select %and3A_191, %add3A_192, %rem3A_183 : i32
      %ge3A_194 = arith.constant 2 : i32
      %ge3A_195 = arith.cmpi sge, %add3A_142, %ge3A_194 : i32
      %convert_element_type3A_196 = arith.extui %ge3A_195 : i1 to i32
      %cond3A_197 = arith.constant 0 : i32
      %cond3A_198 = arith.cmpi ne, %convert_element_type3A_196, %cond3A_197 : i32
      scf.if %cond3A_198 {
        %sub3A_215 = arith.constant 2 : i32
        %sub3A_216 = arith.subi %add3A_142, %sub3A_215 : i32
        %jit3A_217 = arith.constant 7 : i32
        %div3A_218 = arith.divsi %sub3A_216, %jit3A_217 : i32
        %sign3A_219 = arith.constant 0 : i32
        %sign3A_220 = arith.cmpi sgt, %sub3A_216, %sign3A_219 : i32
        %sign3A_221 = arith.extui %sign3A_220 : i1 to i32
        %sign3A_222 = arith.constant 0 : i32
        %sign3A_223 = arith.cmpi slt, %sub3A_216, %sign3A_222 : i32
        %sign3A_224 = arith.extui %sign3A_223 : i1 to i32
        %sign3A_225 = arith.subi %sign3A_221, %sign3A_224 : i32
        %sign3A_226 = arith.constant 0 : i32
        %sign3A_227 = arith.cmpi sgt, %jit3A_217, %sign3A_226 : i32
        %sign3A_228 = arith.extui %sign3A_227 : i1 to i32
        %sign3A_229 = arith.constant 0 : i32
        %sign3A_230 = arith.cmpi slt, %jit3A_217, %sign3A_229 : i32
        %sign3A_231 = arith.extui %sign3A_230 : i1 to i32
        %sign3A_232 = arith.subi %sign3A_228, %sign3A_231 : i32
        %ne3A_233 = arith.cmpi ne, %sign3A_225, %sign3A_232 : i32
        %rem3A_234 = arith.remsi %sub3A_216, %jit3A_217 : i32
        %ne3A_235 = arith.constant 0 : i32
        %ne3A_236 = arith.cmpi ne, %rem3A_234, %ne3A_235 : i32
        %and3A_237 = arith.andi %ne3A_233, %ne3A_236 : i1
        %sub3A_238 = arith.constant 1 : i32
        %sub3A_239 = arith.subi %div3A_218, %sub3A_238 : i32
        %select_n3A_240 = arith.select %and3A_237, %sub3A_239, %div3A_218 : i32
        %add3A_241 = arith.addi %mul3A_2, %select_n3A_240 : i32
        %sub3A_242 = arith.constant 2 : i32
        %sub3A_243 = arith.subi %add3A_142, %sub3A_242 : i32
        %jit3A_244 = arith.constant 7 : i32
        %eq3A_245 = arith.constant 0 : i32
        %eq3A_246 = arith.cmpi eq, %jit3A_244, %eq3A_245 : i32
        %jit3A_247 = arith.constant 1 : i32
        %select_n3A_248 = arith.select %eq3A_246, %jit3A_247, %jit3A_244 : i32
        %rem3A_249 = arith.remsi %sub3A_243, %select_n3A_248 : i32
        %ne3A_250 = arith.constant 0 : i32
        %ne3A_251 = arith.cmpi ne, %rem3A_249, %ne3A_250 : i32
        %lt3A_252 = arith.constant 0 : i32
        %lt3A_253 = arith.cmpi slt, %rem3A_249, %lt3A_252 : i32
        %lt3A_254 = arith.constant 0 : i32
        %lt3A_255 = arith.cmpi slt, %select_n3A_248, %lt3A_254 : i32
        %ne3A_256 = arith.xori %lt3A_253, %lt3A_255 : i1
        %and3A_257 = arith.andi %ne3A_256, %ne3A_251 : i1
        %add3A_258 = arith.addi %rem3A_249, %select_n3A_248 : i32
        %select_n3A_259 = arith.select %and3A_257, %add3A_258, %rem3A_249 : i32
        %dma_wait3A_260 = arith.constant 0 : i32
        %dma_wait3A_261 = arith.constant 0 : i32
        %dma_wait3A_262 = tpu.memref_slice %arg5[%add3A_241, %select_n3A_259, %dma_wait3A_260, %dma_wait3A_261] : memref<512x7x7x256xf32, #tpu.memory_space<hbm>> -> memref<1x1x7x256xf32, #tpu.memory_space<hbm>>
        %dma_wait3A_263 = tpu.memref_squeeze %dma_wait3A_262 : memref<1x1x7x256xf32, #tpu.memory_space<hbm>> -> memref<7x256xf32, #tpu.memory_space<hbm>>
        %dma_wait3A_264 = arith.constant 0 : i32
        %dma_wait3A_265 = arith.constant 0 : i32
        %dma_wait3A_266 = tpu.memref_slice %arg5[%add3A_241, %select_n3A_259, %dma_wait3A_264, %dma_wait3A_265] : memref<512x7x7x256xf32, #tpu.memory_space<hbm>> -> memref<1x1x7x256xf32, #tpu.memory_space<hbm>>
        %dma_wait3A_267 = tpu.memref_squeeze %dma_wait3A_266 : memref<1x1x7x256xf32, #tpu.memory_space<hbm>> -> memref<7x256xf32, #tpu.memory_space<hbm>>
        tpu.wait_dma2 semaphore(%arg17 : memref<!tpu.dma_semaphore, #tpu.memory_space<semaphore_mem>>) src(%arg13 : memref<7x256xf32, #tpu.memory_space<vmem>>) dst(%dma_wait3A_267 : memref<7x256xf32, #tpu.memory_space<hbm>>)
      } else {
      }
      %scan3A_199 = arith.constant 0 : i32
      %scan3A_200 = arith.constant 0 : i32
      %scan3A_201 = arith.constant 7 : i32
      %scan3A_202 = arith.addi %scan3A_200, %scan3A_201 : i32
      %scan3A_203 = arith.constant 1 : i32
      %scan3A_204 = scf.for %scan3A_215 = %scan3A_200 to %scan3A_202 step %scan3A_203 iter_args(%scan3A_216 = %scan3A_199) -> (i32)  : i32 {
        %broadcast_in_dim3A = arith.constant 0.000000e+00 : f32
        %broadcast_in_dim3A_217 = vector.broadcast %broadcast_in_dim3A : f32 to vector<16xf32>
        %broadcast_in_dim3A_218 = arith.constant 0.000000e+00 : f32
        %broadcast_in_dim3A_219 = vector.broadcast %broadcast_in_dim3A_218 : f32 to vector<16xf32>
        %broadcast_in_dim3A_220 = arith.constant 0.000000e+00 : f32
        %broadcast_in_dim3A_221 = vector.broadcast %broadcast_in_dim3A_220 : f32 to vector<16xf32>
        %broadcast_in_dim3A_222 = arith.constant 0.000000e+00 : f32
        %broadcast_in_dim3A_223 = vector.broadcast %broadcast_in_dim3A_222 : f32 to vector<16xf32>
        %broadcast_in_dim3A_224 = arith.constant 0.000000e+00 : f32
        %broadcast_in_dim3A_225 = vector.broadcast %broadcast_in_dim3A_224 : f32 to vector<16xf32>
        %broadcast_in_dim3A_226 = arith.constant 0.000000e+00 : f32
        %broadcast_in_dim3A_227 = vector.broadcast %broadcast_in_dim3A_226 : f32 to vector<16xf32>
        %broadcast_in_dim3A_228 = arith.constant 0.000000e+00 : f32
        %broadcast_in_dim3A_229 = vector.broadcast %broadcast_in_dim3A_228 : f32 to vector<16xf32>
        %broadcast_in_dim3A_230 = arith.constant 0.000000e+00 : f32
        %broadcast_in_dim3A_231 = vector.broadcast %broadcast_in_dim3A_230 : f32 to vector<16xf32>
        %broadcast_in_dim3A_232 = arith.constant 0.000000e+00 : f32
        %broadcast_in_dim3A_233 = vector.broadcast %broadcast_in_dim3A_232 : f32 to vector<16xf32>
        %broadcast_in_dim3A_234 = arith.constant 0.000000e+00 : f32
        %broadcast_in_dim3A_235 = vector.broadcast %broadcast_in_dim3A_234 : f32 to vector<16xf32>
        %broadcast_in_dim3A_236 = arith.constant 0.000000e+00 : f32
        %broadcast_in_dim3A_237 = vector.broadcast %broadcast_in_dim3A_236 : f32 to vector<16xf32>
        %broadcast_in_dim3A_238 = arith.constant 0.000000e+00 : f32
        %broadcast_in_dim3A_239 = vector.broadcast %broadcast_in_dim3A_238 : f32 to vector<16xf32>
        %broadcast_in_dim3A_240 = arith.constant 0.000000e+00 : f32
        %broadcast_in_dim3A_241 = vector.broadcast %broadcast_in_dim3A_240 : f32 to vector<16xf32>
        %broadcast_in_dim3A_242 = arith.constant 0.000000e+00 : f32
        %broadcast_in_dim3A_243 = vector.broadcast %broadcast_in_dim3A_242 : f32 to vector<16xf32>
        %broadcast_in_dim3A_244 = arith.constant 0.000000e+00 : f32
        %broadcast_in_dim3A_245 = vector.broadcast %broadcast_in_dim3A_244 : f32 to vector<16xf32>
        %broadcast_in_dim3A_246 = arith.constant 0.000000e+00 : f32
        %broadcast_in_dim3A_247 = vector.broadcast %broadcast_in_dim3A_246 : f32 to vector<16xf32>
        %mul3A_248 = arith.constant 8 : i32
        %mul3A_249 = arith.muli %scan3A_215, %mul3A_248 : i32
        %add3A_250 = arith.constant 0 : i32
        %add3A_251 = arith.addi %add3A_250, %mul3A_249 : i32
        %add3A_252 = arith.constant 0 : i32
        %add3A_253 = arith.addi %add3A_251, %add3A_252 : i32
        %get3A = arith.index_cast %add3A_253 : i32 to index
        %get3A_254 = arith.constant 0 : index
        %get3A_255 = tpu.vector_load %arg9[%get3A, %get3A_254] {strides = array<i32>} : memref<112x16xf32, #tpu.memory_space<vmem>>, vector<1x16xf32>,
        %get3A_256 = vector.shape_cast %get3A_255 : vector<1x16xf32> to vector<16xf32>
        %get3A_257 = arith.index_cast %add3A_253 : i32 to index
        %get3A_258 = arith.constant 0 : index
        %get3A_259 = tpu.vector_load %arg11[%get3A_257, %get3A_258] {strides = array<i32>} : memref<112x256xf32, #tpu.memory_space<vmem>>, vector<1x16xf32>,
        %get3A_260 = vector.shape_cast %get3A_259 : vector<1x16xf32> to vector<16xf32>
        %mul3A_261 = arith.mulf %get3A_256, %get3A_260 : vector<16xf32>
        %add3A_262 = arith.addf %broadcast_in_dim3A_217, %mul3A_261 : vector<16xf32>
        %get3A_263 = arith.index_cast %add3A_253 : i32 to index
        %get3A_264 = arith.constant 16 : index
        %get3A_265 = tpu.vector_load %arg11[%get3A_263, %get3A_264] {strides = array<i32>} : memref<112x256xf32, #tpu.memory_space<vmem>>, vector<1x16xf32>,
        %get3A_266 = vector.shape_cast %get3A_265 : vector<1x16xf32> to vector<16xf32>
        %mul3A_267 = arith.mulf %get3A_256, %get3A_266 : vector<16xf32>
        %add3A_268 = arith.addf %broadcast_in_dim3A_219, %mul3A_267 : vector<16xf32>
        %get3A_269 = arith.index_cast %add3A_253 : i32 to index
        %get3A_270 = arith.constant 32 : index
        %get3A_271 = tpu.vector_load %arg11[%get3A_269, %get3A_270] {strides = array<i32>} : memref<112x256xf32, #tpu.memory_space<vmem>>, vector<1x16xf32>,
        %get3A_272 = vector.shape_cast %get3A_271 : vector<1x16xf32> to vector<16xf32>
        %mul3A_273 = arith.mulf %get3A_256, %get3A_272 : vector<16xf32>
        %add3A_274 = arith.addf %broadcast_in_dim3A_221, %mul3A_273 : vector<16xf32>
        %get3A_275 = arith.index_cast %add3A_253 : i32 to index
        %get3A_276 = arith.constant 48 : index
        %get3A_277 = tpu.vector_load %arg11[%get3A_275, %get3A_276] {strides = array<i32>} : memref<112x256xf32, #tpu.memory_space<vmem>>, vector<1x16xf32>,
        %get3A_278 = vector.shape_cast %get3A_277 : vector<1x16xf32> to vector<16xf32>
        %mul3A_279 = arith.mulf %get3A_256, %get3A_278 : vector<16xf32>
        %add3A_280 = arith.addf %broadcast_in_dim3A_223, %mul3A_279 : vector<16xf32>
        %get3A_281 = arith.index_cast %add3A_253 : i32 to index
        %get3A_282 = arith.constant 64 : index
        %get3A_283 = tpu.vector_load %arg11[%get3A_281, %get3A_282] {strides = array<i32>} : memref<112x256xf32, #tpu.memory_space<vmem>>, vector<1x16xf32>,
        %get3A_284 = vector.shape_cast %get3A_283 : vector<1x16xf32> to vector<16xf32>
        %mul3A_285 = arith.mulf %get3A_256, %get3A_284 : vector<16xf32>
        %add3A_286 = arith.addf %broadcast_in_dim3A_225, %mul3A_285 : vector<16xf32>
        %get3A_287 = arith.index_cast %add3A_253 : i32 to index
        %get3A_288 = arith.constant 80 : index
        %get3A_289 = tpu.vector_load %arg11[%get3A_287, %get3A_288] {strides = array<i32>} : memref<112x256xf32, #tpu.memory_space<vmem>>, vector<1x16xf32>,
        %get3A_290 = vector.shape_cast %get3A_289 : vector<1x16xf32> to vector<16xf32>
        %mul3A_291 = arith.mulf %get3A_256, %get3A_290 : vector<16xf32>
        %add3A_292 = arith.addf %broadcast_in_dim3A_227, %mul3A_291 : vector<16xf32>
        %get3A_293 = arith.index_cast %add3A_253 : i32 to index
        %get3A_294 = arith.constant 96 : index
        %get3A_295 = tpu.vector_load %arg11[%get3A_293, %get3A_294] {strides = array<i32>} : memref<112x256xf32, #tpu.memory_space<vmem>>, vector<1x16xf32>,
        %get3A_296 = vector.shape_cast %get3A_295 : vector<1x16xf32> to vector<16xf32>
        %mul3A_297 = arith.mulf %get3A_256, %get3A_296 : vector<16xf32>
        %add3A_298 = arith.addf %broadcast_in_dim3A_229, %mul3A_297 : vector<16xf32>
        %get3A_299 = arith.index_cast %add3A_253 : i32 to index
        %get3A_300 = arith.constant 112 : index
        %get3A_301 = tpu.vector_load %arg11[%get3A_299, %get3A_300] {strides = array<i32>} : memref<112x256xf32, #tpu.memory_space<vmem>>, vector<1x16xf32>,
        %get3A_302 = vector.shape_cast %get3A_301 : vector<1x16xf32> to vector<16xf32>
        %mul3A_303 = arith.mulf %get3A_256, %get3A_302 : vector<16xf32>
        %add3A_304 = arith.addf %broadcast_in_dim3A_231, %mul3A_303 : vector<16xf32>
        %get3A_305 = arith.index_cast %add3A_253 : i32 to index
        %get3A_306 = arith.constant 128 : index
        %get3A_307 = tpu.vector_load %arg11[%get3A_305, %get3A_306] {strides = array<i32>} : memref<112x256xf32, #tpu.memory_space<vmem>>, vector<1x16xf32>,
        %get3A_308 = vector.shape_cast %get3A_307 : vector<1x16xf32> to vector<16xf32>
        %mul3A_309 = arith.mulf %get3A_256, %get3A_308 : vector<16xf32>
        %add3A_310 = arith.addf %broadcast_in_dim3A_233, %mul3A_309 : vector<16xf32>
        %get3A_311 = arith.index_cast %add3A_253 : i32 to index
        %get3A_312 = arith.constant 144 : index
        %get3A_313 = tpu.vector_load %arg11[%get3A_311, %get3A_312] {strides = array<i32>} : memref<112x256xf32, #tpu.memory_space<vmem>>, vector<1x16xf32>,
        %get3A_314 = vector.shape_cast %get3A_313 : vector<1x16xf32> to vector<16xf32>
        %mul3A_315 = arith.mulf %get3A_256, %get3A_314 : vector<16xf32>
        %add3A_316 = arith.addf %broadcast_in_dim3A_235, %mul3A_315 : vector<16xf32>
        %get3A_317 = arith.index_cast %add3A_253 : i32 to index
        %get3A_318 = arith.constant 160 : index
        %get3A_319 = tpu.vector_load %arg11[%get3A_317, %get3A_318] {strides = array<i32>} : memref<112x256xf32, #tpu.memory_space<vmem>>, vector<1x16xf32>,
        %get3A_320 = vector.shape_cast %get3A_319 : vector<1x16xf32> to vector<16xf32>
        %mul3A_321 = arith.mulf %get3A_256, %get3A_320 : vector<16xf32>
        %add3A_322 = arith.addf %broadcast_in_dim3A_237, %mul3A_321 : vector<16xf32>
        %get3A_323 = arith.index_cast %add3A_253 : i32 to index
        %get3A_324 = arith.constant 176 : index
        %get3A_325 = tpu.vector_load %arg11[%get3A_323, %get3A_324] {strides = array<i32>} : memref<112x256xf32, #tpu.memory_space<vmem>>, vector<1x16xf32>,
        %get3A_326 = vector.shape_cast %get3A_325 : vector<1x16xf32> to vector<16xf32>
        %mul3A_327 = arith.mulf %get3A_256, %get3A_326 : vector<16xf32>
        %add3A_328 = arith.addf %broadcast_in_dim3A_239, %mul3A_327 : vector<16xf32>
        %get3A_329 = arith.index_cast %add3A_253 : i32 to index
        %get3A_330 = arith.constant 192 : index
        %get3A_331 = tpu.vector_load %arg11[%get3A_329, %get3A_330] {strides = array<i32>} : memref<112x256xf32, #tpu.memory_space<vmem>>, vector<1x16xf32>,
        %get3A_332 = vector.shape_cast %get3A_331 : vector<1x16xf32> to vector<16xf32>
        %mul3A_333 = arith.mulf %get3A_256, %get3A_332 : vector<16xf32>
        %add3A_334 = arith.addf %broadcast_in_dim3A_241, %mul3A_333 : vector<16xf32>
        %get3A_335 = arith.index_cast %add3A_253 : i32 to index
        %get3A_336 = arith.constant 208 : index
        %get3A_337 = tpu.vector_load %arg11[%get3A_335, %get3A_336] {strides = array<i32>} : memref<112x256xf32, #tpu.memory_space<vmem>>, vector<1x16xf32>,
        %get3A_338 = vector.shape_cast %get3A_337 : vector<1x16xf32> to vector<16xf32>
        %mul3A_339 = arith.mulf %get3A_256, %get3A_338 : vector<16xf32>
        %add3A_340 = arith.addf %broadcast_in_dim3A_243, %mul3A_339 : vector<16xf32>
        %get3A_341 = arith.index_cast %add3A_253 : i32 to index
        %get3A_342 = arith.constant 224 : index
        %get3A_343 = tpu.vector_load %arg11[%get3A_341, %get3A_342] {strides = array<i32>} : memref<112x256xf32, #tpu.memory_space<vmem>>, vector<1x16xf32>,
        %get3A_344 = vector.shape_cast %get3A_343 : vector<1x16xf32> to vector<16xf32>
        %mul3A_345 = arith.mulf %get3A_256, %get3A_344 : vector<16xf32>
        %add3A_346 = arith.addf %broadcast_in_dim3A_245, %mul3A_345 : vector<16xf32>
        %get3A_347 = arith.index_cast %add3A_253 : i32 to index
        %get3A_348 = arith.constant 240 : index
        %get3A_349 = tpu.vector_load %arg11[%get3A_347, %get3A_348] {strides = array<i32>} : memref<112x256xf32, #tpu.memory_space<vmem>>, vector<1x16xf32>,
        %get3A_350 = vector.shape_cast %get3A_349 : vector<1x16xf32> to vector<16xf32>
        %mul3A_351 = arith.mulf %get3A_256, %get3A_350 : vector<16xf32>
        %add3A_352 = arith.addf %broadcast_in_dim3A_247, %mul3A_351 : vector<16xf32>
        %mul3A_353 = arith.constant 8 : i32
        %mul3A_354 = arith.muli %scan3A_215, %mul3A_353 : i32
        %add3A_355 = arith.constant 0 : i32
        %add3A_356 = arith.addi %add3A_355, %mul3A_354 : i32
        %add3A_357 = arith.constant 1 : i32
        %add3A_358 = arith.addi %add3A_356, %add3A_357 : i32
        %get3A_359 = arith.index_cast %add3A_358 : i32 to index
        %get3A_360 = arith.constant 0 : index
        %get3A_361 = tpu.vector_load %arg9[%get3A_359, %get3A_360] {strides = array<i32>} : memref<112x16xf32, #tpu.memory_space<vmem>>, vector<1x16xf32>,
        %get3A_362 = vector.shape_cast %get3A_361 : vector<1x16xf32> to vector<16xf32>
        %get3A_363 = arith.index_cast %add3A_358 : i32 to index
        %get3A_364 = arith.constant 0 : index
        %get3A_365 = tpu.vector_load %arg11[%get3A_363, %get3A_364] {strides = array<i32>} : memref<112x256xf32, #tpu.memory_space<vmem>>, vector<1x16xf32>,
        %get3A_366 = vector.shape_cast %get3A_365 : vector<1x16xf32> to vector<16xf32>
        %mul3A_367 = arith.mulf %get3A_362, %get3A_366 : vector<16xf32>
        %add3A_368 = arith.addf %add3A_262, %mul3A_367 : vector<16xf32>
        %get3A_369 = arith.index_cast %add3A_358 : i32 to index
        %get3A_370 = arith.constant 16 : index
        %get3A_371 = tpu.vector_load %arg11[%get3A_369, %get3A_370] {strides = array<i32>} : memref<112x256xf32, #tpu.memory_space<vmem>>, vector<1x16xf32>,
        %get3A_372 = vector.shape_cast %get3A_371 : vector<1x16xf32> to vector<16xf32>
        %mul3A_373 = arith.mulf %get3A_362, %get3A_372 : vector<16xf32>
        %add3A_374 = arith.addf %add3A_268, %mul3A_373 : vector<16xf32>
        %get3A_375 = arith.index_cast %add3A_358 : i32 to index
        %get3A_376 = arith.constant 32 : index
        %get3A_377 = tpu.vector_load %arg11[%get3A_375, %get3A_376] {strides = array<i32>} : memref<112x256xf32, #tpu.memory_space<vmem>>, vector<1x16xf32>,
        %get3A_378 = vector.shape_cast %get3A_377 : vector<1x16xf32> to vector<16xf32>
        %mul3A_379 = arith.mulf %get3A_362, %get3A_378 : vector<16xf32>
        %add3A_380 = arith.addf %add3A_274, %mul3A_379 : vector<16xf32>
        %get3A_381 = arith.index_cast %add3A_358 : i32 to index
        %get3A_382 = arith.constant 48 : index
        %get3A_383 = tpu.vector_load %arg11[%get3A_381, %get3A_382] {strides = array<i32>} : memref<112x256xf32, #tpu.memory_space<vmem>>, vector<1x16xf32>,
        %get3A_384 = vector.shape_cast %get3A_383 : vector<1x16xf32> to vector<16xf32>
        %mul3A_385 = arith.mulf %get3A_362, %get3A_384 : vector<16xf32>
        %add3A_386 = arith.addf %add3A_280, %mul3A_385 : vector<16xf32>
        %get3A_387 = arith.index_cast %add3A_358 : i32 to index
        %get3A_388 = arith.constant 64 : index
        %get3A_389 = tpu.vector_load %arg11[%get3A_387, %get3A_388] {strides = array<i32>} : memref<112x256xf32, #tpu.memory_space<vmem>>, vector<1x16xf32>,
        %get3A_390 = vector.shape_cast %get3A_389 : vector<1x16xf32> to vector<16xf32>
        %mul3A_391 = arith.mulf %get3A_362, %get3A_390 : vector<16xf32>
        %add3A_392 = arith.addf %add3A_286, %mul3A_391 : vector<16xf32>
        %get3A_393 = arith.index_cast %add3A_358 : i32 to index
        %get3A_394 = arith.constant 80 : index
        %get3A_395 = tpu.vector_load %arg11[%get3A_393, %get3A_394] {strides = array<i32>} : memref<112x256xf32, #tpu.memory_space<vmem>>, vector<1x16xf32>,
        %get3A_396 = vector.shape_cast %get3A_395 : vector<1x16xf32> to vector<16xf32>
        %mul3A_397 = arith.mulf %get3A_362, %get3A_396 : vector<16xf32>
        %add3A_398 = arith.addf %add3A_292, %mul3A_397 : vector<16xf32>
        %get3A_399 = arith.index_cast %add3A_358 : i32 to index
        %get3A_400 = arith.constant 96 : index
        %get3A_401 = tpu.vector_load %arg11[%get3A_399, %get3A_400] {strides = array<i32>} : memref<112x256xf32, #tpu.memory_space<vmem>>, vector<1x16xf32>,
        %get3A_402 = vector.shape_cast %get3A_401 : vector<1x16xf32> to vector<16xf32>
        %mul3A_403 = arith.mulf %get3A_362, %get3A_402 : vector<16xf32>
        %add3A_404 = arith.addf %add3A_298, %mul3A_403 : vector<16xf32>
        %get3A_405 = arith.index_cast %add3A_358 : i32 to index
        %get3A_406 = arith.constant 112 : index
        %get3A_407 = tpu.vector_load %arg11[%get3A_405, %get3A_406] {strides = array<i32>} : memref<112x256xf32, #tpu.memory_space<vmem>>, vector<1x16xf32>,
        %get3A_408 = vector.shape_cast %get3A_407 : vector<1x16xf32> to vector<16xf32>
        %mul3A_409 = arith.mulf %get3A_362, %get3A_408 : vector<16xf32>
        %add3A_410 = arith.addf %add3A_304, %mul3A_409 : vector<16xf32>
        %get3A_411 = arith.index_cast %add3A_358 : i32 to index
        %get3A_412 = arith.constant 128 : index
        %get3A_413 = tpu.vector_load %arg11[%get3A_411, %get3A_412] {strides = array<i32>} : memref<112x256xf32, #tpu.memory_space<vmem>>, vector<1x16xf32>,
        %get3A_414 = vector.shape_cast %get3A_413 : vector<1x16xf32> to vector<16xf32>
        %mul3A_415 = arith.mulf %get3A_362, %get3A_414 : vector<16xf32>
        %add3A_416 = arith.addf %add3A_310, %mul3A_415 : vector<16xf32>
        %get3A_417 = arith.index_cast %add3A_358 : i32 to index
        %get3A_418 = arith.constant 144 : index
        %get3A_419 = tpu.vector_load %arg11[%get3A_417, %get3A_418] {strides = array<i32>} : memref<112x256xf32, #tpu.memory_space<vmem>>, vector<1x16xf32>,
        %get3A_420 = vector.shape_cast %get3A_419 : vector<1x16xf32> to vector<16xf32>
        %mul3A_421 = arith.mulf %get3A_362, %get3A_420 : vector<16xf32>
        %add3A_422 = arith.addf %add3A_316, %mul3A_421 : vector<16xf32>
        %get3A_423 = arith.index_cast %add3A_358 : i32 to index
        %get3A_424 = arith.constant 160 : index
        %get3A_425 = tpu.vector_load %arg11[%get3A_423, %get3A_424] {strides = array<i32>} : memref<112x256xf32, #tpu.memory_space<vmem>>, vector<1x16xf32>,
        %get3A_426 = vector.shape_cast %get3A_425 : vector<1x16xf32> to vector<16xf32>
        %mul3A_427 = arith.mulf %get3A_362, %get3A_426 : vector<16xf32>
        %add3A_428 = arith.addf %add3A_322, %mul3A_427 : vector<16xf32>
        %get3A_429 = arith.index_cast %add3A_358 : i32 to index
        %get3A_430 = arith.constant 176 : index
        %get3A_431 = tpu.vector_load %arg11[%get3A_429, %get3A_430] {strides = array<i32>} : memref<112x256xf32, #tpu.memory_space<vmem>>, vector<1x16xf32>,
        %get3A_432 = vector.shape_cast %get3A_431 : vector<1x16xf32> to vector<16xf32>
        %mul3A_433 = arith.mulf %get3A_362, %get3A_432 : vector<16xf32>
        %add3A_434 = arith.addf %add3A_328, %mul3A_433 : vector<16xf32>
        %get3A_435 = arith.index_cast %add3A_358 : i32 to index
        %get3A_436 = arith.constant 192 : index
        %get3A_437 = tpu.vector_load %arg11[%get3A_435, %get3A_436] {strides = array<i32>} : memref<112x256xf32, #tpu.memory_space<vmem>>, vector<1x16xf32>,
        %get3A_438 = vector.shape_cast %get3A_437 : vector<1x16xf32> to vector<16xf32>
        %mul3A_439 = arith.mulf %get3A_362, %get3A_438 : vector<16xf32>
        %add3A_440 = arith.addf %add3A_334, %mul3A_439 : vector<16xf32>
        %get3A_441 = arith.index_cast %add3A_358 : i32 to index
        %get3A_442 = arith.constant 208 : index
        %get3A_443 = tpu.vector_load %arg11[%get3A_441, %get3A_442] {strides = array<i32>} : memref<112x256xf32, #tpu.memory_space<vmem>>, vector<1x16xf32>,
        %get3A_444 = vector.shape_cast %get3A_443 : vector<1x16xf32> to vector<16xf32>
        %mul3A_445 = arith.mulf %get3A_362, %get3A_444 : vector<16xf32>
        %add3A_446 = arith.addf %add3A_340, %mul3A_445 : vector<16xf32>
        %get3A_447 = arith.index_cast %add3A_358 : i32 to index
        %get3A_448 = arith.constant 224 : index
        %get3A_449 = tpu.vector_load %arg11[%get3A_447, %get3A_448] {strides = array<i32>} : memref<112x256xf32, #tpu.memory_space<vmem>>, vector<1x16xf32>,
        %get3A_450 = vector.shape_cast %get3A_449 : vector<1x16xf32> to vector<16xf32>
        %mul3A_451 = arith.mulf %get3A_362, %get3A_450 : vector<16xf32>
        %add3A_452 = arith.addf %add3A_346, %mul3A_451 : vector<16xf32>
        %get3A_453 = arith.index_cast %add3A_358 : i32 to index
        %get3A_454 = arith.constant 240 : index
        %get3A_455 = tpu.vector_load %arg11[%get3A_453, %get3A_454] {strides = array<i32>} : memref<112x256xf32, #tpu.memory_space<vmem>>, vector<1x16xf32>,
        %get3A_456 = vector.shape_cast %get3A_455 : vector<1x16xf32> to vector<16xf32>
        %mul3A_457 = arith.mulf %get3A_362, %get3A_456 : vector<16xf32>
        %add3A_458 = arith.addf %add3A_352, %mul3A_457 : vector<16xf32>
        %mul3A_459 = arith.constant 8 : i32
        %mul3A_460 = arith.muli %scan3A_215, %mul3A_459 : i32
        %add3A_461 = arith.constant 0 : i32
        %add3A_462 = arith.addi %add3A_461, %mul3A_460 : i32
        %add3A_463 = arith.constant 2 : i32
        %add3A_464 = arith.addi %add3A_462, %add3A_463 : i32
        %get3A_465 = arith.index_cast %add3A_464 : i32 to index
        %get3A_466 = arith.constant 0 : index
        %get3A_467 = tpu.vector_load %arg9[%get3A_465, %get3A_466] {strides = array<i32>} : memref<112x16xf32, #tpu.memory_space<vmem>>, vector<1x16xf32>,
        %get3A_468 = vector.shape_cast %get3A_467 : vector<1x16xf32> to vector<16xf32>
        %get3A_469 = arith.index_cast %add3A_464 : i32 to index
        %get3A_470 = arith.constant 0 : index
        %get3A_471 = tpu.vector_load %arg11[%get3A_469, %get3A_470] {strides = array<i32>} : memref<112x256xf32, #tpu.memory_space<vmem>>, vector<1x16xf32>,
        %get3A_472 = vector.shape_cast %get3A_471 : vector<1x16xf32> to vector<16xf32>
        %mul3A_473 = arith.mulf %get3A_468, %get3A_472 : vector<16xf32>
        %add3A_474 = arith.addf %add3A_368, %mul3A_473 : vector<16xf32>
        %get3A_475 = arith.index_cast %add3A_464 : i32 to index
        %get3A_476 = arith.constant 16 : index
        %get3A_477 = tpu.vector_load %arg11[%get3A_475, %get3A_476] {strides = array<i32>} : memref<112x256xf32, #tpu.memory_space<vmem>>, vector<1x16xf32>,
        %get3A_478 = vector.shape_cast %get3A_477 : vector<1x16xf32> to vector<16xf32>
        %mul3A_479 = arith.mulf %get3A_468, %get3A_478 : vector<16xf32>
        %add3A_480 = arith.addf %add3A_374, %mul3A_479 : vector<16xf32>
        %get3A_481 = arith.index_cast %add3A_464 : i32 to index
        %get3A_482 = arith.constant 32 : index
        %get3A_483 = tpu.vector_load %arg11[%get3A_481, %get3A_482] {strides = array<i32>} : memref<112x256xf32, #tpu.memory_space<vmem>>, vector<1x16xf32>,
        %get3A_484 = vector.shape_cast %get3A_483 : vector<1x16xf32> to vector<16xf32>
        %mul3A_485 = arith.mulf %get3A_468, %get3A_484 : vector<16xf32>
        %add3A_486 = arith.addf %add3A_380, %mul3A_485 : vector<16xf32>
        %get3A_487 = arith.index_cast %add3A_464 : i32 to index
        %get3A_488 = arith.constant 48 : index
        %get3A_489 = tpu.vector_load %arg11[%get3A_487, %get3A_488] {strides = array<i32>} : memref<112x256xf32, #tpu.memory_space<vmem>>, vector<1x16xf32>,
        %get3A_490 = vector.shape_cast %get3A_489 : vector<1x16xf32> to vector<16xf32>
        %mul3A_491 = arith.mulf %get3A_468, %get3A_490 : vector<16xf32>
        %add3A_492 = arith.addf %add3A_386, %mul3A_491 : vector<16xf32>
        %get3A_493 = arith.index_cast %add3A_464 : i32 to index
        %get3A_494 = arith.constant 64 : index
        %get3A_495 = tpu.vector_load %arg11[%get3A_493, %get3A_494] {strides = array<i32>} : memref<112x256xf32, #tpu.memory_space<vmem>>, vector<1x16xf32>,
        %get3A_496 = vector.shape_cast %get3A_495 : vector<1x16xf32> to vector<16xf32>
        %mul3A_497 = arith.mulf %get3A_468, %get3A_496 : vector<16xf32>
        %add3A_498 = arith.addf %add3A_392, %mul3A_497 : vector<16xf32>
        %get3A_499 = arith.index_cast %add3A_464 : i32 to index
        %get3A_500 = arith.constant 80 : index
        %get3A_501 = tpu.vector_load %arg11[%get3A_499, %get3A_500] {strides = array<i32>} : memref<112x256xf32, #tpu.memory_space<vmem>>, vector<1x16xf32>,
        %get3A_502 = vector.shape_cast %get3A_501 : vector<1x16xf32> to vector<16xf32>
        %mul3A_503 = arith.mulf %get3A_468, %get3A_502 : vector<16xf32>
        %add3A_504 = arith.addf %add3A_398, %mul3A_503 : vector<16xf32>
        %get3A_505 = arith.index_cast %add3A_464 : i32 to index
        %get3A_506 = arith.constant 96 : index
        %get3A_507 = tpu.vector_load %arg11[%get3A_505, %get3A_506] {strides = array<i32>} : memref<112x256xf32, #tpu.memory_space<vmem>>, vector<1x16xf32>,
        %get3A_508 = vector.shape_cast %get3A_507 : vector<1x16xf32> to vector<16xf32>
        %mul3A_509 = arith.mulf %get3A_468, %get3A_508 : vector<16xf32>
        %add3A_510 = arith.addf %add3A_404, %mul3A_509 : vector<16xf32>
        %get3A_511 = arith.index_cast %add3A_464 : i32 to index
        %get3A_512 = arith.constant 112 : index
        %get3A_513 = tpu.vector_load %arg11[%get3A_511, %get3A_512] {strides = array<i32>} : memref<112x256xf32, #tpu.memory_space<vmem>>, vector<1x16xf32>,
        %get3A_514 = vector.shape_cast %get3A_513 : vector<1x16xf32> to vector<16xf32>
        %mul3A_515 = arith.mulf %get3A_468, %get3A_514 : vector<16xf32>
        %add3A_516 = arith.addf %add3A_410, %mul3A_515 : vector<16xf32>
        %get3A_517 = arith.index_cast %add3A_464 : i32 to index
        %get3A_518 = arith.constant 128 : index
        %get3A_519 = tpu.vector_load %arg11[%get3A_517, %get3A_518] {strides = array<i32>} : memref<112x256xf32, #tpu.memory_space<vmem>>, vector<1x16xf32>,
        %get3A_520 = vector.shape_cast %get3A_519 : vector<1x16xf32> to vector<16xf32>
        %mul3A_521 = arith.mulf %get3A_468, %get3A_520 : vector<16xf32>
        %add3A_522 = arith.addf %add3A_416, %mul3A_521 : vector<16xf32>
        %get3A_523 = arith.index_cast %add3A_464 : i32 to index
        %get3A_524 = arith.constant 144 : index
        %get3A_525 = tpu.vector_load %arg11[%get3A_523, %get3A_524] {strides = array<i32>} : memref<112x256xf32, #tpu.memory_space<vmem>>, vector<1x16xf32>,
        %get3A_526 = vector.shape_cast %get3A_525 : vector<1x16xf32> to vector<16xf32>
        %mul3A_527 = arith.mulf %get3A_468, %get3A_526 : vector<16xf32>
        %add3A_528 = arith.addf %add3A_422, %mul3A_527 : vector<16xf32>
        %get3A_529 = arith.index_cast %add3A_464 : i32 to index
        %get3A_530 = arith.constant 160 : index
        %get3A_531 = tpu.vector_load %arg11[%get3A_529, %get3A_530] {strides = array<i32>} : memref<112x256xf32, #tpu.memory_space<vmem>>, vector<1x16xf32>,
        %get3A_532 = vector.shape_cast %get3A_531 : vector<1x16xf32> to vector<16xf32>
        %mul3A_533 = arith.mulf %get3A_468, %get3A_532 : vector<16xf32>
        %add3A_534 = arith.addf %add3A_428, %mul3A_533 : vector<16xf32>
        %get3A_535 = arith.index_cast %add3A_464 : i32 to index
        %get3A_536 = arith.constant 176 : index
        %get3A_537 = tpu.vector_load %arg11[%get3A_535, %get3A_536] {strides = array<i32>} : memref<112x256xf32, #tpu.memory_space<vmem>>, vector<1x16xf32>,
        %get3A_538 = vector.shape_cast %get3A_537 : vector<1x16xf32> to vector<16xf32>
        %mul3A_539 = arith.mulf %get3A_468, %get3A_538 : vector<16xf32>
        %add3A_540 = arith.addf %add3A_434, %mul3A_539 : vector<16xf32>
        %get3A_541 = arith.index_cast %add3A_464 : i32 to index
        %get3A_542 = arith.constant 192 : index
        %get3A_543 = tpu.vector_load %arg11[%get3A_541, %get3A_542] {strides = array<i32>} : memref<112x256xf32, #tpu.memory_space<vmem>>, vector<1x16xf32>,
        %get3A_544 = vector.shape_cast %get3A_543 : vector<1x16xf32> to vector<16xf32>
        %mul3A_545 = arith.mulf %get3A_468, %get3A_544 : vector<16xf32>
        %add3A_546 = arith.addf %add3A_440, %mul3A_545 : vector<16xf32>
        %get3A_547 = arith.index_cast %add3A_464 : i32 to index
        %get3A_548 = arith.constant 208 : index
        %get3A_549 = tpu.vector_load %arg11[%get3A_547, %get3A_548] {strides = array<i32>} : memref<112x256xf32, #tpu.memory_space<vmem>>, vector<1x16xf32>,
        %get3A_550 = vector.shape_cast %get3A_549 : vector<1x16xf32> to vector<16xf32>
        %mul3A_551 = arith.mulf %get3A_468, %get3A_550 : vector<16xf32>
        %add3A_552 = arith.addf %add3A_446, %mul3A_551 : vector<16xf32>
        %get3A_553 = arith.index_cast %add3A_464 : i32 to index
        %get3A_554 = arith.constant 224 : index
        %get3A_555 = tpu.vector_load %arg11[%get3A_553, %get3A_554] {strides = array<i32>} : memref<112x256xf32, #tpu.memory_space<vmem>>, vector<1x16xf32>,
        %get3A_556 = vector.shape_cast %get3A_555 : vector<1x16xf32> to vector<16xf32>
        %mul3A_557 = arith.mulf %get3A_468, %get3A_556 : vector<16xf32>
        %add3A_558 = arith.addf %add3A_452, %mul3A_557 : vector<16xf32>
        %get3A_559 = arith.index_cast %add3A_464 : i32 to index
        %get3A_560 = arith.constant 240 : index
        %get3A_561 = tpu.vector_load %arg11[%get3A_559, %get3A_560] {strides = array<i32>} : memref<112x256xf32, #tpu.memory_space<vmem>>, vector<1x16xf32>,
        %get3A_562 = vector.shape_cast %get3A_561 : vector<1x16xf32> to vector<16xf32>
        %mul3A_563 = arith.mulf %get3A_468, %get3A_562 : vector<16xf32>
        %add3A_564 = arith.addf %add3A_458, %mul3A_563 : vector<16xf32>
        %mul3A_565 = arith.constant 8 : i32
        %mul3A_566 = arith.muli %scan3A_215, %mul3A_565 : i32
        %add3A_567 = arith.constant 0 : i32
        %add3A_568 = arith.addi %add3A_567, %mul3A_566 : i32
        %add3A_569 = arith.constant 3 : i32
        %add3A_570 = arith.addi %add3A_568, %add3A_569 : i32
        %get3A_571 = arith.index_cast %add3A_570 : i32 to index
        %get3A_572 = arith.constant 0 : index
        %get3A_573 = tpu.vector_load %arg9[%get3A_571, %get3A_572] {strides = array<i32>} : memref<112x16xf32, #tpu.memory_space<vmem>>, vector<1x16xf32>,
        %get3A_574 = vector.shape_cast %get3A_573 : vector<1x16xf32> to vector<16xf32>
        %get3A_575 = arith.index_cast %add3A_570 : i32 to index
        %get3A_576 = arith.constant 0 : index
        %get3A_577 = tpu.vector_load %arg11[%get3A_575, %get3A_576] {strides = array<i32>} : memref<112x256xf32, #tpu.memory_space<vmem>>, vector<1x16xf32>,
        %get3A_578 = vector.shape_cast %get3A_577 : vector<1x16xf32> to vector<16xf32>
        %mul3A_579 = arith.mulf %get3A_574, %get3A_578 : vector<16xf32>
        %add3A_580 = arith.addf %add3A_474, %mul3A_579 : vector<16xf32>
        %get3A_581 = arith.index_cast %add3A_570 : i32 to index
        %get3A_582 = arith.constant 16 : index
        %get3A_583 = tpu.vector_load %arg11[%get3A_581, %get3A_582] {strides = array<i32>} : memref<112x256xf32, #tpu.memory_space<vmem>>, vector<1x16xf32>,
        %get3A_584 = vector.shape_cast %get3A_583 : vector<1x16xf32> to vector<16xf32>
        %mul3A_585 = arith.mulf %get3A_574, %get3A_584 : vector<16xf32>
        %add3A_586 = arith.addf %add3A_480, %mul3A_585 : vector<16xf32>
        %get3A_587 = arith.index_cast %add3A_570 : i32 to index
        %get3A_588 = arith.constant 32 : index
        %get3A_589 = tpu.vector_load %arg11[%get3A_587, %get3A_588] {strides = array<i32>} : memref<112x256xf32, #tpu.memory_space<vmem>>, vector<1x16xf32>,
        %get3A_590 = vector.shape_cast %get3A_589 : vector<1x16xf32> to vector<16xf32>
        %mul3A_591 = arith.mulf %get3A_574, %get3A_590 : vector<16xf32>
        %add3A_592 = arith.addf %add3A_486, %mul3A_591 : vector<16xf32>
        %get3A_593 = arith.index_cast %add3A_570 : i32 to index
        %get3A_594 = arith.constant 48 : index
        %get3A_595 = tpu.vector_load %arg11[%get3A_593, %get3A_594] {strides = array<i32>} : memref<112x256xf32, #tpu.memory_space<vmem>>, vector<1x16xf32>,
        %get3A_596 = vector.shape_cast %get3A_595 : vector<1x16xf32> to vector<16xf32>
        %mul3A_597 = arith.mulf %get3A_574, %get3A_596 : vector<16xf32>
        %add3A_598 = arith.addf %add3A_492, %mul3A_597 : vector<16xf32>
        %get3A_599 = arith.index_cast %add3A_570 : i32 to index
        %get3A_600 = arith.constant 64 : index
        %get3A_601 = tpu.vector_load %arg11[%get3A_599, %get3A_600] {strides = array<i32>} : memref<112x256xf32, #tpu.memory_space<vmem>>, vector<1x16xf32>,
        %get3A_602 = vector.shape_cast %get3A_601 : vector<1x16xf32> to vector<16xf32>
        %mul3A_603 = arith.mulf %get3A_574, %get3A_602 : vector<16xf32>
        %add3A_604 = arith.addf %add3A_498, %mul3A_603 : vector<16xf32>
        %get3A_605 = arith.index_cast %add3A_570 : i32 to index
        %get3A_606 = arith.constant 80 : index
        %get3A_607 = tpu.vector_load %arg11[%get3A_605, %get3A_606] {strides = array<i32>} : memref<112x256xf32, #tpu.memory_space<vmem>>, vector<1x16xf32>,
        %get3A_608 = vector.shape_cast %get3A_607 : vector<1x16xf32> to vector<16xf32>
        %mul3A_609 = arith.mulf %get3A_574, %get3A_608 : vector<16xf32>
        %add3A_610 = arith.addf %add3A_504, %mul3A_609 : vector<16xf32>
        %get3A_611 = arith.index_cast %add3A_570 : i32 to index
        %get3A_612 = arith.constant 96 : index
        %get3A_613 = tpu.vector_load %arg11[%get3A_611, %get3A_612] {strides = array<i32>} : memref<112x256xf32, #tpu.memory_space<vmem>>, vector<1x16xf32>,
        %get3A_614 = vector.shape_cast %get3A_613 : vector<1x16xf32> to vector<16xf32>
        %mul3A_615 = arith.mulf %get3A_574, %get3A_614 : vector<16xf32>
        %add3A_616 = arith.addf %add3A_510, %mul3A_615 : vector<16xf32>
        %get3A_617 = arith.index_cast %add3A_570 : i32 to index
        %get3A_618 = arith.constant 112 : index
        %get3A_619 = tpu.vector_load %arg11[%get3A_617, %get3A_618] {strides = array<i32>} : memref<112x256xf32, #tpu.memory_space<vmem>>, vector<1x16xf32>,
        %get3A_620 = vector.shape_cast %get3A_619 : vector<1x16xf32> to vector<16xf32>
        %mul3A_621 = arith.mulf %get3A_574, %get3A_620 : vector<16xf32>
        %add3A_622 = arith.addf %add3A_516, %mul3A_621 : vector<16xf32>
        %get3A_623 = arith.index_cast %add3A_570 : i32 to index
        %get3A_624 = arith.constant 128 : index
        %get3A_625 = tpu.vector_load %arg11[%get3A_623, %get3A_624] {strides = array<i32>} : memref<112x256xf32, #tpu.memory_space<vmem>>, vector<1x16xf32>,
        %get3A_626 = vector.shape_cast %get3A_625 : vector<1x16xf32> to vector<16xf32>
        %mul3A_627 = arith.mulf %get3A_574, %get3A_626 : vector<16xf32>
        %add3A_628 = arith.addf %add3A_522, %mul3A_627 : vector<16xf32>
        %get3A_629 = arith.index_cast %add3A_570 : i32 to index
        %get3A_630 = arith.constant 144 : index
        %get3A_631 = tpu.vector_load %arg11[%get3A_629, %get3A_630] {strides = array<i32>} : memref<112x256xf32, #tpu.memory_space<vmem>>, vector<1x16xf32>,
        %get3A_632 = vector.shape_cast %get3A_631 : vector<1x16xf32> to vector<16xf32>
        %mul3A_633 = arith.mulf %get3A_574, %get3A_632 : vector<16xf32>
        %add3A_634 = arith.addf %add3A_528, %mul3A_633 : vector<16xf32>
        %get3A_635 = arith.index_cast %add3A_570 : i32 to index
        %get3A_636 = arith.constant 160 : index
        %get3A_637 = tpu.vector_load %arg11[%get3A_635, %get3A_636] {strides = array<i32>} : memref<112x256xf32, #tpu.memory_space<vmem>>, vector<1x16xf32>,
        %get3A_638 = vector.shape_cast %get3A_637 : vector<1x16xf32> to vector<16xf32>
        %mul3A_639 = arith.mulf %get3A_574, %get3A_638 : vector<16xf32>
        %add3A_640 = arith.addf %add3A_534, %mul3A_639 : vector<16xf32>
        %get3A_641 = arith.index_cast %add3A_570 : i32 to index
        %get3A_642 = arith.constant 176 : index
        %get3A_643 = tpu.vector_load %arg11[%get3A_641, %get3A_642] {strides = array<i32>} : memref<112x256xf32, #tpu.memory_space<vmem>>, vector<1x16xf32>,
        %get3A_644 = vector.shape_cast %get3A_643 : vector<1x16xf32> to vector<16xf32>
        %mul3A_645 = arith.mulf %get3A_574, %get3A_644 : vector<16xf32>
        %add3A_646 = arith.addf %add3A_540, %mul3A_645 : vector<16xf32>
        %get3A_647 = arith.index_cast %add3A_570 : i32 to index
        %get3A_648 = arith.constant 192 : index
        %get3A_649 = tpu.vector_load %arg11[%get3A_647, %get3A_648] {strides = array<i32>} : memref<112x256xf32, #tpu.memory_space<vmem>>, vector<1x16xf32>,
        %get3A_650 = vector.shape_cast %get3A_649 : vector<1x16xf32> to vector<16xf32>
        %mul3A_651 = arith.mulf %get3A_574, %get3A_650 : vector<16xf32>
        %add3A_652 = arith.addf %add3A_546, %mul3A_651 : vector<16xf32>
        %get3A_653 = arith.index_cast %add3A_570 : i32 to index
        %get3A_654 = arith.constant 208 : index
        %get3A_655 = tpu.vector_load %arg11[%get3A_653, %get3A_654] {strides = array<i32>} : memref<112x256xf32, #tpu.memory_space<vmem>>, vector<1x16xf32>,
        %get3A_656 = vector.shape_cast %get3A_655 : vector<1x16xf32> to vector<16xf32>
        %mul3A_657 = arith.mulf %get3A_574, %get3A_656 : vector<16xf32>
        %add3A_658 = arith.addf %add3A_552, %mul3A_657 : vector<16xf32>
        %get3A_659 = arith.index_cast %add3A_570 : i32 to index
        %get3A_660 = arith.constant 224 : index
        %get3A_661 = tpu.vector_load %arg11[%get3A_659, %get3A_660] {strides = array<i32>} : memref<112x256xf32, #tpu.memory_space<vmem>>, vector<1x16xf32>,
        %get3A_662 = vector.shape_cast %get3A_661 : vector<1x16xf32> to vector<16xf32>
        %mul3A_663 = arith.mulf %get3A_574, %get3A_662 : vector<16xf32>
        %add3A_664 = arith.addf %add3A_558, %mul3A_663 : vector<16xf32>
        %get3A_665 = arith.index_cast %add3A_570 : i32 to index
        %get3A_666 = arith.constant 240 : index
        %get3A_667 = tpu.vector_load %arg11[%get3A_665, %get3A_666] {strides = array<i32>} : memref<112x256xf32, #tpu.memory_space<vmem>>, vector<1x16xf32>,
        %get3A_668 = vector.shape_cast %get3A_667 : vector<1x16xf32> to vector<16xf32>
        %mul3A_669 = arith.mulf %get3A_574, %get3A_668 : vector<16xf32>
        %add3A_670 = arith.addf %add3A_564, %mul3A_669 : vector<16xf32>
        %mul3A_671 = arith.constant 8 : i32
        %mul3A_672 = arith.muli %scan3A_215, %mul3A_671 : i32
        %add3A_673 = arith.constant 0 : i32
        %add3A_674 = arith.addi %add3A_673, %mul3A_672 : i32
        %add3A_675 = arith.constant 4 : i32
        %add3A_676 = arith.addi %add3A_674, %add3A_675 : i32
        %get3A_677 = arith.index_cast %add3A_676 : i32 to index
        %get3A_678 = arith.constant 0 : index
        %get3A_679 = tpu.vector_load %arg9[%get3A_677, %get3A_678] {strides = array<i32>} : memref<112x16xf32, #tpu.memory_space<vmem>>, vector<1x16xf32>,
        %get3A_680 = vector.shape_cast %get3A_679 : vector<1x16xf32> to vector<16xf32>
        %get3A_681 = arith.index_cast %add3A_676 : i32 to index
        %get3A_682 = arith.constant 0 : index
        %get3A_683 = tpu.vector_load %arg11[%get3A_681, %get3A_682] {strides = array<i32>} : memref<112x256xf32, #tpu.memory_space<vmem>>, vector<1x16xf32>,
        %get3A_684 = vector.shape_cast %get3A_683 : vector<1x16xf32> to vector<16xf32>
        %mul3A_685 = arith.mulf %get3A_680, %get3A_684 : vector<16xf32>
        %add3A_686 = arith.addf %add3A_580, %mul3A_685 : vector<16xf32>
        %get3A_687 = arith.index_cast %add3A_676 : i32 to index
        %get3A_688 = arith.constant 16 : index
        %get3A_689 = tpu.vector_load %arg11[%get3A_687, %get3A_688] {strides = array<i32>} : memref<112x256xf32, #tpu.memory_space<vmem>>, vector<1x16xf32>,
        %get3A_690 = vector.shape_cast %get3A_689 : vector<1x16xf32> to vector<16xf32>
        %mul3A_691 = arith.mulf %get3A_680, %get3A_690 : vector<16xf32>
        %add3A_692 = arith.addf %add3A_586, %mul3A_691 : vector<16xf32>
        %get3A_693 = arith.index_cast %add3A_676 : i32 to index
        %get3A_694 = arith.constant 32 : index
        %get3A_695 = tpu.vector_load %arg11[%get3A_693, %get3A_694] {strides = array<i32>} : memref<112x256xf32, #tpu.memory_space<vmem>>, vector<1x16xf32>,
        %get3A_696 = vector.shape_cast %get3A_695 : vector<1x16xf32> to vector<16xf32>
        %mul3A_697 = arith.mulf %get3A_680, %get3A_696 : vector<16xf32>
        %add3A_698 = arith.addf %add3A_592, %mul3A_697 : vector<16xf32>
        %get3A_699 = arith.index_cast %add3A_676 : i32 to index
        %get3A_700 = arith.constant 48 : index
        %get3A_701 = tpu.vector_load %arg11[%get3A_699, %get3A_700] {strides = array<i32>} : memref<112x256xf32, #tpu.memory_space<vmem>>, vector<1x16xf32>,
        %get3A_702 = vector.shape_cast %get3A_701 : vector<1x16xf32> to vector<16xf32>
        %mul3A_703 = arith.mulf %get3A_680, %get3A_702 : vector<16xf32>
        %add3A_704 = arith.addf %add3A_598, %mul3A_703 : vector<16xf32>
        %get3A_705 = arith.index_cast %add3A_676 : i32 to index
        %get3A_706 = arith.constant 64 : index
        %get3A_707 = tpu.vector_load %arg11[%get3A_705, %get3A_706] {strides = array<i32>} : memref<112x256xf32, #tpu.memory_space<vmem>>, vector<1x16xf32>,
        %get3A_708 = vector.shape_cast %get3A_707 : vector<1x16xf32> to vector<16xf32>
        %mul3A_709 = arith.mulf %get3A_680, %get3A_708 : vector<16xf32>
        %add3A_710 = arith.addf %add3A_604, %mul3A_709 : vector<16xf32>
        %get3A_711 = arith.index_cast %add3A_676 : i32 to index
        %get3A_712 = arith.constant 80 : index
        %get3A_713 = tpu.vector_load %arg11[%get3A_711, %get3A_712] {strides = array<i32>} : memref<112x256xf32, #tpu.memory_space<vmem>>, vector<1x16xf32>,
        %get3A_714 = vector.shape_cast %get3A_713 : vector<1x16xf32> to vector<16xf32>
        %mul3A_715 = arith.mulf %get3A_680, %get3A_714 : vector<16xf32>
        %add3A_716 = arith.addf %add3A_610, %mul3A_715 : vector<16xf32>
        %get3A_717 = arith.index_cast %add3A_676 : i32 to index
        %get3A_718 = arith.constant 96 : index
        %get3A_719 = tpu.vector_load %arg11[%get3A_717, %get3A_718] {strides = array<i32>} : memref<112x256xf32, #tpu.memory_space<vmem>>, vector<1x16xf32>,
        %get3A_720 = vector.shape_cast %get3A_719 : vector<1x16xf32> to vector<16xf32>
        %mul3A_721 = arith.mulf %get3A_680, %get3A_720 : vector<16xf32>
        %add3A_722 = arith.addf %add3A_616, %mul3A_721 : vector<16xf32>
        %get3A_723 = arith.index_cast %add3A_676 : i32 to index
        %get3A_724 = arith.constant 112 : index
        %get3A_725 = tpu.vector_load %arg11[%get3A_723, %get3A_724] {strides = array<i32>} : memref<112x256xf32, #tpu.memory_space<vmem>>, vector<1x16xf32>,
        %get3A_726 = vector.shape_cast %get3A_725 : vector<1x16xf32> to vector<16xf32>
        %mul3A_727 = arith.mulf %get3A_680, %get3A_726 : vector<16xf32>
        %add3A_728 = arith.addf %add3A_622, %mul3A_727 : vector<16xf32>
        %get3A_729 = arith.index_cast %add3A_676 : i32 to index
        %get3A_730 = arith.constant 128 : index
        %get3A_731 = tpu.vector_load %arg11[%get3A_729, %get3A_730] {strides = array<i32>} : memref<112x256xf32, #tpu.memory_space<vmem>>, vector<1x16xf32>,
        %get3A_732 = vector.shape_cast %get3A_731 : vector<1x16xf32> to vector<16xf32>
        %mul3A_733 = arith.mulf %get3A_680, %get3A_732 : vector<16xf32>
        %add3A_734 = arith.addf %add3A_628, %mul3A_733 : vector<16xf32>
        %get3A_735 = arith.index_cast %add3A_676 : i32 to index
        %get3A_736 = arith.constant 144 : index
        %get3A_737 = tpu.vector_load %arg11[%get3A_735, %get3A_736] {strides = array<i32>} : memref<112x256xf32, #tpu.memory_space<vmem>>, vector<1x16xf32>,
        %get3A_738 = vector.shape_cast %get3A_737 : vector<1x16xf32> to vector<16xf32>
        %mul3A_739 = arith.mulf %get3A_680, %get3A_738 : vector<16xf32>
        %add3A_740 = arith.addf %add3A_634, %mul3A_739 : vector<16xf32>
        %get3A_741 = arith.index_cast %add3A_676 : i32 to index
        %get3A_742 = arith.constant 160 : index
        %get3A_743 = tpu.vector_load %arg11[%get3A_741, %get3A_742] {strides = array<i32>} : memref<112x256xf32, #tpu.memory_space<vmem>>, vector<1x16xf32>,
        %get3A_744 = vector.shape_cast %get3A_743 : vector<1x16xf32> to vector<16xf32>
        %mul3A_745 = arith.mulf %get3A_680, %get3A_744 : vector<16xf32>
        %add3A_746 = arith.addf %add3A_640, %mul3A_745 : vector<16xf32>
        %get3A_747 = arith.index_cast %add3A_676 : i32 to index
        %get3A_748 = arith.constant 176 : index
        %get3A_749 = tpu.vector_load %arg11[%get3A_747, %get3A_748] {strides = array<i32>} : memref<112x256xf32, #tpu.memory_space<vmem>>, vector<1x16xf32>,
        %get3A_750 = vector.shape_cast %get3A_749 : vector<1x16xf32> to vector<16xf32>
        %mul3A_751 = arith.mulf %get3A_680, %get3A_750 : vector<16xf32>
        %add3A_752 = arith.addf %add3A_646, %mul3A_751 : vector<16xf32>
        %get3A_753 = arith.index_cast %add3A_676 : i32 to index
        %get3A_754 = arith.constant 192 : index
        %get3A_755 = tpu.vector_load %arg11[%get3A_753, %get3A_754] {strides = array<i32>} : memref<112x256xf32, #tpu.memory_space<vmem>>, vector<1x16xf32>,
        %get3A_756 = vector.shape_cast %get3A_755 : vector<1x16xf32> to vector<16xf32>
        %mul3A_757 = arith.mulf %get3A_680, %get3A_756 : vector<16xf32>
        %add3A_758 = arith.addf %add3A_652, %mul3A_757 : vector<16xf32>
        %get3A_759 = arith.index_cast %add3A_676 : i32 to index
        %get3A_760 = arith.constant 208 : index
        %get3A_761 = tpu.vector_load %arg11[%get3A_759, %get3A_760] {strides = array<i32>} : memref<112x256xf32, #tpu.memory_space<vmem>>, vector<1x16xf32>,
        %get3A_762 = vector.shape_cast %get3A_761 : vector<1x16xf32> to vector<16xf32>
        %mul3A_763 = arith.mulf %get3A_680, %get3A_762 : vector<16xf32>
        %add3A_764 = arith.addf %add3A_658, %mul3A_763 : vector<16xf32>
        %get3A_765 = arith.index_cast %add3A_676 : i32 to index
        %get3A_766 = arith.constant 224 : index
        %get3A_767 = tpu.vector_load %arg11[%get3A_765, %get3A_766] {strides = array<i32>} : memref<112x256xf32, #tpu.memory_space<vmem>>, vector<1x16xf32>,
        %get3A_768 = vector.shape_cast %get3A_767 : vector<1x16xf32> to vector<16xf32>
        %mul3A_769 = arith.mulf %get3A_680, %get3A_768 : vector<16xf32>
        %add3A_770 = arith.addf %add3A_664, %mul3A_769 : vector<16xf32>
        %get3A_771 = arith.index_cast %add3A_676 : i32 to index
        %get3A_772 = arith.constant 240 : index
        %get3A_773 = tpu.vector_load %arg11[%get3A_771, %get3A_772] {strides = array<i32>} : memref<112x256xf32, #tpu.memory_space<vmem>>, vector<1x16xf32>,
        %get3A_774 = vector.shape_cast %get3A_773 : vector<1x16xf32> to vector<16xf32>
        %mul3A_775 = arith.mulf %get3A_680, %get3A_774 : vector<16xf32>
        %add3A_776 = arith.addf %add3A_670, %mul3A_775 : vector<16xf32>
        %mul3A_777 = arith.constant 8 : i32
        %mul3A_778 = arith.muli %scan3A_215, %mul3A_777 : i32
        %add3A_779 = arith.constant 0 : i32
        %add3A_780 = arith.addi %add3A_779, %mul3A_778 : i32
        %add3A_781 = arith.constant 5 : i32
        %add3A_782 = arith.addi %add3A_780, %add3A_781 : i32
        %get3A_783 = arith.index_cast %add3A_782 : i32 to index
        %get3A_784 = arith.constant 0 : index
        %get3A_785 = tpu.vector_load %arg9[%get3A_783, %get3A_784] {strides = array<i32>} : memref<112x16xf32, #tpu.memory_space<vmem>>, vector<1x16xf32>,
        %get3A_786 = vector.shape_cast %get3A_785 : vector<1x16xf32> to vector<16xf32>
        %get3A_787 = arith.index_cast %add3A_782 : i32 to index
        %get3A_788 = arith.constant 0 : index
        %get3A_789 = tpu.vector_load %arg11[%get3A_787, %get3A_788] {strides = array<i32>} : memref<112x256xf32, #tpu.memory_space<vmem>>, vector<1x16xf32>,
        %get3A_790 = vector.shape_cast %get3A_789 : vector<1x16xf32> to vector<16xf32>
        %mul3A_791 = arith.mulf %get3A_786, %get3A_790 : vector<16xf32>
        %add3A_792 = arith.addf %add3A_686, %mul3A_791 : vector<16xf32>
        %get3A_793 = arith.index_cast %add3A_782 : i32 to index
        %get3A_794 = arith.constant 16 : index
        %get3A_795 = tpu.vector_load %arg11[%get3A_793, %get3A_794] {strides = array<i32>} : memref<112x256xf32, #tpu.memory_space<vmem>>, vector<1x16xf32>,
        %get3A_796 = vector.shape_cast %get3A_795 : vector<1x16xf32> to vector<16xf32>
        %mul3A_797 = arith.mulf %get3A_786, %get3A_796 : vector<16xf32>
        %add3A_798 = arith.addf %add3A_692, %mul3A_797 : vector<16xf32>
        %get3A_799 = arith.index_cast %add3A_782 : i32 to index
        %get3A_800 = arith.constant 32 : index
        %get3A_801 = tpu.vector_load %arg11[%get3A_799, %get3A_800] {strides = array<i32>} : memref<112x256xf32, #tpu.memory_space<vmem>>, vector<1x16xf32>,
        %get3A_802 = vector.shape_cast %get3A_801 : vector<1x16xf32> to vector<16xf32>
        %mul3A_803 = arith.mulf %get3A_786, %get3A_802 : vector<16xf32>
        %add3A_804 = arith.addf %add3A_698, %mul3A_803 : vector<16xf32>
        %get3A_805 = arith.index_cast %add3A_782 : i32 to index
        %get3A_806 = arith.constant 48 : index
        %get3A_807 = tpu.vector_load %arg11[%get3A_805, %get3A_806] {strides = array<i32>} : memref<112x256xf32, #tpu.memory_space<vmem>>, vector<1x16xf32>,
        %get3A_808 = vector.shape_cast %get3A_807 : vector<1x16xf32> to vector<16xf32>
        %mul3A_809 = arith.mulf %get3A_786, %get3A_808 : vector<16xf32>
        %add3A_810 = arith.addf %add3A_704, %mul3A_809 : vector<16xf32>
        %get3A_811 = arith.index_cast %add3A_782 : i32 to index
        %get3A_812 = arith.constant 64 : index
        %get3A_813 = tpu.vector_load %arg11[%get3A_811, %get3A_812] {strides = array<i32>} : memref<112x256xf32, #tpu.memory_space<vmem>>, vector<1x16xf32>,
        %get3A_814 = vector.shape_cast %get3A_813 : vector<1x16xf32> to vector<16xf32>
        %mul3A_815 = arith.mulf %get3A_786, %get3A_814 : vector<16xf32>
        %add3A_816 = arith.addf %add3A_710, %mul3A_815 : vector<16xf32>
        %get3A_817 = arith.index_cast %add3A_782 : i32 to index
        %get3A_818 = arith.constant 80 : index
        %get3A_819 = tpu.vector_load %arg11[%get3A_817, %get3A_818] {strides = array<i32>} : memref<112x256xf32, #tpu.memory_space<vmem>>, vector<1x16xf32>,
        %get3A_820 = vector.shape_cast %get3A_819 : vector<1x16xf32> to vector<16xf32>
        %mul3A_821 = arith.mulf %get3A_786, %get3A_820 : vector<16xf32>
        %add3A_822 = arith.addf %add3A_716, %mul3A_821 : vector<16xf32>
        %get3A_823 = arith.index_cast %add3A_782 : i32 to index
        %get3A_824 = arith.constant 96 : index
        %get3A_825 = tpu.vector_load %arg11[%get3A_823, %get3A_824] {strides = array<i32>} : memref<112x256xf32, #tpu.memory_space<vmem>>, vector<1x16xf32>,
        %get3A_826 = vector.shape_cast %get3A_825 : vector<1x16xf32> to vector<16xf32>
        %mul3A_827 = arith.mulf %get3A_786, %get3A_826 : vector<16xf32>
        %add3A_828 = arith.addf %add3A_722, %mul3A_827 : vector<16xf32>
        %get3A_829 = arith.index_cast %add3A_782 : i32 to index
        %get3A_830 = arith.constant 112 : index
        %get3A_831 = tpu.vector_load %arg11[%get3A_829, %get3A_830] {strides = array<i32>} : memref<112x256xf32, #tpu.memory_space<vmem>>, vector<1x16xf32>,
        %get3A_832 = vector.shape_cast %get3A_831 : vector<1x16xf32> to vector<16xf32>
        %mul3A_833 = arith.mulf %get3A_786, %get3A_832 : vector<16xf32>
        %add3A_834 = arith.addf %add3A_728, %mul3A_833 : vector<16xf32>
        %get3A_835 = arith.index_cast %add3A_782 : i32 to index
        %get3A_836 = arith.constant 128 : index
        %get3A_837 = tpu.vector_load %arg11[%get3A_835, %get3A_836] {strides = array<i32>} : memref<112x256xf32, #tpu.memory_space<vmem>>, vector<1x16xf32>,
        %get3A_838 = vector.shape_cast %get3A_837 : vector<1x16xf32> to vector<16xf32>
        %mul3A_839 = arith.mulf %get3A_786, %get3A_838 : vector<16xf32>
        %add3A_840 = arith.addf %add3A_734, %mul3A_839 : vector<16xf32>
        %get3A_841 = arith.index_cast %add3A_782 : i32 to index
        %get3A_842 = arith.constant 144 : index
        %get3A_843 = tpu.vector_load %arg11[%get3A_841, %get3A_842] {strides = array<i32>} : memref<112x256xf32, #tpu.memory_space<vmem>>, vector<1x16xf32>,
        %get3A_844 = vector.shape_cast %get3A_843 : vector<1x16xf32> to vector<16xf32>
        %mul3A_845 = arith.mulf %get3A_786, %get3A_844 : vector<16xf32>
        %add3A_846 = arith.addf %add3A_740, %mul3A_845 : vector<16xf32>
        %get3A_847 = arith.index_cast %add3A_782 : i32 to index
        %get3A_848 = arith.constant 160 : index
        %get3A_849 = tpu.vector_load %arg11[%get3A_847, %get3A_848] {strides = array<i32>} : memref<112x256xf32, #tpu.memory_space<vmem>>, vector<1x16xf32>,
        %get3A_850 = vector.shape_cast %get3A_849 : vector<1x16xf32> to vector<16xf32>
        %mul3A_851 = arith.mulf %get3A_786, %get3A_850 : vector<16xf32>
        %add3A_852 = arith.addf %add3A_746, %mul3A_851 : vector<16xf32>
        %get3A_853 = arith.index_cast %add3A_782 : i32 to index
        %get3A_854 = arith.constant 176 : index
        %get3A_855 = tpu.vector_load %arg11[%get3A_853, %get3A_854] {strides = array<i32>} : memref<112x256xf32, #tpu.memory_space<vmem>>, vector<1x16xf32>,
        %get3A_856 = vector.shape_cast %get3A_855 : vector<1x16xf32> to vector<16xf32>
        %mul3A_857 = arith.mulf %get3A_786, %get3A_856 : vector<16xf32>
        %add3A_858 = arith.addf %add3A_752, %mul3A_857 : vector<16xf32>
        %get3A_859 = arith.index_cast %add3A_782 : i32 to index
        %get3A_860 = arith.constant 192 : index
        %get3A_861 = tpu.vector_load %arg11[%get3A_859, %get3A_860] {strides = array<i32>} : memref<112x256xf32, #tpu.memory_space<vmem>>, vector<1x16xf32>,
        %get3A_862 = vector.shape_cast %get3A_861 : vector<1x16xf32> to vector<16xf32>
        %mul3A_863 = arith.mulf %get3A_786, %get3A_862 : vector<16xf32>
        %add3A_864 = arith.addf %add3A_758, %mul3A_863 : vector<16xf32>
        %get3A_865 = arith.index_cast %add3A_782 : i32 to index
        %get3A_866 = arith.constant 208 : index
        %get3A_867 = tpu.vector_load %arg11[%get3A_865, %get3A_866] {strides = array<i32>} : memref<112x256xf32, #tpu.memory_space<vmem>>, vector<1x16xf32>,
        %get3A_868 = vector.shape_cast %get3A_867 : vector<1x16xf32> to vector<16xf32>
        %mul3A_869 = arith.mulf %get3A_786, %get3A_868 : vector<16xf32>
        %add3A_870 = arith.addf %add3A_764, %mul3A_869 : vector<16xf32>
        %get3A_871 = arith.index_cast %add3A_782 : i32 to index
        %get3A_872 = arith.constant 224 : index
        %get3A_873 = tpu.vector_load %arg11[%get3A_871, %get3A_872] {strides = array<i32>} : memref<112x256xf32, #tpu.memory_space<vmem>>, vector<1x16xf32>,
        %get3A_874 = vector.shape_cast %get3A_873 : vector<1x16xf32> to vector<16xf32>
        %mul3A_875 = arith.mulf %get3A_786, %get3A_874 : vector<16xf32>
        %add3A_876 = arith.addf %add3A_770, %mul3A_875 : vector<16xf32>
        %get3A_877 = arith.index_cast %add3A_782 : i32 to index
        %get3A_878 = arith.constant 240 : index
        %get3A_879 = tpu.vector_load %arg11[%get3A_877, %get3A_878] {strides = array<i32>} : memref<112x256xf32, #tpu.memory_space<vmem>>, vector<1x16xf32>,
        %get3A_880 = vector.shape_cast %get3A_879 : vector<1x16xf32> to vector<16xf32>
        %mul3A_881 = arith.mulf %get3A_786, %get3A_880 : vector<16xf32>
        %add3A_882 = arith.addf %add3A_776, %mul3A_881 : vector<16xf32>
        %mul3A_883 = arith.constant 8 : i32
        %mul3A_884 = arith.muli %scan3A_215, %mul3A_883 : i32
        %add3A_885 = arith.constant 0 : i32
        %add3A_886 = arith.addi %add3A_885, %mul3A_884 : i32
        %add3A_887 = arith.constant 6 : i32
        %add3A_888 = arith.addi %add3A_886, %add3A_887 : i32
        %get3A_889 = arith.index_cast %add3A_888 : i32 to index
        %get3A_890 = arith.constant 0 : index
        %get3A_891 = tpu.vector_load %arg9[%get3A_889, %get3A_890] {strides = array<i32>} : memref<112x16xf32, #tpu.memory_space<vmem>>, vector<1x16xf32>,
        %get3A_892 = vector.shape_cast %get3A_891 : vector<1x16xf32> to vector<16xf32>
        %get3A_893 = arith.index_cast %add3A_888 : i32 to index
        %get3A_894 = arith.constant 0 : index
        %get3A_895 = tpu.vector_load %arg11[%get3A_893, %get3A_894] {strides = array<i32>} : memref<112x256xf32, #tpu.memory_space<vmem>>, vector<1x16xf32>,
        %get3A_896 = vector.shape_cast %get3A_895 : vector<1x16xf32> to vector<16xf32>
        %mul3A_897 = arith.mulf %get3A_892, %get3A_896 : vector<16xf32>
        %add3A_898 = arith.addf %add3A_792, %mul3A_897 : vector<16xf32>
        %get3A_899 = arith.index_cast %add3A_888 : i32 to index
        %get3A_900 = arith.constant 16 : index
        %get3A_901 = tpu.vector_load %arg11[%get3A_899, %get3A_900] {strides = array<i32>} : memref<112x256xf32, #tpu.memory_space<vmem>>, vector<1x16xf32>,
        %get3A_902 = vector.shape_cast %get3A_901 : vector<1x16xf32> to vector<16xf32>
        %mul3A_903 = arith.mulf %get3A_892, %get3A_902 : vector<16xf32>
        %add3A_904 = arith.addf %add3A_798, %mul3A_903 : vector<16xf32>
        %get3A_905 = arith.index_cast %add3A_888 : i32 to index
        %get3A_906 = arith.constant 32 : index
        %get3A_907 = tpu.vector_load %arg11[%get3A_905, %get3A_906] {strides = array<i32>} : memref<112x256xf32, #tpu.memory_space<vmem>>, vector<1x16xf32>,
        %get3A_908 = vector.shape_cast %get3A_907 : vector<1x16xf32> to vector<16xf32>
        %mul3A_909 = arith.mulf %get3A_892, %get3A_908 : vector<16xf32>
        %add3A_910 = arith.addf %add3A_804, %mul3A_909 : vector<16xf32>
        %get3A_911 = arith.index_cast %add3A_888 : i32 to index
        %get3A_912 = arith.constant 48 : index
        %get3A_913 = tpu.vector_load %arg11[%get3A_911, %get3A_912] {strides = array<i32>} : memref<112x256xf32, #tpu.memory_space<vmem>>, vector<1x16xf32>,
        %get3A_914 = vector.shape_cast %get3A_913 : vector<1x16xf32> to vector<16xf32>
        %mul3A_915 = arith.mulf %get3A_892, %get3A_914 : vector<16xf32>
        %add3A_916 = arith.addf %add3A_810, %mul3A_915 : vector<16xf32>
        %get3A_917 = arith.index_cast %add3A_888 : i32 to index
        %get3A_918 = arith.constant 64 : index
        %get3A_919 = tpu.vector_load %arg11[%get3A_917, %get3A_918] {strides = array<i32>} : memref<112x256xf32, #tpu.memory_space<vmem>>, vector<1x16xf32>,
        %get3A_920 = vector.shape_cast %get3A_919 : vector<1x16xf32> to vector<16xf32>
        %mul3A_921 = arith.mulf %get3A_892, %get3A_920 : vector<16xf32>
        %add3A_922 = arith.addf %add3A_816, %mul3A_921 : vector<16xf32>
        %get3A_923 = arith.index_cast %add3A_888 : i32 to index
        %get3A_924 = arith.constant 80 : index
        %get3A_925 = tpu.vector_load %arg11[%get3A_923, %get3A_924] {strides = array<i32>} : memref<112x256xf32, #tpu.memory_space<vmem>>, vector<1x16xf32>,
        %get3A_926 = vector.shape_cast %get3A_925 : vector<1x16xf32> to vector<16xf32>
        %mul3A_927 = arith.mulf %get3A_892, %get3A_926 : vector<16xf32>
        %add3A_928 = arith.addf %add3A_822, %mul3A_927 : vector<16xf32>
        %get3A_929 = arith.index_cast %add3A_888 : i32 to index
        %get3A_930 = arith.constant 96 : index
        %get3A_931 = tpu.vector_load %arg11[%get3A_929, %get3A_930] {strides = array<i32>} : memref<112x256xf32, #tpu.memory_space<vmem>>, vector<1x16xf32>,
        %get3A_932 = vector.shape_cast %get3A_931 : vector<1x16xf32> to vector<16xf32>
        %mul3A_933 = arith.mulf %get3A_892, %get3A_932 : vector<16xf32>
        %add3A_934 = arith.addf %add3A_828, %mul3A_933 : vector<16xf32>
        %get3A_935 = arith.index_cast %add3A_888 : i32 to index
        %get3A_936 = arith.constant 112 : index
        %get3A_937 = tpu.vector_load %arg11[%get3A_935, %get3A_936] {strides = array<i32>} : memref<112x256xf32, #tpu.memory_space<vmem>>, vector<1x16xf32>,
        %get3A_938 = vector.shape_cast %get3A_937 : vector<1x16xf32> to vector<16xf32>
        %mul3A_939 = arith.mulf %get3A_892, %get3A_938 : vector<16xf32>
        %add3A_940 = arith.addf %add3A_834, %mul3A_939 : vector<16xf32>
        %get3A_941 = arith.index_cast %add3A_888 : i32 to index
        %get3A_942 = arith.constant 128 : index
        %get3A_943 = tpu.vector_load %arg11[%get3A_941, %get3A_942] {strides = array<i32>} : memref<112x256xf32, #tpu.memory_space<vmem>>, vector<1x16xf32>,
        %get3A_944 = vector.shape_cast %get3A_943 : vector<1x16xf32> to vector<16xf32>
        %mul3A_945 = arith.mulf %get3A_892, %get3A_944 : vector<16xf32>
        %add3A_946 = arith.addf %add3A_840, %mul3A_945 : vector<16xf32>
        %get3A_947 = arith.index_cast %add3A_888 : i32 to index
        %get3A_948 = arith.constant 144 : index
        %get3A_949 = tpu.vector_load %arg11[%get3A_947, %get3A_948] {strides = array<i32>} : memref<112x256xf32, #tpu.memory_space<vmem>>, vector<1x16xf32>,
        %get3A_950 = vector.shape_cast %get3A_949 : vector<1x16xf32> to vector<16xf32>
        %mul3A_951 = arith.mulf %get3A_892, %get3A_950 : vector<16xf32>
        %add3A_952 = arith.addf %add3A_846, %mul3A_951 : vector<16xf32>
        %get3A_953 = arith.index_cast %add3A_888 : i32 to index
        %get3A_954 = arith.constant 160 : index
        %get3A_955 = tpu.vector_load %arg11[%get3A_953, %get3A_954] {strides = array<i32>} : memref<112x256xf32, #tpu.memory_space<vmem>>, vector<1x16xf32>,
        %get3A_956 = vector.shape_cast %get3A_955 : vector<1x16xf32> to vector<16xf32>
        %mul3A_957 = arith.mulf %get3A_892, %get3A_956 : vector<16xf32>
        %add3A_958 = arith.addf %add3A_852, %mul3A_957 : vector<16xf32>
        %get3A_959 = arith.index_cast %add3A_888 : i32 to index
        %get3A_960 = arith.constant 176 : index
        %get3A_961 = tpu.vector_load %arg11[%get3A_959, %get3A_960] {strides = array<i32>} : memref<112x256xf32, #tpu.memory_space<vmem>>, vector<1x16xf32>,
        %get3A_962 = vector.shape_cast %get3A_961 : vector<1x16xf32> to vector<16xf32>
        %mul3A_963 = arith.mulf %get3A_892, %get3A_962 : vector<16xf32>
        %add3A_964 = arith.addf %add3A_858, %mul3A_963 : vector<16xf32>
        %get3A_965 = arith.index_cast %add3A_888 : i32 to index
        %get3A_966 = arith.constant 192 : index
        %get3A_967 = tpu.vector_load %arg11[%get3A_965, %get3A_966] {strides = array<i32>} : memref<112x256xf32, #tpu.memory_space<vmem>>, vector<1x16xf32>,
        %get3A_968 = vector.shape_cast %get3A_967 : vector<1x16xf32> to vector<16xf32>
        %mul3A_969 = arith.mulf %get3A_892, %get3A_968 : vector<16xf32>
        %add3A_970 = arith.addf %add3A_864, %mul3A_969 : vector<16xf32>
        %get3A_971 = arith.index_cast %add3A_888 : i32 to index
        %get3A_972 = arith.constant 208 : index
        %get3A_973 = tpu.vector_load %arg11[%get3A_971, %get3A_972] {strides = array<i32>} : memref<112x256xf32, #tpu.memory_space<vmem>>, vector<1x16xf32>,
        %get3A_974 = vector.shape_cast %get3A_973 : vector<1x16xf32> to vector<16xf32>
        %mul3A_975 = arith.mulf %get3A_892, %get3A_974 : vector<16xf32>
        %add3A_976 = arith.addf %add3A_870, %mul3A_975 : vector<16xf32>
        %get3A_977 = arith.index_cast %add3A_888 : i32 to index
        %get3A_978 = arith.constant 224 : index
        %get3A_979 = tpu.vector_load %arg11[%get3A_977, %get3A_978] {strides = array<i32>} : memref<112x256xf32, #tpu.memory_space<vmem>>, vector<1x16xf32>,
        %get3A_980 = vector.shape_cast %get3A_979 : vector<1x16xf32> to vector<16xf32>
        %mul3A_981 = arith.mulf %get3A_892, %get3A_980 : vector<16xf32>
        %add3A_982 = arith.addf %add3A_876, %mul3A_981 : vector<16xf32>
        %get3A_983 = arith.index_cast %add3A_888 : i32 to index
        %get3A_984 = arith.constant 240 : index
        %get3A_985 = tpu.vector_load %arg11[%get3A_983, %get3A_984] {strides = array<i32>} : memref<112x256xf32, #tpu.memory_space<vmem>>, vector<1x16xf32>,
        %get3A_986 = vector.shape_cast %get3A_985 : vector<1x16xf32> to vector<16xf32>
        %mul3A_987 = arith.mulf %get3A_892, %get3A_986 : vector<16xf32>
        %add3A_988 = arith.addf %add3A_882, %mul3A_987 : vector<16xf32>
        %mul3A_989 = arith.constant 8 : i32
        %mul3A_990 = arith.muli %scan3A_215, %mul3A_989 : i32
        %add3A_991 = arith.constant 0 : i32
        %add3A_992 = arith.addi %add3A_991, %mul3A_990 : i32
        %add3A_993 = arith.constant 7 : i32
        %add3A_994 = arith.addi %add3A_992, %add3A_993 : i32
        %get3A_995 = arith.index_cast %add3A_994 : i32 to index
        %get3A_996 = arith.constant 0 : index
        %get3A_997 = tpu.vector_load %arg9[%get3A_995, %get3A_996] {strides = array<i32>} : memref<112x16xf32, #tpu.memory_space<vmem>>, vector<1x16xf32>,
        %get3A_998 = vector.shape_cast %get3A_997 : vector<1x16xf32> to vector<16xf32>
        %get3A_999 = arith.index_cast %add3A_994 : i32 to index
        %get3A_1000 = arith.constant 0 : index
        %get3A_1001 = tpu.vector_load %arg11[%get3A_999, %get3A_1000] {strides = array<i32>} : memref<112x256xf32, #tpu.memory_space<vmem>>, vector<1x16xf32>,
        %get3A_1002 = vector.shape_cast %get3A_1001 : vector<1x16xf32> to vector<16xf32>
        %mul3A_1003 = arith.mulf %get3A_998, %get3A_1002 : vector<16xf32>
        %add3A_1004 = arith.addf %add3A_898, %mul3A_1003 : vector<16xf32>
        %get3A_1005 = arith.index_cast %add3A_994 : i32 to index
        %get3A_1006 = arith.constant 16 : index
        %get3A_1007 = tpu.vector_load %arg11[%get3A_1005, %get3A_1006] {strides = array<i32>} : memref<112x256xf32, #tpu.memory_space<vmem>>, vector<1x16xf32>,
        %get3A_1008 = vector.shape_cast %get3A_1007 : vector<1x16xf32> to vector<16xf32>
        %mul3A_1009 = arith.mulf %get3A_998, %get3A_1008 : vector<16xf32>
        %add3A_1010 = arith.addf %add3A_904, %mul3A_1009 : vector<16xf32>
        %get3A_1011 = arith.index_cast %add3A_994 : i32 to index
        %get3A_1012 = arith.constant 32 : index
        %get3A_1013 = tpu.vector_load %arg11[%get3A_1011, %get3A_1012] {strides = array<i32>} : memref<112x256xf32, #tpu.memory_space<vmem>>, vector<1x16xf32>,
        %get3A_1014 = vector.shape_cast %get3A_1013 : vector<1x16xf32> to vector<16xf32>
        %mul3A_1015 = arith.mulf %get3A_998, %get3A_1014 : vector<16xf32>
        %add3A_1016 = arith.addf %add3A_910, %mul3A_1015 : vector<16xf32>
        %get3A_1017 = arith.index_cast %add3A_994 : i32 to index
        %get3A_1018 = arith.constant 48 : index
        %get3A_1019 = tpu.vector_load %arg11[%get3A_1017, %get3A_1018] {strides = array<i32>} : memref<112x256xf32, #tpu.memory_space<vmem>>, vector<1x16xf32>,
        %get3A_1020 = vector.shape_cast %get3A_1019 : vector<1x16xf32> to vector<16xf32>
        %mul3A_1021 = arith.mulf %get3A_998, %get3A_1020 : vector<16xf32>
        %add3A_1022 = arith.addf %add3A_916, %mul3A_1021 : vector<16xf32>
        %get3A_1023 = arith.index_cast %add3A_994 : i32 to index
        %get3A_1024 = arith.constant 64 : index
        %get3A_1025 = tpu.vector_load %arg11[%get3A_1023, %get3A_1024] {strides = array<i32>} : memref<112x256xf32, #tpu.memory_space<vmem>>, vector<1x16xf32>,
        %get3A_1026 = vector.shape_cast %get3A_1025 : vector<1x16xf32> to vector<16xf32>
        %mul3A_1027 = arith.mulf %get3A_998, %get3A_1026 : vector<16xf32>
        %add3A_1028 = arith.addf %add3A_922, %mul3A_1027 : vector<16xf32>
        %get3A_1029 = arith.index_cast %add3A_994 : i32 to index
        %get3A_1030 = arith.constant 80 : index
        %get3A_1031 = tpu.vector_load %arg11[%get3A_1029, %get3A_1030] {strides = array<i32>} : memref<112x256xf32, #tpu.memory_space<vmem>>, vector<1x16xf32>,
        %get3A_1032 = vector.shape_cast %get3A_1031 : vector<1x16xf32> to vector<16xf32>
        %mul3A_1033 = arith.mulf %get3A_998, %get3A_1032 : vector<16xf32>
        %add3A_1034 = arith.addf %add3A_928, %mul3A_1033 : vector<16xf32>
        %get3A_1035 = arith.index_cast %add3A_994 : i32 to index
        %get3A_1036 = arith.constant 96 : index
        %get3A_1037 = tpu.vector_load %arg11[%get3A_1035, %get3A_1036] {strides = array<i32>} : memref<112x256xf32, #tpu.memory_space<vmem>>, vector<1x16xf32>,
        %get3A_1038 = vector.shape_cast %get3A_1037 : vector<1x16xf32> to vector<16xf32>
        %mul3A_1039 = arith.mulf %get3A_998, %get3A_1038 : vector<16xf32>
        %add3A_1040 = arith.addf %add3A_934, %mul3A_1039 : vector<16xf32>
        %get3A_1041 = arith.index_cast %add3A_994 : i32 to index
        %get3A_1042 = arith.constant 112 : index
        %get3A_1043 = tpu.vector_load %arg11[%get3A_1041, %get3A_1042] {strides = array<i32>} : memref<112x256xf32, #tpu.memory_space<vmem>>, vector<1x16xf32>,
        %get3A_1044 = vector.shape_cast %get3A_1043 : vector<1x16xf32> to vector<16xf32>
        %mul3A_1045 = arith.mulf %get3A_998, %get3A_1044 : vector<16xf32>
        %add3A_1046 = arith.addf %add3A_940, %mul3A_1045 : vector<16xf32>
        %get3A_1047 = arith.index_cast %add3A_994 : i32 to index
        %get3A_1048 = arith.constant 128 : index
        %get3A_1049 = tpu.vector_load %arg11[%get3A_1047, %get3A_1048] {strides = array<i32>} : memref<112x256xf32, #tpu.memory_space<vmem>>, vector<1x16xf32>,
        %get3A_1050 = vector.shape_cast %get3A_1049 : vector<1x16xf32> to vector<16xf32>
        %mul3A_1051 = arith.mulf %get3A_998, %get3A_1050 : vector<16xf32>
        %add3A_1052 = arith.addf %add3A_946, %mul3A_1051 : vector<16xf32>
        %get3A_1053 = arith.index_cast %add3A_994 : i32 to index
        %get3A_1054 = arith.constant 144 : index
        %get3A_1055 = tpu.vector_load %arg11[%get3A_1053, %get3A_1054] {strides = array<i32>} : memref<112x256xf32, #tpu.memory_space<vmem>>, vector<1x16xf32>,
        %get3A_1056 = vector.shape_cast %get3A_1055 : vector<1x16xf32> to vector<16xf32>
        %mul3A_1057 = arith.mulf %get3A_998, %get3A_1056 : vector<16xf32>
        %add3A_1058 = arith.addf %add3A_952, %mul3A_1057 : vector<16xf32>
        %get3A_1059 = arith.index_cast %add3A_994 : i32 to index
        %get3A_1060 = arith.constant 160 : index
        %get3A_1061 = tpu.vector_load %arg11[%get3A_1059, %get3A_1060] {strides = array<i32>} : memref<112x256xf32, #tpu.memory_space<vmem>>, vector<1x16xf32>,
        %get3A_1062 = vector.shape_cast %get3A_1061 : vector<1x16xf32> to vector<16xf32>
        %mul3A_1063 = arith.mulf %get3A_998, %get3A_1062 : vector<16xf32>
        %add3A_1064 = arith.addf %add3A_958, %mul3A_1063 : vector<16xf32>
        %get3A_1065 = arith.index_cast %add3A_994 : i32 to index
        %get3A_1066 = arith.constant 176 : index
        %get3A_1067 = tpu.vector_load %arg11[%get3A_1065, %get3A_1066] {strides = array<i32>} : memref<112x256xf32, #tpu.memory_space<vmem>>, vector<1x16xf32>,
        %get3A_1068 = vector.shape_cast %get3A_1067 : vector<1x16xf32> to vector<16xf32>
        %mul3A_1069 = arith.mulf %get3A_998, %get3A_1068 : vector<16xf32>
        %add3A_1070 = arith.addf %add3A_964, %mul3A_1069 : vector<16xf32>
        %get3A_1071 = arith.index_cast %add3A_994 : i32 to index
        %get3A_1072 = arith.constant 192 : index
        %get3A_1073 = tpu.vector_load %arg11[%get3A_1071, %get3A_1072] {strides = array<i32>} : memref<112x256xf32, #tpu.memory_space<vmem>>, vector<1x16xf32>,
        %get3A_1074 = vector.shape_cast %get3A_1073 : vector<1x16xf32> to vector<16xf32>
        %mul3A_1075 = arith.mulf %get3A_998, %get3A_1074 : vector<16xf32>
        %add3A_1076 = arith.addf %add3A_970, %mul3A_1075 : vector<16xf32>
        %get3A_1077 = arith.index_cast %add3A_994 : i32 to index
        %get3A_1078 = arith.constant 208 : index
        %get3A_1079 = tpu.vector_load %arg11[%get3A_1077, %get3A_1078] {strides = array<i32>} : memref<112x256xf32, #tpu.memory_space<vmem>>, vector<1x16xf32>,
        %get3A_1080 = vector.shape_cast %get3A_1079 : vector<1x16xf32> to vector<16xf32>
        %mul3A_1081 = arith.mulf %get3A_998, %get3A_1080 : vector<16xf32>
        %add3A_1082 = arith.addf %add3A_976, %mul3A_1081 : vector<16xf32>
        %get3A_1083 = arith.index_cast %add3A_994 : i32 to index
        %get3A_1084 = arith.constant 224 : index
        %get3A_1085 = tpu.vector_load %arg11[%get3A_1083, %get3A_1084] {strides = array<i32>} : memref<112x256xf32, #tpu.memory_space<vmem>>, vector<1x16xf32>,
        %get3A_1086 = vector.shape_cast %get3A_1085 : vector<1x16xf32> to vector<16xf32>
        %mul3A_1087 = arith.mulf %get3A_998, %get3A_1086 : vector<16xf32>
        %add3A_1088 = arith.addf %add3A_982, %mul3A_1087 : vector<16xf32>
        %get3A_1089 = arith.index_cast %add3A_994 : i32 to index
        %get3A_1090 = arith.constant 240 : index
        %get3A_1091 = tpu.vector_load %arg11[%get3A_1089, %get3A_1090] {strides = array<i32>} : memref<112x256xf32, #tpu.memory_space<vmem>>, vector<1x16xf32>,
        %get3A_1092 = vector.shape_cast %get3A_1091 : vector<1x16xf32> to vector<16xf32>
        %mul3A_1093 = arith.mulf %get3A_998, %get3A_1092 : vector<16xf32>
        %add3A_1094 = arith.addf %add3A_988, %mul3A_1093 : vector<16xf32>
        %mul3A_1095 = arith.constant 8 : i32
        %mul3A_1096 = arith.muli %scan3A_215, %mul3A_1095 : i32
        %add3A_1097 = arith.constant 56 : i32
        %add3A_1098 = arith.addi %add3A_1097, %mul3A_1096 : i32
        %add3A_1099 = arith.constant 0 : i32
        %add3A_1100 = arith.addi %add3A_1098, %add3A_1099 : i32
        %get3A_1101 = arith.index_cast %add3A_1100 : i32 to index
        %get3A_1102 = arith.constant 0 : index
        %get3A_1103 = tpu.vector_load %arg9[%get3A_1101, %get3A_1102] {strides = array<i32>} : memref<112x16xf32, #tpu.memory_space<vmem>>, vector<1x16xf32>,
        %get3A_1104 = vector.shape_cast %get3A_1103 : vector<1x16xf32> to vector<16xf32>
        %get3A_1105 = arith.index_cast %add3A_1100 : i32 to index
        %get3A_1106 = arith.constant 0 : index
        %get3A_1107 = tpu.vector_load %arg11[%get3A_1105, %get3A_1106] {strides = array<i32>} : memref<112x256xf32, #tpu.memory_space<vmem>>, vector<1x16xf32>,
        %get3A_1108 = vector.shape_cast %get3A_1107 : vector<1x16xf32> to vector<16xf32>
        %mul3A_1109 = arith.mulf %get3A_1104, %get3A_1108 : vector<16xf32>
        %add3A_1110 = arith.addf %add3A_1004, %mul3A_1109 : vector<16xf32>
        %get3A_1111 = arith.index_cast %add3A_1100 : i32 to index
        %get3A_1112 = arith.constant 16 : index
        %get3A_1113 = tpu.vector_load %arg11[%get3A_1111, %get3A_1112] {strides = array<i32>} : memref<112x256xf32, #tpu.memory_space<vmem>>, vector<1x16xf32>,
        %get3A_1114 = vector.shape_cast %get3A_1113 : vector<1x16xf32> to vector<16xf32>
        %mul3A_1115 = arith.mulf %get3A_1104, %get3A_1114 : vector<16xf32>
        %add3A_1116 = arith.addf %add3A_1010, %mul3A_1115 : vector<16xf32>
        %get3A_1117 = arith.index_cast %add3A_1100 : i32 to index
        %get3A_1118 = arith.constant 32 : index
        %get3A_1119 = tpu.vector_load %arg11[%get3A_1117, %get3A_1118] {strides = array<i32>} : memref<112x256xf32, #tpu.memory_space<vmem>>, vector<1x16xf32>,
        %get3A_1120 = vector.shape_cast %get3A_1119 : vector<1x16xf32> to vector<16xf32>
        %mul3A_1121 = arith.mulf %get3A_1104, %get3A_1120 : vector<16xf32>
        %add3A_1122 = arith.addf %add3A_1016, %mul3A_1121 : vector<16xf32>
        %get3A_1123 = arith.index_cast %add3A_1100 : i32 to index
        %get3A_1124 = arith.constant 48 : index
        %get3A_1125 = tpu.vector_load %arg11[%get3A_1123, %get3A_1124] {strides = array<i32>} : memref<112x256xf32, #tpu.memory_space<vmem>>, vector<1x16xf32>,
        %get3A_1126 = vector.shape_cast %get3A_1125 : vector<1x16xf32> to vector<16xf32>
        %mul3A_1127 = arith.mulf %get3A_1104, %get3A_1126 : vector<16xf32>
        %add3A_1128 = arith.addf %add3A_1022, %mul3A_1127 : vector<16xf32>
        %get3A_1129 = arith.index_cast %add3A_1100 : i32 to index
        %get3A_1130 = arith.constant 64 : index
        %get3A_1131 = tpu.vector_load %arg11[%get3A_1129, %get3A_1130] {strides = array<i32>} : memref<112x256xf32, #tpu.memory_space<vmem>>, vector<1x16xf32>,
        %get3A_1132 = vector.shape_cast %get3A_1131 : vector<1x16xf32> to vector<16xf32>
        %mul3A_1133 = arith.mulf %get3A_1104, %get3A_1132 : vector<16xf32>
        %add3A_1134 = arith.addf %add3A_1028, %mul3A_1133 : vector<16xf32>
        %get3A_1135 = arith.index_cast %add3A_1100 : i32 to index
        %get3A_1136 = arith.constant 80 : index
        %get3A_1137 = tpu.vector_load %arg11[%get3A_1135, %get3A_1136] {strides = array<i32>} : memref<112x256xf32, #tpu.memory_space<vmem>>, vector<1x16xf32>,
        %get3A_1138 = vector.shape_cast %get3A_1137 : vector<1x16xf32> to vector<16xf32>
        %mul3A_1139 = arith.mulf %get3A_1104, %get3A_1138 : vector<16xf32>
        %add3A_1140 = arith.addf %add3A_1034, %mul3A_1139 : vector<16xf32>
        %get3A_1141 = arith.index_cast %add3A_1100 : i32 to index
        %get3A_1142 = arith.constant 96 : index
        %get3A_1143 = tpu.vector_load %arg11[%get3A_1141, %get3A_1142] {strides = array<i32>} : memref<112x256xf32, #tpu.memory_space<vmem>>, vector<1x16xf32>,
        %get3A_1144 = vector.shape_cast %get3A_1143 : vector<1x16xf32> to vector<16xf32>
        %mul3A_1145 = arith.mulf %get3A_1104, %get3A_1144 : vector<16xf32>
        %add3A_1146 = arith.addf %add3A_1040, %mul3A_1145 : vector<16xf32>
        %get3A_1147 = arith.index_cast %add3A_1100 : i32 to index
        %get3A_1148 = arith.constant 112 : index
        %get3A_1149 = tpu.vector_load %arg11[%get3A_1147, %get3A_1148] {strides = array<i32>} : memref<112x256xf32, #tpu.memory_space<vmem>>, vector<1x16xf32>,
        %get3A_1150 = vector.shape_cast %get3A_1149 : vector<1x16xf32> to vector<16xf32>
        %mul3A_1151 = arith.mulf %get3A_1104, %get3A_1150 : vector<16xf32>
        %add3A_1152 = arith.addf %add3A_1046, %mul3A_1151 : vector<16xf32>
        %get3A_1153 = arith.index_cast %add3A_1100 : i32 to index
        %get3A_1154 = arith.constant 128 : index
        %get3A_1155 = tpu.vector_load %arg11[%get3A_1153, %get3A_1154] {strides = array<i32>} : memref<112x256xf32, #tpu.memory_space<vmem>>, vector<1x16xf32>,
        %get3A_1156 = vector.shape_cast %get3A_1155 : vector<1x16xf32> to vector<16xf32>
        %mul3A_1157 = arith.mulf %get3A_1104, %get3A_1156 : vector<16xf32>
        %add3A_1158 = arith.addf %add3A_1052, %mul3A_1157 : vector<16xf32>
        %get3A_1159 = arith.index_cast %add3A_1100 : i32 to index
        %get3A_1160 = arith.constant 144 : index
        %get3A_1161 = tpu.vector_load %arg11[%get3A_1159, %get3A_1160] {strides = array<i32>} : memref<112x256xf32, #tpu.memory_space<vmem>>, vector<1x16xf32>,
        %get3A_1162 = vector.shape_cast %get3A_1161 : vector<1x16xf32> to vector<16xf32>
        %mul3A_1163 = arith.mulf %get3A_1104, %get3A_1162 : vector<16xf32>
        %add3A_1164 = arith.addf %add3A_1058, %mul3A_1163 : vector<16xf32>
        %get3A_1165 = arith.index_cast %add3A_1100 : i32 to index
        %get3A_1166 = arith.constant 160 : index
        %get3A_1167 = tpu.vector_load %arg11[%get3A_1165, %get3A_1166] {strides = array<i32>} : memref<112x256xf32, #tpu.memory_space<vmem>>, vector<1x16xf32>,
        %get3A_1168 = vector.shape_cast %get3A_1167 : vector<1x16xf32> to vector<16xf32>
        %mul3A_1169 = arith.mulf %get3A_1104, %get3A_1168 : vector<16xf32>
        %add3A_1170 = arith.addf %add3A_1064, %mul3A_1169 : vector<16xf32>
        %get3A_1171 = arith.index_cast %add3A_1100 : i32 to index
        %get3A_1172 = arith.constant 176 : index
        %get3A_1173 = tpu.vector_load %arg11[%get3A_1171, %get3A_1172] {strides = array<i32>} : memref<112x256xf32, #tpu.memory_space<vmem>>, vector<1x16xf32>,
        %get3A_1174 = vector.shape_cast %get3A_1173 : vector<1x16xf32> to vector<16xf32>
        %mul3A_1175 = arith.mulf %get3A_1104, %get3A_1174 : vector<16xf32>
        %add3A_1176 = arith.addf %add3A_1070, %mul3A_1175 : vector<16xf32>
        %get3A_1177 = arith.index_cast %add3A_1100 : i32 to index
        %get3A_1178 = arith.constant 192 : index
        %get3A_1179 = tpu.vector_load %arg11[%get3A_1177, %get3A_1178] {strides = array<i32>} : memref<112x256xf32, #tpu.memory_space<vmem>>, vector<1x16xf32>,
        %get3A_1180 = vector.shape_cast %get3A_1179 : vector<1x16xf32> to vector<16xf32>
        %mul3A_1181 = arith.mulf %get3A_1104, %get3A_1180 : vector<16xf32>
        %add3A_1182 = arith.addf %add3A_1076, %mul3A_1181 : vector<16xf32>
        %get3A_1183 = arith.index_cast %add3A_1100 : i32 to index
        %get3A_1184 = arith.constant 208 : index
        %get3A_1185 = tpu.vector_load %arg11[%get3A_1183, %get3A_1184] {strides = array<i32>} : memref<112x256xf32, #tpu.memory_space<vmem>>, vector<1x16xf32>,
        %get3A_1186 = vector.shape_cast %get3A_1185 : vector<1x16xf32> to vector<16xf32>
        %mul3A_1187 = arith.mulf %get3A_1104, %get3A_1186 : vector<16xf32>
        %add3A_1188 = arith.addf %add3A_1082, %mul3A_1187 : vector<16xf32>
        %get3A_1189 = arith.index_cast %add3A_1100 : i32 to index
        %get3A_1190 = arith.constant 224 : index
        %get3A_1191 = tpu.vector_load %arg11[%get3A_1189, %get3A_1190] {strides = array<i32>} : memref<112x256xf32, #tpu.memory_space<vmem>>, vector<1x16xf32>,
        %get3A_1192 = vector.shape_cast %get3A_1191 : vector<1x16xf32> to vector<16xf32>
        %mul3A_1193 = arith.mulf %get3A_1104, %get3A_1192 : vector<16xf32>
        %add3A_1194 = arith.addf %add3A_1088, %mul3A_1193 : vector<16xf32>
        %get3A_1195 = arith.index_cast %add3A_1100 : i32 to index
        %get3A_1196 = arith.constant 240 : index
        %get3A_1197 = tpu.vector_load %arg11[%get3A_1195, %get3A_1196] {strides = array<i32>} : memref<112x256xf32, #tpu.memory_space<vmem>>, vector<1x16xf32>,
        %get3A_1198 = vector.shape_cast %get3A_1197 : vector<1x16xf32> to vector<16xf32>
        %mul3A_1199 = arith.mulf %get3A_1104, %get3A_1198 : vector<16xf32>
        %add3A_1200 = arith.addf %add3A_1094, %mul3A_1199 : vector<16xf32>
        %mul3A_1201 = arith.constant 8 : i32
        %mul3A_1202 = arith.muli %scan3A_215, %mul3A_1201 : i32
        %add3A_1203 = arith.constant 56 : i32
        %add3A_1204 = arith.addi %add3A_1203, %mul3A_1202 : i32
        %add3A_1205 = arith.constant 1 : i32
        %add3A_1206 = arith.addi %add3A_1204, %add3A_1205 : i32
        %get3A_1207 = arith.index_cast %add3A_1206 : i32 to index
        %get3A_1208 = arith.constant 0 : index
        %get3A_1209 = tpu.vector_load %arg9[%get3A_1207, %get3A_1208] {strides = array<i32>} : memref<112x16xf32, #tpu.memory_space<vmem>>, vector<1x16xf32>,
        %get3A_1210 = vector.shape_cast %get3A_1209 : vector<1x16xf32> to vector<16xf32>
        %get3A_1211 = arith.index_cast %add3A_1206 : i32 to index
        %get3A_1212 = arith.constant 0 : index
        %get3A_1213 = tpu.vector_load %arg11[%get3A_1211, %get3A_1212] {strides = array<i32>} : memref<112x256xf32, #tpu.memory_space<vmem>>, vector<1x16xf32>,
        %get3A_1214 = vector.shape_cast %get3A_1213 : vector<1x16xf32> to vector<16xf32>
        %mul3A_1215 = arith.mulf %get3A_1210, %get3A_1214 : vector<16xf32>
        %add3A_1216 = arith.addf %add3A_1110, %mul3A_1215 : vector<16xf32>
        %get3A_1217 = arith.index_cast %add3A_1206 : i32 to index
        %get3A_1218 = arith.constant 16 : index
        %get3A_1219 = tpu.vector_load %arg11[%get3A_1217, %get3A_1218] {strides = array<i32>} : memref<112x256xf32, #tpu.memory_space<vmem>>, vector<1x16xf32>,
        %get3A_1220 = vector.shape_cast %get3A_1219 : vector<1x16xf32> to vector<16xf32>
        %mul3A_1221 = arith.mulf %get3A_1210, %get3A_1220 : vector<16xf32>
        %add3A_1222 = arith.addf %add3A_1116, %mul3A_1221 : vector<16xf32>
        %get3A_1223 = arith.index_cast %add3A_1206 : i32 to index
        %get3A_1224 = arith.constant 32 : index
        %get3A_1225 = tpu.vector_load %arg11[%get3A_1223, %get3A_1224] {strides = array<i32>} : memref<112x256xf32, #tpu.memory_space<vmem>>, vector<1x16xf32>,
        %get3A_1226 = vector.shape_cast %get3A_1225 : vector<1x16xf32> to vector<16xf32>
        %mul3A_1227 = arith.mulf %get3A_1210, %get3A_1226 : vector<16xf32>
        %add3A_1228 = arith.addf %add3A_1122, %mul3A_1227 : vector<16xf32>
        %get3A_1229 = arith.index_cast %add3A_1206 : i32 to index
        %get3A_1230 = arith.constant 48 : index
        %get3A_1231 = tpu.vector_load %arg11[%get3A_1229, %get3A_1230] {strides = array<i32>} : memref<112x256xf32, #tpu.memory_space<vmem>>, vector<1x16xf32>,
        %get3A_1232 = vector.shape_cast %get3A_1231 : vector<1x16xf32> to vector<16xf32>
        %mul3A_1233 = arith.mulf %get3A_1210, %get3A_1232 : vector<16xf32>
        %add3A_1234 = arith.addf %add3A_1128, %mul3A_1233 : vector<16xf32>
        %get3A_1235 = arith.index_cast %add3A_1206 : i32 to index
        %get3A_1236 = arith.constant 64 : index
        %get3A_1237 = tpu.vector_load %arg11[%get3A_1235, %get3A_1236] {strides = array<i32>} : memref<112x256xf32, #tpu.memory_space<vmem>>, vector<1x16xf32>,
        %get3A_1238 = vector.shape_cast %get3A_1237 : vector<1x16xf32> to vector<16xf32>
        %mul3A_1239 = arith.mulf %get3A_1210, %get3A_1238 : vector<16xf32>
        %add3A_1240 = arith.addf %add3A_1134, %mul3A_1239 : vector<16xf32>
        %get3A_1241 = arith.index_cast %add3A_1206 : i32 to index
        %get3A_1242 = arith.constant 80 : index
        %get3A_1243 = tpu.vector_load %arg11[%get3A_1241, %get3A_1242] {strides = array<i32>} : memref<112x256xf32, #tpu.memory_space<vmem>>, vector<1x16xf32>,
        %get3A_1244 = vector.shape_cast %get3A_1243 : vector<1x16xf32> to vector<16xf32>
        %mul3A_1245 = arith.mulf %get3A_1210, %get3A_1244 : vector<16xf32>
        %add3A_1246 = arith.addf %add3A_1140, %mul3A_1245 : vector<16xf32>
        %get3A_1247 = arith.index_cast %add3A_1206 : i32 to index
        %get3A_1248 = arith.constant 96 : index
        %get3A_1249 = tpu.vector_load %arg11[%get3A_1247, %get3A_1248] {strides = array<i32>} : memref<112x256xf32, #tpu.memory_space<vmem>>, vector<1x16xf32>,
        %get3A_1250 = vector.shape_cast %get3A_1249 : vector<1x16xf32> to vector<16xf32>
        %mul3A_1251 = arith.mulf %get3A_1210, %get3A_1250 : vector<16xf32>
        %add3A_1252 = arith.addf %add3A_1146, %mul3A_1251 : vector<16xf32>
        %get3A_1253 = arith.index_cast %add3A_1206 : i32 to index
        %get3A_1254 = arith.constant 112 : index
        %get3A_1255 = tpu.vector_load %arg11[%get3A_1253, %get3A_1254] {strides = array<i32>} : memref<112x256xf32, #tpu.memory_space<vmem>>, vector<1x16xf32>,
        %get3A_1256 = vector.shape_cast %get3A_1255 : vector<1x16xf32> to vector<16xf32>
        %mul3A_1257 = arith.mulf %get3A_1210, %get3A_1256 : vector<16xf32>
        %add3A_1258 = arith.addf %add3A_1152, %mul3A_1257 : vector<16xf32>
        %get3A_1259 = arith.index_cast %add3A_1206 : i32 to index
        %get3A_1260 = arith.constant 128 : index
        %get3A_1261 = tpu.vector_load %arg11[%get3A_1259, %get3A_1260] {strides = array<i32>} : memref<112x256xf32, #tpu.memory_space<vmem>>, vector<1x16xf32>,
        %get3A_1262 = vector.shape_cast %get3A_1261 : vector<1x16xf32> to vector<16xf32>
        %mul3A_1263 = arith.mulf %get3A_1210, %get3A_1262 : vector<16xf32>
        %add3A_1264 = arith.addf %add3A_1158, %mul3A_1263 : vector<16xf32>
        %get3A_1265 = arith.index_cast %add3A_1206 : i32 to index
        %get3A_1266 = arith.constant 144 : index
        %get3A_1267 = tpu.vector_load %arg11[%get3A_1265, %get3A_1266] {strides = array<i32>} : memref<112x256xf32, #tpu.memory_space<vmem>>, vector<1x16xf32>,
        %get3A_1268 = vector.shape_cast %get3A_1267 : vector<1x16xf32> to vector<16xf32>
        %mul3A_1269 = arith.mulf %get3A_1210, %get3A_1268 : vector<16xf32>
        %add3A_1270 = arith.addf %add3A_1164, %mul3A_1269 : vector<16xf32>
        %get3A_1271 = arith.index_cast %add3A_1206 : i32 to index
        %get3A_1272 = arith.constant 160 : index
        %get3A_1273 = tpu.vector_load %arg11[%get3A_1271, %get3A_1272] {strides = array<i32>} : memref<112x256xf32, #tpu.memory_space<vmem>>, vector<1x16xf32>,
        %get3A_1274 = vector.shape_cast %get3A_1273 : vector<1x16xf32> to vector<16xf32>
        %mul3A_1275 = arith.mulf %get3A_1210, %get3A_1274 : vector<16xf32>
        %add3A_1276 = arith.addf %add3A_1170, %mul3A_1275 : vector<16xf32>
        %get3A_1277 = arith.index_cast %add3A_1206 : i32 to index
        %get3A_1278 = arith.constant 176 : index
        %get3A_1279 = tpu.vector_load %arg11[%get3A_1277, %get3A_1278] {strides = array<i32>} : memref<112x256xf32, #tpu.memory_space<vmem>>, vector<1x16xf32>,
        %get3A_1280 = vector.shape_cast %get3A_1279 : vector<1x16xf32> to vector<16xf32>
        %mul3A_1281 = arith.mulf %get3A_1210, %get3A_1280 : vector<16xf32>
        %add3A_1282 = arith.addf %add3A_1176, %mul3A_1281 : vector<16xf32>
        %get3A_1283 = arith.index_cast %add3A_1206 : i32 to index
        %get3A_1284 = arith.constant 192 : index
        %get3A_1285 = tpu.vector_load %arg11[%get3A_1283, %get3A_1284] {strides = array<i32>} : memref<112x256xf32, #tpu.memory_space<vmem>>, vector<1x16xf32>,
        %get3A_1286 = vector.shape_cast %get3A_1285 : vector<1x16xf32> to vector<16xf32>
        %mul3A_1287 = arith.mulf %get3A_1210, %get3A_1286 : vector<16xf32>
        %add3A_1288 = arith.addf %add3A_1182, %mul3A_1287 : vector<16xf32>
        %get3A_1289 = arith.index_cast %add3A_1206 : i32 to index
        %get3A_1290 = arith.constant 208 : index
        %get3A_1291 = tpu.vector_load %arg11[%get3A_1289, %get3A_1290] {strides = array<i32>} : memref<112x256xf32, #tpu.memory_space<vmem>>, vector<1x16xf32>,
        %get3A_1292 = vector.shape_cast %get3A_1291 : vector<1x16xf32> to vector<16xf32>
        %mul3A_1293 = arith.mulf %get3A_1210, %get3A_1292 : vector<16xf32>
        %add3A_1294 = arith.addf %add3A_1188, %mul3A_1293 : vector<16xf32>
        %get3A_1295 = arith.index_cast %add3A_1206 : i32 to index
        %get3A_1296 = arith.constant 224 : index
        %get3A_1297 = tpu.vector_load %arg11[%get3A_1295, %get3A_1296] {strides = array<i32>} : memref<112x256xf32, #tpu.memory_space<vmem>>, vector<1x16xf32>,
        %get3A_1298 = vector.shape_cast %get3A_1297 : vector<1x16xf32> to vector<16xf32>
        %mul3A_1299 = arith.mulf %get3A_1210, %get3A_1298 : vector<16xf32>
        %add3A_1300 = arith.addf %add3A_1194, %mul3A_1299 : vector<16xf32>
        %get3A_1301 = arith.index_cast %add3A_1206 : i32 to index
        %get3A_1302 = arith.constant 240 : index
        %get3A_1303 = tpu.vector_load %arg11[%get3A_1301, %get3A_1302] {strides = array<i32>} : memref<112x256xf32, #tpu.memory_space<vmem>>, vector<1x16xf32>,
        %get3A_1304 = vector.shape_cast %get3A_1303 : vector<1x16xf32> to vector<16xf32>
        %mul3A_1305 = arith.mulf %get3A_1210, %get3A_1304 : vector<16xf32>
        %add3A_1306 = arith.addf %add3A_1200, %mul3A_1305 : vector<16xf32>
        %mul3A_1307 = arith.constant 8 : i32
        %mul3A_1308 = arith.muli %scan3A_215, %mul3A_1307 : i32
        %add3A_1309 = arith.constant 56 : i32
        %add3A_1310 = arith.addi %add3A_1309, %mul3A_1308 : i32
        %add3A_1311 = arith.constant 2 : i32
        %add3A_1312 = arith.addi %add3A_1310, %add3A_1311 : i32
        %get3A_1313 = arith.index_cast %add3A_1312 : i32 to index
        %get3A_1314 = arith.constant 0 : index
        %get3A_1315 = tpu.vector_load %arg9[%get3A_1313, %get3A_1314] {strides = array<i32>} : memref<112x16xf32, #tpu.memory_space<vmem>>, vector<1x16xf32>,
        %get3A_1316 = vector.shape_cast %get3A_1315 : vector<1x16xf32> to vector<16xf32>
        %get3A_1317 = arith.index_cast %add3A_1312 : i32 to index
        %get3A_1318 = arith.constant 0 : index
        %get3A_1319 = tpu.vector_load %arg11[%get3A_1317, %get3A_1318] {strides = array<i32>} : memref<112x256xf32, #tpu.memory_space<vmem>>, vector<1x16xf32>,
        %get3A_1320 = vector.shape_cast %get3A_1319 : vector<1x16xf32> to vector<16xf32>
        %mul3A_1321 = arith.mulf %get3A_1316, %get3A_1320 : vector<16xf32>
        %add3A_1322 = arith.addf %add3A_1216, %mul3A_1321 : vector<16xf32>
        %get3A_1323 = arith.index_cast %add3A_1312 : i32 to index
        %get3A_1324 = arith.constant 16 : index
        %get3A_1325 = tpu.vector_load %arg11[%get3A_1323, %get3A_1324] {strides = array<i32>} : memref<112x256xf32, #tpu.memory_space<vmem>>, vector<1x16xf32>,
        %get3A_1326 = vector.shape_cast %get3A_1325 : vector<1x16xf32> to vector<16xf32>
        %mul3A_1327 = arith.mulf %get3A_1316, %get3A_1326 : vector<16xf32>
        %add3A_1328 = arith.addf %add3A_1222, %mul3A_1327 : vector<16xf32>
        %get3A_1329 = arith.index_cast %add3A_1312 : i32 to index
        %get3A_1330 = arith.constant 32 : index
        %get3A_1331 = tpu.vector_load %arg11[%get3A_1329, %get3A_1330] {strides = array<i32>} : memref<112x256xf32, #tpu.memory_space<vmem>>, vector<1x16xf32>,
        %get3A_1332 = vector.shape_cast %get3A_1331 : vector<1x16xf32> to vector<16xf32>
        %mul3A_1333 = arith.mulf %get3A_1316, %get3A_1332 : vector<16xf32>
        %add3A_1334 = arith.addf %add3A_1228, %mul3A_1333 : vector<16xf32>
        %get3A_1335 = arith.index_cast %add3A_1312 : i32 to index
        %get3A_1336 = arith.constant 48 : index
        %get3A_1337 = tpu.vector_load %arg11[%get3A_1335, %get3A_1336] {strides = array<i32>} : memref<112x256xf32, #tpu.memory_space<vmem>>, vector<1x16xf32>,
        %get3A_1338 = vector.shape_cast %get3A_1337 : vector<1x16xf32> to vector<16xf32>
        %mul3A_1339 = arith.mulf %get3A_1316, %get3A_1338 : vector<16xf32>
        %add3A_1340 = arith.addf %add3A_1234, %mul3A_1339 : vector<16xf32>
        %get3A_1341 = arith.index_cast %add3A_1312 : i32 to index
        %get3A_1342 = arith.constant 64 : index
        %get3A_1343 = tpu.vector_load %arg11[%get3A_1341, %get3A_1342] {strides = array<i32>} : memref<112x256xf32, #tpu.memory_space<vmem>>, vector<1x16xf32>,
        %get3A_1344 = vector.shape_cast %get3A_1343 : vector<1x16xf32> to vector<16xf32>
        %mul3A_1345 = arith.mulf %get3A_1316, %get3A_1344 : vector<16xf32>
        %add3A_1346 = arith.addf %add3A_1240, %mul3A_1345 : vector<16xf32>
        %get3A_1347 = arith.index_cast %add3A_1312 : i32 to index
        %get3A_1348 = arith.constant 80 : index
        %get3A_1349 = tpu.vector_load %arg11[%get3A_1347, %get3A_1348] {strides = array<i32>} : memref<112x256xf32, #tpu.memory_space<vmem>>, vector<1x16xf32>,
        %get3A_1350 = vector.shape_cast %get3A_1349 : vector<1x16xf32> to vector<16xf32>
        %mul3A_1351 = arith.mulf %get3A_1316, %get3A_1350 : vector<16xf32>
        %add3A_1352 = arith.addf %add3A_1246, %mul3A_1351 : vector<16xf32>
        %get3A_1353 = arith.index_cast %add3A_1312 : i32 to index
        %get3A_1354 = arith.constant 96 : index
        %get3A_1355 = tpu.vector_load %arg11[%get3A_1353, %get3A_1354] {strides = array<i32>} : memref<112x256xf32, #tpu.memory_space<vmem>>, vector<1x16xf32>,
        %get3A_1356 = vector.shape_cast %get3A_1355 : vector<1x16xf32> to vector<16xf32>
        %mul3A_1357 = arith.mulf %get3A_1316, %get3A_1356 : vector<16xf32>
        %add3A_1358 = arith.addf %add3A_1252, %mul3A_1357 : vector<16xf32>
        %get3A_1359 = arith.index_cast %add3A_1312 : i32 to index
        %get3A_1360 = arith.constant 112 : index
        %get3A_1361 = tpu.vector_load %arg11[%get3A_1359, %get3A_1360] {strides = array<i32>} : memref<112x256xf32, #tpu.memory_space<vmem>>, vector<1x16xf32>,
        %get3A_1362 = vector.shape_cast %get3A_1361 : vector<1x16xf32> to vector<16xf32>
        %mul3A_1363 = arith.mulf %get3A_1316, %get3A_1362 : vector<16xf32>
        %add3A_1364 = arith.addf %add3A_1258, %mul3A_1363 : vector<16xf32>
        %get3A_1365 = arith.index_cast %add3A_1312 : i32 to index
        %get3A_1366 = arith.constant 128 : index
        %get3A_1367 = tpu.vector_load %arg11[%get3A_1365, %get3A_1366] {strides = array<i32>} : memref<112x256xf32, #tpu.memory_space<vmem>>, vector<1x16xf32>,
        %get3A_1368 = vector.shape_cast %get3A_1367 : vector<1x16xf32> to vector<16xf32>
        %mul3A_1369 = arith.mulf %get3A_1316, %get3A_1368 : vector<16xf32>
        %add3A_1370 = arith.addf %add3A_1264, %mul3A_1369 : vector<16xf32>
        %get3A_1371 = arith.index_cast %add3A_1312 : i32 to index
        %get3A_1372 = arith.constant 144 : index
        %get3A_1373 = tpu.vector_load %arg11[%get3A_1371, %get3A_1372] {strides = array<i32>} : memref<112x256xf32, #tpu.memory_space<vmem>>, vector<1x16xf32>,
        %get3A_1374 = vector.shape_cast %get3A_1373 : vector<1x16xf32> to vector<16xf32>
        %mul3A_1375 = arith.mulf %get3A_1316, %get3A_1374 : vector<16xf32>
        %add3A_1376 = arith.addf %add3A_1270, %mul3A_1375 : vector<16xf32>
        %get3A_1377 = arith.index_cast %add3A_1312 : i32 to index
        %get3A_1378 = arith.constant 160 : index
        %get3A_1379 = tpu.vector_load %arg11[%get3A_1377, %get3A_1378] {strides = array<i32>} : memref<112x256xf32, #tpu.memory_space<vmem>>, vector<1x16xf32>,
        %get3A_1380 = vector.shape_cast %get3A_1379 : vector<1x16xf32> to vector<16xf32>
        %mul3A_1381 = arith.mulf %get3A_1316, %get3A_1380 : vector<16xf32>
        %add3A_1382 = arith.addf %add3A_1276, %mul3A_1381 : vector<16xf32>
        %get3A_1383 = arith.index_cast %add3A_1312 : i32 to index
        %get3A_1384 = arith.constant 176 : index
        %get3A_1385 = tpu.vector_load %arg11[%get3A_1383, %get3A_1384] {strides = array<i32>} : memref<112x256xf32, #tpu.memory_space<vmem>>, vector<1x16xf32>,
        %get3A_1386 = vector.shape_cast %get3A_1385 : vector<1x16xf32> to vector<16xf32>
        %mul3A_1387 = arith.mulf %get3A_1316, %get3A_1386 : vector<16xf32>
        %add3A_1388 = arith.addf %add3A_1282, %mul3A_1387 : vector<16xf32>
        %get3A_1389 = arith.index_cast %add3A_1312 : i32 to index
        %get3A_1390 = arith.constant 192 : index
        %get3A_1391 = tpu.vector_load %arg11[%get3A_1389, %get3A_1390] {strides = array<i32>} : memref<112x256xf32, #tpu.memory_space<vmem>>, vector<1x16xf32>,
        %get3A_1392 = vector.shape_cast %get3A_1391 : vector<1x16xf32> to vector<16xf32>
        %mul3A_1393 = arith.mulf %get3A_1316, %get3A_1392 : vector<16xf32>
        %add3A_1394 = arith.addf %add3A_1288, %mul3A_1393 : vector<16xf32>
        %get3A_1395 = arith.index_cast %add3A_1312 : i32 to index
        %get3A_1396 = arith.constant 208 : index
        %get3A_1397 = tpu.vector_load %arg11[%get3A_1395, %get3A_1396] {strides = array<i32>} : memref<112x256xf32, #tpu.memory_space<vmem>>, vector<1x16xf32>,
        %get3A_1398 = vector.shape_cast %get3A_1397 : vector<1x16xf32> to vector<16xf32>
        %mul3A_1399 = arith.mulf %get3A_1316, %get3A_1398 : vector<16xf32>
        %add3A_1400 = arith.addf %add3A_1294, %mul3A_1399 : vector<16xf32>
        %get3A_1401 = arith.index_cast %add3A_1312 : i32 to index
        %get3A_1402 = arith.constant 224 : index
        %get3A_1403 = tpu.vector_load %arg11[%get3A_1401, %get3A_1402] {strides = array<i32>} : memref<112x256xf32, #tpu.memory_space<vmem>>, vector<1x16xf32>,
        %get3A_1404 = vector.shape_cast %get3A_1403 : vector<1x16xf32> to vector<16xf32>
        %mul3A_1405 = arith.mulf %get3A_1316, %get3A_1404 : vector<16xf32>
        %add3A_1406 = arith.addf %add3A_1300, %mul3A_1405 : vector<16xf32>
        %get3A_1407 = arith.index_cast %add3A_1312 : i32 to index
        %get3A_1408 = arith.constant 240 : index
        %get3A_1409 = tpu.vector_load %arg11[%get3A_1407, %get3A_1408] {strides = array<i32>} : memref<112x256xf32, #tpu.memory_space<vmem>>, vector<1x16xf32>,
        %get3A_1410 = vector.shape_cast %get3A_1409 : vector<1x16xf32> to vector<16xf32>
        %mul3A_1411 = arith.mulf %get3A_1316, %get3A_1410 : vector<16xf32>
        %add3A_1412 = arith.addf %add3A_1306, %mul3A_1411 : vector<16xf32>
        %mul3A_1413 = arith.constant 8 : i32
        %mul3A_1414 = arith.muli %scan3A_215, %mul3A_1413 : i32
        %add3A_1415 = arith.constant 56 : i32
        %add3A_1416 = arith.addi %add3A_1415, %mul3A_1414 : i32
        %add3A_1417 = arith.constant 3 : i32
        %add3A_1418 = arith.addi %add3A_1416, %add3A_1417 : i32
        %get3A_1419 = arith.index_cast %add3A_1418 : i32 to index
        %get3A_1420 = arith.constant 0 : index
        %get3A_1421 = tpu.vector_load %arg9[%get3A_1419, %get3A_1420] {strides = array<i32>} : memref<112x16xf32, #tpu.memory_space<vmem>>, vector<1x16xf32>,
        %get3A_1422 = vector.shape_cast %get3A_1421 : vector<1x16xf32> to vector<16xf32>
        %get3A_1423 = arith.index_cast %add3A_1418 : i32 to index
        %get3A_1424 = arith.constant 0 : index
        %get3A_1425 = tpu.vector_load %arg11[%get3A_1423, %get3A_1424] {strides = array<i32>} : memref<112x256xf32, #tpu.memory_space<vmem>>, vector<1x16xf32>,
        %get3A_1426 = vector.shape_cast %get3A_1425 : vector<1x16xf32> to vector<16xf32>
        %mul3A_1427 = arith.mulf %get3A_1422, %get3A_1426 : vector<16xf32>
        %add3A_1428 = arith.addf %add3A_1322, %mul3A_1427 : vector<16xf32>
        %get3A_1429 = arith.index_cast %add3A_1418 : i32 to index
        %get3A_1430 = arith.constant 16 : index
        %get3A_1431 = tpu.vector_load %arg11[%get3A_1429, %get3A_1430] {strides = array<i32>} : memref<112x256xf32, #tpu.memory_space<vmem>>, vector<1x16xf32>,
        %get3A_1432 = vector.shape_cast %get3A_1431 : vector<1x16xf32> to vector<16xf32>
        %mul3A_1433 = arith.mulf %get3A_1422, %get3A_1432 : vector<16xf32>
        %add3A_1434 = arith.addf %add3A_1328, %mul3A_1433 : vector<16xf32>
        %get3A_1435 = arith.index_cast %add3A_1418 : i32 to index
        %get3A_1436 = arith.constant 32 : index
        %get3A_1437 = tpu.vector_load %arg11[%get3A_1435, %get3A_1436] {strides = array<i32>} : memref<112x256xf32, #tpu.memory_space<vmem>>, vector<1x16xf32>,
        %get3A_1438 = vector.shape_cast %get3A_1437 : vector<1x16xf32> to vector<16xf32>
        %mul3A_1439 = arith.mulf %get3A_1422, %get3A_1438 : vector<16xf32>
        %add3A_1440 = arith.addf %add3A_1334, %mul3A_1439 : vector<16xf32>
        %get3A_1441 = arith.index_cast %add3A_1418 : i32 to index
        %get3A_1442 = arith.constant 48 : index
        %get3A_1443 = tpu.vector_load %arg11[%get3A_1441, %get3A_1442] {strides = array<i32>} : memref<112x256xf32, #tpu.memory_space<vmem>>, vector<1x16xf32>,
        %get3A_1444 = vector.shape_cast %get3A_1443 : vector<1x16xf32> to vector<16xf32>
        %mul3A_1445 = arith.mulf %get3A_1422, %get3A_1444 : vector<16xf32>
        %add3A_1446 = arith.addf %add3A_1340, %mul3A_1445 : vector<16xf32>
        %get3A_1447 = arith.index_cast %add3A_1418 : i32 to index
        %get3A_1448 = arith.constant 64 : index
        %get3A_1449 = tpu.vector_load %arg11[%get3A_1447, %get3A_1448] {strides = array<i32>} : memref<112x256xf32, #tpu.memory_space<vmem>>, vector<1x16xf32>,
        %get3A_1450 = vector.shape_cast %get3A_1449 : vector<1x16xf32> to vector<16xf32>
        %mul3A_1451 = arith.mulf %get3A_1422, %get3A_1450 : vector<16xf32>
        %add3A_1452 = arith.addf %add3A_1346, %mul3A_1451 : vector<16xf32>
        %get3A_1453 = arith.index_cast %add3A_1418 : i32 to index
        %get3A_1454 = arith.constant 80 : index
        %get3A_1455 = tpu.vector_load %arg11[%get3A_1453, %get3A_1454] {strides = array<i32>} : memref<112x256xf32, #tpu.memory_space<vmem>>, vector<1x16xf32>,
        %get3A_1456 = vector.shape_cast %get3A_1455 : vector<1x16xf32> to vector<16xf32>
        %mul3A_1457 = arith.mulf %get3A_1422, %get3A_1456 : vector<16xf32>
        %add3A_1458 = arith.addf %add3A_1352, %mul3A_1457 : vector<16xf32>
        %get3A_1459 = arith.index_cast %add3A_1418 : i32 to index
        %get3A_1460 = arith.constant 96 : index
        %get3A_1461 = tpu.vector_load %arg11[%get3A_1459, %get3A_1460] {strides = array<i32>} : memref<112x256xf32, #tpu.memory_space<vmem>>, vector<1x16xf32>,
        %get3A_1462 = vector.shape_cast %get3A_1461 : vector<1x16xf32> to vector<16xf32>
        %mul3A_1463 = arith.mulf %get3A_1422, %get3A_1462 : vector<16xf32>
        %add3A_1464 = arith.addf %add3A_1358, %mul3A_1463 : vector<16xf32>
        %get3A_1465 = arith.index_cast %add3A_1418 : i32 to index
        %get3A_1466 = arith.constant 112 : index
        %get3A_1467 = tpu.vector_load %arg11[%get3A_1465, %get3A_1466] {strides = array<i32>} : memref<112x256xf32, #tpu.memory_space<vmem>>, vector<1x16xf32>,
        %get3A_1468 = vector.shape_cast %get3A_1467 : vector<1x16xf32> to vector<16xf32>
        %mul3A_1469 = arith.mulf %get3A_1422, %get3A_1468 : vector<16xf32>
        %add3A_1470 = arith.addf %add3A_1364, %mul3A_1469 : vector<16xf32>
        %get3A_1471 = arith.index_cast %add3A_1418 : i32 to index
        %get3A_1472 = arith.constant 128 : index
        %get3A_1473 = tpu.vector_load %arg11[%get3A_1471, %get3A_1472] {strides = array<i32>} : memref<112x256xf32, #tpu.memory_space<vmem>>, vector<1x16xf32>,
        %get3A_1474 = vector.shape_cast %get3A_1473 : vector<1x16xf32> to vector<16xf32>
        %mul3A_1475 = arith.mulf %get3A_1422, %get3A_1474 : vector<16xf32>
        %add3A_1476 = arith.addf %add3A_1370, %mul3A_1475 : vector<16xf32>
        %get3A_1477 = arith.index_cast %add3A_1418 : i32 to index
        %get3A_1478 = arith.constant 144 : index
        %get3A_1479 = tpu.vector_load %arg11[%get3A_1477, %get3A_1478] {strides = array<i32>} : memref<112x256xf32, #tpu.memory_space<vmem>>, vector<1x16xf32>,
        %get3A_1480 = vector.shape_cast %get3A_1479 : vector<1x16xf32> to vector<16xf32>
        %mul3A_1481 = arith.mulf %get3A_1422, %get3A_1480 : vector<16xf32>
        %add3A_1482 = arith.addf %add3A_1376, %mul3A_1481 : vector<16xf32>
        %get3A_1483 = arith.index_cast %add3A_1418 : i32 to index
        %get3A_1484 = arith.constant 160 : index
        %get3A_1485 = tpu.vector_load %arg11[%get3A_1483, %get3A_1484] {strides = array<i32>} : memref<112x256xf32, #tpu.memory_space<vmem>>, vector<1x16xf32>,
        %get3A_1486 = vector.shape_cast %get3A_1485 : vector<1x16xf32> to vector<16xf32>
        %mul3A_1487 = arith.mulf %get3A_1422, %get3A_1486 : vector<16xf32>
        %add3A_1488 = arith.addf %add3A_1382, %mul3A_1487 : vector<16xf32>
        %get3A_1489 = arith.index_cast %add3A_1418 : i32 to index
        %get3A_1490 = arith.constant 176 : index
        %get3A_1491 = tpu.vector_load %arg11[%get3A_1489, %get3A_1490] {strides = array<i32>} : memref<112x256xf32, #tpu.memory_space<vmem>>, vector<1x16xf32>,
        %get3A_1492 = vector.shape_cast %get3A_1491 : vector<1x16xf32> to vector<16xf32>
        %mul3A_1493 = arith.mulf %get3A_1422, %get3A_1492 : vector<16xf32>
        %add3A_1494 = arith.addf %add3A_1388, %mul3A_1493 : vector<16xf32>
        %get3A_1495 = arith.index_cast %add3A_1418 : i32 to index
        %get3A_1496 = arith.constant 192 : index
        %get3A_1497 = tpu.vector_load %arg11[%get3A_1495, %get3A_1496] {strides = array<i32>} : memref<112x256xf32, #tpu.memory_space<vmem>>, vector<1x16xf32>,
        %get3A_1498 = vector.shape_cast %get3A_1497 : vector<1x16xf32> to vector<16xf32>
        %mul3A_1499 = arith.mulf %get3A_1422, %get3A_1498 : vector<16xf32>
        %add3A_1500 = arith.addf %add3A_1394, %mul3A_1499 : vector<16xf32>
        %get3A_1501 = arith.index_cast %add3A_1418 : i32 to index
        %get3A_1502 = arith.constant 208 : index
        %get3A_1503 = tpu.vector_load %arg11[%get3A_1501, %get3A_1502] {strides = array<i32>} : memref<112x256xf32, #tpu.memory_space<vmem>>, vector<1x16xf32>,
        %get3A_1504 = vector.shape_cast %get3A_1503 : vector<1x16xf32> to vector<16xf32>
        %mul3A_1505 = arith.mulf %get3A_1422, %get3A_1504 : vector<16xf32>
        %add3A_1506 = arith.addf %add3A_1400, %mul3A_1505 : vector<16xf32>
        %get3A_1507 = arith.index_cast %add3A_1418 : i32 to index
        %get3A_1508 = arith.constant 224 : index
        %get3A_1509 = tpu.vector_load %arg11[%get3A_1507, %get3A_1508] {strides = array<i32>} : memref<112x256xf32, #tpu.memory_space<vmem>>, vector<1x16xf32>,
        %get3A_1510 = vector.shape_cast %get3A_1509 : vector<1x16xf32> to vector<16xf32>
        %mul3A_1511 = arith.mulf %get3A_1422, %get3A_1510 : vector<16xf32>
        %add3A_1512 = arith.addf %add3A_1406, %mul3A_1511 : vector<16xf32>
        %get3A_1513 = arith.index_cast %add3A_1418 : i32 to index
        %get3A_1514 = arith.constant 240 : index
        %get3A_1515 = tpu.vector_load %arg11[%get3A_1513, %get3A_1514] {strides = array<i32>} : memref<112x256xf32, #tpu.memory_space<vmem>>, vector<1x16xf32>,
        %get3A_1516 = vector.shape_cast %get3A_1515 : vector<1x16xf32> to vector<16xf32>
        %mul3A_1517 = arith.mulf %get3A_1422, %get3A_1516 : vector<16xf32>
        %add3A_1518 = arith.addf %add3A_1412, %mul3A_1517 : vector<16xf32>
        %mul3A_1519 = arith.constant 8 : i32
        %mul3A_1520 = arith.muli %scan3A_215, %mul3A_1519 : i32
        %add3A_1521 = arith.constant 56 : i32
        %add3A_1522 = arith.addi %add3A_1521, %mul3A_1520 : i32
        %add3A_1523 = arith.constant 4 : i32
        %add3A_1524 = arith.addi %add3A_1522, %add3A_1523 : i32
        %get3A_1525 = arith.index_cast %add3A_1524 : i32 to index
        %get3A_1526 = arith.constant 0 : index
        %get3A_1527 = tpu.vector_load %arg9[%get3A_1525, %get3A_1526] {strides = array<i32>} : memref<112x16xf32, #tpu.memory_space<vmem>>, vector<1x16xf32>,
        %get3A_1528 = vector.shape_cast %get3A_1527 : vector<1x16xf32> to vector<16xf32>
        %get3A_1529 = arith.index_cast %add3A_1524 : i32 to index
        %get3A_1530 = arith.constant 0 : index
        %get3A_1531 = tpu.vector_load %arg11[%get3A_1529, %get3A_1530] {strides = array<i32>} : memref<112x256xf32, #tpu.memory_space<vmem>>, vector<1x16xf32>,
        %get3A_1532 = vector.shape_cast %get3A_1531 : vector<1x16xf32> to vector<16xf32>
        %mul3A_1533 = arith.mulf %get3A_1528, %get3A_1532 : vector<16xf32>
        %add3A_1534 = arith.addf %add3A_1428, %mul3A_1533 : vector<16xf32>
        %get3A_1535 = arith.index_cast %add3A_1524 : i32 to index
        %get3A_1536 = arith.constant 16 : index
        %get3A_1537 = tpu.vector_load %arg11[%get3A_1535, %get3A_1536] {strides = array<i32>} : memref<112x256xf32, #tpu.memory_space<vmem>>, vector<1x16xf32>,
        %get3A_1538 = vector.shape_cast %get3A_1537 : vector<1x16xf32> to vector<16xf32>
        %mul3A_1539 = arith.mulf %get3A_1528, %get3A_1538 : vector<16xf32>
        %add3A_1540 = arith.addf %add3A_1434, %mul3A_1539 : vector<16xf32>
        %get3A_1541 = arith.index_cast %add3A_1524 : i32 to index
        %get3A_1542 = arith.constant 32 : index
        %get3A_1543 = tpu.vector_load %arg11[%get3A_1541, %get3A_1542] {strides = array<i32>} : memref<112x256xf32, #tpu.memory_space<vmem>>, vector<1x16xf32>,
        %get3A_1544 = vector.shape_cast %get3A_1543 : vector<1x16xf32> to vector<16xf32>
        %mul3A_1545 = arith.mulf %get3A_1528, %get3A_1544 : vector<16xf32>
        %add3A_1546 = arith.addf %add3A_1440, %mul3A_1545 : vector<16xf32>
        %get3A_1547 = arith.index_cast %add3A_1524 : i32 to index
        %get3A_1548 = arith.constant 48 : index
        %get3A_1549 = tpu.vector_load %arg11[%get3A_1547, %get3A_1548] {strides = array<i32>} : memref<112x256xf32, #tpu.memory_space<vmem>>, vector<1x16xf32>,
        %get3A_1550 = vector.shape_cast %get3A_1549 : vector<1x16xf32> to vector<16xf32>
        %mul3A_1551 = arith.mulf %get3A_1528, %get3A_1550 : vector<16xf32>
        %add3A_1552 = arith.addf %add3A_1446, %mul3A_1551 : vector<16xf32>
        %get3A_1553 = arith.index_cast %add3A_1524 : i32 to index
        %get3A_1554 = arith.constant 64 : index
        %get3A_1555 = tpu.vector_load %arg11[%get3A_1553, %get3A_1554] {strides = array<i32>} : memref<112x256xf32, #tpu.memory_space<vmem>>, vector<1x16xf32>,
        %get3A_1556 = vector.shape_cast %get3A_1555 : vector<1x16xf32> to vector<16xf32>
        %mul3A_1557 = arith.mulf %get3A_1528, %get3A_1556 : vector<16xf32>
        %add3A_1558 = arith.addf %add3A_1452, %mul3A_1557 : vector<16xf32>
        %get3A_1559 = arith.index_cast %add3A_1524 : i32 to index
        %get3A_1560 = arith.constant 80 : index
        %get3A_1561 = tpu.vector_load %arg11[%get3A_1559, %get3A_1560] {strides = array<i32>} : memref<112x256xf32, #tpu.memory_space<vmem>>, vector<1x16xf32>,
        %get3A_1562 = vector.shape_cast %get3A_1561 : vector<1x16xf32> to vector<16xf32>
        %mul3A_1563 = arith.mulf %get3A_1528, %get3A_1562 : vector<16xf32>
        %add3A_1564 = arith.addf %add3A_1458, %mul3A_1563 : vector<16xf32>
        %get3A_1565 = arith.index_cast %add3A_1524 : i32 to index
        %get3A_1566 = arith.constant 96 : index
        %get3A_1567 = tpu.vector_load %arg11[%get3A_1565, %get3A_1566] {strides = array<i32>} : memref<112x256xf32, #tpu.memory_space<vmem>>, vector<1x16xf32>,
        %get3A_1568 = vector.shape_cast %get3A_1567 : vector<1x16xf32> to vector<16xf32>
        %mul3A_1569 = arith.mulf %get3A_1528, %get3A_1568 : vector<16xf32>
        %add3A_1570 = arith.addf %add3A_1464, %mul3A_1569 : vector<16xf32>
        %get3A_1571 = arith.index_cast %add3A_1524 : i32 to index
        %get3A_1572 = arith.constant 112 : index
        %get3A_1573 = tpu.vector_load %arg11[%get3A_1571, %get3A_1572] {strides = array<i32>} : memref<112x256xf32, #tpu.memory_space<vmem>>, vector<1x16xf32>,
        %get3A_1574 = vector.shape_cast %get3A_1573 : vector<1x16xf32> to vector<16xf32>
        %mul3A_1575 = arith.mulf %get3A_1528, %get3A_1574 : vector<16xf32>
        %add3A_1576 = arith.addf %add3A_1470, %mul3A_1575 : vector<16xf32>
        %get3A_1577 = arith.index_cast %add3A_1524 : i32 to index
        %get3A_1578 = arith.constant 128 : index
        %get3A_1579 = tpu.vector_load %arg11[%get3A_1577, %get3A_1578] {strides = array<i32>} : memref<112x256xf32, #tpu.memory_space<vmem>>, vector<1x16xf32>,
        %get3A_1580 = vector.shape_cast %get3A_1579 : vector<1x16xf32> to vector<16xf32>
        %mul3A_1581 = arith.mulf %get3A_1528, %get3A_1580 : vector<16xf32>
        %add3A_1582 = arith.addf %add3A_1476, %mul3A_1581 : vector<16xf32>
        %get3A_1583 = arith.index_cast %add3A_1524 : i32 to index
        %get3A_1584 = arith.constant 144 : index
        %get3A_1585 = tpu.vector_load %arg11[%get3A_1583, %get3A_1584] {strides = array<i32>} : memref<112x256xf32, #tpu.memory_space<vmem>>, vector<1x16xf32>,
        %get3A_1586 = vector.shape_cast %get3A_1585 : vector<1x16xf32> to vector<16xf32>
        %mul3A_1587 = arith.mulf %get3A_1528, %get3A_1586 : vector<16xf32>
        %add3A_1588 = arith.addf %add3A_1482, %mul3A_1587 : vector<16xf32>
        %get3A_1589 = arith.index_cast %add3A_1524 : i32 to index
        %get3A_1590 = arith.constant 160 : index
        %get3A_1591 = tpu.vector_load %arg11[%get3A_1589, %get3A_1590] {strides = array<i32>} : memref<112x256xf32, #tpu.memory_space<vmem>>, vector<1x16xf32>,
        %get3A_1592 = vector.shape_cast %get3A_1591 : vector<1x16xf32> to vector<16xf32>
        %mul3A_1593 = arith.mulf %get3A_1528, %get3A_1592 : vector<16xf32>
        %add3A_1594 = arith.addf %add3A_1488, %mul3A_1593 : vector<16xf32>
        %get3A_1595 = arith.index_cast %add3A_1524 : i32 to index
        %get3A_1596 = arith.constant 176 : index
        %get3A_1597 = tpu.vector_load %arg11[%get3A_1595, %get3A_1596] {strides = array<i32>} : memref<112x256xf32, #tpu.memory_space<vmem>>, vector<1x16xf32>,
        %get3A_1598 = vector.shape_cast %get3A_1597 : vector<1x16xf32> to vector<16xf32>
        %mul3A_1599 = arith.mulf %get3A_1528, %get3A_1598 : vector<16xf32>
        %add3A_1600 = arith.addf %add3A_1494, %mul3A_1599 : vector<16xf32>
        %get3A_1601 = arith.index_cast %add3A_1524 : i32 to index
        %get3A_1602 = arith.constant 192 : index
        %get3A_1603 = tpu.vector_load %arg11[%get3A_1601, %get3A_1602] {strides = array<i32>} : memref<112x256xf32, #tpu.memory_space<vmem>>, vector<1x16xf32>,
        %get3A_1604 = vector.shape_cast %get3A_1603 : vector<1x16xf32> to vector<16xf32>
        %mul3A_1605 = arith.mulf %get3A_1528, %get3A_1604 : vector<16xf32>
        %add3A_1606 = arith.addf %add3A_1500, %mul3A_1605 : vector<16xf32>
        %get3A_1607 = arith.index_cast %add3A_1524 : i32 to index
        %get3A_1608 = arith.constant 208 : index
        %get3A_1609 = tpu.vector_load %arg11[%get3A_1607, %get3A_1608] {strides = array<i32>} : memref<112x256xf32, #tpu.memory_space<vmem>>, vector<1x16xf32>,
        %get3A_1610 = vector.shape_cast %get3A_1609 : vector<1x16xf32> to vector<16xf32>
        %mul3A_1611 = arith.mulf %get3A_1528, %get3A_1610 : vector<16xf32>
        %add3A_1612 = arith.addf %add3A_1506, %mul3A_1611 : vector<16xf32>
        %get3A_1613 = arith.index_cast %add3A_1524 : i32 to index
        %get3A_1614 = arith.constant 224 : index
        %get3A_1615 = tpu.vector_load %arg11[%get3A_1613, %get3A_1614] {strides = array<i32>} : memref<112x256xf32, #tpu.memory_space<vmem>>, vector<1x16xf32>,
        %get3A_1616 = vector.shape_cast %get3A_1615 : vector<1x16xf32> to vector<16xf32>
        %mul3A_1617 = arith.mulf %get3A_1528, %get3A_1616 : vector<16xf32>
        %add3A_1618 = arith.addf %add3A_1512, %mul3A_1617 : vector<16xf32>
        %get3A_1619 = arith.index_cast %add3A_1524 : i32 to index
        %get3A_1620 = arith.constant 240 : index
        %get3A_1621 = tpu.vector_load %arg11[%get3A_1619, %get3A_1620] {strides = array<i32>} : memref<112x256xf32, #tpu.memory_space<vmem>>, vector<1x16xf32>,
        %get3A_1622 = vector.shape_cast %get3A_1621 : vector<1x16xf32> to vector<16xf32>
        %mul3A_1623 = arith.mulf %get3A_1528, %get3A_1622 : vector<16xf32>
        %add3A_1624 = arith.addf %add3A_1518, %mul3A_1623 : vector<16xf32>
        %mul3A_1625 = arith.constant 8 : i32
        %mul3A_1626 = arith.muli %scan3A_215, %mul3A_1625 : i32
        %add3A_1627 = arith.constant 56 : i32
        %add3A_1628 = arith.addi %add3A_1627, %mul3A_1626 : i32
        %add3A_1629 = arith.constant 5 : i32
        %add3A_1630 = arith.addi %add3A_1628, %add3A_1629 : i32
        %get3A_1631 = arith.index_cast %add3A_1630 : i32 to index
        %get3A_1632 = arith.constant 0 : index
        %get3A_1633 = tpu.vector_load %arg9[%get3A_1631, %get3A_1632] {strides = array<i32>} : memref<112x16xf32, #tpu.memory_space<vmem>>, vector<1x16xf32>,
        %get3A_1634 = vector.shape_cast %get3A_1633 : vector<1x16xf32> to vector<16xf32>
        %get3A_1635 = arith.index_cast %add3A_1630 : i32 to index
        %get3A_1636 = arith.constant 0 : index
        %get3A_1637 = tpu.vector_load %arg11[%get3A_1635, %get3A_1636] {strides = array<i32>} : memref<112x256xf32, #tpu.memory_space<vmem>>, vector<1x16xf32>,
        %get3A_1638 = vector.shape_cast %get3A_1637 : vector<1x16xf32> to vector<16xf32>
        %mul3A_1639 = arith.mulf %get3A_1634, %get3A_1638 : vector<16xf32>
        %add3A_1640 = arith.addf %add3A_1534, %mul3A_1639 : vector<16xf32>
        %get3A_1641 = arith.index_cast %add3A_1630 : i32 to index
        %get3A_1642 = arith.constant 16 : index
        %get3A_1643 = tpu.vector_load %arg11[%get3A_1641, %get3A_1642] {strides = array<i32>} : memref<112x256xf32, #tpu.memory_space<vmem>>, vector<1x16xf32>,
        %get3A_1644 = vector.shape_cast %get3A_1643 : vector<1x16xf32> to vector<16xf32>
        %mul3A_1645 = arith.mulf %get3A_1634, %get3A_1644 : vector<16xf32>
        %add3A_1646 = arith.addf %add3A_1540, %mul3A_1645 : vector<16xf32>
        %get3A_1647 = arith.index_cast %add3A_1630 : i32 to index
        %get3A_1648 = arith.constant 32 : index
        %get3A_1649 = tpu.vector_load %arg11[%get3A_1647, %get3A_1648] {strides = array<i32>} : memref<112x256xf32, #tpu.memory_space<vmem>>, vector<1x16xf32>,
        %get3A_1650 = vector.shape_cast %get3A_1649 : vector<1x16xf32> to vector<16xf32>
        %mul3A_1651 = arith.mulf %get3A_1634, %get3A_1650 : vector<16xf32>
        %add3A_1652 = arith.addf %add3A_1546, %mul3A_1651 : vector<16xf32>
        %get3A_1653 = arith.index_cast %add3A_1630 : i32 to index
        %get3A_1654 = arith.constant 48 : index
        %get3A_1655 = tpu.vector_load %arg11[%get3A_1653, %get3A_1654] {strides = array<i32>} : memref<112x256xf32, #tpu.memory_space<vmem>>, vector<1x16xf32>,
        %get3A_1656 = vector.shape_cast %get3A_1655 : vector<1x16xf32> to vector<16xf32>
        %mul3A_1657 = arith.mulf %get3A_1634, %get3A_1656 : vector<16xf32>
        %add3A_1658 = arith.addf %add3A_1552, %mul3A_1657 : vector<16xf32>
        %get3A_1659 = arith.index_cast %add3A_1630 : i32 to index
        %get3A_1660 = arith.constant 64 : index
        %get3A_1661 = tpu.vector_load %arg11[%get3A_1659, %get3A_1660] {strides = array<i32>} : memref<112x256xf32, #tpu.memory_space<vmem>>, vector<1x16xf32>,
        %get3A_1662 = vector.shape_cast %get3A_1661 : vector<1x16xf32> to vector<16xf32>
        %mul3A_1663 = arith.mulf %get3A_1634, %get3A_1662 : vector<16xf32>
        %add3A_1664 = arith.addf %add3A_1558, %mul3A_1663 : vector<16xf32>
        %get3A_1665 = arith.index_cast %add3A_1630 : i32 to index
        %get3A_1666 = arith.constant 80 : index
        %get3A_1667 = tpu.vector_load %arg11[%get3A_1665, %get3A_1666] {strides = array<i32>} : memref<112x256xf32, #tpu.memory_space<vmem>>, vector<1x16xf32>,
        %get3A_1668 = vector.shape_cast %get3A_1667 : vector<1x16xf32> to vector<16xf32>
        %mul3A_1669 = arith.mulf %get3A_1634, %get3A_1668 : vector<16xf32>
        %add3A_1670 = arith.addf %add3A_1564, %mul3A_1669 : vector<16xf32>
        %get3A_1671 = arith.index_cast %add3A_1630 : i32 to index
        %get3A_1672 = arith.constant 96 : index
        %get3A_1673 = tpu.vector_load %arg11[%get3A_1671, %get3A_1672] {strides = array<i32>} : memref<112x256xf32, #tpu.memory_space<vmem>>, vector<1x16xf32>,
        %get3A_1674 = vector.shape_cast %get3A_1673 : vector<1x16xf32> to vector<16xf32>
        %mul3A_1675 = arith.mulf %get3A_1634, %get3A_1674 : vector<16xf32>
        %add3A_1676 = arith.addf %add3A_1570, %mul3A_1675 : vector<16xf32>
        %get3A_1677 = arith.index_cast %add3A_1630 : i32 to index
        %get3A_1678 = arith.constant 112 : index
        %get3A_1679 = tpu.vector_load %arg11[%get3A_1677, %get3A_1678] {strides = array<i32>} : memref<112x256xf32, #tpu.memory_space<vmem>>, vector<1x16xf32>,
        %get3A_1680 = vector.shape_cast %get3A_1679 : vector<1x16xf32> to vector<16xf32>
        %mul3A_1681 = arith.mulf %get3A_1634, %get3A_1680 : vector<16xf32>
        %add3A_1682 = arith.addf %add3A_1576, %mul3A_1681 : vector<16xf32>
        %get3A_1683 = arith.index_cast %add3A_1630 : i32 to index
        %get3A_1684 = arith.constant 128 : index
        %get3A_1685 = tpu.vector_load %arg11[%get3A_1683, %get3A_1684] {strides = array<i32>} : memref<112x256xf32, #tpu.memory_space<vmem>>, vector<1x16xf32>,
        %get3A_1686 = vector.shape_cast %get3A_1685 : vector<1x16xf32> to vector<16xf32>
        %mul3A_1687 = arith.mulf %get3A_1634, %get3A_1686 : vector<16xf32>
        %add3A_1688 = arith.addf %add3A_1582, %mul3A_1687 : vector<16xf32>
        %get3A_1689 = arith.index_cast %add3A_1630 : i32 to index
        %get3A_1690 = arith.constant 144 : index
        %get3A_1691 = tpu.vector_load %arg11[%get3A_1689, %get3A_1690] {strides = array<i32>} : memref<112x256xf32, #tpu.memory_space<vmem>>, vector<1x16xf32>,
        %get3A_1692 = vector.shape_cast %get3A_1691 : vector<1x16xf32> to vector<16xf32>
        %mul3A_1693 = arith.mulf %get3A_1634, %get3A_1692 : vector<16xf32>
        %add3A_1694 = arith.addf %add3A_1588, %mul3A_1693 : vector<16xf32>
        %get3A_1695 = arith.index_cast %add3A_1630 : i32 to index
        %get3A_1696 = arith.constant 160 : index
        %get3A_1697 = tpu.vector_load %arg11[%get3A_1695, %get3A_1696] {strides = array<i32>} : memref<112x256xf32, #tpu.memory_space<vmem>>, vector<1x16xf32>,
        %get3A_1698 = vector.shape_cast %get3A_1697 : vector<1x16xf32> to vector<16xf32>
        %mul3A_1699 = arith.mulf %get3A_1634, %get3A_1698 : vector<16xf32>
        %add3A_1700 = arith.addf %add3A_1594, %mul3A_1699 : vector<16xf32>
        %get3A_1701 = arith.index_cast %add3A_1630 : i32 to index
        %get3A_1702 = arith.constant 176 : index
        %get3A_1703 = tpu.vector_load %arg11[%get3A_1701, %get3A_1702] {strides = array<i32>} : memref<112x256xf32, #tpu.memory_space<vmem>>, vector<1x16xf32>,
        %get3A_1704 = vector.shape_cast %get3A_1703 : vector<1x16xf32> to vector<16xf32>
        %mul3A_1705 = arith.mulf %get3A_1634, %get3A_1704 : vector<16xf32>
        %add3A_1706 = arith.addf %add3A_1600, %mul3A_1705 : vector<16xf32>
        %get3A_1707 = arith.index_cast %add3A_1630 : i32 to index
        %get3A_1708 = arith.constant 192 : index
        %get3A_1709 = tpu.vector_load %arg11[%get3A_1707, %get3A_1708] {strides = array<i32>} : memref<112x256xf32, #tpu.memory_space<vmem>>, vector<1x16xf32>,
        %get3A_1710 = vector.shape_cast %get3A_1709 : vector<1x16xf32> to vector<16xf32>
        %mul3A_1711 = arith.mulf %get3A_1634, %get3A_1710 : vector<16xf32>
        %add3A_1712 = arith.addf %add3A_1606, %mul3A_1711 : vector<16xf32>
        %get3A_1713 = arith.index_cast %add3A_1630 : i32 to index
        %get3A_1714 = arith.constant 208 : index
        %get3A_1715 = tpu.vector_load %arg11[%get3A_1713, %get3A_1714] {strides = array<i32>} : memref<112x256xf32, #tpu.memory_space<vmem>>, vector<1x16xf32>,
        %get3A_1716 = vector.shape_cast %get3A_1715 : vector<1x16xf32> to vector<16xf32>
        %mul3A_1717 = arith.mulf %get3A_1634, %get3A_1716 : vector<16xf32>
        %add3A_1718 = arith.addf %add3A_1612, %mul3A_1717 : vector<16xf32>
        %get3A_1719 = arith.index_cast %add3A_1630 : i32 to index
        %get3A_1720 = arith.constant 224 : index
        %get3A_1721 = tpu.vector_load %arg11[%get3A_1719, %get3A_1720] {strides = array<i32>} : memref<112x256xf32, #tpu.memory_space<vmem>>, vector<1x16xf32>,
        %get3A_1722 = vector.shape_cast %get3A_1721 : vector<1x16xf32> to vector<16xf32>
        %mul3A_1723 = arith.mulf %get3A_1634, %get3A_1722 : vector<16xf32>
        %add3A_1724 = arith.addf %add3A_1618, %mul3A_1723 : vector<16xf32>
        %get3A_1725 = arith.index_cast %add3A_1630 : i32 to index
        %get3A_1726 = arith.constant 240 : index
        %get3A_1727 = tpu.vector_load %arg11[%get3A_1725, %get3A_1726] {strides = array<i32>} : memref<112x256xf32, #tpu.memory_space<vmem>>, vector<1x16xf32>,
        %get3A_1728 = vector.shape_cast %get3A_1727 : vector<1x16xf32> to vector<16xf32>
        %mul3A_1729 = arith.mulf %get3A_1634, %get3A_1728 : vector<16xf32>
        %add3A_1730 = arith.addf %add3A_1624, %mul3A_1729 : vector<16xf32>
        %mul3A_1731 = arith.constant 8 : i32
        %mul3A_1732 = arith.muli %scan3A_215, %mul3A_1731 : i32
        %add3A_1733 = arith.constant 56 : i32
        %add3A_1734 = arith.addi %add3A_1733, %mul3A_1732 : i32
        %add3A_1735 = arith.constant 6 : i32
        %add3A_1736 = arith.addi %add3A_1734, %add3A_1735 : i32
        %get3A_1737 = arith.index_cast %add3A_1736 : i32 to index
        %get3A_1738 = arith.constant 0 : index
        %get3A_1739 = tpu.vector_load %arg9[%get3A_1737, %get3A_1738] {strides = array<i32>} : memref<112x16xf32, #tpu.memory_space<vmem>>, vector<1x16xf32>,
        %get3A_1740 = vector.shape_cast %get3A_1739 : vector<1x16xf32> to vector<16xf32>
        %get3A_1741 = arith.index_cast %add3A_1736 : i32 to index
        %get3A_1742 = arith.constant 0 : index
        %get3A_1743 = tpu.vector_load %arg11[%get3A_1741, %get3A_1742] {strides = array<i32>} : memref<112x256xf32, #tpu.memory_space<vmem>>, vector<1x16xf32>,
        %get3A_1744 = vector.shape_cast %get3A_1743 : vector<1x16xf32> to vector<16xf32>
        %mul3A_1745 = arith.mulf %get3A_1740, %get3A_1744 : vector<16xf32>
        %add3A_1746 = arith.addf %add3A_1640, %mul3A_1745 : vector<16xf32>
        %get3A_1747 = arith.index_cast %add3A_1736 : i32 to index
        %get3A_1748 = arith.constant 16 : index
        %get3A_1749 = tpu.vector_load %arg11[%get3A_1747, %get3A_1748] {strides = array<i32>} : memref<112x256xf32, #tpu.memory_space<vmem>>, vector<1x16xf32>,
        %get3A_1750 = vector.shape_cast %get3A_1749 : vector<1x16xf32> to vector<16xf32>
        %mul3A_1751 = arith.mulf %get3A_1740, %get3A_1750 : vector<16xf32>
        %add3A_1752 = arith.addf %add3A_1646, %mul3A_1751 : vector<16xf32>
        %get3A_1753 = arith.index_cast %add3A_1736 : i32 to index
        %get3A_1754 = arith.constant 32 : index
        %get3A_1755 = tpu.vector_load %arg11[%get3A_1753, %get3A_1754] {strides = array<i32>} : memref<112x256xf32, #tpu.memory_space<vmem>>, vector<1x16xf32>,
        %get3A_1756 = vector.shape_cast %get3A_1755 : vector<1x16xf32> to vector<16xf32>
        %mul3A_1757 = arith.mulf %get3A_1740, %get3A_1756 : vector<16xf32>
        %add3A_1758 = arith.addf %add3A_1652, %mul3A_1757 : vector<16xf32>
        %get3A_1759 = arith.index_cast %add3A_1736 : i32 to index
        %get3A_1760 = arith.constant 48 : index
        %get3A_1761 = tpu.vector_load %arg11[%get3A_1759, %get3A_1760] {strides = array<i32>} : memref<112x256xf32, #tpu.memory_space<vmem>>, vector<1x16xf32>,
        %get3A_1762 = vector.shape_cast %get3A_1761 : vector<1x16xf32> to vector<16xf32>
        %mul3A_1763 = arith.mulf %get3A_1740, %get3A_1762 : vector<16xf32>
        %add3A_1764 = arith.addf %add3A_1658, %mul3A_1763 : vector<16xf32>
        %get3A_1765 = arith.index_cast %add3A_1736 : i32 to index
        %get3A_1766 = arith.constant 64 : index
        %get3A_1767 = tpu.vector_load %arg11[%get3A_1765, %get3A_1766] {strides = array<i32>} : memref<112x256xf32, #tpu.memory_space<vmem>>, vector<1x16xf32>,
        %get3A_1768 = vector.shape_cast %get3A_1767 : vector<1x16xf32> to vector<16xf32>
        %mul3A_1769 = arith.mulf %get3A_1740, %get3A_1768 : vector<16xf32>
        %add3A_1770 = arith.addf %add3A_1664, %mul3A_1769 : vector<16xf32>
        %get3A_1771 = arith.index_cast %add3A_1736 : i32 to index
        %get3A_1772 = arith.constant 80 : index
        %get3A_1773 = tpu.vector_load %arg11[%get3A_1771, %get3A_1772] {strides = array<i32>} : memref<112x256xf32, #tpu.memory_space<vmem>>, vector<1x16xf32>,
        %get3A_1774 = vector.shape_cast %get3A_1773 : vector<1x16xf32> to vector<16xf32>
        %mul3A_1775 = arith.mulf %get3A_1740, %get3A_1774 : vector<16xf32>
        %add3A_1776 = arith.addf %add3A_1670, %mul3A_1775 : vector<16xf32>
        %get3A_1777 = arith.index_cast %add3A_1736 : i32 to index
        %get3A_1778 = arith.constant 96 : index
        %get3A_1779 = tpu.vector_load %arg11[%get3A_1777, %get3A_1778] {strides = array<i32>} : memref<112x256xf32, #tpu.memory_space<vmem>>, vector<1x16xf32>,
        %get3A_1780 = vector.shape_cast %get3A_1779 : vector<1x16xf32> to vector<16xf32>
        %mul3A_1781 = arith.mulf %get3A_1740, %get3A_1780 : vector<16xf32>
        %add3A_1782 = arith.addf %add3A_1676, %mul3A_1781 : vector<16xf32>
        %get3A_1783 = arith.index_cast %add3A_1736 : i32 to index
        %get3A_1784 = arith.constant 112 : index
        %get3A_1785 = tpu.vector_load %arg11[%get3A_1783, %get3A_1784] {strides = array<i32>} : memref<112x256xf32, #tpu.memory_space<vmem>>, vector<1x16xf32>,
        %get3A_1786 = vector.shape_cast %get3A_1785 : vector<1x16xf32> to vector<16xf32>
        %mul3A_1787 = arith.mulf %get3A_1740, %get3A_1786 : vector<16xf32>
        %add3A_1788 = arith.addf %add3A_1682, %mul3A_1787 : vector<16xf32>
        %get3A_1789 = arith.index_cast %add3A_1736 : i32 to index
        %get3A_1790 = arith.constant 128 : index
        %get3A_1791 = tpu.vector_load %arg11[%get3A_1789, %get3A_1790] {strides = array<i32>} : memref<112x256xf32, #tpu.memory_space<vmem>>, vector<1x16xf32>,
        %get3A_1792 = vector.shape_cast %get3A_1791 : vector<1x16xf32> to vector<16xf32>
        %mul3A_1793 = arith.mulf %get3A_1740, %get3A_1792 : vector<16xf32>
        %add3A_1794 = arith.addf %add3A_1688, %mul3A_1793 : vector<16xf32>
        %get3A_1795 = arith.index_cast %add3A_1736 : i32 to index
        %get3A_1796 = arith.constant 144 : index
        %get3A_1797 = tpu.vector_load %arg11[%get3A_1795, %get3A_1796] {strides = array<i32>} : memref<112x256xf32, #tpu.memory_space<vmem>>, vector<1x16xf32>,
        %get3A_1798 = vector.shape_cast %get3A_1797 : vector<1x16xf32> to vector<16xf32>
        %mul3A_1799 = arith.mulf %get3A_1740, %get3A_1798 : vector<16xf32>
        %add3A_1800 = arith.addf %add3A_1694, %mul3A_1799 : vector<16xf32>
        %get3A_1801 = arith.index_cast %add3A_1736 : i32 to index
        %get3A_1802 = arith.constant 160 : index
        %get3A_1803 = tpu.vector_load %arg11[%get3A_1801, %get3A_1802] {strides = array<i32>} : memref<112x256xf32, #tpu.memory_space<vmem>>, vector<1x16xf32>,
        %get3A_1804 = vector.shape_cast %get3A_1803 : vector<1x16xf32> to vector<16xf32>
        %mul3A_1805 = arith.mulf %get3A_1740, %get3A_1804 : vector<16xf32>
        %add3A_1806 = arith.addf %add3A_1700, %mul3A_1805 : vector<16xf32>
        %get3A_1807 = arith.index_cast %add3A_1736 : i32 to index
        %get3A_1808 = arith.constant 176 : index
        %get3A_1809 = tpu.vector_load %arg11[%get3A_1807, %get3A_1808] {strides = array<i32>} : memref<112x256xf32, #tpu.memory_space<vmem>>, vector<1x16xf32>,
        %get3A_1810 = vector.shape_cast %get3A_1809 : vector<1x16xf32> to vector<16xf32>
        %mul3A_1811 = arith.mulf %get3A_1740, %get3A_1810 : vector<16xf32>
        %add3A_1812 = arith.addf %add3A_1706, %mul3A_1811 : vector<16xf32>
        %get3A_1813 = arith.index_cast %add3A_1736 : i32 to index
        %get3A_1814 = arith.constant 192 : index
        %get3A_1815 = tpu.vector_load %arg11[%get3A_1813, %get3A_1814] {strides = array<i32>} : memref<112x256xf32, #tpu.memory_space<vmem>>, vector<1x16xf32>,
        %get3A_1816 = vector.shape_cast %get3A_1815 : vector<1x16xf32> to vector<16xf32>
        %mul3A_1817 = arith.mulf %get3A_1740, %get3A_1816 : vector<16xf32>
        %add3A_1818 = arith.addf %add3A_1712, %mul3A_1817 : vector<16xf32>
        %get3A_1819 = arith.index_cast %add3A_1736 : i32 to index
        %get3A_1820 = arith.constant 208 : index
        %get3A_1821 = tpu.vector_load %arg11[%get3A_1819, %get3A_1820] {strides = array<i32>} : memref<112x256xf32, #tpu.memory_space<vmem>>, vector<1x16xf32>,
        %get3A_1822 = vector.shape_cast %get3A_1821 : vector<1x16xf32> to vector<16xf32>
        %mul3A_1823 = arith.mulf %get3A_1740, %get3A_1822 : vector<16xf32>
        %add3A_1824 = arith.addf %add3A_1718, %mul3A_1823 : vector<16xf32>
        %get3A_1825 = arith.index_cast %add3A_1736 : i32 to index
        %get3A_1826 = arith.constant 224 : index
        %get3A_1827 = tpu.vector_load %arg11[%get3A_1825, %get3A_1826] {strides = array<i32>} : memref<112x256xf32, #tpu.memory_space<vmem>>, vector<1x16xf32>,
        %get3A_1828 = vector.shape_cast %get3A_1827 : vector<1x16xf32> to vector<16xf32>
        %mul3A_1829 = arith.mulf %get3A_1740, %get3A_1828 : vector<16xf32>
        %add3A_1830 = arith.addf %add3A_1724, %mul3A_1829 : vector<16xf32>
        %get3A_1831 = arith.index_cast %add3A_1736 : i32 to index
        %get3A_1832 = arith.constant 240 : index
        %get3A_1833 = tpu.vector_load %arg11[%get3A_1831, %get3A_1832] {strides = array<i32>} : memref<112x256xf32, #tpu.memory_space<vmem>>, vector<1x16xf32>,
        %get3A_1834 = vector.shape_cast %get3A_1833 : vector<1x16xf32> to vector<16xf32>
        %mul3A_1835 = arith.mulf %get3A_1740, %get3A_1834 : vector<16xf32>
        %add3A_1836 = arith.addf %add3A_1730, %mul3A_1835 : vector<16xf32>
        %mul3A_1837 = arith.constant 8 : i32
        %mul3A_1838 = arith.muli %scan3A_215, %mul3A_1837 : i32
        %add3A_1839 = arith.constant 56 : i32
        %add3A_1840 = arith.addi %add3A_1839, %mul3A_1838 : i32
        %add3A_1841 = arith.constant 7 : i32
        %add3A_1842 = arith.addi %add3A_1840, %add3A_1841 : i32
        %get3A_1843 = arith.index_cast %add3A_1842 : i32 to index
        %get3A_1844 = arith.constant 0 : index
        %get3A_1845 = tpu.vector_load %arg9[%get3A_1843, %get3A_1844] {strides = array<i32>} : memref<112x16xf32, #tpu.memory_space<vmem>>, vector<1x16xf32>,
        %get3A_1846 = vector.shape_cast %get3A_1845 : vector<1x16xf32> to vector<16xf32>
        %get3A_1847 = arith.index_cast %add3A_1842 : i32 to index
        %get3A_1848 = arith.constant 0 : index
        %get3A_1849 = tpu.vector_load %arg11[%get3A_1847, %get3A_1848] {strides = array<i32>} : memref<112x256xf32, #tpu.memory_space<vmem>>, vector<1x16xf32>,
        %get3A_1850 = vector.shape_cast %get3A_1849 : vector<1x16xf32> to vector<16xf32>
        %mul3A_1851 = arith.mulf %get3A_1846, %get3A_1850 : vector<16xf32>
        %add3A_1852 = arith.addf %add3A_1746, %mul3A_1851 : vector<16xf32>
        %get3A_1853 = arith.index_cast %add3A_1842 : i32 to index
        %get3A_1854 = arith.constant 16 : index
        %get3A_1855 = tpu.vector_load %arg11[%get3A_1853, %get3A_1854] {strides = array<i32>} : memref<112x256xf32, #tpu.memory_space<vmem>>, vector<1x16xf32>,
        %get3A_1856 = vector.shape_cast %get3A_1855 : vector<1x16xf32> to vector<16xf32>
        %mul3A_1857 = arith.mulf %get3A_1846, %get3A_1856 : vector<16xf32>
        %add3A_1858 = arith.addf %add3A_1752, %mul3A_1857 : vector<16xf32>
        %get3A_1859 = arith.index_cast %add3A_1842 : i32 to index
        %get3A_1860 = arith.constant 32 : index
        %get3A_1861 = tpu.vector_load %arg11[%get3A_1859, %get3A_1860] {strides = array<i32>} : memref<112x256xf32, #tpu.memory_space<vmem>>, vector<1x16xf32>,
        %get3A_1862 = vector.shape_cast %get3A_1861 : vector<1x16xf32> to vector<16xf32>
        %mul3A_1863 = arith.mulf %get3A_1846, %get3A_1862 : vector<16xf32>
        %add3A_1864 = arith.addf %add3A_1758, %mul3A_1863 : vector<16xf32>
        %get3A_1865 = arith.index_cast %add3A_1842 : i32 to index
        %get3A_1866 = arith.constant 48 : index
        %get3A_1867 = tpu.vector_load %arg11[%get3A_1865, %get3A_1866] {strides = array<i32>} : memref<112x256xf32, #tpu.memory_space<vmem>>, vector<1x16xf32>,
        %get3A_1868 = vector.shape_cast %get3A_1867 : vector<1x16xf32> to vector<16xf32>
        %mul3A_1869 = arith.mulf %get3A_1846, %get3A_1868 : vector<16xf32>
        %add3A_1870 = arith.addf %add3A_1764, %mul3A_1869 : vector<16xf32>
        %get3A_1871 = arith.index_cast %add3A_1842 : i32 to index
        %get3A_1872 = arith.constant 64 : index
        %get3A_1873 = tpu.vector_load %arg11[%get3A_1871, %get3A_1872] {strides = array<i32>} : memref<112x256xf32, #tpu.memory_space<vmem>>, vector<1x16xf32>,
        %get3A_1874 = vector.shape_cast %get3A_1873 : vector<1x16xf32> to vector<16xf32>
        %mul3A_1875 = arith.mulf %get3A_1846, %get3A_1874 : vector<16xf32>
        %add3A_1876 = arith.addf %add3A_1770, %mul3A_1875 : vector<16xf32>
        %get3A_1877 = arith.index_cast %add3A_1842 : i32 to index
        %get3A_1878 = arith.constant 80 : index
        %get3A_1879 = tpu.vector_load %arg11[%get3A_1877, %get3A_1878] {strides = array<i32>} : memref<112x256xf32, #tpu.memory_space<vmem>>, vector<1x16xf32>,
        %get3A_1880 = vector.shape_cast %get3A_1879 : vector<1x16xf32> to vector<16xf32>
        %mul3A_1881 = arith.mulf %get3A_1846, %get3A_1880 : vector<16xf32>
        %add3A_1882 = arith.addf %add3A_1776, %mul3A_1881 : vector<16xf32>
        %get3A_1883 = arith.index_cast %add3A_1842 : i32 to index
        %get3A_1884 = arith.constant 96 : index
        %get3A_1885 = tpu.vector_load %arg11[%get3A_1883, %get3A_1884] {strides = array<i32>} : memref<112x256xf32, #tpu.memory_space<vmem>>, vector<1x16xf32>,
        %get3A_1886 = vector.shape_cast %get3A_1885 : vector<1x16xf32> to vector<16xf32>
        %mul3A_1887 = arith.mulf %get3A_1846, %get3A_1886 : vector<16xf32>
        %add3A_1888 = arith.addf %add3A_1782, %mul3A_1887 : vector<16xf32>
        %get3A_1889 = arith.index_cast %add3A_1842 : i32 to index
        %get3A_1890 = arith.constant 112 : index
        %get3A_1891 = tpu.vector_load %arg11[%get3A_1889, %get3A_1890] {strides = array<i32>} : memref<112x256xf32, #tpu.memory_space<vmem>>, vector<1x16xf32>,
        %get3A_1892 = vector.shape_cast %get3A_1891 : vector<1x16xf32> to vector<16xf32>
        %mul3A_1893 = arith.mulf %get3A_1846, %get3A_1892 : vector<16xf32>
        %add3A_1894 = arith.addf %add3A_1788, %mul3A_1893 : vector<16xf32>
        %get3A_1895 = arith.index_cast %add3A_1842 : i32 to index
        %get3A_1896 = arith.constant 128 : index
        %get3A_1897 = tpu.vector_load %arg11[%get3A_1895, %get3A_1896] {strides = array<i32>} : memref<112x256xf32, #tpu.memory_space<vmem>>, vector<1x16xf32>,
        %get3A_1898 = vector.shape_cast %get3A_1897 : vector<1x16xf32> to vector<16xf32>
        %mul3A_1899 = arith.mulf %get3A_1846, %get3A_1898 : vector<16xf32>
        %add3A_1900 = arith.addf %add3A_1794, %mul3A_1899 : vector<16xf32>
        %get3A_1901 = arith.index_cast %add3A_1842 : i32 to index
        %get3A_1902 = arith.constant 144 : index
        %get3A_1903 = tpu.vector_load %arg11[%get3A_1901, %get3A_1902] {strides = array<i32>} : memref<112x256xf32, #tpu.memory_space<vmem>>, vector<1x16xf32>,
        %get3A_1904 = vector.shape_cast %get3A_1903 : vector<1x16xf32> to vector<16xf32>
        %mul3A_1905 = arith.mulf %get3A_1846, %get3A_1904 : vector<16xf32>
        %add3A_1906 = arith.addf %add3A_1800, %mul3A_1905 : vector<16xf32>
        %get3A_1907 = arith.index_cast %add3A_1842 : i32 to index
        %get3A_1908 = arith.constant 160 : index
        %get3A_1909 = tpu.vector_load %arg11[%get3A_1907, %get3A_1908] {strides = array<i32>} : memref<112x256xf32, #tpu.memory_space<vmem>>, vector<1x16xf32>,
        %get3A_1910 = vector.shape_cast %get3A_1909 : vector<1x16xf32> to vector<16xf32>
        %mul3A_1911 = arith.mulf %get3A_1846, %get3A_1910 : vector<16xf32>
        %add3A_1912 = arith.addf %add3A_1806, %mul3A_1911 : vector<16xf32>
        %get3A_1913 = arith.index_cast %add3A_1842 : i32 to index
        %get3A_1914 = arith.constant 176 : index
        %get3A_1915 = tpu.vector_load %arg11[%get3A_1913, %get3A_1914] {strides = array<i32>} : memref<112x256xf32, #tpu.memory_space<vmem>>, vector<1x16xf32>,
        %get3A_1916 = vector.shape_cast %get3A_1915 : vector<1x16xf32> to vector<16xf32>
        %mul3A_1917 = arith.mulf %get3A_1846, %get3A_1916 : vector<16xf32>
        %add3A_1918 = arith.addf %add3A_1812, %mul3A_1917 : vector<16xf32>
        %get3A_1919 = arith.index_cast %add3A_1842 : i32 to index
        %get3A_1920 = arith.constant 192 : index
        %get3A_1921 = tpu.vector_load %arg11[%get3A_1919, %get3A_1920] {strides = array<i32>} : memref<112x256xf32, #tpu.memory_space<vmem>>, vector<1x16xf32>,
        %get3A_1922 = vector.shape_cast %get3A_1921 : vector<1x16xf32> to vector<16xf32>
        %mul3A_1923 = arith.mulf %get3A_1846, %get3A_1922 : vector<16xf32>
        %add3A_1924 = arith.addf %add3A_1818, %mul3A_1923 : vector<16xf32>
        %get3A_1925 = arith.index_cast %add3A_1842 : i32 to index
        %get3A_1926 = arith.constant 208 : index
        %get3A_1927 = tpu.vector_load %arg11[%get3A_1925, %get3A_1926] {strides = array<i32>} : memref<112x256xf32, #tpu.memory_space<vmem>>, vector<1x16xf32>,
        %get3A_1928 = vector.shape_cast %get3A_1927 : vector<1x16xf32> to vector<16xf32>
        %mul3A_1929 = arith.mulf %get3A_1846, %get3A_1928 : vector<16xf32>
        %add3A_1930 = arith.addf %add3A_1824, %mul3A_1929 : vector<16xf32>
        %get3A_1931 = arith.index_cast %add3A_1842 : i32 to index
        %get3A_1932 = arith.constant 224 : index
        %get3A_1933 = tpu.vector_load %arg11[%get3A_1931, %get3A_1932] {strides = array<i32>} : memref<112x256xf32, #tpu.memory_space<vmem>>, vector<1x16xf32>,
        %get3A_1934 = vector.shape_cast %get3A_1933 : vector<1x16xf32> to vector<16xf32>
        %mul3A_1935 = arith.mulf %get3A_1846, %get3A_1934 : vector<16xf32>
        %add3A_1936 = arith.addf %add3A_1830, %mul3A_1935 : vector<16xf32>
        %get3A_1937 = arith.index_cast %add3A_1842 : i32 to index
        %get3A_1938 = arith.constant 240 : index
        %get3A_1939 = tpu.vector_load %arg11[%get3A_1937, %get3A_1938] {strides = array<i32>} : memref<112x256xf32, #tpu.memory_space<vmem>>, vector<1x16xf32>,
        %get3A_1940 = vector.shape_cast %get3A_1939 : vector<1x16xf32> to vector<16xf32>
        %mul3A_1941 = arith.mulf %get3A_1846, %get3A_1940 : vector<16xf32>
        %add3A_1942 = arith.addf %add3A_1836, %mul3A_1941 : vector<16xf32>
        %swap3A = arith.index_cast %scan3A_215 : i32 to index
        %swap3A_1943 = arith.constant 0 : index
        %swap3A_1944 = tpu.vector_load %arg13[%swap3A, %swap3A_1943] {strides = array<i32>} : memref<7x256xf32, #tpu.memory_space<vmem>>, vector<1x16xf32>,
        %swap3A_1945 = vector.shape_cast %swap3A_1944 : vector<1x16xf32> to vector<16xf32>
        %swap3A_1946 = vector.shape_cast %add3A_1852 : vector<16xf32> to vector<1x16xf32>
        tpu.vector_store %arg13[%swap3A, %swap3A_1943], %swap3A_1946 {strides = array<i32>} : memref<7x256xf32, #tpu.memory_space<vmem>>, vector<1x16xf32>,
        %swap3A_1947 = arith.index_cast %scan3A_215 : i32 to index
        %swap3A_1948 = arith.constant 16 : index
        %swap3A_1949 = tpu.vector_load %arg13[%swap3A_1947, %swap3A_1948] {strides = array<i32>} : memref<7x256xf32, #tpu.memory_space<vmem>>, vector<1x16xf32>,
        %swap3A_1950 = vector.shape_cast %swap3A_1949 : vector<1x16xf32> to vector<16xf32>
        %swap3A_1951 = vector.shape_cast %add3A_1858 : vector<16xf32> to vector<1x16xf32>
        tpu.vector_store %arg13[%swap3A_1947, %swap3A_1948], %swap3A_1951 {strides = array<i32>} : memref<7x256xf32, #tpu.memory_space<vmem>>, vector<1x16xf32>,
        %swap3A_1952 = arith.index_cast %scan3A_215 : i32 to index
        %swap3A_1953 = arith.constant 32 : index
        %swap3A_1954 = tpu.vector_load %arg13[%swap3A_1952, %swap3A_1953] {strides = array<i32>} : memref<7x256xf32, #tpu.memory_space<vmem>>, vector<1x16xf32>,
        %swap3A_1955 = vector.shape_cast %swap3A_1954 : vector<1x16xf32> to vector<16xf32>
        %swap3A_1956 = vector.shape_cast %add3A_1864 : vector<16xf32> to vector<1x16xf32>
        tpu.vector_store %arg13[%swap3A_1952, %swap3A_1953], %swap3A_1956 {strides = array<i32>} : memref<7x256xf32, #tpu.memory_space<vmem>>, vector<1x16xf32>,
        %swap3A_1957 = arith.index_cast %scan3A_215 : i32 to index
        %swap3A_1958 = arith.constant 48 : index
        %swap3A_1959 = tpu.vector_load %arg13[%swap3A_1957, %swap3A_1958] {strides = array<i32>} : memref<7x256xf32, #tpu.memory_space<vmem>>, vector<1x16xf32>,
        %swap3A_1960 = vector.shape_cast %swap3A_1959 : vector<1x16xf32> to vector<16xf32>
        %swap3A_1961 = vector.shape_cast %add3A_1870 : vector<16xf32> to vector<1x16xf32>
        tpu.vector_store %arg13[%swap3A_1957, %swap3A_1958], %swap3A_1961 {strides = array<i32>} : memref<7x256xf32, #tpu.memory_space<vmem>>, vector<1x16xf32>,
        %swap3A_1962 = arith.index_cast %scan3A_215 : i32 to index
        %swap3A_1963 = arith.constant 64 : index
        %swap3A_1964 = tpu.vector_load %arg13[%swap3A_1962, %swap3A_1963] {strides = array<i32>} : memref<7x256xf32, #tpu.memory_space<vmem>>, vector<1x16xf32>,
        %swap3A_1965 = vector.shape_cast %swap3A_1964 : vector<1x16xf32> to vector<16xf32>
        %swap3A_1966 = vector.shape_cast %add3A_1876 : vector<16xf32> to vector<1x16xf32>
        tpu.vector_store %arg13[%swap3A_1962, %swap3A_1963], %swap3A_1966 {strides = array<i32>} : memref<7x256xf32, #tpu.memory_space<vmem>>, vector<1x16xf32>,
        %swap3A_1967 = arith.index_cast %scan3A_215 : i32 to index
        %swap3A_1968 = arith.constant 80 : index
        %swap3A_1969 = tpu.vector_load %arg13[%swap3A_1967, %swap3A_1968] {strides = array<i32>} : memref<7x256xf32, #tpu.memory_space<vmem>>, vector<1x16xf32>,
        %swap3A_1970 = vector.shape_cast %swap3A_1969 : vector<1x16xf32> to vector<16xf32>
        %swap3A_1971 = vector.shape_cast %add3A_1882 : vector<16xf32> to vector<1x16xf32>
        tpu.vector_store %arg13[%swap3A_1967, %swap3A_1968], %swap3A_1971 {strides = array<i32>} : memref<7x256xf32, #tpu.memory_space<vmem>>, vector<1x16xf32>,
        %swap3A_1972 = arith.index_cast %scan3A_215 : i32 to index
        %swap3A_1973 = arith.constant 96 : index
        %swap3A_1974 = tpu.vector_load %arg13[%swap3A_1972, %swap3A_1973] {strides = array<i32>} : memref<7x256xf32, #tpu.memory_space<vmem>>, vector<1x16xf32>,
        %swap3A_1975 = vector.shape_cast %swap3A_1974 : vector<1x16xf32> to vector<16xf32>
        %swap3A_1976 = vector.shape_cast %add3A_1888 : vector<16xf32> to vector<1x16xf32>
        tpu.vector_store %arg13[%swap3A_1972, %swap3A_1973], %swap3A_1976 {strides = array<i32>} : memref<7x256xf32, #tpu.memory_space<vmem>>, vector<1x16xf32>,
        %swap3A_1977 = arith.index_cast %scan3A_215 : i32 to index
        %swap3A_1978 = arith.constant 112 : index
        %swap3A_1979 = tpu.vector_load %arg13[%swap3A_1977, %swap3A_1978] {strides = array<i32>} : memref<7x256xf32, #tpu.memory_space<vmem>>, vector<1x16xf32>,
        %swap3A_1980 = vector.shape_cast %swap3A_1979 : vector<1x16xf32> to vector<16xf32>
        %swap3A_1981 = vector.shape_cast %add3A_1894 : vector<16xf32> to vector<1x16xf32>
        tpu.vector_store %arg13[%swap3A_1977, %swap3A_1978], %swap3A_1981 {strides = array<i32>} : memref<7x256xf32, #tpu.memory_space<vmem>>, vector<1x16xf32>,
        %swap3A_1982 = arith.index_cast %scan3A_215 : i32 to index
        %swap3A_1983 = arith.constant 128 : index
        %swap3A_1984 = tpu.vector_load %arg13[%swap3A_1982, %swap3A_1983] {strides = array<i32>} : memref<7x256xf32, #tpu.memory_space<vmem>>, vector<1x16xf32>,
        %swap3A_1985 = vector.shape_cast %swap3A_1984 : vector<1x16xf32> to vector<16xf32>
        %swap3A_1986 = vector.shape_cast %add3A_1900 : vector<16xf32> to vector<1x16xf32>
        tpu.vector_store %arg13[%swap3A_1982, %swap3A_1983], %swap3A_1986 {strides = array<i32>} : memref<7x256xf32, #tpu.memory_space<vmem>>, vector<1x16xf32>,
        %swap3A_1987 = arith.index_cast %scan3A_215 : i32 to index
        %swap3A_1988 = arith.constant 144 : index
        %swap3A_1989 = tpu.vector_load %arg13[%swap3A_1987, %swap3A_1988] {strides = array<i32>} : memref<7x256xf32, #tpu.memory_space<vmem>>, vector<1x16xf32>,
        %swap3A_1990 = vector.shape_cast %swap3A_1989 : vector<1x16xf32> to vector<16xf32>
        %swap3A_1991 = vector.shape_cast %add3A_1906 : vector<16xf32> to vector<1x16xf32>
        tpu.vector_store %arg13[%swap3A_1987, %swap3A_1988], %swap3A_1991 {strides = array<i32>} : memref<7x256xf32, #tpu.memory_space<vmem>>, vector<1x16xf32>,
        %swap3A_1992 = arith.index_cast %scan3A_215 : i32 to index
        %swap3A_1993 = arith.constant 160 : index
        %swap3A_1994 = tpu.vector_load %arg13[%swap3A_1992, %swap3A_1993] {strides = array<i32>} : memref<7x256xf32, #tpu.memory_space<vmem>>, vector<1x16xf32>,
        %swap3A_1995 = vector.shape_cast %swap3A_1994 : vector<1x16xf32> to vector<16xf32>
        %swap3A_1996 = vector.shape_cast %add3A_1912 : vector<16xf32> to vector<1x16xf32>
        tpu.vector_store %arg13[%swap3A_1992, %swap3A_1993], %swap3A_1996 {strides = array<i32>} : memref<7x256xf32, #tpu.memory_space<vmem>>, vector<1x16xf32>,
        %swap3A_1997 = arith.index_cast %scan3A_215 : i32 to index
        %swap3A_1998 = arith.constant 176 : index
        %swap3A_1999 = tpu.vector_load %arg13[%swap3A_1997, %swap3A_1998] {strides = array<i32>} : memref<7x256xf32, #tpu.memory_space<vmem>>, vector<1x16xf32>,
        %swap3A_2000 = vector.shape_cast %swap3A_1999 : vector<1x16xf32> to vector<16xf32>
        %swap3A_2001 = vector.shape_cast %add3A_1918 : vector<16xf32> to vector<1x16xf32>
        tpu.vector_store %arg13[%swap3A_1997, %swap3A_1998], %swap3A_2001 {strides = array<i32>} : memref<7x256xf32, #tpu.memory_space<vmem>>, vector<1x16xf32>,
        %swap3A_2002 = arith.index_cast %scan3A_215 : i32 to index
        %swap3A_2003 = arith.constant 192 : index
        %swap3A_2004 = tpu.vector_load %arg13[%swap3A_2002, %swap3A_2003] {strides = array<i32>} : memref<7x256xf32, #tpu.memory_space<vmem>>, vector<1x16xf32>,
        %swap3A_2005 = vector.shape_cast %swap3A_2004 : vector<1x16xf32> to vector<16xf32>
        %swap3A_2006 = vector.shape_cast %add3A_1924 : vector<16xf32> to vector<1x16xf32>
        tpu.vector_store %arg13[%swap3A_2002, %swap3A_2003], %swap3A_2006 {strides = array<i32>} : memref<7x256xf32, #tpu.memory_space<vmem>>, vector<1x16xf32>,
        %swap3A_2007 = arith.index_cast %scan3A_215 : i32 to index
        %swap3A_2008 = arith.constant 208 : index
        %swap3A_2009 = tpu.vector_load %arg13[%swap3A_2007, %swap3A_2008] {strides = array<i32>} : memref<7x256xf32, #tpu.memory_space<vmem>>, vector<1x16xf32>,
        %swap3A_2010 = vector.shape_cast %swap3A_2009 : vector<1x16xf32> to vector<16xf32>
        %swap3A_2011 = vector.shape_cast %add3A_1930 : vector<16xf32> to vector<1x16xf32>
        tpu.vector_store %arg13[%swap3A_2007, %swap3A_2008], %swap3A_2011 {strides = array<i32>} : memref<7x256xf32, #tpu.memory_space<vmem>>, vector<1x16xf32>,
        %swap3A_2012 = arith.index_cast %scan3A_215 : i32 to index
        %swap3A_2013 = arith.constant 224 : index
        %swap3A_2014 = tpu.vector_load %arg13[%swap3A_2012, %swap3A_2013] {strides = array<i32>} : memref<7x256xf32, #tpu.memory_space<vmem>>, vector<1x16xf32>,
        %swap3A_2015 = vector.shape_cast %swap3A_2014 : vector<1x16xf32> to vector<16xf32>
        %swap3A_2016 = vector.shape_cast %add3A_1936 : vector<16xf32> to vector<1x16xf32>
        tpu.vector_store %arg13[%swap3A_2012, %swap3A_2013], %swap3A_2016 {strides = array<i32>} : memref<7x256xf32, #tpu.memory_space<vmem>>, vector<1x16xf32>,
        %swap3A_2017 = arith.index_cast %scan3A_215 : i32 to index
        %swap3A_2018 = arith.constant 240 : index
        %swap3A_2019 = tpu.vector_load %arg13[%swap3A_2017, %swap3A_2018] {strides = array<i32>} : memref<7x256xf32, #tpu.memory_space<vmem>>, vector<1x16xf32>,
        %swap3A_2020 = vector.shape_cast %swap3A_2019 : vector<1x16xf32> to vector<16xf32>
        %swap3A_2021 = vector.shape_cast %add3A_1942 : vector<16xf32> to vector<1x16xf32>
        tpu.vector_store %arg13[%swap3A_2017, %swap3A_2018], %swap3A_2021 {strides = array<i32>} : memref<7x256xf32, #tpu.memory_space<vmem>>, vector<1x16xf32>,
        %scan3A_2022 = arith.constant 0 : i32
        scf.yield %scan3A_2022 : i32
      }
      %scan3A_205 = arith.constant 7 : i32
      %dma_start3A_206 = arith.constant 0 : i32
      %dma_start3A_207 = arith.constant 0 : i32
      %dma_start3A_208 = tpu.memref_slice %arg5[%add3A_177, %select_n3A_193, %dma_start3A_206, %dma_start3A_207] : memref<512x7x7x256xf32, #tpu.memory_space<hbm>> -> memref<1x1x7x256xf32, #tpu.memory_space<hbm>>
      %dma_start3A_209 = tpu.memref_squeeze %dma_start3A_208 : memref<1x1x7x256xf32, #tpu.memory_space<hbm>> -> memref<7x256xf32, #tpu.memory_space<hbm>>
      %dma_start3A_210 = arith.constant 0 : i32
      %dma_start3A_211 = arith.constant 0 : i32
      %dma_start3A_212 = tpu.memref_slice %arg5[%add3A_177, %select_n3A_193, %dma_start3A_210, %dma_start3A_211] : memref<512x7x7x256xf32, #tpu.memory_space<hbm>> -> memref<1x1x7x256xf32, #tpu.memory_space<hbm>>
      %dma_start3A_213 = tpu.memref_squeeze %dma_start3A_212 : memref<1x1x7x256xf32, #tpu.memory_space<hbm>> -> memref<7x256xf32, #tpu.memory_space<hbm>>
      tpu.enqueue_dma source(%arg13 : memref<7x256xf32, #tpu.memory_space<vmem>>) target(%dma_start3A_213 : memref<7x256xf32, #tpu.memory_space<hbm>>) target_semaphore(%arg17 : memref<!tpu.dma_semaphore, #tpu.memory_space<semaphore_mem>>)
      %scan3A_214 = arith.constant 0 : i32
      scf.yield %scan3A_214 : i32
    }
    %scan3A_43 = arith.constant 56 : i32
    %add3A_44 = arith.constant 15 : i32
    %add3A_45 = arith.addi %mul3A_2, %add3A_44 : i32
    %dma_wait3A = arith.constant 5 : i32
    %dma_wait3A_46 = arith.constant 0 : i32
    %dma_wait3A_47 = arith.constant 0 : i32
    %dma_wait3A_48 = tpu.memref_slice %arg5[%add3A_45, %dma_wait3A, %dma_wait3A_46, %dma_wait3A_47] : memref<512x7x7x256xf32, #tpu.memory_space<hbm>> -> memref<1x1x7x256xf32, #tpu.memory_space<hbm>>
    %dma_wait3A_49 = tpu.memref_squeeze %dma_wait3A_48 : memref<1x1x7x256xf32, #tpu.memory_space<hbm>> -> memref<7x256xf32, #tpu.memory_space<hbm>>
    %dma_wait3A_50 = arith.constant 0 : i32
    %dma_wait3A_51 = arith.constant 0 : i32
    %dma_wait3A_52 = tpu.memref_slice %arg5[%add3A_45, %dma_wait3A, %dma_wait3A_50, %dma_wait3A_51] : memref<512x7x7x256xf32, #tpu.memory_space<hbm>> -> memref<1x1x7x256xf32, #tpu.memory_space<hbm>>
    %dma_wait3A_53 = tpu.memref_squeeze %dma_wait3A_52 : memref<1x1x7x256xf32, #tpu.memory_space<hbm>> -> memref<7x256xf32, #tpu.memory_space<hbm>>
    tpu.wait_dma2 semaphore(%arg16 : memref<!tpu.dma_semaphore, #tpu.memory_space<semaphore_mem>>) src(%arg12 : memref<7x256xf32, #tpu.memory_space<vmem>>) dst(%dma_wait3A_53 : memref<7x256xf32, #tpu.memory_space<hbm>>)
    %add3A_54 = arith.constant 15 : i32
    %add3A_55 = arith.addi %mul3A_2, %add3A_54 : i32
    %dma_wait3A_56 = arith.constant 6 : i32
    %dma_wait3A_57 = arith.constant 0 : i32
    %dma_wait3A_58 = arith.constant 0 : i32
    %dma_wait3A_59 = tpu.memref_slice %arg5[%add3A_55, %dma_wait3A_56, %dma_wait3A_57, %dma_wait3A_58] : memref<512x7x7x256xf32, #tpu.memory_space<hbm>> -> memref<1x1x7x256xf32, #tpu.memory_space<hbm>>
    %dma_wait3A_60 = tpu.memref_squeeze %dma_wait3A_59 : memref<1x1x7x256xf32, #tpu.memory_space<hbm>> -> memref<7x256xf32, #tpu.memory_space<hbm>>
    %dma_wait3A_61 = arith.constant 0 : i32
    %dma_wait3A_62 = arith.constant 0 : i32
    %dma_wait3A_63 = tpu.memref_slice %arg5[%add3A_55, %dma_wait3A_56, %dma_wait3A_61, %dma_wait3A_62] : memref<512x7x7x256xf32, #tpu.memory_space<hbm>> -> memref<1x1x7x256xf32, #tpu.memory_space<hbm>>
    %dma_wait3A_64 = tpu.memref_squeeze %dma_wait3A_63 : memref<1x1x7x256xf32, #tpu.memory_space<hbm>> -> memref<7x256xf32, #tpu.memory_space<hbm>>
    tpu.wait_dma2 semaphore(%arg17 : memref<!tpu.dma_semaphore, #tpu.memory_space<semaphore_mem>>) src(%arg13 : memref<7x256xf32, #tpu.memory_space<vmem>>) dst(%dma_wait3A_64 : memref<7x256xf32, #tpu.memory_space<hbm>>)
    return
  }
}

module attributes {stable_mosaic.version = 14 : i64} {
  func.func @_prologue_body(%arg0: i32, %arg1: memref<64x4xf32, #tpu.memory_space<vmem>>, %arg2: memref<64x784xi32, #tpu.memory_space<vmem>>, %arg3: memref<64x784xf32, #tpu.memory_space<vmem>>) attributes {dimension_semantics = [#tpu.dimension_semantics<arbitrary>], iteration_bounds = array<i64: 8>, scalar_prefetch = 0 : i64, scratch_operands = 0 : i64, tpu.core_type = #tpu.core_type<tc>, window_params = [{transform_indices = @transform_0, window_bounds = array<i64: 64, 4>}, {transform_indices = @transform_1, window_bounds = array<i64: 64, 784>}, {transform_indices = @transform_2, window_bounds = array<i64: 64, 784>}]} {
    %get3A = arith.constant 0 : index
    %get3A_0 = arith.constant 0 : index
    %get3A_1 = vector.load %arg1[%get3A, %get3A_0] : memref<64x4xf32, #tpu.memory_space<vmem>>, vector<64x4xf32>
    %mul3A = arith.constant 64 : i32
    %mul3A_2 = arith.muli %arg0, %mul3A : i32
    %iota3A = tpu.iota {dimensions = array<i32: 0>} : vector<64x1xi32>
    %add3A = vector.broadcast %mul3A_2 : i32 to vector<64x1xi32>
    %add3A_3 = arith.addi %add3A, %iota3A : vector<64x1xi32>
    %jit3A = arith.constant 256 : i32
    %div3A = vector.broadcast %jit3A : i32 to vector<64x1xi32>
    %div3A_4 = arith.divsi %add3A_3, %div3A : vector<64x1xi32>
    %sign3A = arith.constant 0 : i32
    %sign3A_5 = vector.broadcast %sign3A : i32 to vector<64x1xi32>
    %sign3A_6 = arith.cmpi sgt, %add3A_3, %sign3A_5 : vector<64x1xi32>
    %sign3A_7 = arith.extui %sign3A_6 : vector<64x1xi1> to vector<64x1xi32>
    %sign3A_8 = arith.constant 0 : i32
    %sign3A_9 = vector.broadcast %sign3A_8 : i32 to vector<64x1xi32>
    %sign3A_10 = arith.cmpi slt, %add3A_3, %sign3A_9 : vector<64x1xi32>
    %sign3A_11 = arith.extui %sign3A_10 : vector<64x1xi1> to vector<64x1xi32>
    %sign3A_12 = arith.subi %sign3A_7, %sign3A_11 : vector<64x1xi32>
    %sign3A_13 = arith.constant 0 : i32
    %sign3A_14 = arith.cmpi sgt, %jit3A, %sign3A_13 : i32
    %sign3A_15 = arith.extui %sign3A_14 : i1 to i32
    %sign3A_16 = arith.constant 0 : i32
    %sign3A_17 = arith.cmpi slt, %jit3A, %sign3A_16 : i32
    %sign3A_18 = arith.extui %sign3A_17 : i1 to i32
    %sign3A_19 = arith.subi %sign3A_15, %sign3A_18 : i32
    %ne3A = vector.broadcast %sign3A_19 : i32 to vector<64x1xi32>
    %ne3A_20 = arith.cmpi ne, %sign3A_12, %ne3A : vector<64x1xi32>
    %rem3A = vector.broadcast %jit3A : i32 to vector<64x1xi32>
    %rem3A_21 = arith.remsi %add3A_3, %rem3A : vector<64x1xi32>
    %ne3A_22 = arith.constant 0 : i32
    %ne3A_23 = vector.broadcast %ne3A_22 : i32 to vector<64x1xi32>
    %ne3A_24 = arith.cmpi ne, %rem3A_21, %ne3A_23 : vector<64x1xi32>
    %and3A = arith.andi %ne3A_20, %ne3A_24 : vector<64x1xi1>
    %sub3A = arith.constant 1 : i32
    %sub3A_25 = vector.broadcast %sub3A : i32 to vector<64x1xi32>
    %sub3A_26 = arith.subi %div3A_4, %sub3A_25 : vector<64x1xi32>
    %select_n3A = arith.select %and3A, %sub3A_26, %div3A_4 : vector<64x1xi1>, vector<64x1xi32>
    %slice3A = vector.extract_strided_slice %get3A_1 {offsets = [0, 0], sizes = [64, 1], strides = [1, 1]} : vector<64x4xf32> to vector<64x1xf32>
    %mul3A_27 = arith.constant 6.000000e+02 : f32
    %mul3A_28 = vector.broadcast %mul3A_27 : f32 to vector<64x1xf32>
    %mul3A_29 = arith.mulf %slice3A, %mul3A_28 : vector<64x1xf32>
    %slice3A_30 = vector.extract_strided_slice %get3A_1 {offsets = [0, 1], sizes = [64, 1], strides = [1, 1]} : vector<64x4xf32> to vector<64x1xf32>
    %mul3A_31 = arith.constant 6.000000e+02 : f32
    %mul3A_32 = vector.broadcast %mul3A_31 : f32 to vector<64x1xf32>
    %mul3A_33 = arith.mulf %slice3A_30, %mul3A_32 : vector<64x1xf32>
    %add3A_34 = arith.constant 1.600000e+01 : f32
    %add3A_35 = vector.broadcast %add3A_34 : f32 to vector<64x1xf32>
    %add3A_36 = arith.addf %mul3A_29, %add3A_35 : vector<64x1xf32>
    %slice3A_37 = vector.extract_strided_slice %get3A_1 {offsets = [0, 2], sizes = [64, 1], strides = [1, 1]} : vector<64x4xf32> to vector<64x1xf32>
    %mul3A_38 = arith.constant 2.000000e+02 : f32
    %mul3A_39 = vector.broadcast %mul3A_38 : f32 to vector<64x1xf32>
    %mul3A_40 = arith.mulf %slice3A_37, %mul3A_39 : vector<64x1xf32>
    %add3A_41 = arith.addf %add3A_36, %mul3A_40 : vector<64x1xf32>
    %add3A_42 = arith.constant 1.600000e+01 : f32
    %add3A_43 = vector.broadcast %add3A_42 : f32 to vector<64x1xf32>
    %add3A_44 = arith.addf %mul3A_33, %add3A_43 : vector<64x1xf32>
    %slice3A_45 = vector.extract_strided_slice %get3A_1 {offsets = [0, 3], sizes = [64, 1], strides = [1, 1]} : vector<64x4xf32> to vector<64x1xf32>
    %mul3A_46 = arith.constant 2.000000e+02 : f32
    %mul3A_47 = vector.broadcast %mul3A_46 : f32 to vector<64x1xf32>
    %mul3A_48 = arith.mulf %slice3A_45, %mul3A_47 : vector<64x1xf32>
    %add3A_49 = arith.addf %add3A_44, %mul3A_48 : vector<64x1xf32>
    %sub3A_50 = arith.subf %add3A_41, %mul3A_29 : vector<64x1xf32>
    %sub3A_51 = arith.subf %add3A_49, %mul3A_33 : vector<64x1xf32>
    %mul3A_52 = arith.mulf %sub3A_50, %sub3A_51 : vector<64x1xf32>
    %sqrt3A = math.sqrt %mul3A_52 : vector<64x1xf32>
    %div3A_53 = arith.constant 2.240000e+02 : f32
    %div3A_54 = vector.broadcast %div3A_53 : f32 to vector<64x1xf32>
    %div3A_55 = arith.divf %sqrt3A, %div3A_54 : vector<64x1xf32>
    %add3A_56 = arith.constant 9.99999993E-9 : f32
    %add3A_57 = vector.broadcast %add3A_56 : f32 to vector<64x1xf32>
    %add3A_58 = arith.addf %div3A_55, %add3A_57 : vector<64x1xf32>
    %log3A = math.log %add3A_58 : vector<64x1xf32>
    %log3A_59 = arith.constant 2.000000e+00 : f32
    %log3A_60 = math.log %log3A_59 : f32
    %div3A_61 = vector.broadcast %log3A_60 : f32 to vector<64x1xf32>
    %div3A_62 = arith.divf %log3A, %div3A_61 : vector<64x1xf32>
    %add3A_63 = arith.constant 4.000000e+00 : f32
    %add3A_64 = vector.broadcast %add3A_63 : f32 to vector<64x1xf32>
    %add3A_65 = arith.addf %add3A_64, %div3A_62 : vector<64x1xf32>
    %floor3A = math.floor %add3A_65 : vector<64x1xf32>
    %jit3A_66 = arith.constant 2.000000e+00 : f32
    %jit3A_67 = arith.constant 5.000000e+00 : f32
    %max3A = vector.broadcast %jit3A_66 : f32 to vector<64x1xf32>
    %max3A_68 = arith.maximumf %max3A, %floor3A : vector<64x1xf32>
    %min3A = vector.broadcast %jit3A_67 : f32 to vector<64x1xf32>
    %min3A_69 = arith.minimumf %min3A, %max3A_68 : vector<64x1xf32>
    %convert_element_type3A = arith.fptosi %min3A_69 : vector<64x1xf32> to vector<64x1xi32>
    %sub3A_70 = arith.constant 2 : i32
    %sub3A_71 = vector.broadcast %sub3A_70 : i32 to vector<64x1xi32>
    %sub3A_72 = arith.subi %convert_element_type3A, %sub3A_71 : vector<64x1xi32>
    %broadcast_in_dim3A = arith.constant 3.125000e-02 : f32
    %broadcast_in_dim3A_73 = vector.broadcast %broadcast_in_dim3A : f32 to vector<64x1xf32>
    %eq3A = arith.constant 2 : i32
    %eq3A_74 = vector.broadcast %eq3A : i32 to vector<64x1xi32>
    %eq3A_75 = arith.cmpi eq, %sub3A_72, %eq3A_74 : vector<64x1xi32>
    %jit3A_76 = arith.constant 6.250000e-02 : f32
    %broadcast_in_dim3A_77 = vector.broadcast %jit3A_76 : f32 to vector<64x1xf32>
    %select_n3A_78 = arith.select %eq3A_75, %broadcast_in_dim3A_77, %broadcast_in_dim3A_73 : vector<64x1xi1>, vector<64x1xf32>
    %eq3A_79 = arith.constant 1 : i32
    %eq3A_80 = vector.broadcast %eq3A_79 : i32 to vector<64x1xi32>
    %eq3A_81 = arith.cmpi eq, %sub3A_72, %eq3A_80 : vector<64x1xi32>
    %jit3A_82 = arith.constant 1.250000e-01 : f32
    %broadcast_in_dim3A_83 = vector.broadcast %jit3A_82 : f32 to vector<64x1xf32>
    %select_n3A_84 = arith.select %eq3A_81, %broadcast_in_dim3A_83, %select_n3A_78 : vector<64x1xi1>, vector<64x1xf32>
    %eq3A_85 = arith.constant 0 : i32
    %eq3A_86 = vector.broadcast %eq3A_85 : i32 to vector<64x1xi32>
    %eq3A_87 = arith.cmpi eq, %sub3A_72, %eq3A_86 : vector<64x1xi32>
    %jit3A_88 = arith.constant 2.500000e-01 : f32
    %broadcast_in_dim3A_89 = vector.broadcast %jit3A_88 : f32 to vector<64x1xf32>
    %select_n3A_90 = arith.select %eq3A_87, %broadcast_in_dim3A_89, %select_n3A_84 : vector<64x1xi1>, vector<64x1xf32>
    %broadcast_in_dim3A_91 = arith.constant 25 : i32
    %broadcast_in_dim3A_92 = vector.broadcast %broadcast_in_dim3A_91 : i32 to vector<64x1xi32>
    %eq3A_93 = arith.constant 2 : i32
    %eq3A_94 = vector.broadcast %eq3A_93 : i32 to vector<64x1xi32>
    %eq3A_95 = arith.cmpi eq, %sub3A_72, %eq3A_94 : vector<64x1xi32>
    %jit3A_96 = arith.constant 50 : i32
    %broadcast_in_dim3A_97 = vector.broadcast %jit3A_96 : i32 to vector<64x1xi32>
    %select_n3A_98 = arith.select %eq3A_95, %broadcast_in_dim3A_97, %broadcast_in_dim3A_92 : vector<64x1xi1>, vector<64x1xi32>
    %eq3A_99 = arith.constant 1 : i32
    %eq3A_100 = vector.broadcast %eq3A_99 : i32 to vector<64x1xi32>
    %eq3A_101 = arith.cmpi eq, %sub3A_72, %eq3A_100 : vector<64x1xi32>
    %jit3A_102 = arith.constant 100 : i32
    %broadcast_in_dim3A_103 = vector.broadcast %jit3A_102 : i32 to vector<64x1xi32>
    %select_n3A_104 = arith.select %eq3A_101, %broadcast_in_dim3A_103, %select_n3A_98 : vector<64x1xi1>, vector<64x1xi32>
    %eq3A_105 = arith.constant 0 : i32
    %eq3A_106 = vector.broadcast %eq3A_105 : i32 to vector<64x1xi32>
    %eq3A_107 = arith.cmpi eq, %sub3A_72, %eq3A_106 : vector<64x1xi32>
    %jit3A_108 = arith.constant 200 : i32
    %broadcast_in_dim3A_109 = vector.broadcast %jit3A_108 : i32 to vector<64x1xi32>
    %select_n3A_110 = arith.select %eq3A_107, %broadcast_in_dim3A_109, %select_n3A_104 : vector<64x1xi1>, vector<64x1xi32>
    %broadcast_in_dim3A_111 = arith.constant 105000 : i32
    %broadcast_in_dim3A_112 = vector.broadcast %broadcast_in_dim3A_111 : i32 to vector<64x1xi32>
    %eq3A_113 = arith.constant 2 : i32
    %eq3A_114 = vector.broadcast %eq3A_113 : i32 to vector<64x1xi32>
    %eq3A_115 = arith.cmpi eq, %sub3A_72, %eq3A_114 : vector<64x1xi32>
    %jit3A_116 = arith.constant 100000 : i32
    %broadcast_in_dim3A_117 = vector.broadcast %jit3A_116 : i32 to vector<64x1xi32>
    %select_n3A_118 = arith.select %eq3A_115, %broadcast_in_dim3A_117, %broadcast_in_dim3A_112 : vector<64x1xi1>, vector<64x1xi32>
    %eq3A_119 = arith.constant 1 : i32
    %eq3A_120 = vector.broadcast %eq3A_119 : i32 to vector<64x1xi32>
    %eq3A_121 = arith.cmpi eq, %sub3A_72, %eq3A_120 : vector<64x1xi32>
    %jit3A_122 = arith.constant 80000 : i32
    %broadcast_in_dim3A_123 = vector.broadcast %jit3A_122 : i32 to vector<64x1xi32>
    %select_n3A_124 = arith.select %eq3A_121, %broadcast_in_dim3A_123, %select_n3A_118 : vector<64x1xi1>, vector<64x1xi32>
    %eq3A_125 = arith.constant 0 : i32
    %eq3A_126 = vector.broadcast %eq3A_125 : i32 to vector<64x1xi32>
    %eq3A_127 = arith.cmpi eq, %sub3A_72, %eq3A_126 : vector<64x1xi32>
    %jit3A_128 = arith.constant 0 : i32
    %broadcast_in_dim3A_129 = vector.broadcast %jit3A_128 : i32 to vector<64x1xi32>
    %select_n3A_130 = arith.select %eq3A_127, %broadcast_in_dim3A_129, %select_n3A_124 : vector<64x1xi1>, vector<64x1xi32>
    %broadcast_in_dim3A_131 = arith.constant 625 : i32
    %broadcast_in_dim3A_132 = vector.broadcast %broadcast_in_dim3A_131 : i32 to vector<64x1xi32>
    %eq3A_133 = arith.constant 2 : i32
    %eq3A_134 = vector.broadcast %eq3A_133 : i32 to vector<64x1xi32>
    %eq3A_135 = arith.cmpi eq, %sub3A_72, %eq3A_134 : vector<64x1xi32>
    %jit3A_136 = arith.constant 2500 : i32
    %broadcast_in_dim3A_137 = vector.broadcast %jit3A_136 : i32 to vector<64x1xi32>
    %select_n3A_138 = arith.select %eq3A_135, %broadcast_in_dim3A_137, %broadcast_in_dim3A_132 : vector<64x1xi1>, vector<64x1xi32>
    %eq3A_139 = arith.constant 1 : i32
    %eq3A_140 = vector.broadcast %eq3A_139 : i32 to vector<64x1xi32>
    %eq3A_141 = arith.cmpi eq, %sub3A_72, %eq3A_140 : vector<64x1xi32>
    %jit3A_142 = arith.constant 10000 : i32
    %broadcast_in_dim3A_143 = vector.broadcast %jit3A_142 : i32 to vector<64x1xi32>
    %select_n3A_144 = arith.select %eq3A_141, %broadcast_in_dim3A_143, %select_n3A_138 : vector<64x1xi1>, vector<64x1xi32>
    %eq3A_145 = arith.constant 0 : i32
    %eq3A_146 = vector.broadcast %eq3A_145 : i32 to vector<64x1xi32>
    %eq3A_147 = arith.cmpi eq, %sub3A_72, %eq3A_146 : vector<64x1xi32>
    %jit3A_148 = arith.constant 40000 : i32
    %broadcast_in_dim3A_149 = vector.broadcast %jit3A_148 : i32 to vector<64x1xi32>
    %select_n3A_150 = arith.select %eq3A_147, %broadcast_in_dim3A_149, %select_n3A_144 : vector<64x1xi1>, vector<64x1xi32>
    %mul3A_151 = arith.muli %select_n3A, %select_n3A_150 : vector<64x1xi32>
    %add3A_152 = arith.addi %select_n3A_130, %mul3A_151 : vector<64x1xi32>
    %convert_element_type3A_153 = arith.sitofp %select_n3A_110 : vector<64x1xi32> to vector<64x1xf32>
    %mul3A_154 = arith.mulf %mul3A_29, %select_n3A_90 : vector<64x1xf32>
    %sub3A_155 = arith.constant 5.000000e-01 : f32
    %sub3A_156 = vector.broadcast %sub3A_155 : f32 to vector<64x1xf32>
    %sub3A_157 = arith.subf %mul3A_154, %sub3A_156 : vector<64x1xf32>
    %mul3A_158 = arith.mulf %mul3A_33, %select_n3A_90 : vector<64x1xf32>
    %sub3A_159 = arith.constant 5.000000e-01 : f32
    %sub3A_160 = vector.broadcast %sub3A_159 : f32 to vector<64x1xf32>
    %sub3A_161 = arith.subf %mul3A_158, %sub3A_160 : vector<64x1xf32>
    %mul3A_162 = arith.mulf %add3A_41, %select_n3A_90 : vector<64x1xf32>
    %sub3A_163 = arith.constant 5.000000e-01 : f32
    %sub3A_164 = vector.broadcast %sub3A_163 : f32 to vector<64x1xf32>
    %sub3A_165 = arith.subf %mul3A_162, %sub3A_164 : vector<64x1xf32>
    %mul3A_166 = arith.mulf %add3A_49, %select_n3A_90 : vector<64x1xf32>
    %sub3A_167 = arith.constant 5.000000e-01 : f32
    %sub3A_168 = vector.broadcast %sub3A_167 : f32 to vector<64x1xf32>
    %sub3A_169 = arith.subf %mul3A_166, %sub3A_168 : vector<64x1xf32>
    %sub3A_170 = arith.subf %sub3A_165, %sub3A_157 : vector<64x1xf32>
    %div3A_171 = arith.constant 7.000000e+00 : f32
    %div3A_172 = vector.broadcast %div3A_171 : f32 to vector<64x1xf32>
    %div3A_173 = arith.divf %sub3A_170, %div3A_172 : vector<64x1xf32>
    %sub3A_174 = arith.subf %sub3A_169, %sub3A_161 : vector<64x1xf32>
    %div3A_175 = arith.constant 7.000000e+00 : f32
    %div3A_176 = vector.broadcast %div3A_175 : f32 to vector<64x1xf32>
    %div3A_177 = arith.divf %sub3A_174, %div3A_176 : vector<64x1xf32>
    %iota3A_178 = tpu.iota {dimensions = array<i32: 1>} : vector<1x784xi32>
    %jit3A_179 = arith.constant 56 : i32
    %div3A_180 = vector.broadcast %jit3A_179 : i32 to vector<1x784xi32>
    %div3A_181 = arith.divsi %iota3A_178, %div3A_180 : vector<1x784xi32>
    %sign3A_182 = arith.constant 0 : i32
    %sign3A_183 = vector.broadcast %sign3A_182 : i32 to vector<1x784xi32>
    %sign3A_184 = arith.cmpi sgt, %iota3A_178, %sign3A_183 : vector<1x784xi32>
    %sign3A_185 = arith.extui %sign3A_184 : vector<1x784xi1> to vector<1x784xi32>
    %sign3A_186 = arith.constant 0 : i32
    %sign3A_187 = vector.broadcast %sign3A_186 : i32 to vector<1x784xi32>
    %sign3A_188 = arith.cmpi slt, %iota3A_178, %sign3A_187 : vector<1x784xi32>
    %sign3A_189 = arith.extui %sign3A_188 : vector<1x784xi1> to vector<1x784xi32>
    %sign3A_190 = arith.subi %sign3A_185, %sign3A_189 : vector<1x784xi32>
    %sign3A_191 = arith.constant 0 : i32
    %sign3A_192 = arith.cmpi sgt, %jit3A_179, %sign3A_191 : i32
    %sign3A_193 = arith.extui %sign3A_192 : i1 to i32
    %sign3A_194 = arith.constant 0 : i32
    %sign3A_195 = arith.cmpi slt, %jit3A_179, %sign3A_194 : i32
    %sign3A_196 = arith.extui %sign3A_195 : i1 to i32
    %sign3A_197 = arith.subi %sign3A_193, %sign3A_196 : i32
    %ne3A_198 = vector.broadcast %sign3A_197 : i32 to vector<1x784xi32>
    %ne3A_199 = arith.cmpi ne, %sign3A_190, %ne3A_198 : vector<1x784xi32>
    %rem3A_200 = vector.broadcast %jit3A_179 : i32 to vector<1x784xi32>
    %rem3A_201 = arith.remsi %iota3A_178, %rem3A_200 : vector<1x784xi32>
    %ne3A_202 = arith.constant 0 : i32
    %ne3A_203 = vector.broadcast %ne3A_202 : i32 to vector<1x784xi32>
    %ne3A_204 = arith.cmpi ne, %rem3A_201, %ne3A_203 : vector<1x784xi32>
    %and3A_205 = arith.andi %ne3A_199, %ne3A_204 : vector<1x784xi1>
    %sub3A_206 = arith.constant 1 : i32
    %sub3A_207 = vector.broadcast %sub3A_206 : i32 to vector<1x784xi32>
    %sub3A_208 = arith.subi %div3A_181, %sub3A_207 : vector<1x784xi32>
    %select_n3A_209 = arith.select %and3A_205, %sub3A_208, %div3A_181 : vector<1x784xi1>, vector<1x784xi32>
    %jit3A_210 = arith.constant 56 : i32
    %eq3A_211 = arith.constant 0 : i32
    %eq3A_212 = arith.cmpi eq, %jit3A_210, %eq3A_211 : i32
    %jit3A_213 = arith.constant 1 : i32
    %select_n3A_214 = arith.select %eq3A_212, %jit3A_213, %jit3A_210 : i32
    %rem3A_215 = vector.broadcast %select_n3A_214 : i32 to vector<1x784xi32>
    %rem3A_216 = arith.remsi %iota3A_178, %rem3A_215 : vector<1x784xi32>
    %ne3A_217 = arith.constant 0 : i32
    %ne3A_218 = vector.broadcast %ne3A_217 : i32 to vector<1x784xi32>
    %ne3A_219 = arith.cmpi ne, %rem3A_216, %ne3A_218 : vector<1x784xi32>
    %lt3A = arith.constant 0 : i32
    %lt3A_220 = vector.broadcast %lt3A : i32 to vector<1x784xi32>
    %lt3A_221 = arith.cmpi slt, %rem3A_216, %lt3A_220 : vector<1x784xi32>
    %lt3A_222 = arith.constant 0 : i32
    %lt3A_223 = arith.cmpi slt, %select_n3A_214, %lt3A_222 : i32
    %ne3A_224 = vector.broadcast %lt3A_223 : i1 to vector<1x784xi1>
    %ne3A_225 = vector.broadcast %ne3A_224 : vector<1x784xi1> to vector<1x784xi1>
    %ne3A_226 = arith.xori %lt3A_221, %ne3A_225 : vector<1x784xi1>
    %and3A_227 = arith.andi %ne3A_226, %ne3A_219 : vector<1x784xi1>
    %add3A_228 = vector.broadcast %select_n3A_214 : i32 to vector<1x784xi32>
    %add3A_229 = arith.addi %rem3A_216, %add3A_228 : vector<1x784xi32>
    %select_n3A_230 = arith.select %and3A_227, %add3A_229, %rem3A_216 : vector<1x784xi1>, vector<1x784xi32>
    %jit3A_231 = arith.constant 4 : i32
    %div3A_232 = vector.broadcast %jit3A_231 : i32 to vector<1x784xi32>
    %div3A_233 = arith.divsi %select_n3A_230, %div3A_232 : vector<1x784xi32>
    %sign3A_234 = arith.constant 0 : i32
    %sign3A_235 = vector.broadcast %sign3A_234 : i32 to vector<1x784xi32>
    %sign3A_236 = arith.cmpi sgt, %select_n3A_230, %sign3A_235 : vector<1x784xi32>
    %sign3A_237 = arith.extui %sign3A_236 : vector<1x784xi1> to vector<1x784xi32>
    %sign3A_238 = arith.constant 0 : i32
    %sign3A_239 = vector.broadcast %sign3A_238 : i32 to vector<1x784xi32>
    %sign3A_240 = arith.cmpi slt, %select_n3A_230, %sign3A_239 : vector<1x784xi32>
    %sign3A_241 = arith.extui %sign3A_240 : vector<1x784xi1> to vector<1x784xi32>
    %sign3A_242 = arith.subi %sign3A_237, %sign3A_241 : vector<1x784xi32>
    %sign3A_243 = arith.constant 0 : i32
    %sign3A_244 = arith.cmpi sgt, %jit3A_231, %sign3A_243 : i32
    %sign3A_245 = arith.extui %sign3A_244 : i1 to i32
    %sign3A_246 = arith.constant 0 : i32
    %sign3A_247 = arith.cmpi slt, %jit3A_231, %sign3A_246 : i32
    %sign3A_248 = arith.extui %sign3A_247 : i1 to i32
    %sign3A_249 = arith.subi %sign3A_245, %sign3A_248 : i32
    %ne3A_250 = vector.broadcast %sign3A_249 : i32 to vector<1x784xi32>
    %ne3A_251 = arith.cmpi ne, %sign3A_242, %ne3A_250 : vector<1x784xi32>
    %rem3A_252 = vector.broadcast %jit3A_231 : i32 to vector<1x784xi32>
    %rem3A_253 = arith.remsi %select_n3A_230, %rem3A_252 : vector<1x784xi32>
    %ne3A_254 = arith.constant 0 : i32
    %ne3A_255 = vector.broadcast %ne3A_254 : i32 to vector<1x784xi32>
    %ne3A_256 = arith.cmpi ne, %rem3A_253, %ne3A_255 : vector<1x784xi32>
    %and3A_257 = arith.andi %ne3A_251, %ne3A_256 : vector<1x784xi1>
    %sub3A_258 = arith.constant 1 : i32
    %sub3A_259 = vector.broadcast %sub3A_258 : i32 to vector<1x784xi32>
    %sub3A_260 = arith.subi %div3A_233, %sub3A_259 : vector<1x784xi32>
    %select_n3A_261 = arith.select %and3A_257, %sub3A_260, %div3A_233 : vector<1x784xi1>, vector<1x784xi32>
    %jit3A_262 = arith.constant 4 : i32
    %eq3A_263 = arith.constant 0 : i32
    %eq3A_264 = arith.cmpi eq, %jit3A_262, %eq3A_263 : i32
    %jit3A_265 = arith.constant 1 : i32
    %select_n3A_266 = arith.select %eq3A_264, %jit3A_265, %jit3A_262 : i32
    %rem3A_267 = vector.broadcast %select_n3A_266 : i32 to vector<1x784xi32>
    %rem3A_268 = arith.remsi %iota3A_178, %rem3A_267 : vector<1x784xi32>
    %ne3A_269 = arith.constant 0 : i32
    %ne3A_270 = vector.broadcast %ne3A_269 : i32 to vector<1x784xi32>
    %ne3A_271 = arith.cmpi ne, %rem3A_268, %ne3A_270 : vector<1x784xi32>
    %lt3A_272 = arith.constant 0 : i32
    %lt3A_273 = vector.broadcast %lt3A_272 : i32 to vector<1x784xi32>
    %lt3A_274 = arith.cmpi slt, %rem3A_268, %lt3A_273 : vector<1x784xi32>
    %lt3A_275 = arith.constant 0 : i32
    %lt3A_276 = arith.cmpi slt, %select_n3A_266, %lt3A_275 : i32
    %ne3A_277 = vector.broadcast %lt3A_276 : i1 to vector<1x784xi1>
    %ne3A_278 = vector.broadcast %ne3A_277 : vector<1x784xi1> to vector<1x784xi1>
    %ne3A_279 = arith.xori %lt3A_274, %ne3A_278 : vector<1x784xi1>
    %and3A_280 = arith.andi %ne3A_279, %ne3A_271 : vector<1x784xi1>
    %add3A_281 = vector.broadcast %select_n3A_266 : i32 to vector<1x784xi32>
    %add3A_282 = arith.addi %rem3A_268, %add3A_281 : vector<1x784xi32>
    %select_n3A_283 = arith.select %and3A_280, %add3A_282, %rem3A_268 : vector<1x784xi1>, vector<1x784xi32>
    %jit3A_284 = arith.constant 2 : i32
    %div3A_285 = vector.broadcast %jit3A_284 : i32 to vector<1x784xi32>
    %div3A_286 = arith.divsi %select_n3A_209, %div3A_285 : vector<1x784xi32>
    %sign3A_287 = arith.constant 0 : i32
    %sign3A_288 = vector.broadcast %sign3A_287 : i32 to vector<1x784xi32>
    %sign3A_289 = arith.cmpi sgt, %select_n3A_209, %sign3A_288 : vector<1x784xi32>
    %sign3A_290 = arith.extui %sign3A_289 : vector<1x784xi1> to vector<1x784xi32>
    %sign3A_291 = arith.constant 0 : i32
    %sign3A_292 = vector.broadcast %sign3A_291 : i32 to vector<1x784xi32>
    %sign3A_293 = arith.cmpi slt, %select_n3A_209, %sign3A_292 : vector<1x784xi32>
    %sign3A_294 = arith.extui %sign3A_293 : vector<1x784xi1> to vector<1x784xi32>
    %sign3A_295 = arith.subi %sign3A_290, %sign3A_294 : vector<1x784xi32>
    %sign3A_296 = arith.constant 0 : i32
    %sign3A_297 = arith.cmpi sgt, %jit3A_284, %sign3A_296 : i32
    %sign3A_298 = arith.extui %sign3A_297 : i1 to i32
    %sign3A_299 = arith.constant 0 : i32
    %sign3A_300 = arith.cmpi slt, %jit3A_284, %sign3A_299 : i32
    %sign3A_301 = arith.extui %sign3A_300 : i1 to i32
    %sign3A_302 = arith.subi %sign3A_298, %sign3A_301 : i32
    %ne3A_303 = vector.broadcast %sign3A_302 : i32 to vector<1x784xi32>
    %ne3A_304 = arith.cmpi ne, %sign3A_295, %ne3A_303 : vector<1x784xi32>
    %rem3A_305 = vector.broadcast %jit3A_284 : i32 to vector<1x784xi32>
    %rem3A_306 = arith.remsi %select_n3A_209, %rem3A_305 : vector<1x784xi32>
    %ne3A_307 = arith.constant 0 : i32
    %ne3A_308 = vector.broadcast %ne3A_307 : i32 to vector<1x784xi32>
    %ne3A_309 = arith.cmpi ne, %rem3A_306, %ne3A_308 : vector<1x784xi32>
    %and3A_310 = arith.andi %ne3A_304, %ne3A_309 : vector<1x784xi1>
    %sub3A_311 = arith.constant 1 : i32
    %sub3A_312 = vector.broadcast %sub3A_311 : i32 to vector<1x784xi32>
    %sub3A_313 = arith.subi %div3A_286, %sub3A_312 : vector<1x784xi32>
    %select_n3A_314 = arith.select %and3A_310, %sub3A_313, %div3A_286 : vector<1x784xi1>, vector<1x784xi32>
    %convert_element_type3A_315 = arith.sitofp %select_n3A_314 : vector<1x784xi32> to vector<1x784xf32>
    %jit3A_316 = arith.constant 2 : i32
    %eq3A_317 = arith.constant 0 : i32
    %eq3A_318 = arith.cmpi eq, %jit3A_316, %eq3A_317 : i32
    %jit3A_319 = arith.constant 1 : i32
    %select_n3A_320 = arith.select %eq3A_318, %jit3A_319, %jit3A_316 : i32
    %rem3A_321 = vector.broadcast %select_n3A_320 : i32 to vector<1x784xi32>
    %rem3A_322 = arith.remsi %select_n3A_209, %rem3A_321 : vector<1x784xi32>
    %ne3A_323 = arith.constant 0 : i32
    %ne3A_324 = vector.broadcast %ne3A_323 : i32 to vector<1x784xi32>
    %ne3A_325 = arith.cmpi ne, %rem3A_322, %ne3A_324 : vector<1x784xi32>
    %lt3A_326 = arith.constant 0 : i32
    %lt3A_327 = vector.broadcast %lt3A_326 : i32 to vector<1x784xi32>
    %lt3A_328 = arith.cmpi slt, %rem3A_322, %lt3A_327 : vector<1x784xi32>
    %lt3A_329 = arith.constant 0 : i32
    %lt3A_330 = arith.cmpi slt, %select_n3A_320, %lt3A_329 : i32
    %ne3A_331 = vector.broadcast %lt3A_330 : i1 to vector<1x784xi1>
    %ne3A_332 = vector.broadcast %ne3A_331 : vector<1x784xi1> to vector<1x784xi1>
    %ne3A_333 = arith.xori %lt3A_328, %ne3A_332 : vector<1x784xi1>
    %and3A_334 = arith.andi %ne3A_333, %ne3A_325 : vector<1x784xi1>
    %add3A_335 = vector.broadcast %select_n3A_320 : i32 to vector<1x784xi32>
    %add3A_336 = arith.addi %rem3A_322, %add3A_335 : vector<1x784xi32>
    %select_n3A_337 = arith.select %and3A_334, %add3A_336, %rem3A_322 : vector<1x784xi1>, vector<1x784xi32>
    %convert_element_type3A_338 = arith.sitofp %select_n3A_337 : vector<1x784xi32> to vector<1x784xf32>
    %add3A_339 = arith.constant 5.000000e-01 : f32
    %add3A_340 = vector.broadcast %add3A_339 : f32 to vector<1x784xf32>
    %add3A_341 = arith.addf %convert_element_type3A_338, %add3A_340 : vector<1x784xf32>
    %div3A_342 = arith.constant 2.000000e+00 : f32
    %div3A_343 = vector.broadcast %div3A_342 : f32 to vector<1x784xf32>
    %div3A_344 = arith.divf %add3A_341, %div3A_343 : vector<1x784xf32>
    %add3A_345 = arith.addf %convert_element_type3A_315, %div3A_344 : vector<1x784xf32>
    %jit3A_346 = arith.constant 2 : i32
    %div3A_347 = vector.broadcast %jit3A_346 : i32 to vector<1x784xi32>
    %div3A_348 = arith.divsi %select_n3A_261, %div3A_347 : vector<1x784xi32>
    %sign3A_349 = arith.constant 0 : i32
    %sign3A_350 = vector.broadcast %sign3A_349 : i32 to vector<1x784xi32>
    %sign3A_351 = arith.cmpi sgt, %select_n3A_261, %sign3A_350 : vector<1x784xi32>
    %sign3A_352 = arith.extui %sign3A_351 : vector<1x784xi1> to vector<1x784xi32>
    %sign3A_353 = arith.constant 0 : i32
    %sign3A_354 = vector.broadcast %sign3A_353 : i32 to vector<1x784xi32>
    %sign3A_355 = arith.cmpi slt, %select_n3A_261, %sign3A_354 : vector<1x784xi32>
    %sign3A_356 = arith.extui %sign3A_355 : vector<1x784xi1> to vector<1x784xi32>
    %sign3A_357 = arith.subi %sign3A_352, %sign3A_356 : vector<1x784xi32>
    %sign3A_358 = arith.constant 0 : i32
    %sign3A_359 = arith.cmpi sgt, %jit3A_346, %sign3A_358 : i32
    %sign3A_360 = arith.extui %sign3A_359 : i1 to i32
    %sign3A_361 = arith.constant 0 : i32
    %sign3A_362 = arith.cmpi slt, %jit3A_346, %sign3A_361 : i32
    %sign3A_363 = arith.extui %sign3A_362 : i1 to i32
    %sign3A_364 = arith.subi %sign3A_360, %sign3A_363 : i32
    %ne3A_365 = vector.broadcast %sign3A_364 : i32 to vector<1x784xi32>
    %ne3A_366 = arith.cmpi ne, %sign3A_357, %ne3A_365 : vector<1x784xi32>
    %rem3A_367 = vector.broadcast %jit3A_346 : i32 to vector<1x784xi32>
    %rem3A_368 = arith.remsi %select_n3A_261, %rem3A_367 : vector<1x784xi32>
    %ne3A_369 = arith.constant 0 : i32
    %ne3A_370 = vector.broadcast %ne3A_369 : i32 to vector<1x784xi32>
    %ne3A_371 = arith.cmpi ne, %rem3A_368, %ne3A_370 : vector<1x784xi32>
    %and3A_372 = arith.andi %ne3A_366, %ne3A_371 : vector<1x784xi1>
    %sub3A_373 = arith.constant 1 : i32
    %sub3A_374 = vector.broadcast %sub3A_373 : i32 to vector<1x784xi32>
    %sub3A_375 = arith.subi %div3A_348, %sub3A_374 : vector<1x784xi32>
    %select_n3A_376 = arith.select %and3A_372, %sub3A_375, %div3A_348 : vector<1x784xi1>, vector<1x784xi32>
    %convert_element_type3A_377 = arith.sitofp %select_n3A_376 : vector<1x784xi32> to vector<1x784xf32>
    %jit3A_378 = arith.constant 2 : i32
    %eq3A_379 = arith.constant 0 : i32
    %eq3A_380 = arith.cmpi eq, %jit3A_378, %eq3A_379 : i32
    %jit3A_381 = arith.constant 1 : i32
    %select_n3A_382 = arith.select %eq3A_380, %jit3A_381, %jit3A_378 : i32
    %rem3A_383 = vector.broadcast %select_n3A_382 : i32 to vector<1x784xi32>
    %rem3A_384 = arith.remsi %select_n3A_261, %rem3A_383 : vector<1x784xi32>
    %ne3A_385 = arith.constant 0 : i32
    %ne3A_386 = vector.broadcast %ne3A_385 : i32 to vector<1x784xi32>
    %ne3A_387 = arith.cmpi ne, %rem3A_384, %ne3A_386 : vector<1x784xi32>
    %lt3A_388 = arith.constant 0 : i32
    %lt3A_389 = vector.broadcast %lt3A_388 : i32 to vector<1x784xi32>
    %lt3A_390 = arith.cmpi slt, %rem3A_384, %lt3A_389 : vector<1x784xi32>
    %lt3A_391 = arith.constant 0 : i32
    %lt3A_392 = arith.cmpi slt, %select_n3A_382, %lt3A_391 : i32
    %ne3A_393 = vector.broadcast %lt3A_392 : i1 to vector<1x784xi1>
    %ne3A_394 = vector.broadcast %ne3A_393 : vector<1x784xi1> to vector<1x784xi1>
    %ne3A_395 = arith.xori %lt3A_390, %ne3A_394 : vector<1x784xi1>
    %and3A_396 = arith.andi %ne3A_395, %ne3A_387 : vector<1x784xi1>
    %add3A_397 = vector.broadcast %select_n3A_382 : i32 to vector<1x784xi32>
    %add3A_398 = arith.addi %rem3A_384, %add3A_397 : vector<1x784xi32>
    %select_n3A_399 = arith.select %and3A_396, %add3A_398, %rem3A_384 : vector<1x784xi1>, vector<1x784xi32>
    %convert_element_type3A_400 = arith.sitofp %select_n3A_399 : vector<1x784xi32> to vector<1x784xf32>
    %add3A_401 = arith.constant 5.000000e-01 : f32
    %add3A_402 = vector.broadcast %add3A_401 : f32 to vector<1x784xf32>
    %add3A_403 = arith.addf %convert_element_type3A_400, %add3A_402 : vector<1x784xf32>
    %div3A_404 = arith.constant 2.000000e+00 : f32
    %div3A_405 = vector.broadcast %div3A_404 : f32 to vector<1x784xf32>
    %div3A_406 = arith.divf %add3A_403, %div3A_405 : vector<1x784xf32>
    %add3A_407 = arith.addf %convert_element_type3A_377, %div3A_406 : vector<1x784xf32>
    %mul3A_408 = vector.broadcast %add3A_345 : vector<1x784xf32> to vector<64x784xf32>
    %mul3A_409 = vector.broadcast %div3A_177 : vector<64x1xf32> to vector<64x784xf32>
    %mul3A_410 = arith.mulf %mul3A_408, %mul3A_409 : vector<64x784xf32>
    %add3A_411 = vector.broadcast %sub3A_161 : vector<64x1xf32> to vector<64x784xf32>
    %add3A_412 = arith.addf %add3A_411, %mul3A_410 : vector<64x784xf32>
    %mul3A_413 = vector.broadcast %add3A_407 : vector<1x784xf32> to vector<64x784xf32>
    %mul3A_414 = vector.broadcast %div3A_173 : vector<64x1xf32> to vector<64x784xf32>
    %mul3A_415 = arith.mulf %mul3A_413, %mul3A_414 : vector<64x784xf32>
    %add3A_416 = vector.broadcast %sub3A_157 : vector<64x1xf32> to vector<64x784xf32>
    %add3A_417 = arith.addf %add3A_416, %mul3A_415 : vector<64x784xf32>
    %gt3A = arith.constant -1.000000e+00 : f32
    %gt3A_418 = vector.broadcast %gt3A : f32 to vector<64x784xf32>
    %gt3A_419 = arith.cmpf ogt, %add3A_412, %gt3A_418 : vector<64x784xf32>
    %lt3A_420 = vector.broadcast %convert_element_type3A_153 : vector<64x1xf32> to vector<64x784xf32>
    %lt3A_421 = arith.cmpf olt, %add3A_412, %lt3A_420 : vector<64x784xf32>
    %and3A_422 = arith.andi %gt3A_419, %lt3A_421 : vector<64x784xi1>
    %gt3A_423 = arith.constant -1.000000e+00 : f32
    %gt3A_424 = vector.broadcast %gt3A_423 : f32 to vector<64x784xf32>
    %gt3A_425 = arith.cmpf ogt, %add3A_417, %gt3A_424 : vector<64x784xf32>
    %lt3A_426 = vector.broadcast %convert_element_type3A_153 : vector<64x1xf32> to vector<64x784xf32>
    %lt3A_427 = arith.cmpf olt, %add3A_417, %lt3A_426 : vector<64x784xf32>
    %and3A_428 = arith.andi %gt3A_425, %lt3A_427 : vector<64x784xi1>
    %sub3A_429 = arith.constant 1.000000e+00 : f32
    %sub3A_430 = vector.broadcast %sub3A_429 : f32 to vector<64x1xf32>
    %sub3A_431 = arith.subf %convert_element_type3A_153, %sub3A_430 : vector<64x1xf32>
    %jit3A_432 = arith.constant 0.000000e+00 : f32
    %max3A_433 = vector.broadcast %jit3A_432 : f32 to vector<64x784xf32>
    %max3A_434 = arith.maximumf %max3A_433, %add3A_412 : vector<64x784xf32>
    %min3A_435 = vector.broadcast %sub3A_431 : vector<64x1xf32> to vector<64x784xf32>
    %min3A_436 = arith.minimumf %min3A_435, %max3A_434 : vector<64x784xf32>
    %sub3A_437 = arith.constant 1.000000e+00 : f32
    %sub3A_438 = vector.broadcast %sub3A_437 : f32 to vector<64x1xf32>
    %sub3A_439 = arith.subf %convert_element_type3A_153, %sub3A_438 : vector<64x1xf32>
    %jit3A_440 = arith.constant 0.000000e+00 : f32
    %max3A_441 = vector.broadcast %jit3A_440 : f32 to vector<64x784xf32>
    %max3A_442 = arith.maximumf %max3A_441, %add3A_417 : vector<64x784xf32>
    %min3A_443 = vector.broadcast %sub3A_439 : vector<64x1xf32> to vector<64x784xf32>
    %min3A_444 = arith.minimumf %min3A_443, %max3A_442 : vector<64x784xf32>
    %floor3A_445 = math.floor %min3A_436 : vector<64x784xf32>
    %floor3A_446 = math.floor %min3A_444 : vector<64x784xf32>
    %convert_element_type3A_447 = arith.fptosi %floor3A_445 : vector<64x784xf32> to vector<64x784xi32>
    %convert_element_type3A_448 = arith.fptosi %floor3A_446 : vector<64x784xf32> to vector<64x784xi32>
    %add3A_449 = arith.constant 1 : i32
    %add3A_450 = vector.broadcast %add3A_449 : i32 to vector<64x784xi32>
    %add3A_451 = arith.addi %convert_element_type3A_447, %add3A_450 : vector<64x784xi32>
    %sub3A_452 = arith.constant 1 : i32
    %sub3A_453 = vector.broadcast %sub3A_452 : i32 to vector<64x1xi32>
    %sub3A_454 = arith.subi %select_n3A_110, %sub3A_453 : vector<64x1xi32>
    %min3A_455 = vector.broadcast %sub3A_454 : vector<64x1xi32> to vector<64x784xi32>
    %min3A_456 = arith.minsi %add3A_451, %min3A_455 : vector<64x784xi32>
    %add3A_457 = arith.constant 1 : i32
    %add3A_458 = vector.broadcast %add3A_457 : i32 to vector<64x784xi32>
    %add3A_459 = arith.addi %convert_element_type3A_448, %add3A_458 : vector<64x784xi32>
    %sub3A_460 = arith.constant 1 : i32
    %sub3A_461 = vector.broadcast %sub3A_460 : i32 to vector<64x1xi32>
    %sub3A_462 = arith.subi %select_n3A_110, %sub3A_461 : vector<64x1xi32>
    %min3A_463 = vector.broadcast %sub3A_462 : vector<64x1xi32> to vector<64x784xi32>
    %min3A_464 = arith.minsi %add3A_459, %min3A_463 : vector<64x784xi32>
    %sub3A_465 = arith.subf %min3A_436, %floor3A_445 : vector<64x784xf32>
    %sub3A_466 = arith.subf %min3A_444, %floor3A_446 : vector<64x784xf32>
    %sub3A_467 = arith.constant 1.000000e+00 : f32
    %sub3A_468 = vector.broadcast %sub3A_467 : f32 to vector<64x784xf32>
    %sub3A_469 = arith.subf %sub3A_468, %sub3A_465 : vector<64x784xf32>
    %sub3A_470 = arith.constant 1.000000e+00 : f32
    %sub3A_471 = vector.broadcast %sub3A_470 : f32 to vector<64x784xf32>
    %sub3A_472 = arith.subf %sub3A_471, %sub3A_466 : vector<64x784xf32>
    %ge3A = arith.constant 2 : i32
    %ge3A_473 = vector.broadcast %ge3A : i32 to vector<1x784xi32>
    %ge3A_474 = arith.cmpi sge, %select_n3A_283, %ge3A_473 : vector<1x784xi32>
    %jit3A_475 = arith.constant 2 : i32
    %eq3A_476 = arith.constant 0 : i32
    %eq3A_477 = arith.cmpi eq, %jit3A_475, %eq3A_476 : i32
    %jit3A_478 = arith.constant 1 : i32
    %select_n3A_479 = arith.select %eq3A_477, %jit3A_478, %jit3A_475 : i32
    %rem3A_480 = vector.broadcast %select_n3A_479 : i32 to vector<1x784xi32>
    %rem3A_481 = arith.remsi %select_n3A_283, %rem3A_480 : vector<1x784xi32>
    %ne3A_482 = arith.constant 0 : i32
    %ne3A_483 = vector.broadcast %ne3A_482 : i32 to vector<1x784xi32>
    %ne3A_484 = arith.cmpi ne, %rem3A_481, %ne3A_483 : vector<1x784xi32>
    %lt3A_485 = arith.constant 0 : i32
    %lt3A_486 = vector.broadcast %lt3A_485 : i32 to vector<1x784xi32>
    %lt3A_487 = arith.cmpi slt, %rem3A_481, %lt3A_486 : vector<1x784xi32>
    %lt3A_488 = arith.constant 0 : i32
    %lt3A_489 = arith.cmpi slt, %select_n3A_479, %lt3A_488 : i32
    %ne3A_490 = vector.broadcast %lt3A_489 : i1 to vector<1x784xi1>
    %ne3A_491 = vector.broadcast %ne3A_490 : vector<1x784xi1> to vector<1x784xi1>
    %ne3A_492 = arith.xori %lt3A_487, %ne3A_491 : vector<1x784xi1>
    %and3A_493 = arith.andi %ne3A_492, %ne3A_484 : vector<1x784xi1>
    %add3A_494 = vector.broadcast %select_n3A_479 : i32 to vector<1x784xi32>
    %add3A_495 = arith.addi %rem3A_481, %add3A_494 : vector<1x784xi32>
    %select_n3A_496 = arith.select %and3A_493, %add3A_495, %rem3A_481 : vector<1x784xi1>, vector<1x784xi32>
    %eq3A_497 = arith.constant 1 : i32
    %eq3A_498 = vector.broadcast %eq3A_497 : i32 to vector<1x784xi32>
    %eq3A_499 = arith.cmpi eq, %select_n3A_496, %eq3A_498 : vector<1x784xi32>
    %broadcast_in_dim3A_500 = vector.shape_cast %ge3A_474 : vector<1x784xi1> to vector<1x784xi1>
    %broadcast_in_dim3A_501 = vector.broadcast %broadcast_in_dim3A_500 : vector<1x784xi1> to vector<64x784xi1>
    %select_n3A_502 = arith.select %broadcast_in_dim3A_501, %min3A_456, %convert_element_type3A_447 : vector<64x784xi1>, vector<64x784xi32>
    %broadcast_in_dim3A_503 = vector.shape_cast %ge3A_474 : vector<1x784xi1> to vector<1x784xi1>
    %broadcast_in_dim3A_504 = vector.broadcast %broadcast_in_dim3A_503 : vector<1x784xi1> to vector<64x784xi1>
    %select_n3A_505 = arith.select %broadcast_in_dim3A_504, %sub3A_465, %sub3A_469 : vector<64x784xi1>, vector<64x784xf32>
    %broadcast_in_dim3A_506 = vector.shape_cast %eq3A_499 : vector<1x784xi1> to vector<1x784xi1>
    %broadcast_in_dim3A_507 = vector.broadcast %broadcast_in_dim3A_506 : vector<1x784xi1> to vector<64x784xi1>
    %select_n3A_508 = arith.select %broadcast_in_dim3A_507, %min3A_464, %convert_element_type3A_448 : vector<64x784xi1>, vector<64x784xi32>
    %broadcast_in_dim3A_509 = vector.shape_cast %eq3A_499 : vector<1x784xi1> to vector<1x784xi1>
    %broadcast_in_dim3A_510 = vector.broadcast %broadcast_in_dim3A_509 : vector<1x784xi1> to vector<64x784xi1>
    %select_n3A_511 = arith.select %broadcast_in_dim3A_510, %sub3A_466, %sub3A_472 : vector<64x784xi1>, vector<64x784xf32>
    %mul3A_512 = vector.broadcast %select_n3A_110 : vector<64x1xi32> to vector<64x784xi32>
    %mul3A_513 = arith.muli %select_n3A_502, %mul3A_512 : vector<64x784xi32>
    %add3A_514 = vector.broadcast %add3A_152 : vector<64x1xi32> to vector<64x784xi32>
    %add3A_515 = arith.addi %add3A_514, %mul3A_513 : vector<64x784xi32>
    %add3A_516 = arith.addi %add3A_515, %select_n3A_508 : vector<64x784xi32>
    %and3A_517 = arith.andi %and3A_422, %and3A_428 : vector<64x784xi1>
    %mul3A_518 = arith.mulf %select_n3A_505, %select_n3A_511 : vector<64x784xf32>
    %mul3A_519 = arith.constant 2.500000e-01 : f32
    %mul3A_520 = vector.broadcast %mul3A_519 : f32 to vector<64x784xf32>
    %mul3A_521 = arith.mulf %mul3A_518, %mul3A_520 : vector<64x784xf32>
    %jit3A_522 = arith.constant 0.000000e+00 : f32
    %broadcast_in_dim3A_523 = vector.broadcast %jit3A_522 : f32 to vector<64x784xf32>
    %select_n3A_524 = arith.select %and3A_517, %mul3A_521, %broadcast_in_dim3A_523 : vector<64x784xi1>, vector<64x784xf32>
    %swap3A = arith.constant 0 : index
    %swap3A_525 = arith.constant 0 : index
    %swap3A_526 = vector.load %arg2[%swap3A, %swap3A_525] : memref<64x784xi32, #tpu.memory_space<vmem>>, vector<64x784xi32>
    tpu.vector_store %arg2[%swap3A, %swap3A_525], %add3A_516 {strides = array<i32>} : memref<64x784xi32, #tpu.memory_space<vmem>>, vector<64x784xi32>,
    %swap3A_527 = arith.constant 0 : index
    %swap3A_528 = arith.constant 0 : index
    %swap3A_529 = vector.load %arg3[%swap3A_527, %swap3A_528] : memref<64x784xf32, #tpu.memory_space<vmem>>, vector<64x784xf32>
    tpu.vector_store %arg3[%swap3A_527, %swap3A_528], %select_n3A_524 {strides = array<i32>} : memref<64x784xf32, #tpu.memory_space<vmem>>, vector<64x784xf32>,
    return
  }
  func.func @transform_0(%arg0: i32) -> (i32, i32) {
    %c0_i32 = arith.constant 0 : i32
    %c0_i32_0 = arith.constant 0 : i32
    return %arg0, %c0_i32 : i32, i32
  }
  func.func @transform_1(%arg0: i32) -> (i32, i32) {
    %c0_i32 = arith.constant 0 : i32
    %c0_i32_0 = arith.constant 0 : i32
    return %arg0, %c0_i32 : i32, i32
  }
  func.func @transform_2(%arg0: i32) -> (i32, i32) {
    %c0_i32 = arith.constant 0 : i32
    %c0_i32_0 = arith.constant 0 : i32
    return %arg0, %c0_i32 : i32, i32
  }
}

</mosaic_0001>

<sc_bundles>
// kernel: kernel.4.cloned.1.call-start
scs
__scs_entry_jumppad:
0x0: {  	(pc) =	sbr.rel $0x88, $3  }
0x1: {  	(tag) =	ssettag $0x0;
	lr =	simm.s32 $0x1  }
0x2: {  	[smem:$0x3F9C] =	sst lr;
	_ =	strace $0xD0000000  }
0x3: {  	_ = 	snop  }
0x4: {  	_ = 	snop  }
0x5: {  	_ = 	snop  }
0x6: {  	_ = 	snop  }
0x7: {  	_ = 	snop  }
__scs_overlays_trampoline_lowered:
0x8: {  	[smem:$0x3FAB] =	sst s0  }
0x9: {  	[smem:$0x3FAC] =	sst s1  }
0xa: {  	[smem:$0x3FAD] =	sst s2  }
0xb: {  	[smem:$0x3FAE] =	sst s3  }
0xc: {  	[smem:$0x3FAF] =	sst s4  }
0xd: {  	[smem:$0x3FB0] =	sst s5  }
0xe: {  	[smem:$0x3FB1] =	sst s6  }
0xf: {  	[smem:$0x3FB2] =	sst s7  }
0x10: {  	[smem:$0x3FB3] =	sst s8  }
0x11: {  	[smem:$0x3FB4] =	sst s9;
	s0 =	simm.s32 @!p0 $0x0  }
0x12: {  	s1 =	sld [smem:$0x3F9A];
	s0 =	simm.s32 @p0 $0x1  }
0x13: {  	[smem:$0x3FB5] =	sst s0;
	s0 =	simm.s32 @!p1 $0x0  }
0x14: {  	s2 =	sld [smem:$0x3F99];
	s0 =	simm.s32 @p1 $0x1  }
0x15: {  	[smem:$0x3FB6] =	sst s0;
	s0 =	simm.s32 @!p2 $0x0  }
0x16: {  	s3 =	sld [smem:$0x3FDB];
	s0 =	simm.s32 @p2 $0x1  }
0x17: {  	s4 =	simm.s32 $0x1BF5;
	[smem:$0x3FB8] =	sst s0  }
0x18: {  	s0 =	sld [smem:$0x3F9B];
	_ =	swait.ge [sflag:s4], $0x0  }
0x19: {  	s7 =	sld [smem:$0x3F9C]  }
0x1a: {  	s8 =	sadd.s32 $0xFFFFE003, lr  }
0x1b: {  	s9 =	sadd.s32 $0xFFFFFEF7, lr;
	s5 =	simm.s32 $0xFFFFFFFF;
	p2 =	slt.u32 s8, $0xFFFFF086  }
0x1c: {  	p1 =	slt.u32 s9, $0xF7A;
	s5 =	simm.s32 @!p2 $0x0  }
0x1d: {  	s5 =	simm.s32 @p1 $0x1;
	p0 =	seq.s32 s7, s2  }
0x1e: {  	s7 =	smul.u32 @!p0 $0xF7A, s2;
	p2 =	seq.s32 @!p0 s5, $0x0  }
0x1f: {  	s9 =	smul.u32 $0xF7A, s1;
	s8 =	simm.s32 @!p0 $0x1BF5;
	p2 =	por !p2, p0  }
0x20: {  	[sflag:s8] =	ssyncset.s32 @!p0 $0xFFFFF086;
	s6 =	sadd.s32 @!p0 s3, s7;
	s7 =	simm.s32 @!p0 $0x108  }
0x21: {  	s3 =	sadd.s32 s3, s9;
	s6 =	sadd.s32 @!p0 $0x88, s6;
	s7 =	simm.s32 @p2 $0x1082  }
0x22: {  	[simem:s7], [sflag:s8] =	dma.local @!p0 [hbm:s6], $0xF7A  }
0x23: {  	s9 =	sor.u32 $0xD0000000, s2;
	s6 =	simm.s32 $0x108;
	_ =	swait.ge @!p0 [sflag:s8], $0x0  }
0x24: {  	s3 =	sadd.s32 $0x88, s3;
	s6 =	simm.s32 @!p1 $0x1082;
	[sflag:s4] =	ssyncset.s32 $0xFFFFF086  }
0x25: {  	[simem:s6], [sflag:s4] =	dma.local [hbm:s3], $0xF7A  }
0x26: {  	[smem:$0x3F9C] =	sst s1;
	(tag) =	ssettag s2;
	_ =	strace s9  }
0x27: {  	s1 =	sld [smem:$0x3FAC]  }
0x28: {  	s2 =	sld [smem:$0x3FAD]  }
0x29: {  	s4 =	sld [smem:$0x3FAF]  }
0x2a: {  	p0 =	seq.s32 s5, $0x0;
	s5 =	sld [smem:$0x3FB0]  }
0x2b: {  	s6 =	sld [smem:$0x3FB1]  }
0x2c: {  	s7 =	sld [smem:$0x3FB2]  }
0x2d: {  	s3 =	simm.s32 $0x108;
	s8 =	sld [smem:$0x3FB3]  }
0x2e: {  	s3 =	simm.s32 @!p0 $0x1082;
	s9 =	sld [smem:$0x3FB4]  }
0x2f: {  	lr =	sadd.s32 s0, s3;
	s0 =	sld [smem:$0x3FAB]  }
0x30: {  	s3 =	sld [smem:$0x3FAE]  }
0x31: {  	[smem:$0x3FB7] =	sst s10  }
0x32: {  	s10 =	sld [smem:$0x3FB5];
	_ =	sdelay $0x3  }
0x33: {  	p0 =	seq.s32 s10, $0x1;
	s10 =	sld [smem:$0x3FB7];
	_ =	sdelay $0x3  }
0x34: {  	[smem:$0x3FB7] =	sst s10  }
0x35: {  	s10 =	sld [smem:$0x3FB6];
	_ =	sdelay $0x3  }
0x36: {  	p1 =	seq.s32 s10, $0x1;
	s10 =	sld [smem:$0x3FB7];
	_ =	sdelay $0x3  }
0x37: {  	[smem:$0x3FB7] =	sst s10  }
0x38: {  	s10 =	sld [smem:$0x3FB8]  }
0x39: {  	_ = 	snop;
	(pc) =	sbr.ind lr, $3  }
0x3a: {  	_ = 	snop  }
0x3b: {  	_ = 	snop  }
0x3c: {  	p2 =	seq.s32 s10, $0x1;
	s10 =	sld [smem:$0x3FB7]  }
0x3d: {  	_ =	shalt  }
0x3e: {  	_ =	shalt  }
0x3f: {  	_ =	shalt  }
0x40: {  	_ =	shalt  }
0x41: {  	_ =	shalt  }
0x42: {  	_ =	shalt  }
0x43: {  	_ =	shalt  }
0x44: {  	_ =	shalt  }
0x45: {  	_ =	shalt  }
0x46: {  	_ =	shalt  }
0x47: {  	_ =	shalt  }
0x48: {  	_ =	shalt  }
0x49: {  	_ =	shalt  }
0x4a: {  	_ =	shalt  }
0x4b: {  	_ =	shalt  }
0x4c: {  	_ =	shalt  }
0x4d: {  	_ =	shalt  }
0x4e: {  	_ =	shalt  }
0x4f: {  	_ =	shalt  }
0x50: {  	_ =	shalt  }
0x51: {  	_ =	shalt  }
0x52: {  	_ =	shalt  }
0x53: {  	_ =	shalt  }
0x54: {  	_ =	shalt  }
0x55: {  	_ =	shalt  }
0x56: {  	_ =	shalt  }
0x57: {  	_ =	shalt  }
0x58: {  	_ =	shalt  }
0x59: {  	_ =	shalt  }
0x5a: {  	_ =	shalt  }
0x5b: {  	_ =	shalt  }
0x5c: {  	_ =	shalt  }
0x5d: {  	_ =	shalt  }
0x5e: {  	_ =	shalt  }
0x5f: {  	_ =	shalt  }
0x60: {  	_ =	shalt  }
0x61: {  	_ =	shalt  }
0x62: {  	_ =	shalt  }
0x63: {  	_ =	shalt  }
0x64: {  	_ =	shalt  }
0x65: {  	_ =	shalt  }
0x66: {  	_ =	shalt  }
0x67: {  	_ =	shalt  }
0x68: {  	_ =	shalt  }
0x69: {  	_ =	shalt  }
0x6a: {  	_ =	shalt  }
0x6b: {  	_ =	shalt  }
0x6c: {  	_ =	shalt  }
0x6d: {  	_ =	shalt  }
0x6e: {  	_ =	shalt  }
0x6f: {  	_ =	shalt  }
0x70: {  	_ =	shalt  }
0x71: {  	_ =	shalt  }
0x72: {  	_ =	shalt  }
0x73: {  	_ =	shalt  }
0x74: {  	_ =	shalt  }
0x75: {  	_ =	shalt  }
0x76: {  	_ =	shalt  }
0x77: {  	_ =	shalt  }
0x78: {  	_ =	shalt  }
0x79: {  	_ =	shalt  }
0x7a: {  	_ =	shalt  }
0x7b: {  	_ =	shalt  }
0x7c: {  	_ =	shalt  }
0x7d: {  	_ =	shalt  }
0x7e: {  	_ =	shalt  }
0x7f: {  	_ =	shalt  }
0x80: {  	_ =	shalt  }
0x81: {  	_ =	shalt  }
0x82: {  	_ =	shalt  }
0x83: {  	_ =	shalt  }
0x84: {  	_ =	shalt  }
0x85: {  	_ =	shalt  }
0x86: {  	_ =	shalt  }
0x87: {  	_ =	shalt  }
.Lfunc_end0:
.L_simem_size_0:
called_computation_lowered:
.L_overlay_start_0:
0x88: {  	s2 =	sld [smem:$0x3FD9]  }
0x89: {  	s3 =	sld [smem:$0x3FFE];
	_ =	sdelay $0x1  }
0x8a: {  	s1 =	srdreg.scid  }
0x8b: {  	s0 =	sand.u32 $0x1, s1  }
0x8c: {  	s16 =	sshll.u32 s0, $0xA;
	s2 =	sadd.s32 s3, s2  }
0x8d: {  	s2 =	sadd.s32 s2, s16  }
0x8e: {  	[smem:$0x3FC3] =	sst s2  }
0x8f: {  	_ = 	snop  }
0x90: {  	(tm) =	ssettm $0x1  }
0x91: {  	s17 =	sld [smem:$0x3FFB];
	_ =	sdelay $0x3  }
0x92: {  	_ =	strace s17  }
0x93: {  	s2 =	sld [smem:$0x3FFC];
	_ =	sdelay $0x3  }
0x94: {  	_ =	strace s2  }
0x95: {  	s2 =	sld [smem:$0x3FFD];
	_ =	sdelay $0x3  }
0x96: {  	_ =	strace s2  }
0x97: {  	_ =	strace $0x8FFFFFFF  }
0x98: {  	s18 =	sld [smem:$0x3FDB];
	_ =	sdelay $0x1  }
0x99: {  	s19 =	simm.s32 $_scs_section_size  }
0x9a: {  	s4 =	simm.s32 $_size__tile_overlayer_lowered;
	s5 =	simm.s32 $_tile_overlayer_lowered  }
0x9b: {  	s22 =	simm.s32 $0x1BFF;
	s21 =	sshll.u32 s5, $0x1;
	s2 =	sadd.s32 s19, s18  }
0x9c: {  	s6 =	simm.s32 $0x0;
	s20 =	sshll.u32 s4, $0x1;
	s4 =	sadd.s32 s21, s2  }
0x9d: {  	[timem:s6], [sflag:s22] =	dma.local [hbm:s4], s20  }
0x9e: {  	_ =	swait.ge [sflag:s22], s20  }
0x9f: {  	s3 =	ssub.s32 $0x0, s20;
	[sflag:s22] =	ssyncset.done $0x0  }
0xa0: {  	[sflag:s22] =	ssyncadd.s32 s3;
	_ =	sdelay $0x1  }
0xa1: {  	s23 =	simm.s32 $0x1B8B  }
0xa2: {  	_ =	swait.ge [sflag:s23], $0x1  }
0xa3: {  	[sflag:s23] =	ssyncset.done $0x0  }
0xa4: {  	s25 =	simm.s32 $0x1B8E;
	s24 =	sld [smem:$0x3FFE];
	[sflag:s23] =	ssyncadd.s32 $0xFFFFFFFF  }
0xa5: {  	s26 =	simm.s32 $execute0_lowered;
	[smem:$0x3FD2] =	sst s25  }
0xa6: {  	s4 =	sshll.u32 s26, $0x1;
	_ =	strace $0x80000046;
	[dreg:$0x1] =	wrdreg $0xFFFFFFFF  }
0xa7: {  	s28 =	simm.s32 $_size_execute0_lowered;
	s2 =	sadd.s32 s2, s4;
	[dreg:$0x0] =	wrdreg $0x0  }
0xa8: {  	s4 =	sshll.u32 s28, $0x1;
	[dreg:$0x2] =	wrdreg s2  }
0xa9: {  	[dreg:$0x3] =	wrdreg s4  }
0xaa: {  	[dreg:$0x4] =	wrdreg $0xC0  }
0xab: {  	_ =	task [dreg:s6], $0x5FFFF  }
0xac: {  	[dreg:$0x1] =	wrdreg $0xFFFFFFFF  }
0xad: {  	[dreg:$0x0] =	wrdreg $0x60  }
0xae: {  	[dreg:$0x2] =	wrdreg s24  }
0xaf: {  	[dreg:$0x3] =	wrdreg $0x9  }
0xb0: {  	_ =	task.clear_ibuf [dreg:s6], $0x4FFFF;
	_ =	strace $0x90000046  }
0xb1: {  	s29 =	simm.s32 $0x9;
	_ =	strace $0x80000048  }
0xb2: {  	_ =	swait.ge [sflag:s29], $0x1  }
0xb3: {  	[sflag:s29] =	ssyncadd.s32 $0xFFFFFFFF  }
0xb4: {  	_ =	strace $0x90000048  }
0xb5: {  	_ =	sfence  }
0xb6: {  	s30 =	sld [smem:$0x0];
	_ =	sdelay $0x2  }
0xb7: {  	s31 =	sshll.u32 s1, $0xD;
	s1 =	sshrl.u32 s1, $0x2  }
0xb8: {  	s3 =	sand.u32 $0x4000, s31;
	s1 =	sadd.s32 s1, s30  }
0xb9: {  	s0 =	sor.u32 s3, s0;
	s1 =	sshll.u32 s1, $0x11  }
0xba: {  	s0 =	sor.u32 s1, s0  }
0xbb: {  	s0 =	sadd.s32 $0x8F2B, s0  }
0xbc: {  	[sflag:s0] =	ssyncadd.remote.s32 $0x1  }
0xbd: {  	_ =	sfence.sel $0xFFFF  }
0xbe: {  	[dreg:$0x0] =	wrdreg $0xFFFFFFFF;
	(pc) =	sbr.abs _section_cstart, $3  }
0xbf: {  	[dreg:$0x1] =	wrdreg $0xFFFFFFFF  }
0xc0: {  	_ =	task.clear_ibuf [dreg:s6], $0x2FFFF;
	_ =	strace $0x9FFFFFFF  }
0xc1: {  	(tm) =	ssettm $0x7FFFFFFF  }
tec
execute0_lowered:
.L_overlay_start_1:
0x0: {  	(tag) =	ssettag $0x1  }
0x1: {  	s0 =	rddreg [dreg:$0x0]  }
0x2: {  	s1 =	simm.s32 $0x0;
	s2 =	srdreg.scid;
	s5 =	stileid.u32  }
0x3: {  	s11 =	simm.s32 $0x5;
	s10 =	simm.s32 $0x11100;
	s12 =	simm.s32 $0x11900  }
0x4: {  	s13 =	simm.s32 $0x12100;
	s14 =	simm.s32 $0x12900;
	s15 =	simm.s32 $0x13100  }
0x5: {  	s16 =	simm.s32 $0x13900;
	s17 =	simm.s32 $0x14100;
	s18 =	simm.s32 $0x14900  }
0x6: {  	s19 =	simm.s32 $0x1;
	s20 =	simm.s32 $0x15100;
	s3 =	sadd.s32 $0x10E00, s0  }
0x7: {  	s4 =	sadd.s32 $0xE00, s0;
	s2 =	sand.u32 $0x1, s2;
	s6 =	sshll.u32 s5, $0x1  }
0x8: {  	s5 =	sadd.s32 $0x34F000, s0;
	s7 =	ssub.s32 $0x2, s2;
	s2 =	sor.u32 s2, s6  }
0x9: {  	s6 =	sadd.s32 $0x96F000, s0;
	s30 =	sshrl.u32 s7, $0x1;
	s8 =	smul.u32 $0x31000, s2  }
0xa: {  	v0 =	vlaneseq.u32;
	s0 =	ssub.s32 s7, s30;
	s7 =	sshll.u32 s2, $0x4;
	s2 =	sshll.u32 s2, $0xB  }
0xb: {  	s21 =	simm.s32 $0x2;
	[smem:$0x7FF] =	sst s1;
	v1 =	vand.u32 $0x7, v0;
	v63 =	vshrl.u32 v0, $0x3;
	s2 =	sadd.s32 s4, s2  }
0xc: {  	v0 =	vor.u32 $0x8, v0;
	_ =	strace $0x80000047;
	[tilespmem:$0x1FFD0] =	vst v1;
	v1 =	vmul.u32 $0x8, v63;
	s31 =	sadd.s32 s5, s8;
	[dreg:$0x2] =	wrdreg s2  }
0xd: {  	s22 =	simm.s32 $0x4;
	[tilespmem:$0x1FFF0] =	vst v0;
	s0 =	smax.u32 s0, $0x1;
	[dreg:$0x3] =	wrdreg s31  }
0xe: {  	vm0 =	vmmov $0xffff;
	s23 =	simm.s32 $0x15900;
	[tilespmem:$0x1FFE0] =	vst v1;
	[dreg:$0x4] =	wrdreg s0;
	s2 =	simm.s32 $0x0  }
.LBB2_1:
0xf: {  	[dreg:$0x5] =	wrdreg s2  }
0x10: {  	s0 =	rddreg [dreg:$0x2]  }
0x11: {  	[tilespmem:s1], [sflag:$0x5] =	stream.linear.gather [hbm4b:s0+s1], $0x80, $0x38;
	[tilespmem:$0x16100] =	vst v63  }
0x12: {  	_ =	swait.ge [sflag:s11], $0x80  }
0x13: {  	[sflag:s11] =	ssyncset.done $0x0  }
0x14: {  	s26 =	simm.s32 $0x100;
	s25 =	rddreg [dreg:$0x3];
	[sflag:s11] =	ssyncadd.s32 $0xFFFFFF80  }
0x15: {  	[tilespmem:s26], [sflag:$0x5] =	stream.linear.gather [hbm4b:s25+s1], $0x3800, $0x38;
	[tilespmem:$0x16100] =	vst v63  }
0x16: {  	_ =	swait.ge [sflag:s11], $0x3800  }
0x17: {  	[sflag:s11] =	ssyncset.done $0x0  }
0x18: {  	[sflag:s11] =	ssyncadd.s32 $0xFFFFC800  }
0x19: {  	v0 =	vld [tilespmem:$0x0];
	_ =	sdelay $0x2  }
0x1a: {  	v2 =	vld [tilespmem:$0x1FFD0]  }
0x1b: {  	v3 =	vld [tilespmem:$0x1FFE0]  }
0x1c: {  	v4 =	vld [tilespmem:$0x1FFF0];
	v1 =	vshll.u32 v0, $0x1  }
0x1d: {  	v0 =	vand.u32 $0x7, v0;
	v1 =	vand.u32 $0xFFFFFFF0, v1  }
0x1e: {  	v0 =	vor.u32 v0, v1  }
0x1f: {  	v1 =	vperm.xlane v0, v2;
	_ =	sdelay $0x1  }
0x20: {  	v0 =	vperm.xlane v0, v4;
	v1 =	vadd.s32 v3, v1;
	_ =	sdelay $0x1  }
0x21: {  	v0 =	vadd.s32 v3, v0;
	_ =	sdelay $0x1  }
0x22: {  	s28 =	simm.s32 $0x7100  }
0x23: {  	[tilespmem:s28], [sflag:$0x1] =	stream.indirect_vreg.gather [hbm4b:s3+s1], $0x80, v1, vm0, $0xb8;
	[tilespmem:$0x16100] =	vst v63  }
0x24: {  	s29 =	simm.s32 $0x7900  }
0x25: {  	[tilespmem:s29], [sflag:$0x1] =	stream.indirect_vreg.gather [hbm4b:s3+s1], $0x80, v0, vm0, $0xb8;
	[tilespmem:$0x16100] =	vst v63  }
0x26: {  	v0 =	vld [tilespmem:$0x10];
	_ =	sdelay $0x4  }
0x27: {  	v58 =	vshll.u32 v0, $0x1  }
0x28: {  	v0 =	vand.u32 $0x7, v0;
	v1 =	vand.u32 $0xFFFFFFF0, v58  }
0x29: {  	v0 =	vor.u32 v0, v1  }
0x2a: {  	v1 =	vperm.xlane v0, v2;
	_ =	sdelay $0x1  }
0x2b: {  	v0 =	vperm.xlane v0, v4;
	v1 =	vadd.s32 v3, v1;
	_ =	sdelay $0x1  }
0x2c: {  	v0 =	vadd.s32 v3, v0;
	_ =	sdelay $0x1  }
0x2d: {  	s30 =	simm.s32 $0x8100  }
0x2e: {  	[tilespmem:s30], [sflag:$0x1] =	stream.indirect_vreg.gather [hbm4b:s3+s1], $0x80, v1, vm0, $0xb8;
	[tilespmem:$0x16100] =	vst v63  }
0x2f: {  	s31 =	simm.s32 $0x8900  }
0x30: {  	[tilespmem:s31], [sflag:$0x1] =	stream.indirect_vreg.gather [hbm4b:s3+s1], $0x80, v0, vm0, $0xb8;
	[tilespmem:$0x16100] =	vst v63  }
0x31: {  	v0 =	vld [tilespmem:$0x20];
	_ =	sdelay $0x4  }
0x32: {  	v59 =	vshll.u32 v0, $0x1  }
0x33: {  	v0 =	vand.u32 $0x7, v0;
	v1 =	vand.u32 $0xFFFFFFF0, v59  }
0x34: {  	v0 =	vor.u32 v0, v1  }
0x35: {  	v1 =	vperm.xlane v0, v2;
	_ =	sdelay $0x1  }
0x36: {  	v0 =	vperm.xlane v0, v4;
	v1 =	vadd.s32 v3, v1;
	_ =	sdelay $0x1  }
0x37: {  	v0 =	vadd.s32 v3, v0;
	_ =	sdelay $0x1  }
0x38: {  	s2 =	simm.s32 $0x9100  }
0x39: {  	[tilespmem:s2], [sflag:$0x1] =	stream.indirect_vreg.gather [hbm4b:s3+s1], $0x80, v1, vm0, $0xb8;
	[tilespmem:$0x16100] =	vst v63  }
0x3a: {  	s8 =	simm.s32 $0x9900  }
0x3b: {  	[tilespmem:s8], [sflag:$0x1] =	stream.indirect_vreg.gather [hbm4b:s3+s1], $0x80, v0, vm0, $0xb8;
	[tilespmem:$0x16100] =	vst v63  }
0x3c: {  	v0 =	vld [tilespmem:$0x30];
	_ =	sdelay $0x4  }
0x3d: {  	v60 =	vshll.u32 v0, $0x1  }
0x3e: {  	v0 =	vand.u32 $0x7, v0;
	v1 =	vand.u32 $0xFFFFFFF0, v60  }
0x3f: {  	v0 =	vor.u32 v0, v1  }
0x40: {  	v1 =	vperm.xlane v0, v2;
	_ =	sdelay $0x1  }
0x41: {  	v0 =	vperm.xlane v0, v4;
	v1 =	vadd.s32 v3, v1;
	_ =	sdelay $0x1  }
0x42: {  	v0 =	vadd.s32 v3, v0;
	_ =	sdelay $0x1  }
0x43: {  	s9 =	simm.s32 $0xA100  }
0x44: {  	[tilespmem:s9], [sflag:$0x1] =	stream.indirect_vreg.gather [hbm4b:s3+s1], $0x80, v1, vm0, $0xb8;
	[tilespmem:$0x16100] =	vst v63  }
0x45: {  	s24 =	simm.s32 $0xA900  }
0x46: {  	[tilespmem:s24], [sflag:$0x1] =	stream.indirect_vreg.gather [hbm4b:s3+s1], $0x80, v0, vm0, $0xb8;
	[tilespmem:$0x16100] =	vst v63  }
0x47: {  	v0 =	vld [tilespmem:$0x40];
	_ =	sdelay $0x4  }
0x48: {  	v61 =	vshll.u32 v0, $0x1  }
0x49: {  	v0 =	vand.u32 $0x7, v0;
	v1 =	vand.u32 $0xFFFFFFF0, v61  }
0x4a: {  	v0 =	vor.u32 v0, v1  }
0x4b: {  	v1 =	vperm.xlane v0, v2;
	_ =	sdelay $0x1  }
0x4c: {  	v0 =	vperm.xlane v0, v4;
	v1 =	vadd.s32 v3, v1;
	_ =	sdelay $0x1  }
0x4d: {  	v0 =	vadd.s32 v3, v0;
	_ =	sdelay $0x1  }
0x4e: {  	s25 =	simm.s32 $0xB100  }
0x4f: {  	[tilespmem:s25], [sflag:$0x1] =	stream.indirect_vreg.gather [hbm4b:s3+s1], $0x80, v1, vm0, $0xb8;
	[tilespmem:$0x16100] =	vst v63  }
0x50: {  	s26 =	simm.s32 $0xB900  }
0x51: {  	[tilespmem:s26], [sflag:$0x1] =	stream.indirect_vreg.gather [hbm4b:s3+s1], $0x80, v0, vm0, $0xb8;
	[tilespmem:$0x16100] =	vst v63  }
0x52: {  	v0 =	vld [tilespmem:$0x50];
	_ =	sdelay $0x4  }
0x53: {  	v62 =	vshll.u32 v0, $0x1  }
0x54: {  	v0 =	vand.u32 $0x7, v0;
	v1 =	vand.u32 $0xFFFFFFF0, v62  }
0x55: {  	v0 =	vor.u32 v0, v1  }
0x56: {  	v1 =	vperm.xlane v0, v2;
	_ =	sdelay $0x1  }
0x57: {  	v0 =	vperm.xlane v0, v4;
	v1 =	vadd.s32 v3, v1;
	_ =	sdelay $0x1  }
0x58: {  	v0 =	vadd.s32 v3, v0;
	_ =	sdelay $0x1  }
0x59: {  	s28 =	simm.s32 $0xC100  }
0x5a: {  	[tilespmem:s28], [sflag:$0x1] =	stream.indirect_vreg.gather [hbm4b:s3+s1], $0x80, v1, vm0, $0xb8;
	[tilespmem:$0x16100] =	vst v63  }
0x5b: {  	s29 =	simm.s32 $0xC900  }
0x5c: {  	[tilespmem:s29], [sflag:$0x1] =	stream.indirect_vreg.gather [hbm4b:s3+s1], $0x80, v0, vm0, $0xb8;
	[tilespmem:$0x16100] =	vst v63  }
0x5d: {  	v0 =	vld [tilespmem:$0x60];
	_ =	sdelay $0x4  }
0x5e: {  	v63 =	vshll.u32 v0, $0x1  }
0x5f: {  	v0 =	vand.u32 $0x7, v0;
	v1 =	vand.u32 $0xFFFFFFF0, v63  }
0x60: {  	v0 =	vor.u32 v0, v1  }
0x61: {  	v1 =	vperm.xlane v0, v2;
	_ =	sdelay $0x1  }
0x62: {  	v0 =	vperm.xlane v0, v4;
	v1 =	vadd.s32 v3, v1;
	_ =	sdelay $0x1  }
0x63: {  	v0 =	vadd.s32 v3, v0;
	_ =	sdelay $0x1  }
0x64: {  	s30 =	simm.s32 $0xD100  }
0x65: {  	[tilespmem:s30], [sflag:$0x1] =	stream.indirect_vreg.gather [hbm4b:s3+s1], $0x80, v1, vm0, $0xb8;
	[tilespmem:$0x16100] =	vst v63  }
0x66: {  	s31 =	simm.s32 $0xD900;
	s24 =	simm.s32 $0x0  }
0x67: {  	[tilespmem:s31], [sflag:$0x1] =	stream.indirect_vreg.gather [hbm4b:s3+s1], $0x80, v0, vm0, $0xb8;
	[tilespmem:$0x16100] =	vst v63  }
.LBB2_2:
0x68: {  	s0 =	sshllo.u32 s24, $0x1  }
0x69: {  	s2 =	sand.u32 $0xFF, s0  }
0x6a: {  	s2 =	smul.u32 $0x25, s2;
	_ =	sdelay $0x1  }
0x6b: {  	s2 =	sshrl.u32 s2, $0x8  }
0x6c: {  	s8 =	ssub.s32 s0, s2  }
0x6d: {  	s8 =	sand.u32 $0xFE, s8  }
0x6e: {  	s8 =	sshrl.u32 s8, $0x1  }
0x6f: {  	s2 =	sadd.s32 s2, s8  }
0x70: {  	s2 =	sshrl.u32 s2, $0x2  }
0x71: {  	s26 =	smul.u32 $0x7, s2;
	_ =	sdelay $0x1  }
0x72: {  	s0 =	ssub.s32 s0, s26  }
0x73: {  	s25 =	sand.u32 $0xFF, s0  }
0x74: {  	s26 =	sadd.s32 s2, s7;
	s0 =	sshll.u32 s25, $0x4  }
0x75: {  	s2 =	sshll.u32 s26, $0x7;
	s8 =	smul.u32 $0x18800, s26;
	s0 =	sadd.s32 s4, s0  }
0x76: {  	s9 =	simm.s32 $0x80;
	s0 =	sadd.s32 s2, s0;
	s2 =	smul.u32 $0x3800, s25  }
0x77: {  	[tilespmem:s9], [sflag:$0x5] =	stream.linear.gather [hbm4b:s0+s1], $0x80, $0x38;
	[tilespmem:$0x16100] =	vst v63  }
0x78: {  	_ =	swait.ge [sflag:s11], $0x80;
	s8 =	sadd.s32 s2, s8  }
0x79: {  	[sflag:s11] =	ssyncset.done $0x0;
	s0 =	sshrl.u32 s8, $0x3  }
0x7a: {  	s9 =	simm.s32 $0x3900;
	[sflag:s11] =	ssyncadd.s32 $0xFFFFFF80;
	s0 =	sadd.s32 s5, s0  }
0x7b: {  	[tilespmem:s9], [sflag:$0x5] =	stream.linear.gather [hbm4b:s0+s1], $0x3800, $0x38;
	[tilespmem:$0x16100] =	vst v63  }
0x7c: {  	_ =	swait.ge [sflag:s11], $0x3800  }
0x7d: {  	[sflag:s11] =	ssyncset.done $0x0  }
0x7e: {  	[sflag:s11] =	ssyncadd.s32 $0xFFFFC800  }
0x7f: {  	v0 =	vld [tilespmem:$0x80];
	_ =	sdelay $0x2  }
0x80: {  	v2 =	vld [tilespmem:$0x1FFD0]  }
0x81: {  	v3 =	vld [tilespmem:$0x1FFE0]  }
0x82: {  	v4 =	vld [tilespmem:$0x1FFF0];
	v1 =	vshll.u32 v0, $0x1  }
0x83: {  	v0 =	vand.u32 $0x7, v0;
	v1 =	vand.u32 $0xFFFFFFF0, v1  }
0x84: {  	v0 =	vor.u32 v0, v1  }
0x85: {  	v1 =	vperm.xlane v0, v2;
	_ =	sdelay $0x1  }
0x86: {  	v0 =	vperm.xlane v0, v4;
	v1 =	vadd.s32 v3, v1;
	_ =	sdelay $0x1  }
0x87: {  	v0 =	vadd.s32 v3, v0;
	_ =	sdelay $0x1  }
0x88: {  	s2 =	simm.s32 $0xE100  }
0x89: {  	[tilespmem:s2], [sflag:$0x2] =	stream.indirect_vreg.gather [hbm4b:s3+s1], $0x80, v1, vm0, $0xb8;
	[tilespmem:$0x16100] =	vst v63  }
0x8a: {  	s8 =	simm.s32 $0xE900  }
0x8b: {  	[tilespmem:s8], [sflag:$0x2] =	stream.indirect_vreg.gather [hbm4b:s3+s1], $0x80, v0, vm0, $0xb8;
	[tilespmem:$0x16100] =	vst v63  }
0x8c: {  	v0 =	vld [tilespmem:$0x90];
	_ =	sdelay $0x4  }
0x8d: {  	v58 =	vshll.u32 v0, $0x1  }
0x8e: {  	v0 =	vand.u32 $0x7, v0;
	v1 =	vand.u32 $0xFFFFFFF0, v58  }
0x8f: {  	v0 =	vor.u32 v0, v1  }
0x90: {  	v1 =	vperm.xlane v0, v2;
	_ =	sdelay $0x1  }
0x91: {  	v0 =	vperm.xlane v0, v4;
	v1 =	vadd.s32 v3, v1;
	_ =	sdelay $0x1  }
0x92: {  	v0 =	vadd.s32 v3, v0;
	_ =	sdelay $0x1  }
0x93: {  	s9 =	simm.s32 $0xF100  }
0x94: {  	[tilespmem:s9], [sflag:$0x2] =	stream.indirect_vreg.gather [hbm4b:s3+s1], $0x80, v1, vm0, $0xb8;
	[tilespmem:$0x16100] =	vst v63  }
0x95: {  	s2 =	simm.s32 $0xF900  }
0x96: {  	[tilespmem:s2], [sflag:$0x2] =	stream.indirect_vreg.gather [hbm4b:s3+s1], $0x80, v0, vm0, $0xb8;
	[tilespmem:$0x16100] =	vst v63  }
0x97: {  	v0 =	vld [tilespmem:$0xA0];
	_ =	sdelay $0x4  }
0x98: {  	v59 =	vshll.u32 v0, $0x1  }
0x99: {  	v0 =	vand.u32 $0x7, v0;
	v1 =	vand.u32 $0xFFFFFFF0, v59  }
0x9a: {  	v0 =	vor.u32 v0, v1  }
0x9b: {  	v1 =	vperm.xlane v0, v2;
	_ =	sdelay $0x1  }
0x9c: {  	v0 =	vperm.xlane v0, v4;
	v1 =	vadd.s32 v3, v1;
	_ =	sdelay $0x1  }
0x9d: {  	v0 =	vadd.s32 v3, v0;
	_ =	sdelay $0x1  }
0x9e: {  	s8 =	simm.s32 $0x10100  }
0x9f: {  	[tilespmem:s8], [sflag:$0x2] =	stream.indirect_vreg.gather [hbm4b:s3+s1], $0x80, v1, vm0, $0xb8;
	[tilespmem:$0x16100] =	vst v63  }
0xa0: {  	s9 =	simm.s32 $0x10900  }
0xa1: {  	[tilespmem:s9], [sflag:$0x2] =	stream.indirect_vreg.gather [hbm4b:s3+s1], $0x80, v0, vm0, $0xb8;
	[tilespmem:$0x16100] =	vst v63  }
0xa2: {  	v0 =	vld [tilespmem:$0xB0];
	_ =	sdelay $0x4  }
0xa3: {  	v60 =	vshll.u32 v0, $0x1  }
0xa4: {  	v0 =	vand.u32 $0x7, v0;
	v1 =	vand.u32 $0xFFFFFFF0, v60  }
0xa5: {  	v0 =	vor.u32 v0, v1  }
0xa6: {  	v1 =	vperm.xlane v0, v2;
	_ =	sdelay $0x1  }
0xa7: {  	v0 =	vperm.xlane v0, v4;
	v1 =	vadd.s32 v3, v1;
	_ =	sdelay $0x1  }
0xa8: {  	v0 =	vadd.s32 v3, v0;
	_ =	sdelay $0x2  }
0xa9: {  	[tilespmem:s10], [sflag:$0x2] =	stream.indirect_vreg.gather [hbm4b:s3+s1], $0x80, v1, vm0, $0xb8;
	[tilespmem:$0x16100] =	vst v63  }
0xaa: {  	_ = 	snop  }
0xab: {  	[tilespmem:s12], [sflag:$0x2] =	stream.indirect_vreg.gather [hbm4b:s3+s1], $0x80, v0, vm0, $0xb8;
	[tilespmem:$0x16100] =	vst v63  }
0xac: {  	v0 =	vld [tilespmem:$0xC0];
	_ =	sdelay $0x4  }
0xad: {  	v61 =	vshll.u32 v0, $0x1  }
0xae: {  	v0 =	vand.u32 $0x7, v0;
	v1 =	vand.u32 $0xFFFFFFF0, v61  }
0xaf: {  	v0 =	vor.u32 v0, v1  }
0xb0: {  	v1 =	vperm.xlane v0, v2;
	_ =	sdelay $0x1  }
0xb1: {  	v0 =	vperm.xlane v0, v4;
	v1 =	vadd.s32 v3, v1;
	_ =	sdelay $0x1  }
0xb2: {  	v0 =	vadd.s32 v3, v0;
	_ =	sdelay $0x2  }
0xb3: {  	[tilespmem:s13], [sflag:$0x2] =	stream.indirect_vreg.gather [hbm4b:s3+s1], $0x80, v1, vm0, $0xb8;
	[tilespmem:$0x16100] =	vst v63  }
0xb4: {  	_ = 	snop  }
0xb5: {  	[tilespmem:s14], [sflag:$0x2] =	stream.indirect_vreg.gather [hbm4b:s3+s1], $0x80, v0, vm0, $0xb8;
	[tilespmem:$0x16100] =	vst v63  }
0xb6: {  	v0 =	vld [tilespmem:$0xD0];
	_ =	sdelay $0x4  }
0xb7: {  	v62 =	vshll.u32 v0, $0x1  }
0xb8: {  	v0 =	vand.u32 $0x7, v0;
	v1 =	vand.u32 $0xFFFFFFF0, v62  }
0xb9: {  	v0 =	vor.u32 v0, v1  }
0xba: {  	v1 =	vperm.xlane v0, v2;
	_ =	sdelay $0x1  }
0xbb: {  	v0 =	vperm.xlane v0, v4;
	v1 =	vadd.s32 v3, v1;
	_ =	sdelay $0x1  }
0xbc: {  	v0 =	vadd.s32 v3, v0;
	_ =	sdelay $0x2  }
0xbd: {  	[tilespmem:s15], [sflag:$0x2] =	stream.indirect_vreg.gather [hbm4b:s3+s1], $0x80, v1, vm0, $0xb8;
	[tilespmem:$0x16100] =	vst v63  }
0xbe: {  	_ = 	snop  }
0xbf: {  	[tilespmem:s16], [sflag:$0x2] =	stream.indirect_vreg.gather [hbm4b:s3+s1], $0x80, v0, vm0, $0xb8;
	[tilespmem:$0x16100] =	vst v63  }
0xc0: {  	v0 =	vld [tilespmem:$0xE0];
	_ =	sdelay $0x4  }
0xc1: {  	v63 =	vshll.u32 v0, $0x1  }
0xc2: {  	v0 =	vand.u32 $0x7, v0;
	v1 =	vand.u32 $0xFFFFFFF0, v63  }
0xc3: {  	v0 =	vor.u32 v0, v1  }
0xc4: {  	s28 =	sshll.u32 s24, $0x1;
	v1 =	vperm.xlane v0, v2  }
0xc5: {  	s2 =	sand.u32 $0xFE, s28  }
0xc6: {  	s0 =	smul.u32 $0x25, s2;
	v0 =	vperm.xlane v0, v4;
	v1 =	vadd.s32 v3, v1;
	_ =	sdelay $0x1  }
0xc7: {  	s0 =	sshrl.u32 s0, $0x8;
	v0 =	vadd.s32 v3, v0  }
0xc8: {  	s8 =	ssub.s32 s28, s0  }
0xc9: {  	s2 =	sand.u32 $0xFE, s8  }
0xca: {  	[tilespmem:s17], [sflag:$0x2] =	stream.indirect_vreg.gather [hbm4b:s3+s1], $0x80, v1, vm0, $0xb8;
	[tilespmem:$0x16100] =	vst v63  }
0xcb: {  	s2 =	sshrl.u32 s2, $0x1  }
0xcc: {  	[tilespmem:s18], [sflag:$0x2] =	stream.indirect_vreg.gather [hbm4b:s3+s1], $0x80, v0, vm0, $0xb8;
	[tilespmem:$0x16100] =	vst v63  }
0xcd: {  	s0 =	sadd.s32 s0, s2;
	_ =	swait.ge [sflag:s19], $0x7000  }
0xce: {  	p0 =	seq.s32 s24, $0x0;
	s0 =	sshrl.u32 s0, $0x2;
	[sflag:s19] =	ssyncset.done $0x0  }
0xcf: {  	s8 =	simm.s32 @!p0 $0x3;
	s9 =	smul.u32 $0x7, s0;
	[sflag:s19] =	ssyncadd.s32 $0xFFFF9000  }
0xd0: {  	_ =	swait.ge @!p0 [sflag:s8], $0x800  }
0xd1: {  	s31 =	simm.s32 $0x0;
	s2 =	ssub.s32 s28, s9;
	[sflag:s8] =	ssyncset.done @!p0 $0x0  }
0xd2: {  	s30 =	sadd.s32 s0, s7;
	s29 =	sand.u32 $0xFF, s2;
	[sflag:s8] =	ssyncadd.s32 @!p0 $0xFFFFF800  }
.LBB2_3:
0xd3: {  	s2 =	sshll.u32 s31, $0xB  }
0xd4: {  	s2 =	sand.u32 $0x3FFFF800, s2  }
0xd5: {  	v61 =	vld [tilespmem:s2+$0x76A0];
	_ =	sdelay $0x4  }
0xd6: {  	[tilespmem:$0x1F990] =	vst v61;
	v61 =	vld [tilespmem:s2+$0x76C0];
	_ =	sdelay $0x4  }
0xd7: {  	[tilespmem:$0x1F9B0] =	vst v61;
	v61 =	vld [tilespmem:s2+$0x76E0];
	_ =	sdelay $0x4  }
0xd8: {  	[tilespmem:$0x1F9D0] =	vst v61;
	v61 =	vld [tilespmem:s2+$0x7300];
	_ =	sdelay $0x4  }
0xd9: {  	[tilespmem:$0x1F9F0] =	vst v61;
	v61 =	vld [tilespmem:s2+$0x7310];
	_ =	sdelay $0x4  }
0xda: {  	[tilespmem:$0x1FA00] =	vst v61;
	v61 =	vld [tilespmem:s2+$0x7320];
	_ =	sdelay $0x4  }
0xdb: {  	[tilespmem:$0x1FA10] =	vst v61;
	v61 =	vld [tilespmem:s2+$0x7330];
	_ =	sdelay $0x4  }
0xdc: {  	[tilespmem:$0x1FA20] =	vst v61;
	v61 =	vld [tilespmem:s2+$0x7340];
	_ =	sdelay $0x4  }
0xdd: {  	[tilespmem:$0x1FA30] =	vst v61;
	v61 =	vld [tilespmem:s2+$0x7350];
	_ =	sdelay $0x4  }
0xde: {  	[tilespmem:$0x1FA40] =	vst v61;
	v61 =	vld [tilespmem:s2+$0x7360];
	_ =	sdelay $0x4  }
0xdf: {  	[tilespmem:$0x1FA50] =	vst v61;
	v61 =	vld [tilespmem:s2+$0x7370];
	_ =	sdelay $0x4  }
0xe0: {  	[tilespmem:$0x1FA60] =	vst v61;
	v61 =	vld [tilespmem:s2+$0x7700];
	_ =	sdelay $0x4  }
0xe1: {  	[tilespmem:$0x1FA70] =	vst v61;
	v61 =	vld [tilespmem:s2+$0x7710];
	_ =	sdelay $0x4  }
0xe2: {  	[tilespmem:$0x1FA80] =	vst v61;
	v61 =	vld [tilespmem:s2+$0x7720];
	_ =	sdelay $0x4  }
0xe3: {  	[tilespmem:$0x1FA90] =	vst v61;
	v61 =	vld [tilespmem:s2+$0x7730];
	_ =	sdelay $0x4  }
0xe4: {  	[tilespmem:$0x1FAA0] =	vst v61;
	v61 =	vld [tilespmem:s2+$0x7740];
	_ =	sdelay $0x4  }
0xe5: {  	[tilespmem:$0x1FAB0] =	vst v61;
	v61 =	vld [tilespmem:s2+$0x7750];
	_ =	sdelay $0x4  }
0xe6: {  	[tilespmem:$0x1FAC0] =	vst v61;
	v61 =	vld [tilespmem:s2+$0x7760];
	_ =	sdelay $0x4  }
0xe7: {  	[tilespmem:$0x1FAD0] =	vst v61;
	v61 =	vld [tilespmem:s2+$0x7770];
	_ =	sdelay $0x4  }
0xe8: {  	[tilespmem:$0x1FAE0] =	vst v61;
	v61 =	vld [tilespmem:s2+$0x7380];
	_ =	sdelay $0x4  }
0xe9: {  	[tilespmem:$0x1FAF0] =	vst v61;
	v61 =	vld [tilespmem:s2+$0x7390];
	_ =	sdelay $0x4  }
0xea: {  	[tilespmem:$0x1FB00] =	vst v61;
	v61 =	vld [tilespmem:s2+$0x73A0];
	_ =	sdelay $0x4  }
0xeb: {  	[tilespmem:$0x1FB10] =	vst v61;
	v61 =	vld [tilespmem:s2+$0x73B0];
	_ =	sdelay $0x4  }
0xec: {  	[tilespmem:$0x1FB20] =	vst v61;
	v61 =	vld [tilespmem:s2+$0x73C0];
	_ =	sdelay $0x4  }
0xed: {  	[tilespmem:$0x1FB30] =	vst v61;
	v61 =	vld [tilespmem:s2+$0x73D0];
	_ =	sdelay $0x4  }
0xee: {  	[tilespmem:$0x1FB40] =	vst v61;
	v61 =	vld [tilespmem:s2+$0x73E0];
	_ =	sdelay $0x4  }
0xef: {  	[tilespmem:$0x1FB50] =	vst v61;
	v61 =	vld [tilespmem:s2+$0x73F0];
	_ =	sdelay $0x4  }
0xf0: {  	[tilespmem:$0x1FB60] =	vst v61;
	v61 =	vld [tilespmem:s2+$0x7780];
	_ =	sdelay $0x4  }
0xf1: {  	[tilespmem:$0x1FB70] =	vst v61;
	v61 =	vld [tilespmem:s2+$0x7790];
	_ =	sdelay $0x4  }
0xf2: {  	[tilespmem:$0x1FB80] =	vst v61;
	v61 =	vld [tilespmem:s2+$0x77A0];
	_ =	sdelay $0x4  }
0xf3: {  	[tilespmem:$0x1FB90] =	vst v61;
	v61 =	vld [tilespmem:s2+$0x77B0];
	_ =	sdelay $0x4  }
0xf4: {  	[tilespmem:$0x1FBA0] =	vst v61;
	v61 =	vld [tilespmem:s2+$0x77C0];
	_ =	sdelay $0x1  }
0xf5: {  	s0 =	sshll.u32 s31, $0xA  }
0xf6: {  	s0 =	sand.u32 $0x3FFFFC00, s0  }
0xf7: {  	v5 =	vld [tilespmem:s0+$0x100]  }
0xf8: {  	[tilespmem:$0x1FBB0] =	vst v61;
	v61 =	vld [tilespmem:s2+$0x77D0]  }
0xf9: {  	v3 =	vld [tilespmem:s2+$0x7100]  }
0xfa: {  	v9 =	vld [tilespmem:s2+$0x7110]  }
0xfb: {  	v11 =	vld [tilespmem:s2+$0x7120]  }
0xfc: {  	v12 =	vld [tilespmem:s2+$0x7130]  }
0xfd: {  	[tilespmem:$0x1FBC0] =	vst v61;
	v61 =	vld [tilespmem:s2+$0x77E0]  }
0xfe: {  	v13 =	vld [tilespmem:s2+$0x7140]  }
0xff: {  	v17 =	vld [tilespmem:s2+$0x7150]  }
0x100: {  	v19 =	vld [tilespmem:s2+$0x7160]  }
0x101: {  	v20 =	vld [tilespmem:s2+$0x7170]  }
0x102: {  	[tilespmem:$0x1FBD0] =	vst v61;
	v61 =	vld [tilespmem:s2+$0x77F0]  }
0x103: {  	v21 =	vld [tilespmem:s2+$0x7500]  }
0x104: {  	v26 =	vld [tilespmem:s2+$0x7510]  }
0x105: {  	v28 =	vld [tilespmem:s2+$0x7520]  }
0x106: {  	v27 =	vld [tilespmem:s2+$0x7530]  }
0x107: {  	[tilespmem:$0x1FBE0] =	vst v61;
	v61 =	vld [tilespmem:s2+$0x7400]  }
0x108: {  	v30 =	vld [tilespmem:s2+$0x7540]  }
0x109: {  	v31 =	vld [tilespmem:s2+$0x7550]  }
0x10a: {  	v35 =	vld [tilespmem:s2+$0x7560]  }
0x10b: {  	v36 =	vld [tilespmem:s2+$0x7570]  }
0x10c: {  	[tilespmem:$0x1FBF0] =	vst v61;
	v61 =	vld [tilespmem:s2+$0x7410]  }
0x10d: {  	v43 =	vld [tilespmem:s0+$0x180]  }
0x10e: {  	v1 =	vld [tilespmem:s2+$0x7180]  }
0x10f: {  	v2 =	vld [tilespmem:s2+$0x7190]  }
0x110: {  	v6 =	vld [tilespmem:s2+$0x71A0]  }
0x111: {  	[tilespmem:$0x1FC00] =	vst v61;
	v61 =	vld [tilespmem:s2+$0x7420]  }
0x112: {  	v8 =	vld [tilespmem:s2+$0x71B0]  }
0x113: {  	v10 =	vld [tilespmem:s2+$0x71C0]  }
0x114: {  	v14 =	vld [tilespmem:s2+$0x71D0]  }
0x115: {  	v15 =	vld [tilespmem:s2+$0x71E0]  }
0x116: {  	[tilespmem:$0x1FC10] =	vst v61;
	v61 =	vld [tilespmem:s2+$0x7430]  }
0x117: {  	v16 =	vld [tilespmem:s2+$0x71F0]  }
0x118: {  	v18 =	vld [tilespmem:s2+$0x7580]  }
0x119: {  	v23 =	vld [tilespmem:s2+$0x7590]  }
0x11a: {  	v22 =	vld [tilespmem:s2+$0x75A0]  }
0x11b: {  	[tilespmem:$0x1FC20] =	vst v61;
	v61 =	vld [tilespmem:s2+$0x7440]  }
0x11c: {  	v24 =	vld [tilespmem:s2+$0x75B0]  }
0x11d: {  	v29 =	vld [tilespmem:s2+$0x75C0]  }
0x11e: {  	v32 =	vld [tilespmem:s2+$0x75D0]  }
0x11f: {  	v33 =	vld [tilespmem:s2+$0x75E0]  }
0x120: {  	[tilespmem:$0x1FC30] =	vst v61;
	v61 =	vld [tilespmem:s2+$0x7450]  }
0x121: {  	v34 =	vld [tilespmem:s2+$0x75F0]  }
0x122: {  	v25 =	vld [tilespmem:s0+$0x200]  }
0x123: {  	v46 =	vld [tilespmem:s2+$0x7200]  }
0x124: {  	v50 =	vld [tilespmem:s2+$0x7210]  }
0x125: {  	[tilespmem:$0x1FC40] =	vst v61;
	v61 =	vld [tilespmem:s2+$0x7460]  }
0x126: {  	v38 =	vld [tilespmem:s2+$0x7220]  }
0x127: {  	v37 =	vld [tilespmem:s2+$0x7230]  }
0x128: {  	v53 =	vld [tilespmem:s2+$0x7240]  }
0x129: {  	v39 =	vld [tilespmem:s2+$0x7250]  }
0x12a: {  	[tilespmem:$0x1FC50] =	vst v61;
	v61 =	vld [tilespmem:s2+$0x7470]  }
0x12b: {  	v54 =	vld [tilespmem:s2+$0x7260]  }
0x12c: {  	v55 =	vld [tilespmem:s2+$0x7270]  }
0x12d: {  	v58 =	vld [tilespmem:s2+$0x7600]  }
0x12e: {  	v40 =	vld [tilespmem:s2+$0x7610]  }
0x12f: {  	[tilespmem:$0x1FC60] =	vst v61;
	v61 =	vld [tilespmem:s2+$0x7800]  }
0x130: {  	v59 =	vld [tilespmem:s2+$0x7620]  }
0x131: {  	v41 =	vld [tilespmem:s2+$0x7630]  }
0x132: {  	v42 =	vld [tilespmem:s2+$0x7640]  }
0x133: {  	v63 =	vld [tilespmem:s2+$0x7650]  }
0x134: {  	[tilespmem:$0x1FC70] =	vst v61;
	v61 =	vld [tilespmem:s2+$0x7810]  }
0x135: {  	v62 =	vld [tilespmem:s2+$0x7660]  }
0x136: {  	v44 =	vld [tilespmem:s2+$0x7670]  }
0x137: {  	v0 =	vld [tilespmem:s0+$0x280]  }
0x138: {  	v60 =	vld [tilespmem:s2+$0x7280]  }
0x139: {  	[tilespmem:$0x1FC80] =	vst v61;
	v61 =	vld [tilespmem:s2+$0x7820]  }
0x13a: {  	v45 =	vld [tilespmem:s2+$0x7290];
	v3 =	vmul.f32 v3, v5  }
0x13b: {  	v47 =	vld [tilespmem:s2+$0x72A0]  }
0x13c: {  	v49 =	vld [tilespmem:s2+$0x72B0];
	v1 =	vmul.f32 v1, v43;
	v3 =	vadd.f32 $0.0e+00, v3  }
0x13d: {  	v51 =	vld [tilespmem:s2+$0x72C0]  }
0x13e: {  	v1 =	vadd.f32 v1, v3;
	v3 =	vmul.f32 v12, v5;
	[tilespmem:$0x1FC90] =	vst v61;
	v61 =	vld [tilespmem:s2+$0x7830]  }
0x13f: {  	v48 =	vld [tilespmem:s2+$0x7690]  }
0x140: {  	v52 =	vld [tilespmem:s2+$0x72D0];
	v8 =	vmul.f32 v8, v43;
	v12 =	vadd.f32 $0.0e+00, v3  }
0x141: {  	v56 =	vld [tilespmem:s2+$0x72E0]  }
0x142: {  	v8 =	vadd.f32 v8, v12;
	v12 =	vmul.f32 v20, v5;
	v20 =	vld [tilespmem:s2+$0x7490]  }
0x143: {  	[tilespmem:$0x1FCA0] =	vst v61;
	v61 =	vld [tilespmem:s2+$0x7840]  }
0x144: {  	[tilespmem:$0x1F980] =	vst v48;
	v48 =	vld [tilespmem:s2+$0x76B0]  }
0x145: {  	v57 =	vld [tilespmem:s2+$0x72F0]  }
0x146: {  	v4 =	vld [tilespmem:s2+$0x7680]  }
0x147: {  	[tilespmem:$0x1FD00] =	vst v20;
	v20 =	vld [tilespmem:s2+$0x74A0]  }
0x148: {  	[tilespmem:$0x1FCB0] =	vst v61;
	v61 =	vld [tilespmem:s2+$0x7850]  }
0x149: {  	[tilespmem:$0x1F9A0] =	vst v48;
	v48 =	vld [tilespmem:s2+$0x76D0]  }
0x14a: {  	v7 =	vld [tilespmem:s0+$0x380];
	v9 =	vmul.f32 v9, v5  }
0x14b: {  	[tilespmem:$0x1F970] =	vst v4;
	v4 =	vld [tilespmem:s0+$0x400];
	v2 =	vmul.f32 v2, v43  }
0x14c: {  	v9 =	vadd.f32 $0.0e+00, v9;
	[tilespmem:$0x1FD10] =	vst v20;
	v20 =	vmul.f32 v26, v5;
	v26 =	vmul.f32 v28, v5;
	v28 =	vld [tilespmem:s2+$0x74E0]  }
0x14d: {  	v11 =	vmul.f32 v11, v5;
	[tilespmem:$0x1FCC0] =	vst v61;
	v61 =	vld [tilespmem:s2+$0x7860]  }
0x14e: {  	v16 =	vmul.f32 v16, v43;
	v27 =	vmul.f32 v27, v5;
	v2 =	vadd.f32 v2, v9;
	[tilespmem:$0x1F9C0] =	vst v48;
	v48 =	vld [tilespmem:s2+$0x76F0]  }
0x14f: {  	v9 =	vadd.f32 $0.0e+00, v11;
	v11 =	vmul.f32 v13, v5;
	v13 =	vld [tilespmem:s2+$0x7870];
	v12 =	vadd.f32 $0.0e+00, v12  }
0x150: {  	v6 =	vmul.f32 v6, v43;
	v3 =	vld [tilespmem:s0+$0x480]  }
0x151: {  	v12 =	vadd.f32 v16, v12;
	v16 =	vadd.f32 $0.0e+00, v27;
	v27 =	vmul.f32 v24, v43;
	v24 =	vld [tilespmem:s2+$0x78C0];
	[tilespmem:$0x1FD50] =	vst v28  }
0x152: {  	v10 =	vmul.f32 v10, v43;
	v11 =	vadd.f32 $0.0e+00, v11;
	v28 =	vld [tilespmem:s2+$0x7890];
	[tilespmem:$0x1FCD0] =	vst v61;
	v61 =	vmul.f32 v17, v5  }
0x153: {  	v14 =	vmul.f32 v14, v43;
	[tilespmem:$0x1F9E0] =	vst v48;
	v48 =	vld [tilespmem:s0+$0x300];
	v17 =	vmul.f32 v19, v5  }
0x154: {  	v10 =	vadd.f32 v10, v11;
	v11 =	vadd.f32 $0.0e+00, v61;
	v61 =	vmul.f32 v21, v5;
	v21 =	vld [tilespmem:s2+$0x74B0]  }
0x155: {  	v6 =	vadd.f32 v6, v9;
	v9 =	vadd.f32 $0.0e+00, v17;
	v17 =	vmul.f32 v30, v5;
	v30 =	vld [tilespmem:s2+$0x74F0]  }
0x156: {  	v15 =	vmul.f32 v15, v43;
	[tilespmem:$0x1FCE0] =	vst v13;
	v13 =	vadd.f32 $0.0e+00, v61;
	v61 =	vld [tilespmem:s2+$0x74C0]  }
0x157: {  	[tilespmem:$0x1FD80] =	vst v28;
	v28 =	vld [tilespmem:s2+$0x78E0];
	v11 =	vadd.f32 v14, v11  }
0x158: {  	v19 =	vld [tilespmem:s2+$0x7480];
	v14 =	vmul.f32 v18, v43;
	v9 =	vadd.f32 v15, v9;
	v15 =	vadd.f32 $0.0e+00, v20  }
0x159: {  	v18 =	vmul.f32 v31, v5;
	v31 =	vmul.f32 v23, v43;
	v17 =	vadd.f32 $0.0e+00, v17;
	[tilespmem:$0x1FD20] =	vst v21;
	v21 =	vld [tilespmem:s2+$0x74D0]  }
0x15a: {  	v13 =	vadd.f32 v14, v13;
	v14 =	vadd.f32 $0.0e+00, v26;
	v26 =	vld [tilespmem:s2+$0x7880];
	[tilespmem:$0x1FD60] =	vst v30;
	v30 =	vmul.f32 v29, v43  }
0x15b: {  	v15 =	vadd.f32 v31, v15;
	v31 =	vld [tilespmem:s2+$0x78B0];
	v29 =	vmul.f32 v50, v25;
	[tilespmem:$0x1FD30] =	vst v61;
	v61 =	vmul.f32 v22, v43  }
0x15c: {  	s0 =	sshll.u32 s31, $0x3;
	v50 =	vld [tilespmem:s2+$0x78F0];
	v17 =	vadd.f32 v30, v17;
	v30 =	vmul.f32 v38, v25;
	v38 =	vmul.f32 v47, v0  }
0x15d: {  	s8 =	sadd.s32 $0x38, s0;
	v47 =	vmul.f32 v56, v0;
	v56 =	vld [tilespmem:$0x1F980];
	v14 =	vadd.f32 v61, v14;
	v61 =	vmul.f32 v33, v43  }
0x15e: {  	s9 =	sshll.u32 s8, $0x7;
	s8 =	sshll.u32 s8, $0x8;
	[tilespmem:$0x1FD40] =	vst v21;
	v21 =	vmul.f32 v35, v5;
	v5 =	vmul.f32 v36, v5;
	v36 =	vld [tilespmem:s2+$0x78A0]  }
0x15f: {  	[tilespmem:$0x1FD70] =	vst v26;
	v26 =	vmul.f32 v34, v43;
	v35 =	vmul.f32 v32, v43;
	v43 =	vld [tilespmem:s2+$0x78D0];
	s2 =	sand.u32 $0x3FFFF800, s8  }
0x160: {  	v16 =	vadd.f32 v27, v16;
	v27 =	vmul.f32 v46, v25;
	v46 =	vld [tilespmem:s2+$0x7100]  }
0x161: {  	v34 =	vmul.f32 v54, v25;
	v54 =	vld [tilespmem:s2+$0x7110]  }
0x162: {  	[tilespmem:$0x1FD90] =	vst v31;
	v31 =	vmul.f32 v37, v25;
	v37 =	vld [tilespmem:s2+$0x7120]  }
0x163: {  	v33 =	vmul.f32 v39, v25;
	v32 =	vmul.f32 v53, v25;
	v53 =	vld [tilespmem:s2+$0x7130]  }
0x164: {  	[tilespmem:$0x1FDB0] =	vst v28;
	v39 =	vmul.f32 v58, v25;
	v58 =	vmul.f32 v40, v25;
	v28 =	vld [tilespmem:s2+$0x7140]  }
0x165: {  	v40 =	vld [tilespmem:s2+$0x7150]  }
0x166: {  	v15 =	vadd.f32 v58, v15;
	v58 =	vld [tilespmem:s2+$0x7170]  }
0x167: {  	v13 =	vadd.f32 v39, v13;
	v39 =	vld [tilespmem:s2+$0x7510]  }
0x168: {  	v2 =	vadd.f32 v29, v2;
	v29 =	vmul.f32 v42, v25;
	v42 =	vld [tilespmem:s2+$0x7520]  }
0x169: {  	v59 =	vmul.f32 v59, v25;
	v1 =	vadd.f32 v27, v1;
	v27 =	vld [tilespmem:s2+$0x7540]  }
0x16a: {  	v9 =	vadd.f32 v34, v9;
	v34 =	vmul.f32 v45, v0;
	v45 =	vmul.f32 v52, v0;
	v52 =	vld [tilespmem:s2+$0x7550]  }
0x16b: {  	v22 =	vld [tilespmem:s2+$0x7560]  }
0x16c: {  	v18 =	vadd.f32 $0.0e+00, v18;
	v14 =	vadd.f32 v59, v14;
	v59 =	vld [tilespmem:$0x1F9A0]  }
0x16d: {  	v6 =	vadd.f32 v30, v6;
	v11 =	vadd.f32 v33, v11;
	v33 =	vmul.f32 v60, v0;
	v60 =	vld [tilespmem:s2+$0x7570]  }
0x16e: {  	v8 =	vadd.f32 v31, v8;
	v31 =	vmul.f32 v62, v25;
	v62 =	vld [tilespmem:$0x1F9C0];
	v21 =	vadd.f32 $0.0e+00, v21  }
0x16f: {  	v5 =	vadd.f32 $0.0e+00, v5;
	v18 =	vadd.f32 v35, v18;
	v35 =	vmul.f32 v55, v25;
	v55 =	vld [tilespmem:s2+$0x7160]  }
0x170: {  	s9 =	sand.u32 $0x3FFFFC00, s9;
	v10 =	vadd.f32 v32, v10;
	v32 =	vmul.f32 v44, v25;
	v44 =	vmul.f32 v51, v0;
	v51 =	vld [tilespmem:$0x1F970]  }
0x171: {  	v30 =	vmul.f32 v63, v25;
	v20 =	vadd.f32 v61, v21;
	v21 =	vadd.f32 v26, v5;
	v5 =	vld [tilespmem:s9+$0x100]  }
0x172: {  	v12 =	vadd.f32 v35, v12;
	v35 =	vld [tilespmem:s2+$0x7500]  }
0x173: {  	[tilespmem:$0x1FDA0] =	vst v24;
	v61 =	vmul.f32 v41, v25;
	v24 =	vadd.f32 v30, v18;
	v30 =	vld [tilespmem:s2+$0x7530]  }
0x174: {  	v41 =	vmul.f32 v49, v0;
	v49 =	vmul.f32 v57, v0;
	v57 =	vld [tilespmem:$0x1F990]  }
0x175: {  	v18 =	vld [tilespmem:$0x1F9E0]  }
0x176: {  	s8 =	sadd.s32 $0x39, s0;
	v10 =	vadd.f32 v44, v10;
	v44 =	vld [tilespmem:$0x1FA10]  }
0x177: {  	v26 =	vadd.f32 v47, v9;
	s9 =	sshll.u32 s8, $0x7;
	v47 =	vld [tilespmem:$0x1FA20]  }
0x178: {  	s8 =	sshll.u32 s8, $0x8;
	s9 =	sand.u32 $0x3FFFFC80, s9;
	v16 =	vadd.f32 v61, v16;
	v61 =	vld [tilespmem:$0x1F9B0]  }
0x179: {  	v23 =	vadd.f32 v34, v2;
	s2 =	sand.u32 $0x7800, s8;
	v34 =	vld [tilespmem:s9+$0x100]  }
0x17a: {  	[tilespmem:$0x1FDC0] =	vst v28;
	v28 =	vadd.f32 v49, v12;
	v12 =	vld [tilespmem:s2+$0x7180]  }
0x17b: {  	v1 =	vadd.f32 v33, v1;
	v33 =	vld [tilespmem:s2+$0x7190]  }
0x17c: {  	[tilespmem:$0x1FDE0] =	vst v39;
	v39 =	vld [tilespmem:$0x1FA00]  }
0x17d: {  	[tilespmem:$0x1FDF0] =	vst v42;
	v42 =	vld [tilespmem:s2+$0x71A0]  }
0x17e: {  	[tilespmem:$0x1FE00] =	vst v52;
	v52 =	vld [tilespmem:$0x1FA30]  }
0x17f: {  	v9 =	vmul.f32 v59, v0;
	v59 =	vld [tilespmem:$0x1FA40]  }
0x180: {  	[tilespmem:$0x1FCF0] =	vst v19;
	v19 =	vadd.f32 v31, v20;
	v63 =	vmul.f32 v62, v0;
	v62 =	vld [tilespmem:$0x1FA50]  }
0x181: {  	v20 =	vadd.f32 v32, v21;
	v21 =	vadd.f32 v38, v6;
	v6 =	vmul.f32 v51, v0;
	v51 =	vld [tilespmem:s2+$0x71B0]  }
0x182: {  	v16 =	vadd.f32 v9, v16;
	v9 =	vld [tilespmem:$0x1F9D0]  }
0x183: {  	[tilespmem:$0x1FDD0] =	vst v35;
	v35 =	vld [tilespmem:$0x1F9F0]  }
0x184: {  	v2 =	vmul.f32 v56, v0;
	v13 =	vadd.f32 v6, v13;
	v6 =	vmul.f32 v57, v0;
	v57 =	vld [tilespmem:s2+$0x71C0]  }
0x185: {  	v11 =	vadd.f32 v45, v11;
	v45 =	vmul.f32 v44, v48;
	v44 =	vld [tilespmem:s2+$0x71F0]  }
0x186: {  	v15 =	vadd.f32 v2, v15;
	v2 =	vmul.f32 v61, v0;
	v61 =	vld [tilespmem:s2+$0x71D0]  }
0x187: {  	v8 =	vadd.f32 v41, v8;
	v49 =	vmul.f32 v47, v48;
	[tilespmem:$0x1FE20] =	vst v12;
	v12 =	vld [tilespmem:$0x1FA80]  }
0x188: {  	v21 =	vadd.f32 v45, v21;
	v45 =	vld [tilespmem:$0x1FA90]  }
0x189: {  	v32 =	vadd.f32 v49, v8;
	v49 =	vld [tilespmem:s2+$0x7580]  }
0x18a: {  	v24 =	vadd.f32 v63, v24;
	v63 =	vmul.f32 v62, v48;
	v62 =	vld [tilespmem:s2+$0x75A0]  }
0x18b: {  	v56 =	vmul.f32 v52, v48;
	[tilespmem:$0x1FE50] =	vst v51;
	v51 =	vld [tilespmem:$0x1FAA0]  }
0x18c: {  	v14 =	vadd.f32 v6, v14;
	v6 =	vmul.f32 v9, v0;
	v9 =	vld [tilespmem:s2+$0x71E0]  }
0x18d: {  	[tilespmem:$0x1FE10] =	vst v60;
	v60 =	vmul.f32 v59, v48;
	v31 =	vadd.f32 v56, v10;
	v10 =	vld [tilespmem:$0x1FA70]  }
0x18e: {  	v56 =	vld [tilespmem:s2+$0x7590]  }
0x18f: {  	[tilespmem:$0x1FE30] =	vst v33;
	v33 =	vadd.f32 v60, v11;
	v60 =	vld [tilespmem:$0x1FAC0]  }
0x190: {  	v26 =	vadd.f32 v63, v26;
	v63 =	vld [tilespmem:$0x1FAD0]  }
0x191: {  	[tilespmem:$0x1FE60] =	vst v57;
	v57 =	vld [tilespmem:$0x1FAB0]  }
0x192: {  	v19 =	vadd.f32 v6, v19;
	v6 =	vld [tilespmem:$0x1FA60];
	v47 =	vmul.f32 v45, v48  }
0x193: {  	v11 =	vmul.f32 v10, v48;
	v10 =	vld [tilespmem:s2+$0x75B0]  }
0x194: {  	v38 =	vmul.f32 v35, v48;
	v52 =	vmul.f32 v51, v48;
	v35 =	vadd.f32 v47, v14;
	v14 =	vld [tilespmem:$0x1FB00]  }
0x195: {  	[tilespmem:$0x1FE70] =	vst v61;
	v61 =	vmul.f32 v60, v48;
	v60 =	vld [tilespmem:s2+$0x75E0]  }
0x196: {  	v17 =	vadd.f32 v29, v17;
	[tilespmem:$0x1FE90] =	vst v44;
	v44 =	vadd.f32 v52, v16;
	v16 =	vld [tilespmem:s2+$0x75D0]  }
0x197: {  	v29 =	vadd.f32 v38, v1;
	v38 =	vadd.f32 v11, v13;
	v11 =	vld [tilespmem:$0x1FAF0]  }
0x198: {  	v41 =	vmul.f32 v39, v48;
	v13 =	vld [tilespmem:s2+$0x75C0]  }
0x199: {  	[tilespmem:$0x1FE40] =	vst v42;
	v17 =	vadd.f32 v2, v17;
	v59 =	vmul.f32 v57, v48;
	v42 =	vadd.f32 v61, v24;
	v61 =	vld [tilespmem:$0x1FB30]  }
0x19a: {  	v8 =	vmul.f32 v6, v48;
	v6 =	vmul.f32 v63, v48;
	v63 =	vld [tilespmem:$0x1FB40]  }
0x19b: {  	v23 =	vadd.f32 v41, v23;
	v41 =	vadd.f32 v59, v17;
	v17 =	vld [tilespmem:$0x1FB10]  }
0x19c: {  	v25 =	vmul.f32 v18, v0;
	v18 =	vmul.f32 v12, v48;
	v28 =	vadd.f32 v8, v28;
	v8 =	vld [tilespmem:$0x1FAE0]  }
0x19d: {  	v45 =	vadd.f32 v6, v19;
	v19 =	vld [tilespmem:$0x1FB20]  }
0x19e: {  	v39 =	vadd.f32 v18, v15;
	v15 =	vmul.f32 v14, v7;
	v14 =	vld [tilespmem:$0x1FB70]  }
0x19f: {  	s8 =	sadd.s32 $0x3A, s0;
	[tilespmem:$0x1FEF0] =	vst v16;
	v16 =	vld [tilespmem:$0x1FB80]  }
0x1a0: {  	s9 =	sshll.u32 s8, $0x7;
	v12 =	vmul.f32 v11, v7;
	v11 =	vld [tilespmem:$0x1FB60]  }
0x1a1: {  	s9 =	sand.u32 $0x3FFFFD00, s9;
	[tilespmem:$0x1FE80] =	vst v9;
	v9 =	vmul.f32 v8, v48;
	v8 =	vld [tilespmem:s2+$0x75F0]  }
0x1a2: {  	[tilespmem:$0x1FEC0] =	vst v62;
	v62 =	vmul.f32 v61, v7;
	v48 =	vld [tilespmem:s9+$0x100]  }
0x1a3: {  	v20 =	vadd.f32 v25, v20;
	v25 =	vmul.f32 v19, v7;
	v19 =	vld [tilespmem:$0x1FB90]  }
0x1a4: {  	s8 =	sshll.u32 s8, $0x8;
	v61 =	vadd.f32 v62, v31;
	v62 =	vld [tilespmem:$0x1FBD0]  }
0x1a5: {  	[tilespmem:$0x1FEA0] =	vst v49;
	v18 =	vmul.f32 v17, v7;
	v49 =	vadd.f32 v12, v29;
	s2 =	sand.u32 $0x7800, s8;
	v29 =	vld [tilespmem:$0x1FC40]  }
0x1a6: {  	[tilespmem:$0x1FEE0] =	vst v13;
	v13 =	vld [tilespmem:s2+$0x7200]  }
0x1a7: {  	[tilespmem:$0x1FEB0] =	vst v56;
	v56 =	vadd.f32 v18, v21;
	v18 =	vld [tilespmem:s2+$0x7210]  }
0x1a8: {  	v6 =	vmul.f32 v63, v7;
	v21 =	vld [tilespmem:$0x1FBA0]  }
0x1a9: {  	v24 =	vld [tilespmem:s2+$0x7220]  }
0x1aa: {  	v52 =	vadd.f32 v6, v33;
	v33 =	vld [tilespmem:s2+$0x7230]  }
0x1ab: {  	[tilespmem:$0x1FF00] =	vst v60;
	v60 =	vld [tilespmem:s2+$0x7240]  }
0x1ac: {  	v51 =	vadd.f32 v15, v23;
	v15 =	vmul.f32 v14, v7;
	v14 =	vld [tilespmem:$0x1FBF0]  }
0x1ad: {  	v47 =	vadd.f32 v9, v20;
	v9 =	vld [tilespmem:$0x1FB50]  }
0x1ae: {  	v57 =	vadd.f32 v25, v32;
	v25 =	vld [tilespmem:$0x1FBB0]  }
0x1af: {  	v17 =	vmul.f32 v16, v7;
	v16 =	vld [tilespmem:$0x1FC00]  }
0x1b0: {  	v32 =	vld [tilespmem:$0x1FC50]  }
0x1b1: {  	v12 =	vmul.f32 v11, v7;
	v11 =	vld [tilespmem:$0x1FBE0]  }
0x1b2: {  	[tilespmem:$0x1FF10] =	vst v8;
	v8 =	vadd.f32 v17, v39;
	v39 =	vld [tilespmem:$0x1FBC0]  }
0x1b3: {  	v20 =	vmul.f32 v19, v7;
	v19 =	vld [tilespmem:$0x1FC10]  }
0x1b4: {  	v63 =	vmul.f32 v62, v7;
	v62 =	vld [tilespmem:s2+$0x7630]  }
0x1b5: {  	[tilespmem:$0x1FF20] =	vst v13;
	v13 =	vld [tilespmem:s2+$0x7250]  }
0x1b6: {  	[tilespmem:$0x1FF30] =	vst v18;
	v18 =	vld [tilespmem:s2+$0x7260]  }
0x1b7: {  	v23 =	vmul.f32 v21, v7;
	v21 =	vld [tilespmem:s2+$0x7270]  }
0x1b8: {  	[tilespmem:$0x1FF50] =	vst v33;
	v33 =	vld [tilespmem:$0x1FC60]  }
0x1b9: {  	[tilespmem:$0x1FF60] =	vst v60;
	v60 =	vld [tilespmem:s2+$0x7650]  }
0x1ba: {  	v45 =	vadd.f32 v63, v45;
	v63 =	vld [tilespmem:s2+$0x7610]  }
0x1bb: {  	v38 =	vadd.f32 v15, v38;
	v15 =	vmul.f32 v14, v4;
	v0 =	vmul.f32 v32, v4;
	v32 =	vld [tilespmem:$0x1FD10]  }
0x1bc: {  	[tilespmem:$0x1FED0] =	vst v10;
	v10 =	vmul.f32 v9, v7;
	v44 =	vadd.f32 v23, v44;
	v23 =	vld [tilespmem:$0x1FC20]  }
0x1bd: {  	v49 =	vadd.f32 v15, v49;
	v15 =	vld [tilespmem:$0x1FCA0]  }
0x1be: {  	v6 =	vadd.f32 v10, v26;
	v26 =	vmul.f32 v25, v7;
	v25 =	vld [tilespmem:s2+$0x7600]  }
0x1bf: {  	v59 =	vmul.f32 v39, v7;
	v39 =	vld [tilespmem:s2+$0x7620]  }
0x1c0: {  	v2 =	vadd.f32 v12, v28;
	v12 =	vmul.f32 v11, v7;
	v7 =	vld [tilespmem:$0x1FC80]  }
0x1c1: {  	[tilespmem:$0x1FFC0] =	vst v62;
	v62 =	vld [tilespmem:s2+$0x7640]  }
0x1c2: {  	v47 =	vadd.f32 v12, v47;
	v12 =	vld [tilespmem:$0x1FC90]  }
0x1c3: {  	v31 =	vmul.f32 v29, v4;
	v9 =	vadd.f32 v20, v35;
	v20 =	vmul.f32 v19, v4;
	v19 =	vld [tilespmem:$0x1FCB0]  }
0x1c4: {  	v10 =	vadd.f32 v26, v41;
	v26 =	vld [tilespmem:$0x1FC30]  }
0x1c5: {  	[tilespmem:$0x1FF70] =	vst v13;
	v13 =	vadd.f32 v31, v52;
	v52 =	vld [tilespmem:$0x1FC70]  }
0x1c6: {  	s8 =	sadd.s32 $0x3B, s0;
	[tilespmem:$0x1FF90] =	vst v21;
	v21 =	vld [tilespmem:$0x1FCC0]  }
0x1c7: {  	s9 =	sshll.u32 s8, $0x7;
	s8 =	sshll.u32 s8, $0x8;
	v31 =	vld [tilespmem:$0x1FD00]  }
0x1c8: {  	s8 =	sand.u32 $0x7800, s8;
	v1 =	vmul.f32 v33, v4;
	v33 =	vld [tilespmem:$0x1FD20]  }
0x1c9: {  	v41 =	vld [tilespmem:s8+$0x72F0]  }
0x1ca: {  	v17 =	vmul.f32 v16, v4;
	v35 =	vadd.f32 v59, v42;
	v42 =	vld [tilespmem:s8+$0x72A0]  }
0x1cb: {  	[tilespmem:$0x1FF40] =	vst v24;
	v16 =	vadd.f32 v0, v6;
	v24 =	vmul.f32 v23, v4;
	v0 =	vmul.f32 v15, v4;
	v23 =	vld [tilespmem:$0x1FCD0]  }
0x1cc: {  	[tilespmem:$0x1FFA0] =	vst v25;
	v25 =	vld [tilespmem:$0x1FCE0]  }
0x1cd: {  	v15 =	vadd.f32 v0, v44;
	v44 =	vld [tilespmem:s2+$0x7670]  }
0x1ce: {  	v11 =	vmul.f32 v7, v4;
	v59 =	vmul.f32 v52, v4;
	v52 =	vld [tilespmem:s8+$0x72C0]  }
0x1cf: {  	v56 =	vadd.f32 v20, v56;
	v20 =	vmul.f32 v19, v4;
	v0 =	vmul.f32 v31, v3;
	v31 =	vld [tilespmem:$0x1FDA0]  }
0x1d0: {  	[tilespmem:$0x1FF80] =	vst v18;
	v18 =	vadd.f32 v1, v2;
	v2 =	vmul.f32 v33, v3;
	v33 =	vmul.f32 v43, v3;
	v43 =	vld [tilespmem:s8+$0x7680]  }
0x1d1: {  	v28 =	vmul.f32 v26, v4;
	v7 =	vadd.f32 v11, v8;
	v8 =	vadd.f32 v20, v10;
	v20 =	vld [tilespmem:$0x1FD50]  }
0x1d2: {  	v51 =	vadd.f32 v17, v51;
	v17 =	vadd.f32 v59, v38;
	v59 =	vld [tilespmem:s2+$0x7660]  }
0x1d3: {  	v57 =	vadd.f32 v24, v57;
	v14 =	vmul.f32 v12, v4;
	v61 =	vadd.f32 v28, v61;
	v28 =	vld [tilespmem:$0x1FCF0]  }
0x1d4: {  	v38 =	vld [tilespmem:$0x1FD30]  }
0x1d5: {  	v9 =	vadd.f32 v14, v9;
	v14 =	vadd.f32 v2, v57;
	v57 =	vld [tilespmem:$0x1FD40]  }
0x1d6: {  	v6 =	vadd.f32 v0, v51;
	v51 =	vld [tilespmem:s8+$0x72B0]  }
0x1d7: {  	s9 =	sand.u32 $0x3FFFFD80, s9;
	v24 =	vmul.f32 v23, v4;
	v23 =	vld [tilespmem:$0x1FD60]  }
0x1d8: {  	v1 =	vmul.f32 v21, v4;
	v26 =	vmul.f32 v25, v4;
	v4 =	vld [tilespmem:s9+$0x100]  }
0x1d9: {  	v25 =	vld [tilespmem:$0x1FD80]  }
0x1da: {  	v11 =	vadd.f32 v1, v35;
	v1 =	vmul.f32 v32, v3;
	v35 =	vadd.f32 v24, v45;
	v45 =	vld [tilespmem:s8+$0x7280]  }
0x1db: {  	v24 =	vld [tilespmem:$0x1FD70]  }
0x1dc: {  	v12 =	vadd.f32 v1, v56;
	v56 =	vld [tilespmem:s8+$0x72D0]  }
0x1dd: {  	v10 =	vadd.f32 v26, v47;
	v47 =	vld [tilespmem:s8+$0x7290]  }
0x1de: {  	v26 =	vmul.f32 v36, v3;
	v36 =	vld [tilespmem:$0x1FDB0]  }
0x1df: {  	v32 =	vmul.f32 v31, v3;
	v31 =	vmul.f32 v58, v5;
	v58 =	vld [tilespmem:s8+$0x76F0]  }
0x1e0: {  	v19 =	vmul.f32 v57, v3;
	v57 =	vld [tilespmem:s8+$0x72E0]  }
0x1e1: {  	[tilespmem:$0x1FFB0] =	vst v39;
	v29 =	vmul.f32 v28, v3;
	v39 =	vmul.f32 v38, v3;
	v28 =	vld [tilespmem:$0x1FD90]  }
0x1e2: {  	v0 =	vmul.f32 v23, v3;
	v23 =	vmul.f32 v53, v5;
	v53 =	vld [tilespmem:s8+$0x76C0]  }
0x1e3: {  	v21 =	vmul.f32 v20, v3;
	v8 =	vadd.f32 v32, v8;
	v32 =	vld [tilespmem:$0x1FDD0]  }
0x1e4: {  	v61 =	vadd.f32 v39, v61;
	v39 =	vmul.f32 v46, v5;
	v46 =	vld [tilespmem:s8+$0x76A0]  }
0x1e5: {  	v2 =	vmul.f32 v25, v3;
	v16 =	vadd.f32 v21, v16;
	v1 =	vmul.f32 v24, v3;
	v24 =	vld [tilespmem:$0x1FDC0]  }
0x1e6: {  	v21 =	vmul.f32 v37, v5;
	v13 =	vadd.f32 v19, v13;
	v14 =	vadd.f32 v23, v14;
	v23 =	vld [tilespmem:$0x1FDF0]  }
0x1e7: {  	v19 =	vadd.f32 v0, v18;
	v2 =	vadd.f32 v2, v7;
	v7 =	vmul.f32 v54, v5;
	v54 =	vld [tilespmem:s8+$0x76B0]  }
0x1e8: {  	v18 =	vadd.f32 v21, v12;
	v12 =	vld [tilespmem:$0x1FE10]  }
0x1e9: {  	v38 =	vmul.f32 v36, v3;
	v19 =	vadd.f32 v31, v19;
	v31 =	vmul.f32 v22, v5;
	v22 =	vld [tilespmem:$0x1FE20]  }
0x1ea: {  	v49 =	vadd.f32 v29, v49;
	v29 =	vmul.f32 v28, v3;
	v3 =	vmul.f32 v50, v3;
	v50 =	vld [tilespmem:s8+$0x7690]  }
0x1eb: {  	s2 =	sadd.s32 $0x3C, s0;
	v28 =	vmul.f32 v40, v5;
	v40 =	vld [tilespmem:s8+$0x76D0]  }
0x1ec: {  	s9 =	sshll.u32 s2, $0x7;
	v15 =	vadd.f32 v29, v15;
	v29 =	vmul.f32 v55, v5;
	v55 =	vld [tilespmem:s8+$0x76E0]  }
0x1ed: {  	s2 =	sshll.u32 s2, $0x8;
	s9 =	sand.u32 $0x3FFFFE00, s9;
	v25 =	vadd.f32 v3, v10;
	v10 =	vadd.f32 v7, v6;
	v6 =	vld [tilespmem:$0x1FDE0]  }
0x1ee: {  	v20 =	vadd.f32 v1, v17;
	s8 =	sand.u32 $0x7800, s2;
	v3 =	vld [tilespmem:s9+$0x100]  }
0x1ef: {  	v1 =	vadd.f32 v33, v11;
	v11 =	vadd.f32 v39, v49;
	v39 =	vld [tilespmem:s8+$0x7300]  }
0x1f0: {  	v17 =	vadd.f32 v38, v35;
	v38 =	vld [tilespmem:s8+$0x7310]  }
0x1f1: {  	v33 =	vmul.f32 v32, v5;
	v37 =	vld [tilespmem:s8+$0x7320]  }
0x1f2: {  	v36 =	vld [tilespmem:s8+$0x7330]  }
0x1f3: {  	v20 =	vadd.f32 v33, v20;
	v33 =	vld [tilespmem:s8+$0x7340]  }
0x1f4: {  	v32 =	vld [tilespmem:s8+$0x7350]  }
0x1f5: {  	v9 =	vadd.f32 v26, v9;
	v26 =	vmul.f32 v24, v5;
	v21 =	vmul.f32 v12, v5;
	v12 =	vld [tilespmem:$0x1FE50]  }
0x1f6: {  	v13 =	vadd.f32 v28, v13;
	v24 =	vmul.f32 v23, v5;
	v16 =	vadd.f32 v29, v16;
	v29 =	vld [tilespmem:$0x1FE00]  }
0x1f7: {  	v17 =	vadd.f32 v31, v17;
	v31 =	vld [tilespmem:s8+$0x7360];
	v35 =	vadd.f32 v26, v61;
	v26 =	vmul.f32 v30, v5  }
0x1f8: {  	v28 =	vmul.f32 v27, v5;
	v49 =	vadd.f32 v24, v9;
	v23 =	vmul.f32 v22, v34;
	v24 =	vld [tilespmem:$0x1FE30]  }
0x1f9: {  	v25 =	vadd.f32 v21, v25;
	v7 =	vmul.f32 v6, v5;
	v6 =	vadd.f32 v26, v15;
	v26 =	vld [tilespmem:$0x1FE40]  }
0x1fa: {  	v21 =	vadd.f32 v23, v11;
	v15 =	vadd.f32 v28, v8;
	v28 =	vld [tilespmem:$0x1FE60];
	v23 =	vmul.f32 v12, v34  }
0x1fb: {  	v30 =	vmul.f32 v29, v5;
	v29 =	vld [tilespmem:$0x1FE70]  }
0x1fc: {  	v9 =	vadd.f32 v23, v14;
	v23 =	vld [tilespmem:$0x1FE90]  }
0x1fd: {  	v5 =	vadd.f32 v30, v1;
	v30 =	vld [tilespmem:$0x1FE80]  }
0x1fe: {  	v0 =	vmul.f32 v24, v34;
	v24 =	vld [tilespmem:$0x1FEA0];
	v27 =	vmul.f32 v26, v34  }
0x1ff: {  	v8 =	vmul.f32 v28, v34;
	v28 =	vld [tilespmem:s2+$0x7300]  }
0x200: {  	v18 =	vadd.f32 v27, v18;
	v27 =	vld [tilespmem:s8+$0x7370]  }
0x201: {  	v61 =	vadd.f32 v7, v2;
	v11 =	vmul.f32 v29, v34;
	v29 =	vld [tilespmem:s2+$0x7310]  }
0x202: {  	v22 =	vadd.f32 v0, v10;
	v0 =	vmul.f32 v23, v34;
	v7 =	vmul.f32 v30, v34;
	v30 =	vld [tilespmem:$0x1FEB0]  }
0x203: {  	v35 =	vadd.f32 v8, v35;
	v8 =	vld [tilespmem:$0x1FEF0]  }
0x204: {  	v26 =	vmul.f32 v24, v34;
	v12 =	vadd.f32 v0, v19;
	v19 =	vld [tilespmem:$0x1FED0]  }
0x205: {  	v24 =	vld [tilespmem:s2+$0x7350]  }
0x206: {  	v10 =	vadd.f32 v26, v20;
	v26 =	vld [tilespmem:s2+$0x7330]  }
0x207: {  	v23 =	vadd.f32 v7, v16;
	v16 =	vld [tilespmem:$0x1FEC0];
	v7 =	vmul.f32 v30, v34  }
0x208: {  	v30 =	vld [tilespmem:s2+$0x7320]  }
0x209: {  	v20 =	vmul.f32 v19, v34;
	v14 =	vadd.f32 v7, v61;
	v7 =	vld [tilespmem:$0x1FEE0]  }
0x20a: {  	v19 =	vld [tilespmem:$0x1FF00]  }
0x20b: {  	v11 =	vadd.f32 v11, v13;
	v13 =	vadd.f32 v20, v6;
	v20 =	vld [tilespmem:$0x1FF10]  }
0x20c: {  	v1 =	vmul.f32 v8, v34;
	v61 =	vld [tilespmem:s2+$0x7340]  }
0x20d: {  	v16 =	vmul.f32 v16, v34;
	v6 =	vld [tilespmem:$0x1FF30]  }
0x20e: {  	v0 =	vmul.f32 v7, v34;
	v7 =	vadd.f32 v1, v5;
	v5 =	vld [tilespmem:$0x1FF20]  }
0x20f: {  	v49 =	vadd.f32 v16, v49;
	v16 =	vmul.f32 v19, v34;
	v19 =	vld [tilespmem:s2+$0x7370]  }
0x210: {  	v60 =	vmul.f32 v60, v48;
	s8 =	sadd.s32 $0x3D, s0;
	v1 =	vmul.f32 v20, v34;
	v20 =	vld [tilespmem:s2+$0x7360]  }
0x211: {  	s9 =	sshll.u32 s8, $0x7;
	s8 =	sshll.u32 s8, $0x8;
	v34 =	vadd.f32 v16, v17;
	v16 =	vld [tilespmem:$0x1FF50]  }
0x212: {  	s2 =	sand.u32 $0x7800, s8;
	v8 =	vadd.f32 v0, v15;
	v15 =	vld [tilespmem:$0x1FF40];
	v7 =	vadd.f32 v60, v7;
	v60 =	vmul.f32 v47, v4  }
0x213: {  	s9 =	sand.u32 $0x3FFFFE80, s9;
	v47 =	vld [tilespmem:s2+$0x77A0];
	v17 =	vmul.f32 v5, v48;
	v5 =	vmul.f32 v6, v48  }
0x214: {  	v44 =	vmul.f32 v44, v48;
	v25 =	vadd.f32 v1, v25;
	v1 =	vld [tilespmem:s9+$0x100]  }
0x215: {  	v5 =	vadd.f32 v5, v22;
	v22 =	vld [tilespmem:$0x1FF60]  }
0x216: {  	v25 =	vadd.f32 v44, v25;
	v44 =	vld [tilespmem:s2+$0x7790]  }
0x217: {  	v2 =	vmul.f32 v16, v48;
	v0 =	vmul.f32 v15, v48;
	v15 =	vld [tilespmem:$0x1FF80]  }
0x218: {  	v16 =	vld [tilespmem:$0x1FF90]  }
0x219: {  	v2 =	vadd.f32 v2, v9;
	v9 =	vld [tilespmem:$0x1FF70]  }
0x21a: {  	v21 =	vadd.f32 v17, v21;
	v17 =	vld [tilespmem:s2+$0x7380];
	v22 =	vmul.f32 v22, v48  }
0x21b: {  	v45 =	vmul.f32 v45, v4;
	v6 =	vadd.f32 v0, v18;
	v18 =	vld [tilespmem:s2+$0x7390];
	v5 =	vadd.f32 v60, v5  }
0x21c: {  	v60 =	vmul.f32 v56, v4;
	v22 =	vadd.f32 v22, v35;
	v35 =	vmul.f32 v15, v48;
	v15 =	vld [tilespmem:$0x1FFA0]  }
0x21d: {  	v56 =	vmul.f32 v57, v4;
	v57 =	vmul.f32 v41, v4;
	v41 =	vld [tilespmem:s2+$0x77D0]  }
0x21e: {  	v9 =	vmul.f32 v9, v48;
	v23 =	vadd.f32 v35, v23;
	v35 =	vld [tilespmem:$0x1FFB0]  }
0x21f: {  	v63 =	vmul.f32 v63, v48;
	v21 =	vadd.f32 v45, v21;
	v45 =	vmul.f32 v51, v4;
	v51 =	vld [tilespmem:s2+$0x77F0]  }
0x220: {  	v59 =	vmul.f32 v59, v48;
	v0 =	vmul.f32 v16, v48;
	v16 =	vld [tilespmem:s2+$0x73A0];
	v9 =	vadd.f32 v9, v11  }
0x221: {  	v42 =	vmul.f32 v42, v4;
	v2 =	vadd.f32 v45, v2;
	v45 =	vld [tilespmem:s2+$0x77C0];
	v11 =	vmul.f32 v15, v48  }
0x222: {  	v0 =	vadd.f32 v0, v12;
	v9 =	vadd.f32 v60, v9;
	v60 =	vmul.f32 v50, v4;
	v50 =	vld [tilespmem:s2+$0x77E0]  }
0x223: {  	v12 =	vmul.f32 v35, v48;
	v10 =	vadd.f32 v11, v10;
	v11 =	vadd.f32 v63, v14;
	v63 =	vld [tilespmem:$0x1FFC0]  }
0x224: {  	v53 =	vmul.f32 v53, v4;
	v46 =	vmul.f32 v46, v4;
	v15 =	vld [tilespmem:s2+$0x73B0]  }
0x225: {  	v54 =	vmul.f32 v54, v4;
	v35 =	vld [tilespmem:s2+$0x73C0];
	v12 =	vadd.f32 v12, v49;
	v49 =	vmul.f32 v62, v48  }
0x226: {  	v40 =	vmul.f32 v40, v4;
	v39 =	vmul.f32 v39, v3;
	v62 =	vld [tilespmem:s2+$0x73E0]  }
0x227: {  	v38 =	vmul.f32 v38, v3;
	v36 =	vmul.f32 v36, v3;
	v8 =	vadd.f32 v49, v8;
	v49 =	vld [tilespmem:s2+$0x7780]  }
0x228: {  	v32 =	vmul.f32 v32, v3;
	s8 =	sadd.s32 $0x3E, s0;
	v14 =	vmul.f32 v63, v48;
	v63 =	vld [tilespmem:s2+$0x73D0]  }
0x229: {  	v31 =	vmul.f32 v31, v3;
	v27 =	vmul.f32 v27, v3;
	s9 =	sshll.u32 s8, $0x7;
	v48 =	vld [tilespmem:s2+$0x73F0]  }
0x22a: {  	s9 =	sand.u32 $0x3FFFFF00, s9;
	v13 =	vadd.f32 v14, v13;
	v14 =	vadd.f32 v59, v34;
	v59 =	vmul.f32 v52, v4;
	v52 =	vld [tilespmem:s2+$0x77B0];
	s2 =	sshll.u32 s8, $0x8  }
0x22b: {  	v24 =	vmul.f32 v24, v3;
	v7 =	vadd.f32 v40, v7;
	v34 =	vadd.f32 v57, v0;
	v0 =	vld [tilespmem:s9+$0x100];
	s8 =	sand.u32 $0x7800, s2  }
0x22c: {  	v29 =	vmul.f32 v29, v3;
	v22 =	vadd.f32 v59, v22;
	v59 =	vmul.f32 v43, v4;
	v43 =	vld [tilespmem:s8+$0x7400]  }
0x22d: {  	v26 =	vmul.f32 v26, v3;
	v7 =	vadd.f32 v24, v7;
	v12 =	vadd.f32 v46, v12;
	v46 =	vld [tilespmem:s8+$0x7410]  }
0x22e: {  	v20 =	vmul.f32 v20, v3;
	v6 =	vadd.f32 v42, v6;
	v21 =	vadd.f32 v39, v21;
	v40 =	vld [tilespmem:s8+$0x7420]  }
0x22f: {  	v5 =	vadd.f32 v38, v5;
	v17 =	vmul.f32 v17, v1;
	v57 =	vmul.f32 v37, v3;
	v37 =	vld [tilespmem:s8+$0x7430]  }
0x230: {  	v18 =	vmul.f32 v18, v1;
	v23 =	vadd.f32 v56, v23;
	v56 =	vmul.f32 v55, v4;
	v38 =	vld [tilespmem:s8+$0x7440]  }
0x231: {  	v2 =	vadd.f32 v36, v2;
	v4 =	vmul.f32 v58, v4;
	v58 =	vmul.f32 v33, v3;
	v33 =	vld [tilespmem:s8+$0x7450]  }
0x232: {  	v39 =	vmul.f32 v61, v3;
	v17 =	vadd.f32 v17, v21;
	v11 =	vadd.f32 v60, v11;
	s9 =	sor.u32 $0x700, s2;
	v36 =	vld [tilespmem:s8+$0x7460]  }
0x233: {  	v5 =	vadd.f32 v18, v5;
	v23 =	vadd.f32 v31, v23;
	v15 =	vmul.f32 v15, v1;
	v31 =	vld [tilespmem:s9+$0x7100];
	s9 =	sor.u32 $0x710, s2  }
0x234: {  	v9 =	vadd.f32 v32, v9;
	v60 =	vmul.f32 v30, v3;
	v11 =	vadd.f32 v29, v11;
	v30 =	vld [tilespmem:s9+$0x7100]  }
0x235: {  	v2 =	vadd.f32 v15, v2;
	s9 =	sor.u32 $0x720, s2;
	v10 =	vadd.f32 v59, v10;
	v59 =	vmul.f32 v28, v3;
	v28 =	vld [tilespmem:s8+$0x7470]  }
0x236: {  	v42 =	vmul.f32 v16, v1;
	v8 =	vadd.f32 v53, v8;
	v12 =	vadd.f32 v60, v12;
	v32 =	vld [tilespmem:s9+$0x7100];
	s9 =	sor.u32 $0x730, s2  }
0x237: {  	v60 =	vmul.f32 v47, v1;
	v14 =	vadd.f32 v56, v14;
	v4 =	vadd.f32 v4, v25;
	v25 =	vld [tilespmem:s9+$0x7100];
	s9 =	sor.u32 $0x740, s2  }
0x238: {  	v53 =	vmul.f32 v35, v1;
	v8 =	vadd.f32 v39, v8;
	v3 =	vmul.f32 v19, v3;
	v19 =	vld [tilespmem:s9+$0x7100];
	s9 =	sor.u32 $0x750, s2  }
0x239: {  	s0 =	sadd.s32 $0x3F, s0;
	v55 =	vmul.f32 v62, v1;
	v12 =	vadd.f32 v60, v12;
	v14 =	vadd.f32 v20, v14;
	v20 =	vld [tilespmem:s9+$0x7100];
	s9 =	sor.u32 $0x760, s2  }
0x23a: {  	v62 =	vmul.f32 v45, v1;
	v13 =	vadd.f32 v54, v13;
	v6 =	vadd.f32 v57, v6;
	s2 =	sor.u32 $0x770, s2;
	v16 =	vld [tilespmem:s9+$0x7100];
	s9 =	sshll.u32 s0, $0x7  }
0x23b: {  	v27 =	vadd.f32 v27, v34;
	v57 =	vmul.f32 v49, v1;
	v54 =	vmul.f32 v63, v1;
	v21 =	vld [tilespmem:s2+$0x7100];
	s0 =	sshll.u32 s0, $0x8;
	s9 =	sand.u32 $0x3FFFFF80, s9  }
0x23c: {  	v56 =	vmul.f32 v48, v1;
	v63 =	vmul.f32 v41, v1;
	v8 =	vadd.f32 v62, v8;
	s8 =	sand.u32 $0x7800, s0;
	v15 =	vld [tilespmem:s9+$0x100]  }
0x23d: {  	v22 =	vadd.f32 v58, v22;
	v13 =	vadd.f32 v26, v13;
	v58 =	vmul.f32 v44, v1;
	v26 =	vld [tilespmem:s8+$0x7480]  }
0x23e: {  	v44 =	vmul.f32 v50, v1;
	v7 =	vadd.f32 v63, v7;
	v10 =	vadd.f32 v59, v10;
	v34 =	vld [tilespmem:s8+$0x7490]  }
0x23f: {  	v61 =	vmul.f32 v52, v1;
	v3 =	vadd.f32 v3, v4;
	v59 =	vadd.f32 v56, v27;
	v27 =	vld [tilespmem:s8+$0x74A0]  }
0x240: {  	v1 =	vmul.f32 v51, v1;
	v4 =	vadd.f32 v42, v6;
	v18 =	vadd.f32 v53, v22;
	v29 =	vld [tilespmem:s8+$0x74B0]  }
0x241: {  	v6 =	vadd.f32 v54, v9;
	v22 =	vadd.f32 v55, v23;
	v45 =	vmul.f32 v43, v0;
	v39 =	vld [tilespmem:s8+$0x74C0]  }
0x242: {  	v47 =	vmul.f32 v46, v0;
	v49 =	vmul.f32 v40, v0;
	v9 =	vadd.f32 v57, v10;
	v41 =	vld [tilespmem:s8+$0x74D0]  }
0x243: {  	v37 =	vmul.f32 v37, v0;
	v10 =	vadd.f32 v58, v11;
	v11 =	vadd.f32 v61, v13;
	v35 =	vld [tilespmem:s8+$0x74E0]  }
0x244: {  	v51 =	vmul.f32 v38, v0;
	v13 =	vadd.f32 v44, v14;
	v1 =	vadd.f32 v1, v3;
	v48 =	vld [tilespmem:s8+$0x74F0];
	s9 =	sor.u32 $0x780, s0  }
0x245: {  	v33 =	vmul.f32 v33, v0;
	v17 =	vadd.f32 v45, v17;
	v3 =	vadd.f32 v47, v5;
	s8 =	sor.u32 $0x790, s0;
	v50 =	vld [tilespmem:s9+$0x7100]  }
0x246: {  	v53 =	vmul.f32 v36, v0;
	v4 =	vadd.f32 v49, v4;
	v2 =	vadd.f32 v37, v2;
	v52 =	vld [tilespmem:s8+$0x7100];
	s9 =	sor.u32 $0x7A0, s0  }
0x247: {  	v57 =	vmul.f32 v31, v0;
	v5 =	vadd.f32 v51, v18;
	v6 =	vadd.f32 v33, v6;
	s8 =	sor.u32 $0x7B0, s0;
	v54 =	vld [tilespmem:s9+$0x7100]  }
0x248: {  	v55 =	vmul.f32 v28, v0;
	v22 =	vadd.f32 v53, v22;
	v56 =	vld [tilespmem:s8+$0x7100];
	s9 =	sor.u32 $0x7C0, s0;
	v26 =	vmul.f32 v26, v15  }
0x249: {  	v42 =	vmul.f32 v32, v0;
	v9 =	vadd.f32 v57, v9;
	s8 =	sor.u32 $0x7D0, s0;
	v58 =	vld [tilespmem:s9+$0x7100];
	v60 =	vmul.f32 v34, v15  }
0x24a: {  	v44 =	vmul.f32 v25, v0;
	v61 =	vld [tilespmem:s8+$0x7100];
	s9 =	sor.u32 $0x7E0, s0;
	s8 =	sshll.u32 s31, $0x7;
	v62 =	vmul.f32 v27, v15;
	v17 =	vadd.f32 v26, v17  }
0x24b: {  	v18 =	vadd.f32 v55, v59;
	s0 =	sor.u32 $0x7F0, s0;
	v63 =	vld [tilespmem:s9+$0x7100];
	s9 =	sand.u32 $0x3FFFFF80, s8;
	v34 =	vmul.f32 v29, v15;
	v3 =	vadd.f32 v60, v3  }
0x24c: {  	v59 =	vmul.f32 v30, v0;
	v37 =	vld [tilespmem:s0+$0x7100];
	v43 =	vmul.f32 v39, v15;
	v4 =	vadd.f32 v62, v4;
	[tilespmem:s9+$0x15100] =	vst v17  }
0x24d: {  	v12 =	vadd.f32 v42, v12;
	v45 =	vmul.f32 v41, v15;
	v2 =	vadd.f32 v34, v2;
	[tilespmem:s9+$0x15110] =	vst v3  }
0x24e: {  	v10 =	vadd.f32 v59, v10;
	v49 =	vmul.f32 v50, v15;
	v5 =	vadd.f32 v43, v5;
	[tilespmem:s9+$0x15120] =	vst v4  }
0x24f: {  	v46 =	vmul.f32 v35, v15;
	v51 =	vmul.f32 v52, v15;
	v6 =	vadd.f32 v45, v6;
	[tilespmem:s9+$0x15130] =	vst v2  }
0x250: {  	v47 =	vmul.f32 v48, v15;
	v48 =	vmul.f32 v19, v0;
	v52 =	vadd.f32 v49, v9;
	[tilespmem:s9+$0x15140] =	vst v5  }
0x251: {  	v50 =	vmul.f32 v20, v0;
	v53 =	vmul.f32 v54, v15;
	v54 =	vadd.f32 v51, v10;
	[tilespmem:s9+$0x15150] =	vst v6  }
0x252: {  	v55 =	vmul.f32 v56, v15;
	v56 =	vmul.f32 v16, v0;
	v4 =	vadd.f32 v46, v22;
	[tilespmem:s9+$0x15500] =	vst v52  }
0x253: {  	v0 =	vmul.f32 v21, v0;
	v3 =	vadd.f32 v44, v11;
	v2 =	vadd.f32 v47, v18;
	[tilespmem:s9+$0x15510] =	vst v54  }
0x254: {  	v57 =	vmul.f32 v58, v15;
	v5 =	vadd.f32 v48, v8;
	[tilespmem:s9+$0x15160] =	vst v4;
	v4 =	vadd.f32 v53, v12  }
0x255: {  	v58 =	vmul.f32 v61, v15;
	v6 =	vadd.f32 v50, v7;
	[tilespmem:s9+$0x15170] =	vst v2;
	v2 =	vadd.f32 v55, v3  }
0x256: {  	p1 =	sne.s32 s31, $0x6;
	v59 =	vadd.f32 v56, v13;
	v60 =	vmul.f32 v63, v15;
	v5 =	vadd.f32 v57, v5;
	[tilespmem:s9+$0x15520] =	vst v4  }
.Ltmp0:
0x257: {  	v0 =	vadd.f32 v0, v1;
	v62 =	vmul.f32 v37, v15;
	v61 =	vadd.f32 v58, v6;
	[tilespmem:s9+$0x15530] =	vst v2;
	(pc) =	sbr.rel @p1 .LBB2_3-.Ltmp0, $4  }
0x258: {  	v63 =	vadd.f32 v60, v59;
	[tilespmem:s9+$0x15540] =	vst v5  }
0x259: {  	v0 =	vadd.f32 v62, v0;
	[tilespmem:s9+$0x15550] =	vst v61  }
0x25a: {  	[tilespmem:s9+$0x15560] =	vst v63  }
0x25b: {  	s31 =	sadd.s32 $0x1, s31;
	[tilespmem:s9+$0x15570] =	vst v0  }
0x25c: {  	s0 =	smul.u32 $0x3800, s30;
	p1 =	sne.s32 s24, $0x37  }
.Ltmp1:
0x25d: {  	s2 =	sshll.u32 s29, $0xB;
	(pc) =	sbr.rel @p1 .LBB2_6-.Ltmp1, $4  }
0x25e: {  	s0 =	sadd.s32 s2, s0  }
0x25f: {  	s0 =	sshrl.u32 s0, $0x3  }
0x260: {  	s0 =	sadd.s32 s6, s0  }
0x261: {  	[hbm4b:s0+s1] =	stream.linear.scatter [tilespmem:s20], [sflag:$0x3], $0x800, $0x38;
	[tilespmem:$0x16100] =	vst v63  }
.Ltmp2:
0x262: {  	(pc) =	sbr.rel .LBB2_7-.Ltmp2, $4  }
0x263: {  	_ = 	snop  }
0x264: {  	_ =	swait.ge [sflag:s21], $0x7000  }
0x265: {  	[sflag:s21] =	ssyncset.done $0x0  }
0x266: {  	[sflag:s21] =	ssyncadd.s32 $0xFFFF9000  }
.LBB2_6:
0x267: {  	s0 =	sadd.s32 $0x2, s28  }
0x268: {  	s2 =	smulhi.u32 $0x92492493, s0;
	_ =	sdelay $0x1  }
0x269: {  	s2 =	sshrl.u32 s2, $0x2  }
0x26a: {  	s8 =	smul.u32 $0x7, s2;
	_ =	sdelay $0x1  }
0x26b: {  	s0 =	ssub.s32 s0, s8  }
0x26c: {  	s2 =	sadd.s32 s7, s2;
	s8 =	sshll.u32 s0, $0x4  }
0x26d: {  	s9 =	sshll.u32 s2, $0x7;
	s2 =	smul.u32 $0x18800, s2;
	s8 =	sadd.s32 s4, s8  }
0x26e: {  	s0 =	smul.u32 $0x3800, s0;
	s8 =	sadd.s32 s9, s8  }
0x26f: {  	[tilespmem:s1], [sflag:$0x5] =	stream.linear.gather [hbm4b:s8+s1], $0x80, $0x38;
	[tilespmem:$0x16100] =	vst v63  }
0x270: {  	s0 =	sadd.s32 s0, s2;
	_ =	swait.ge [sflag:s11], $0x80  }
0x271: {  	s0 =	sshrl.u32 s0, $0x3;
	[sflag:s11] =	ssyncset.done $0x0  }
0x272: {  	s31 =	simm.s32 $0x100;
	s0 =	sadd.s32 s5, s0;
	[sflag:s11] =	ssyncadd.s32 $0xFFFFFF80  }
0x273: {  	[tilespmem:s31], [sflag:$0x5] =	stream.linear.gather [hbm4b:s0+s1], $0x3800, $0x38;
	[tilespmem:$0x16100] =	vst v63  }
0x274: {  	_ =	swait.ge [sflag:s11], $0x3800  }
0x275: {  	[sflag:s11] =	ssyncset.done $0x0  }
0x276: {  	[sflag:s11] =	ssyncadd.s32 $0xFFFFC800  }
0x277: {  	v0 =	vld [tilespmem:$0x0];
	_ =	sdelay $0x2  }
0x278: {  	v2 =	vld [tilespmem:$0x1FFD0]  }
0x279: {  	v3 =	vld [tilespmem:$0x1FFE0]  }
0x27a: {  	v4 =	vld [tilespmem:$0x1FFF0];
	v1 =	vshll.u32 v0, $0x1  }
0x27b: {  	v0 =	vand.u32 $0x7, v0;
	v1 =	vand.u32 $0xFFFFFFF0, v1  }
0x27c: {  	v0 =	vor.u32 v0, v1  }
0x27d: {  	v1 =	vperm.xlane v0, v2;
	_ =	sdelay $0x1  }
0x27e: {  	v0 =	vperm.xlane v0, v4;
	v1 =	vadd.s32 v3, v1;
	_ =	sdelay $0x1  }
0x27f: {  	v0 =	vadd.s32 v3, v0;
	_ =	sdelay $0x1  }
0x280: {  	s2 =	simm.s32 $0x7100  }
0x281: {  	[tilespmem:s2], [sflag:$0x1] =	stream.indirect_vreg.gather [hbm4b:s3+s1], $0x80, v1, vm0, $0xb8;
	[tilespmem:$0x16100] =	vst v63  }
0x282: {  	s8 =	simm.s32 $0x7900  }
0x283: {  	[tilespmem:s8], [sflag:$0x1] =	stream.indirect_vreg.gather [hbm4b:s3+s1], $0x80, v0, vm0, $0xb8;
	[tilespmem:$0x16100] =	vst v63  }
0x284: {  	v0 =	vld [tilespmem:$0x10];
	_ =	sdelay $0x4  }
0x285: {  	v58 =	vshll.u32 v0, $0x1  }
0x286: {  	v0 =	vand.u32 $0x7, v0;
	v1 =	vand.u32 $0xFFFFFFF0, v58  }
0x287: {  	v0 =	vor.u32 v0, v1  }
0x288: {  	v1 =	vperm.xlane v0, v2;
	_ =	sdelay $0x1  }
0x289: {  	v0 =	vperm.xlane v0, v4;
	v1 =	vadd.s32 v3, v1;
	_ =	sdelay $0x1  }
0x28a: {  	v0 =	vadd.s32 v3, v0;
	_ =	sdelay $0x1  }
0x28b: {  	s9 =	simm.s32 $0x8100  }
0x28c: {  	[tilespmem:s9], [sflag:$0x1] =	stream.indirect_vreg.gather [hbm4b:s3+s1], $0x80, v1, vm0, $0xb8;
	[tilespmem:$0x16100] =	vst v63  }
0x28d: {  	s28 =	simm.s32 $0x8900  }
0x28e: {  	[tilespmem:s28], [sflag:$0x1] =	stream.indirect_vreg.gather [hbm4b:s3+s1], $0x80, v0, vm0, $0xb8;
	[tilespmem:$0x16100] =	vst v63  }
0x28f: {  	v0 =	vld [tilespmem:$0x20];
	_ =	sdelay $0x4  }
0x290: {  	v59 =	vshll.u32 v0, $0x1  }
0x291: {  	v0 =	vand.u32 $0x7, v0;
	v1 =	vand.u32 $0xFFFFFFF0, v59  }
0x292: {  	v0 =	vor.u32 v0, v1  }
0x293: {  	v1 =	vperm.xlane v0, v2;
	_ =	sdelay $0x1  }
0x294: {  	v0 =	vperm.xlane v0, v4;
	v1 =	vadd.s32 v3, v1;
	_ =	sdelay $0x1  }
0x295: {  	v0 =	vadd.s32 v3, v0;
	_ =	sdelay $0x1  }
0x296: {  	s29 =	simm.s32 $0x9100  }
0x297: {  	[tilespmem:s29], [sflag:$0x1] =	stream.indirect_vreg.gather [hbm4b:s3+s1], $0x80, v1, vm0, $0xb8;
	[tilespmem:$0x16100] =	vst v63  }
0x298: {  	s30 =	simm.s32 $0x9900  }
0x299: {  	[tilespmem:s30], [sflag:$0x1] =	stream.indirect_vreg.gather [hbm4b:s3+s1], $0x80, v0, vm0, $0xb8;
	[tilespmem:$0x16100] =	vst v63  }
0x29a: {  	v0 =	vld [tilespmem:$0x30];
	_ =	sdelay $0x4  }
0x29b: {  	v60 =	vshll.u32 v0, $0x1  }
0x29c: {  	v0 =	vand.u32 $0x7, v0;
	v1 =	vand.u32 $0xFFFFFFF0, v60  }
0x29d: {  	v0 =	vor.u32 v0, v1  }
0x29e: {  	v1 =	vperm.xlane v0, v2;
	_ =	sdelay $0x1  }
0x29f: {  	v0 =	vperm.xlane v0, v4;
	v1 =	vadd.s32 v3, v1;
	_ =	sdelay $0x1  }
0x2a0: {  	v0 =	vadd.s32 v3, v0;
	_ =	sdelay $0x1  }
0x2a1: {  	s31 =	simm.s32 $0xA100  }
0x2a2: {  	[tilespmem:s31], [sflag:$0x1] =	stream.indirect_vreg.gather [hbm4b:s3+s1], $0x80, v1, vm0, $0xb8;
	[tilespmem:$0x16100] =	vst v63  }
0x2a3: {  	s2 =	simm.s32 $0xA900  }
0x2a4: {  	[tilespmem:s2], [sflag:$0x1] =	stream.indirect_vreg.gather [hbm4b:s3+s1], $0x80, v0, vm0, $0xb8;
	[tilespmem:$0x16100] =	vst v63  }
0x2a5: {  	v0 =	vld [tilespmem:$0x40];
	_ =	sdelay $0x4  }
0x2a6: {  	v61 =	vshll.u32 v0, $0x1  }
0x2a7: {  	v0 =	vand.u32 $0x7, v0;
	v1 =	vand.u32 $0xFFFFFFF0, v61  }
0x2a8: {  	v0 =	vor.u32 v0, v1  }
0x2a9: {  	v1 =	vperm.xlane v0, v2;
	_ =	sdelay $0x1  }
0x2aa: {  	v0 =	vperm.xlane v0, v4;
	v1 =	vadd.s32 v3, v1;
	_ =	sdelay $0x1  }
0x2ab: {  	v0 =	vadd.s32 v3, v0;
	_ =	sdelay $0x1  }
0x2ac: {  	s8 =	simm.s32 $0xB100  }
0x2ad: {  	[tilespmem:s8], [sflag:$0x1] =	stream.indirect_vreg.gather [hbm4b:s3+s1], $0x80, v1, vm0, $0xb8;
	[tilespmem:$0x16100] =	vst v63  }
0x2ae: {  	s9 =	simm.s32 $0xB900  }
0x2af: {  	[tilespmem:s9], [sflag:$0x1] =	stream.indirect_vreg.gather [hbm4b:s3+s1], $0x80, v0, vm0, $0xb8;
	[tilespmem:$0x16100] =	vst v63  }
0x2b0: {  	v0 =	vld [tilespmem:$0x50];
	_ =	sdelay $0x4  }
0x2b1: {  	v62 =	vshll.u32 v0, $0x1  }
0x2b2: {  	v0 =	vand.u32 $0x7, v0;
	v1 =	vand.u32 $0xFFFFFFF0, v62  }
0x2b3: {  	v0 =	vor.u32 v0, v1  }
0x2b4: {  	v1 =	vperm.xlane v0, v2;
	_ =	sdelay $0x1  }
0x2b5: {  	v0 =	vperm.xlane v0, v4;
	v1 =	vadd.s32 v3, v1;
	_ =	sdelay $0x1  }
0x2b6: {  	v0 =	vadd.s32 v3, v0;
	_ =	sdelay $0x1  }
0x2b7: {  	s28 =	simm.s32 $0xC100  }
0x2b8: {  	[tilespmem:s28], [sflag:$0x1] =	stream.indirect_vreg.gather [hbm4b:s3+s1], $0x80, v1, vm0, $0xb8;
	[tilespmem:$0x16100] =	vst v63  }
0x2b9: {  	s29 =	simm.s32 $0xC900  }
0x2ba: {  	[tilespmem:s29], [sflag:$0x1] =	stream.indirect_vreg.gather [hbm4b:s3+s1], $0x80, v0, vm0, $0xb8;
	[tilespmem:$0x16100] =	vst v63  }
0x2bb: {  	v0 =	vld [tilespmem:$0x60];
	_ =	sdelay $0x4  }
0x2bc: {  	v63 =	vshll.u32 v0, $0x1  }
0x2bd: {  	v0 =	vand.u32 $0x7, v0;
	v1 =	vand.u32 $0xFFFFFFF0, v63  }
0x2be: {  	v0 =	vor.u32 v0, v1  }
0x2bf: {  	v1 =	vperm.xlane v0, v2;
	_ =	sdelay $0x1  }
0x2c0: {  	v0 =	vperm.xlane v0, v4;
	v1 =	vadd.s32 v3, v1;
	_ =	sdelay $0x1  }
0x2c1: {  	v0 =	vadd.s32 v3, v0;
	_ =	sdelay $0x1  }
0x2c2: {  	s30 =	simm.s32 $0xD100  }
0x2c3: {  	[tilespmem:s30], [sflag:$0x1] =	stream.indirect_vreg.gather [hbm4b:s3+s1], $0x80, v1, vm0, $0xb8;
	[tilespmem:$0x16100] =	vst v63  }
.Ltmp3:
0x2c4: {  	s31 =	simm.s32 $0xD900;
	(pc) =	sbr.rel @p0 .LBB2_8-.Ltmp3, $4  }
0x2c5: {  	[tilespmem:s31], [sflag:$0x1] =	stream.indirect_vreg.gather [hbm4b:s3+s1], $0x80, v0, vm0, $0xb8;
	[tilespmem:$0x16100] =	vst v63  }
0x2c6: {  	_ =	swait.ge [sflag:s21], $0x7000  }
0x2c7: {  	[sflag:s21] =	ssyncset.done $0x0  }
0x2c8: {  	[sflag:s21] =	ssyncadd.s32 $0xFFFF9000  }
.LBB2_7:
0x2c9: {  	_ =	swait.ge [sflag:s22], $0x800  }
0x2ca: {  	[sflag:s22] =	ssyncset.done $0x0  }
0x2cb: {  	[sflag:s22] =	ssyncadd.s32 $0xFFFFF800  }
.LBB2_8:
0x2cc: {  	s28 =	simm.s32 $0x0  }
.LBB2_9:
0x2cd: {  	s2 =	sshll.u32 s28, $0xB  }
0x2ce: {  	s2 =	sand.u32 $0x3FFFF800, s2  }
0x2cf: {  	v61 =	vld [tilespmem:s2+$0xE6A0];
	_ =	sdelay $0x4  }
0x2d0: {  	[tilespmem:$0x1F330] =	vst v61;
	v61 =	vld [tilespmem:s2+$0xE6C0];
	_ =	sdelay $0x4  }
0x2d1: {  	[tilespmem:$0x1F350] =	vst v61;
	v61 =	vld [tilespmem:s2+$0xE6E0];
	_ =	sdelay $0x4  }
0x2d2: {  	[tilespmem:$0x1F370] =	vst v61;
	v61 =	vld [tilespmem:s2+$0xE300];
	_ =	sdelay $0x4  }
0x2d3: {  	[tilespmem:$0x1F390] =	vst v61;
	v61 =	vld [tilespmem:s2+$0xE310];
	_ =	sdelay $0x4  }
0x2d4: {  	[tilespmem:$0x1F3A0] =	vst v61;
	v61 =	vld [tilespmem:s2+$0xE320];
	_ =	sdelay $0x4  }
0x2d5: {  	[tilespmem:$0x1F3B0] =	vst v61;
	v61 =	vld [tilespmem:s2+$0xE330];
	_ =	sdelay $0x4  }
0x2d6: {  	[tilespmem:$0x1F3C0] =	vst v61;
	v61 =	vld [tilespmem:s2+$0xE340];
	_ =	sdelay $0x4  }
0x2d7: {  	[tilespmem:$0x1F3D0] =	vst v61;
	v61 =	vld [tilespmem:s2+$0xE350];
	_ =	sdelay $0x4  }
0x2d8: {  	[tilespmem:$0x1F3E0] =	vst v61;
	v61 =	vld [tilespmem:s2+$0xE360];
	_ =	sdelay $0x4  }
0x2d9: {  	[tilespmem:$0x1F3F0] =	vst v61;
	v61 =	vld [tilespmem:s2+$0xE370];
	_ =	sdelay $0x4  }
0x2da: {  	[tilespmem:$0x1F400] =	vst v61;
	v61 =	vld [tilespmem:s2+$0xE700];
	_ =	sdelay $0x4  }
0x2db: {  	[tilespmem:$0x1F410] =	vst v61;
	v61 =	vld [tilespmem:s2+$0xE710];
	_ =	sdelay $0x4  }
0x2dc: {  	[tilespmem:$0x1F420] =	vst v61;
	v61 =	vld [tilespmem:s2+$0xE720];
	_ =	sdelay $0x4  }
0x2dd: {  	[tilespmem:$0x1F430] =	vst v61;
	v61 =	vld [tilespmem:s2+$0xE730];
	_ =	sdelay $0x4  }
0x2de: {  	[tilespmem:$0x1F440] =	vst v61;
	v61 =	vld [tilespmem:s2+$0xE740];
	_ =	sdelay $0x4  }
0x2df: {  	[tilespmem:$0x1F450] =	vst v61;
	v61 =	vld [tilespmem:s2+$0xE750];
	_ =	sdelay $0x4  }
0x2e0: {  	[tilespmem:$0x1F460] =	vst v61;
	v61 =	vld [tilespmem:s2+$0xE760];
	_ =	sdelay $0x4  }
0x2e1: {  	[tilespmem:$0x1F470] =	vst v61;
	v61 =	vld [tilespmem:s2+$0xE770];
	_ =	sdelay $0x4  }
0x2e2: {  	[tilespmem:$0x1F480] =	vst v61;
	v61 =	vld [tilespmem:s2+$0xE380];
	_ =	sdelay $0x4  }
0x2e3: {  	[tilespmem:$0x1F490] =	vst v61;
	v61 =	vld [tilespmem:s2+$0xE390];
	_ =	sdelay $0x4  }
0x2e4: {  	[tilespmem:$0x1F4A0] =	vst v61;
	v61 =	vld [tilespmem:s2+$0xE3A0];
	_ =	sdelay $0x4  }
0x2e5: {  	[tilespmem:$0x1F4B0] =	vst v61;
	v61 =	vld [tilespmem:s2+$0xE3B0];
	_ =	sdelay $0x4  }
0x2e6: {  	[tilespmem:$0x1F4C0] =	vst v61;
	v61 =	vld [tilespmem:s2+$0xE3C0];
	_ =	sdelay $0x4  }
0x2e7: {  	[tilespmem:$0x1F4D0] =	vst v61;
	v61 =	vld [tilespmem:s2+$0xE3D0];
	_ =	sdelay $0x4  }
0x2e8: {  	[tilespmem:$0x1F4E0] =	vst v61;
	v61 =	vld [tilespmem:s2+$0xE3E0];
	_ =	sdelay $0x4  }
0x2e9: {  	[tilespmem:$0x1F4F0] =	vst v61;
	v61 =	vld [tilespmem:s2+$0xE3F0];
	_ =	sdelay $0x4  }
0x2ea: {  	[tilespmem:$0x1F500] =	vst v61;
	v61 =	vld [tilespmem:s2+$0xE780];
	_ =	sdelay $0x4  }
0x2eb: {  	[tilespmem:$0x1F510] =	vst v61;
	v61 =	vld [tilespmem:s2+$0xE790];
	_ =	sdelay $0x4  }
0x2ec: {  	[tilespmem:$0x1F520] =	vst v61;
	v61 =	vld [tilespmem:s2+$0xE7A0];
	_ =	sdelay $0x4  }
0x2ed: {  	[tilespmem:$0x1F530] =	vst v61;
	v61 =	vld [tilespmem:s2+$0xE7B0];
	_ =	sdelay $0x3  }
0x2ee: {  	s0 =	sshll.u32 s28, $0xA  }
0x2ef: {  	s0 =	sand.u32 $0x3FFFFC00, s0;
	[tilespmem:$0x1F540] =	vst v61;
	v61 =	vld [tilespmem:s2+$0xE7C0]  }
0x2f0: {  	v5 =	vld [tilespmem:s0+$0x3900]  }
0x2f1: {  	v3 =	vld [tilespmem:s2+$0xE100]  }
0x2f2: {  	v9 =	vld [tilespmem:s2+$0xE110]  }
0x2f3: {  	v11 =	vld [tilespmem:s2+$0xE120]  }
0x2f4: {  	[tilespmem:$0x1F550] =	vst v61;
	v61 =	vld [tilespmem:s2+$0xE7D0]  }
0x2f5: {  	v12 =	vld [tilespmem:s2+$0xE130]  }
0x2f6: {  	v13 =	vld [tilespmem:s2+$0xE140]  }
0x2f7: {  	v17 =	vld [tilespmem:s2+$0xE150]  }
0x2f8: {  	v19 =	vld [tilespmem:s2+$0xE160]  }
0x2f9: {  	[tilespmem:$0x1F560] =	vst v61;
	v61 =	vld [tilespmem:s2+$0xE7E0]  }
0x2fa: {  	v20 =	vld [tilespmem:s2+$0xE170]  }
0x2fb: {  	v21 =	vld [tilespmem:s2+$0xE500]  }
0x2fc: {  	v26 =	vld [tilespmem:s2+$0xE510]  }
0x2fd: {  	v28 =	vld [tilespmem:s2+$0xE520]  }
0x2fe: {  	[tilespmem:$0x1F570] =	vst v61;
	v61 =	vld [tilespmem:s2+$0xE7F0]  }
0x2ff: {  	v27 =	vld [tilespmem:s2+$0xE530]  }
0x300: {  	v30 =	vld [tilespmem:s2+$0xE540]  }
0x301: {  	v31 =	vld [tilespmem:s2+$0xE550]  }
0x302: {  	v35 =	vld [tilespmem:s2+$0xE560]  }
0x303: {  	[tilespmem:$0x1F580] =	vst v61;
	v61 =	vld [tilespmem:s2+$0xE400]  }
0x304: {  	v36 =	vld [tilespmem:s2+$0xE570]  }
0x305: {  	v43 =	vld [tilespmem:s0+$0x3980]  }
0x306: {  	v1 =	vld [tilespmem:s2+$0xE180]  }
0x307: {  	v2 =	vld [tilespmem:s2+$0xE190]  }
0x308: {  	[tilespmem:$0x1F590] =	vst v61;
	v61 =	vld [tilespmem:s2+$0xE410]  }
0x309: {  	v6 =	vld [tilespmem:s2+$0xE1A0]  }
0x30a: {  	v8 =	vld [tilespmem:s2+$0xE1B0]  }
0x30b: {  	v10 =	vld [tilespmem:s2+$0xE1C0]  }
0x30c: {  	v14 =	vld [tilespmem:s2+$0xE1D0]  }
0x30d: {  	[tilespmem:$0x1F5A0] =	vst v61;
	v61 =	vld [tilespmem:s2+$0xE420]  }
0x30e: {  	v15 =	vld [tilespmem:s2+$0xE1E0]  }
0x30f: {  	v16 =	vld [tilespmem:s2+$0xE1F0]  }
0x310: {  	v18 =	vld [tilespmem:s2+$0xE580]  }
0x311: {  	v23 =	vld [tilespmem:s2+$0xE590]  }
0x312: {  	[tilespmem:$0x1F5B0] =	vst v61;
	v61 =	vld [tilespmem:s2+$0xE430]  }
0x313: {  	v22 =	vld [tilespmem:s2+$0xE5A0]  }
0x314: {  	v24 =	vld [tilespmem:s2+$0xE5B0]  }
0x315: {  	v29 =	vld [tilespmem:s2+$0xE5C0]  }
0x316: {  	v32 =	vld [tilespmem:s2+$0xE5D0]  }
0x317: {  	[tilespmem:$0x1F5C0] =	vst v61;
	v61 =	vld [tilespmem:s2+$0xE440]  }
0x318: {  	v33 =	vld [tilespmem:s2+$0xE5E0]  }
0x319: {  	v34 =	vld [tilespmem:s2+$0xE5F0]  }
0x31a: {  	v25 =	vld [tilespmem:s0+$0x3A00]  }
0x31b: {  	v46 =	vld [tilespmem:s2+$0xE200]  }
0x31c: {  	[tilespmem:$0x1F5D0] =	vst v61;
	v61 =	vld [tilespmem:s2+$0xE450]  }
0x31d: {  	v50 =	vld [tilespmem:s2+$0xE210]  }
0x31e: {  	v38 =	vld [tilespmem:s2+$0xE220]  }
0x31f: {  	v37 =	vld [tilespmem:s2+$0xE230]  }
0x320: {  	v53 =	vld [tilespmem:s2+$0xE240]  }
0x321: {  	[tilespmem:$0x1F5E0] =	vst v61;
	v61 =	vld [tilespmem:s2+$0xE460]  }
0x322: {  	v39 =	vld [tilespmem:s2+$0xE250]  }
0x323: {  	v54 =	vld [tilespmem:s2+$0xE260]  }
0x324: {  	v55 =	vld [tilespmem:s2+$0xE270]  }
0x325: {  	v58 =	vld [tilespmem:s2+$0xE600]  }
0x326: {  	[tilespmem:$0x1F5F0] =	vst v61;
	v61 =	vld [tilespmem:s2+$0xE470]  }
0x327: {  	v40 =	vld [tilespmem:s2+$0xE610]  }
0x328: {  	v59 =	vld [tilespmem:s2+$0xE620]  }
0x329: {  	v41 =	vld [tilespmem:s2+$0xE630]  }
0x32a: {  	v42 =	vld [tilespmem:s2+$0xE640]  }
0x32b: {  	[tilespmem:$0x1F600] =	vst v61;
	v61 =	vld [tilespmem:s2+$0xE800]  }
0x32c: {  	v63 =	vld [tilespmem:s2+$0xE650]  }
0x32d: {  	v62 =	vld [tilespmem:s2+$0xE660]  }
0x32e: {  	v44 =	vld [tilespmem:s2+$0xE670]  }
0x32f: {  	v0 =	vld [tilespmem:s0+$0x3A80];
	v3 =	vmul.f32 v3, v5  }
0x330: {  	[tilespmem:$0x1F610] =	vst v61;
	v61 =	vld [tilespmem:s2+$0xE810]  }
0x331: {  	v60 =	vld [tilespmem:s2+$0xE280];
	v1 =	vmul.f32 v1, v43;
	v3 =	vadd.f32 $0.0e+00, v3  }
0x332: {  	v45 =	vld [tilespmem:s2+$0xE290]  }
0x333: {  	v47 =	vld [tilespmem:s2+$0xE2A0];
	v1 =	vadd.f32 v1, v3;
	v3 =	vmul.f32 v12, v5  }
0x334: {  	v49 =	vld [tilespmem:s2+$0xE2B0]  }
0x335: {  	v8 =	vmul.f32 v8, v43;
	v12 =	vadd.f32 $0.0e+00, v3;
	[tilespmem:$0x1F620] =	vst v61;
	v61 =	vld [tilespmem:s2+$0xE820]  }
0x336: {  	v48 =	vld [tilespmem:s2+$0xE690]  }
0x337: {  	v8 =	vadd.f32 v8, v12;
	v12 =	vmul.f32 v20, v5;
	v20 =	vld [tilespmem:s2+$0xE490]  }
0x338: {  	v51 =	vld [tilespmem:s2+$0xE2C0]  }
0x339: {  	v52 =	vld [tilespmem:s2+$0xE2D0]  }
0x33a: {  	[tilespmem:$0x1F630] =	vst v61;
	v61 =	vld [tilespmem:s2+$0xE830]  }
0x33b: {  	[tilespmem:$0x1F320] =	vst v48;
	v48 =	vld [tilespmem:s2+$0xE6B0]  }
0x33c: {  	[tilespmem:$0x1F6A0] =	vst v20;
	v20 =	vld [tilespmem:s2+$0xE4A0]  }
0x33d: {  	v56 =	vld [tilespmem:s2+$0xE2E0]  }
0x33e: {  	v57 =	vld [tilespmem:s2+$0xE2F0]  }
0x33f: {  	[tilespmem:$0x1F640] =	vst v61;
	v61 =	vld [tilespmem:s2+$0xE840]  }
0x340: {  	[tilespmem:$0x1F340] =	vst v48;
	v48 =	vld [tilespmem:s2+$0xE6D0]  }
0x341: {  	[tilespmem:$0x1F6B0] =	vst v20;
	v20 =	vmul.f32 v26, v5;
	v26 =	vmul.f32 v28, v5;
	v28 =	vld [tilespmem:s2+$0xE4E0]  }
0x342: {  	v4 =	vld [tilespmem:s2+$0xE680]  }
0x343: {  	v7 =	vld [tilespmem:s0+$0x3B80]  }
0x344: {  	[tilespmem:$0x1F650] =	vst v61;
	v61 =	vld [tilespmem:s2+$0xE850]  }
0x345: {  	[tilespmem:$0x1F360] =	vst v48;
	v48 =	vld [tilespmem:s2+$0xE6F0]  }
0x346: {  	[tilespmem:$0x1F6F0] =	vst v28;
	v28 =	vld [tilespmem:s2+$0xE890]  }
0x347: {  	[tilespmem:$0x1F310] =	vst v4;
	v4 =	vld [tilespmem:s0+$0x3C00]  }
0x348: {  	v9 =	vmul.f32 v9, v5;
	v11 =	vmul.f32 v11, v5;
	v3 =	vld [tilespmem:s0+$0x3C80]  }
0x349: {  	v16 =	vmul.f32 v16, v43;
	v27 =	vmul.f32 v27, v5;
	v12 =	vadd.f32 $0.0e+00, v12;
	[tilespmem:$0x1F660] =	vst v61;
	v61 =	vld [tilespmem:s2+$0xE860]  }
0x34a: {  	v2 =	vmul.f32 v2, v43;
	v6 =	vmul.f32 v6, v43;
	v9 =	vadd.f32 $0.0e+00, v9;
	[tilespmem:$0x1F380] =	vst v48;
	v48 =	vld [tilespmem:s0+$0x3B00];
	s0 =	sshll.u32 s28, $0x3  }
0x34b: {  	v12 =	vadd.f32 v16, v12;
	v16 =	vadd.f32 $0.0e+00, v27;
	v27 =	vmul.f32 v24, v43;
	s8 =	sadd.s32 $0x38, s0;
	[tilespmem:$0x1F720] =	vst v28;
	v28 =	vld [tilespmem:s2+$0xE8E0]  }
0x34c: {  	v2 =	vadd.f32 v2, v9;
	v9 =	vadd.f32 $0.0e+00, v11;
	v11 =	vmul.f32 v13, v5;
	v13 =	vld [tilespmem:s2+$0xE870];
	s9 =	sshll.u32 s8, $0x7;
	s8 =	sshll.u32 s8, $0x8  }
0x34d: {  	v10 =	vmul.f32 v10, v43;
	v24 =	vld [tilespmem:s2+$0xE8C0];
	v16 =	vadd.f32 v27, v16;
	v27 =	vmul.f32 v46, v25;
	s30 =	sand.u32 $0x3FFFF800, s8  }
0x34e: {  	v14 =	vmul.f32 v14, v43;
	v11 =	vadd.f32 $0.0e+00, v11;
	v46 =	vld [tilespmem:s30+$0xE100];
	[tilespmem:$0x1F670] =	vst v61;
	v61 =	vmul.f32 v17, v5  }
0x34f: {  	v6 =	vadd.f32 v6, v9;
	v1 =	vadd.f32 v27, v1;
	v27 =	vld [tilespmem:s30+$0xE540];
	v17 =	vmul.f32 v19, v5  }
0x350: {  	v15 =	vmul.f32 v15, v43;
	v10 =	vadd.f32 v10, v11;
	[tilespmem:$0x1F750] =	vst v28;
	v28 =	vld [tilespmem:s30+$0xE140];
	v11 =	vadd.f32 $0.0e+00, v61  }
0x351: {  	v9 =	vadd.f32 $0.0e+00, v17;
	v61 =	vmul.f32 v21, v5;
	v17 =	vmul.f32 v30, v5;
	v30 =	vld [tilespmem:s2+$0xE4F0]  }
0x352: {  	v21 =	vld [tilespmem:s2+$0xE4B0];
	v11 =	vadd.f32 v14, v11  }
0x353: {  	[tilespmem:$0x1F680] =	vst v13;
	v13 =	vadd.f32 $0.0e+00, v61;
	v14 =	vmul.f32 v18, v43;
	v61 =	vld [tilespmem:s2+$0xE4C0];
	v9 =	vadd.f32 v15, v9  }
0x354: {  	v19 =	vld [tilespmem:s2+$0xE480];
	v15 =	vadd.f32 $0.0e+00, v20;
	v18 =	vmul.f32 v31, v5;
	v31 =	vmul.f32 v23, v43  }
0x355: {  	v13 =	vadd.f32 v14, v13;
	v14 =	vadd.f32 $0.0e+00, v26;
	v26 =	vld [tilespmem:s2+$0xE880]  }
0x356: {  	v17 =	vadd.f32 $0.0e+00, v17;
	v15 =	vadd.f32 v31, v15;
	v31 =	vld [tilespmem:s2+$0xE8B0];
	[tilespmem:$0x1F700] =	vst v30;
	v30 =	vmul.f32 v29, v43  }
0x357: {  	[tilespmem:$0x1F6C0] =	vst v21;
	v21 =	vld [tilespmem:s2+$0xE4D0];
	v29 =	vmul.f32 v50, v25  }
0x358: {  	v50 =	vld [tilespmem:s2+$0xE8F0];
	[tilespmem:$0x1F6D0] =	vst v61;
	v61 =	vmul.f32 v22, v43;
	v17 =	vadd.f32 v30, v17  }
0x359: {  	v30 =	vmul.f32 v38, v25;
	v2 =	vadd.f32 v29, v2;
	v29 =	vmul.f32 v42, v25;
	v42 =	vld [tilespmem:s30+$0xE520]  }
0x35a: {  	v38 =	vmul.f32 v47, v0;
	v47 =	vmul.f32 v56, v0;
	v56 =	vld [tilespmem:$0x1F320]  }
0x35b: {  	v22 =	vld [tilespmem:s30+$0xE560];
	v14 =	vadd.f32 v61, v14;
	v61 =	vmul.f32 v33, v43  }
0x35c: {  	[tilespmem:$0x1F710] =	vst v26;
	v26 =	vmul.f32 v34, v43;
	v34 =	vmul.f32 v54, v25;
	v54 =	vld [tilespmem:s30+$0xE110]  }
0x35d: {  	[tilespmem:$0x1F730] =	vst v31;
	v31 =	vmul.f32 v37, v25;
	v33 =	vmul.f32 v39, v25;
	v37 =	vld [tilespmem:s30+$0xE120]  }
0x35e: {  	v39 =	vmul.f32 v58, v25;
	v58 =	vmul.f32 v40, v25;
	v40 =	vld [tilespmem:s30+$0xE150]  }
0x35f: {  	[tilespmem:$0x1F6E0] =	vst v21;
	v21 =	vmul.f32 v35, v5;
	v5 =	vmul.f32 v36, v5;
	v36 =	vld [tilespmem:s2+$0xE8A0]  }
0x360: {  	v35 =	vmul.f32 v32, v43;
	v43 =	vld [tilespmem:s2+$0xE8D0]  }
0x361: {  	v32 =	vmul.f32 v53, v25;
	v53 =	vld [tilespmem:s30+$0xE130]  }
0x362: {  	v15 =	vadd.f32 v58, v15;
	v58 =	vld [tilespmem:s30+$0xE170]  }
0x363: {  	v59 =	vmul.f32 v59, v25;
	v13 =	vadd.f32 v39, v13;
	v39 =	vld [tilespmem:s30+$0xE510]  }
0x364: {  	v9 =	vadd.f32 v34, v9;
	v34 =	vmul.f32 v45, v0;
	v45 =	vmul.f32 v52, v0;
	v52 =	vld [tilespmem:s30+$0xE550]  }
0x365: {  	v18 =	vadd.f32 $0.0e+00, v18;
	v14 =	vadd.f32 v59, v14;
	v59 =	vld [tilespmem:$0x1F340]  }
0x366: {  	v6 =	vadd.f32 v30, v6;
	v11 =	vadd.f32 v33, v11;
	v33 =	vmul.f32 v60, v0;
	v60 =	vld [tilespmem:s30+$0xE570]  }
0x367: {  	v8 =	vadd.f32 v31, v8;
	v31 =	vmul.f32 v62, v25;
	v62 =	vld [tilespmem:$0x1F360];
	v21 =	vadd.f32 $0.0e+00, v21  }
0x368: {  	v5 =	vadd.f32 $0.0e+00, v5;
	v18 =	vadd.f32 v35, v18;
	v35 =	vmul.f32 v55, v25;
	v55 =	vld [tilespmem:s30+$0xE160]  }
0x369: {  	s9 =	sand.u32 $0x3FFFFC00, s9;
	v10 =	vadd.f32 v32, v10;
	v32 =	vmul.f32 v44, v25;
	v44 =	vmul.f32 v51, v0;
	v51 =	vld [tilespmem:$0x1F310]  }
0x36a: {  	v30 =	vmul.f32 v63, v25;
	v20 =	vadd.f32 v61, v21;
	v21 =	vadd.f32 v26, v5;
	v5 =	vld [tilespmem:s9+$0x3900]  }
0x36b: {  	v12 =	vadd.f32 v35, v12;
	v35 =	vld [tilespmem:s30+$0xE500]  }
0x36c: {  	[tilespmem:$0x1F740] =	vst v24;
	v61 =	vmul.f32 v41, v25;
	v24 =	vadd.f32 v30, v18;
	v30 =	vld [tilespmem:s30+$0xE530]  }
0x36d: {  	v41 =	vmul.f32 v49, v0;
	v49 =	vmul.f32 v57, v0;
	v57 =	vld [tilespmem:$0x1F330]  }
0x36e: {  	s31 =	sadd.s32 $0x39, s0;
	v18 =	vld [tilespmem:$0x1F380]  }
0x36f: {  	s29 =	sshll.u32 s31, $0x7;
	v10 =	vadd.f32 v44, v10;
	v44 =	vld [tilespmem:$0x1F3B0]  }
0x370: {  	s8 =	sshll.u32 s31, $0x8;
	v26 =	vadd.f32 v47, v9;
	s9 =	sand.u32 $0x3FFFFC80, s29;
	v47 =	vld [tilespmem:$0x1F3C0]  }
0x371: {  	v23 =	vadd.f32 v34, v2;
	s30 =	sand.u32 $0x7800, s8;
	v34 =	vld [tilespmem:s9+$0x3900]  }
0x372: {  	v1 =	vadd.f32 v33, v1;
	v33 =	vld [tilespmem:s30+$0xE190]  }
0x373: {  	[tilespmem:$0x1F790] =	vst v42;
	v42 =	vld [tilespmem:s30+$0xE1A0]  }
0x374: {  	v16 =	vadd.f32 v61, v16;
	v61 =	vld [tilespmem:$0x1F350]  }
0x375: {  	[tilespmem:$0x1F760] =	vst v28;
	v28 =	vadd.f32 v49, v12;
	v12 =	vld [tilespmem:s30+$0xE180]  }
0x376: {  	[tilespmem:$0x1F780] =	vst v39;
	v39 =	vld [tilespmem:$0x1F3A0]  }
0x377: {  	[tilespmem:$0x1F7A0] =	vst v52;
	v52 =	vld [tilespmem:$0x1F3D0]  }
0x378: {  	v9 =	vmul.f32 v59, v0;
	v59 =	vld [tilespmem:$0x1F3E0]  }
0x379: {  	[tilespmem:$0x1F690] =	vst v19;
	v19 =	vadd.f32 v31, v20;
	v63 =	vmul.f32 v62, v0;
	v62 =	vld [tilespmem:$0x1F3F0]  }
0x37a: {  	v20 =	vadd.f32 v32, v21;
	v21 =	vadd.f32 v38, v6;
	v6 =	vmul.f32 v51, v0;
	v51 =	vld [tilespmem:s30+$0xE1B0]  }
0x37b: {  	v16 =	vadd.f32 v9, v16;
	v9 =	vld [tilespmem:$0x1F370]  }
0x37c: {  	[tilespmem:$0x1F770] =	vst v35;
	v35 =	vld [tilespmem:$0x1F390]  }
0x37d: {  	v2 =	vmul.f32 v56, v0;
	v13 =	vadd.f32 v6, v13;
	v6 =	vmul.f32 v57, v0;
	v57 =	vld [tilespmem:s30+$0xE1C0]  }
0x37e: {  	v11 =	vadd.f32 v45, v11;
	v45 =	vmul.f32 v44, v48;
	v44 =	vld [tilespmem:s30+$0xE1F0]  }
0x37f: {  	v15 =	vadd.f32 v2, v15;
	v2 =	vmul.f32 v61, v0;
	v61 =	vld [tilespmem:s30+$0xE1D0]  }
0x380: {  	v8 =	vadd.f32 v41, v8;
	v49 =	vmul.f32 v47, v48;
	[tilespmem:$0x1F7C0] =	vst v12;
	v12 =	vld [tilespmem:$0x1F420]  }
0x381: {  	v21 =	vadd.f32 v45, v21;
	v45 =	vld [tilespmem:$0x1F430]  }
0x382: {  	v32 =	vadd.f32 v49, v8;
	v49 =	vld [tilespmem:s30+$0xE580]  }
0x383: {  	v24 =	vadd.f32 v63, v24;
	v63 =	vmul.f32 v62, v48;
	v62 =	vld [tilespmem:s30+$0xE5A0]  }
0x384: {  	v56 =	vmul.f32 v52, v48;
	[tilespmem:$0x1F7F0] =	vst v51;
	v51 =	vld [tilespmem:$0x1F440]  }
0x385: {  	v14 =	vadd.f32 v6, v14;
	v6 =	vmul.f32 v9, v0;
	v9 =	vld [tilespmem:s30+$0xE1E0]  }
0x386: {  	[tilespmem:$0x1F7B0] =	vst v60;
	v60 =	vmul.f32 v59, v48;
	v31 =	vadd.f32 v56, v10;
	v10 =	vld [tilespmem:$0x1F410]  }
0x387: {  	v56 =	vld [tilespmem:s30+$0xE590]  }
0x388: {  	[tilespmem:$0x1F7D0] =	vst v33;
	v33 =	vadd.f32 v60, v11;
	v60 =	vld [tilespmem:$0x1F460]  }
0x389: {  	v26 =	vadd.f32 v63, v26;
	v63 =	vld [tilespmem:$0x1F470]  }
0x38a: {  	[tilespmem:$0x1F800] =	vst v57;
	v57 =	vld [tilespmem:$0x1F450]  }
0x38b: {  	v19 =	vadd.f32 v6, v19;
	v6 =	vld [tilespmem:$0x1F400];
	v47 =	vmul.f32 v45, v48  }
0x38c: {  	v11 =	vmul.f32 v10, v48;
	v10 =	vld [tilespmem:s30+$0xE5B0]  }
0x38d: {  	v38 =	vmul.f32 v35, v48;
	v52 =	vmul.f32 v51, v48;
	v35 =	vadd.f32 v47, v14;
	v14 =	vld [tilespmem:$0x1F4A0]  }
0x38e: {  	[tilespmem:$0x1F810] =	vst v61;
	v61 =	vmul.f32 v60, v48;
	v60 =	vld [tilespmem:s30+$0xE5E0]  }
0x38f: {  	v17 =	vadd.f32 v29, v17;
	[tilespmem:$0x1F830] =	vst v44;
	v44 =	vadd.f32 v52, v16;
	v16 =	vld [tilespmem:s30+$0xE5D0]  }
0x390: {  	v29 =	vadd.f32 v38, v1;
	v38 =	vadd.f32 v11, v13;
	v11 =	vld [tilespmem:$0x1F490]  }
0x391: {  	v41 =	vmul.f32 v39, v48;
	v13 =	vld [tilespmem:s30+$0xE5C0]  }
0x392: {  	[tilespmem:$0x1F7E0] =	vst v42;
	v17 =	vadd.f32 v2, v17;
	v59 =	vmul.f32 v57, v48;
	v42 =	vadd.f32 v61, v24;
	v61 =	vld [tilespmem:$0x1F4D0]  }
0x393: {  	v8 =	vmul.f32 v6, v48;
	v6 =	vmul.f32 v63, v48;
	v63 =	vld [tilespmem:$0x1F4E0]  }
0x394: {  	v23 =	vadd.f32 v41, v23;
	v41 =	vadd.f32 v59, v17;
	v17 =	vld [tilespmem:$0x1F4B0]  }
0x395: {  	v25 =	vmul.f32 v18, v0;
	v18 =	vmul.f32 v12, v48;
	v28 =	vadd.f32 v8, v28;
	v8 =	vld [tilespmem:$0x1F480]  }
0x396: {  	v45 =	vadd.f32 v6, v19;
	v19 =	vld [tilespmem:$0x1F4C0]  }
0x397: {  	v39 =	vadd.f32 v18, v15;
	v15 =	vmul.f32 v14, v7;
	v14 =	vld [tilespmem:$0x1F510]  }
0x398: {  	s31 =	sadd.s32 $0x3A, s0;
	[tilespmem:$0x1F890] =	vst v16;
	v16 =	vld [tilespmem:$0x1F520]  }
0x399: {  	s29 =	sshll.u32 s31, $0x7;
	v12 =	vmul.f32 v11, v7;
	v11 =	vld [tilespmem:$0x1F500]  }
0x39a: {  	s9 =	sand.u32 $0x3FFFFD00, s29;
	[tilespmem:$0x1F820] =	vst v9;
	v9 =	vmul.f32 v8, v48;
	v8 =	vld [tilespmem:s30+$0xE5F0]  }
0x39b: {  	[tilespmem:$0x1F860] =	vst v62;
	v62 =	vmul.f32 v61, v7;
	v48 =	vld [tilespmem:s9+$0x3900]  }
0x39c: {  	v20 =	vadd.f32 v25, v20;
	v25 =	vmul.f32 v19, v7;
	v19 =	vld [tilespmem:$0x1F530]  }
0x39d: {  	s8 =	sshll.u32 s31, $0x8;
	v61 =	vadd.f32 v62, v31;
	v62 =	vld [tilespmem:$0x1F570]  }
0x39e: {  	[tilespmem:$0x1F840] =	vst v49;
	v18 =	vmul.f32 v17, v7;
	v49 =	vadd.f32 v12, v29;
	s30 =	sand.u32 $0x7800, s8;
	v29 =	vld [tilespmem:$0x1F5E0]  }
0x39f: {  	[tilespmem:$0x1F880] =	vst v13;
	v13 =	vld [tilespmem:s30+$0xE200]  }
0x3a0: {  	[tilespmem:$0x1F850] =	vst v56;
	v56 =	vadd.f32 v18, v21;
	v18 =	vld [tilespmem:s30+$0xE210]  }
0x3a1: {  	v6 =	vmul.f32 v63, v7;
	v21 =	vld [tilespmem:$0x1F540]  }
0x3a2: {  	v24 =	vld [tilespmem:s30+$0xE220]  }
0x3a3: {  	v52 =	vadd.f32 v6, v33;
	v33 =	vld [tilespmem:s30+$0xE230]  }
0x3a4: {  	[tilespmem:$0x1F8A0] =	vst v60;
	v60 =	vld [tilespmem:s30+$0xE240]  }
0x3a5: {  	v51 =	vadd.f32 v15, v23;
	v15 =	vmul.f32 v14, v7;
	v14 =	vld [tilespmem:$0x1F590]  }
0x3a6: {  	v47 =	vadd.f32 v9, v20;
	v9 =	vld [tilespmem:$0x1F4F0]  }
0x3a7: {  	v57 =	vadd.f32 v25, v32;
	v25 =	vld [tilespmem:$0x1F550]  }
0x3a8: {  	v17 =	vmul.f32 v16, v7;
	v16 =	vld [tilespmem:$0x1F5A0]  }
0x3a9: {  	v32 =	vld [tilespmem:$0x1F5F0]  }
0x3aa: {  	v12 =	vmul.f32 v11, v7;
	v11 =	vld [tilespmem:$0x1F580]  }
0x3ab: {  	[tilespmem:$0x1F8B0] =	vst v8;
	v8 =	vadd.f32 v17, v39;
	v39 =	vld [tilespmem:$0x1F560]  }
0x3ac: {  	v20 =	vmul.f32 v19, v7;
	v19 =	vld [tilespmem:$0x1F5B0]  }
0x3ad: {  	v63 =	vmul.f32 v62, v7;
	v62 =	vld [tilespmem:s30+$0xE630]  }
0x3ae: {  	[tilespmem:$0x1F8C0] =	vst v13;
	v13 =	vld [tilespmem:s30+$0xE250]  }
0x3af: {  	[tilespmem:$0x1F8D0] =	vst v18;
	v18 =	vld [tilespmem:s30+$0xE260]  }
0x3b0: {  	v23 =	vmul.f32 v21, v7;
	v21 =	vld [tilespmem:s30+$0xE270]  }
0x3b1: {  	[tilespmem:$0x1F8F0] =	vst v33;
	v33 =	vld [tilespmem:$0x1F600]  }
0x3b2: {  	[tilespmem:$0x1F900] =	vst v60;
	v60 =	vld [tilespmem:s30+$0xE650]  }
0x3b3: {  	v45 =	vadd.f32 v63, v45;
	v63 =	vld [tilespmem:s30+$0xE610]  }
0x3b4: {  	v38 =	vadd.f32 v15, v38;
	v15 =	vmul.f32 v14, v4;
	v0 =	vmul.f32 v32, v4;
	v32 =	vld [tilespmem:$0x1F6B0]  }
0x3b5: {  	[tilespmem:$0x1F870] =	vst v10;
	v10 =	vmul.f32 v9, v7;
	v44 =	vadd.f32 v23, v44;
	v23 =	vld [tilespmem:$0x1F5C0]  }
0x3b6: {  	v49 =	vadd.f32 v15, v49;
	v15 =	vld [tilespmem:$0x1F640]  }
0x3b7: {  	v6 =	vadd.f32 v10, v26;
	v26 =	vmul.f32 v25, v7;
	v25 =	vld [tilespmem:s30+$0xE600]  }
0x3b8: {  	v59 =	vmul.f32 v39, v7;
	v39 =	vld [tilespmem:s30+$0xE620]  }
0x3b9: {  	v2 =	vadd.f32 v12, v28;
	v12 =	vmul.f32 v11, v7;
	v7 =	vld [tilespmem:$0x1F620]  }
0x3ba: {  	[tilespmem:$0x1F960] =	vst v62;
	v62 =	vld [tilespmem:s30+$0xE640]  }
0x3bb: {  	v47 =	vadd.f32 v12, v47;
	v12 =	vld [tilespmem:$0x1F630]  }
0x3bc: {  	v31 =	vmul.f32 v29, v4;
	v9 =	vadd.f32 v20, v35;
	v20 =	vmul.f32 v19, v4;
	v19 =	vld [tilespmem:$0x1F650]  }
0x3bd: {  	v10 =	vadd.f32 v26, v41;
	v26 =	vld [tilespmem:$0x1F5D0]  }
0x3be: {  	[tilespmem:$0x1F910] =	vst v13;
	v13 =	vadd.f32 v31, v52;
	v52 =	vld [tilespmem:$0x1F610]  }
0x3bf: {  	s31 =	sadd.s32 $0x3B, s0;
	[tilespmem:$0x1F930] =	vst v21;
	v21 =	vld [tilespmem:$0x1F660]  }
0x3c0: {  	s8 =	sshll.u32 s31, $0x8;
	v31 =	vld [tilespmem:$0x1F6A0]  }
0x3c1: {  	s8 =	sand.u32 $0x7800, s8;
	v1 =	vmul.f32 v33, v4;
	v33 =	vld [tilespmem:$0x1F6C0]  }
0x3c2: {  	v41 =	vld [tilespmem:s8+$0xE2F0]  }
0x3c3: {  	v17 =	vmul.f32 v16, v4;
	v35 =	vadd.f32 v59, v42;
	v42 =	vld [tilespmem:s8+$0xE2A0]  }
0x3c4: {  	[tilespmem:$0x1F8E0] =	vst v24;
	v16 =	vadd.f32 v0, v6;
	v24 =	vmul.f32 v23, v4;
	v0 =	vmul.f32 v15, v4;
	v23 =	vld [tilespmem:$0x1F670]  }
0x3c5: {  	[tilespmem:$0x1F940] =	vst v25;
	v25 =	vld [tilespmem:$0x1F680]  }
0x3c6: {  	v15 =	vadd.f32 v0, v44;
	v44 =	vld [tilespmem:s30+$0xE670]  }
0x3c7: {  	v11 =	vmul.f32 v7, v4;
	v59 =	vmul.f32 v52, v4;
	v52 =	vld [tilespmem:s8+$0xE2C0]  }
0x3c8: {  	v56 =	vadd.f32 v20, v56;
	v20 =	vmul.f32 v19, v4;
	v0 =	vmul.f32 v31, v3;
	v31 =	vld [tilespmem:$0x1F740]  }
0x3c9: {  	[tilespmem:$0x1F920] =	vst v18;
	v18 =	vadd.f32 v1, v2;
	v2 =	vmul.f32 v33, v3;
	v33 =	vmul.f32 v43, v3;
	v43 =	vld [tilespmem:s8+$0xE680]  }
0x3ca: {  	v28 =	vmul.f32 v26, v4;
	v7 =	vadd.f32 v11, v8;
	v8 =	vadd.f32 v20, v10;
	v20 =	vld [tilespmem:$0x1F6F0]  }
0x3cb: {  	v51 =	vadd.f32 v17, v51;
	v17 =	vadd.f32 v59, v38;
	v59 =	vld [tilespmem:s30+$0xE660]  }
0x3cc: {  	v57 =	vadd.f32 v24, v57;
	v14 =	vmul.f32 v12, v4;
	v61 =	vadd.f32 v28, v61;
	v28 =	vld [tilespmem:$0x1F690]  }
0x3cd: {  	v38 =	vld [tilespmem:$0x1F6D0]  }
0x3ce: {  	v9 =	vadd.f32 v14, v9;
	v14 =	vadd.f32 v2, v57;
	v57 =	vld [tilespmem:$0x1F6E0]  }
0x3cf: {  	s29 =	sshll.u32 s31, $0x7;
	v6 =	vadd.f32 v0, v51;
	v51 =	vld [tilespmem:s8+$0xE2B0]  }
0x3d0: {  	s9 =	sand.u32 $0x3FFFFD80, s29;
	v24 =	vmul.f32 v23, v4;
	v23 =	vld [tilespmem:$0x1F700]  }
0x3d1: {  	v1 =	vmul.f32 v21, v4;
	v26 =	vmul.f32 v25, v4;
	v4 =	vld [tilespmem:s9+$0x3900]  }
0x3d2: {  	v25 =	vld [tilespmem:$0x1F720]  }
0x3d3: {  	v11 =	vadd.f32 v1, v35;
	v1 =	vmul.f32 v32, v3;
	v35 =	vadd.f32 v24, v45;
	v45 =	vld [tilespmem:s8+$0xE280]  }
0x3d4: {  	v24 =	vld [tilespmem:$0x1F710]  }
0x3d5: {  	v12 =	vadd.f32 v1, v56;
	v56 =	vld [tilespmem:s8+$0xE2D0]  }
0x3d6: {  	v10 =	vadd.f32 v26, v47;
	v47 =	vld [tilespmem:s8+$0xE290]  }
0x3d7: {  	v26 =	vmul.f32 v36, v3;
	v36 =	vld [tilespmem:$0x1F750]  }
0x3d8: {  	v32 =	vmul.f32 v31, v3;
	v31 =	vmul.f32 v58, v5;
	v58 =	vld [tilespmem:s8+$0xE6F0]  }
0x3d9: {  	v19 =	vmul.f32 v57, v3;
	v57 =	vld [tilespmem:s8+$0xE2E0]  }
0x3da: {  	s30 =	sadd.s32 $0x3C, s0;
	v21 =	vmul.f32 v20, v3;
	v29 =	vmul.f32 v28, v3;
	v28 =	vld [tilespmem:$0x1F730]  }
0x3db: {  	s2 =	sshll.u32 s30, $0x8;
	v0 =	vmul.f32 v23, v3;
	v23 =	vmul.f32 v53, v5;
	v53 =	vld [tilespmem:s8+$0xE6C0]  }
0x3dc: {  	[tilespmem:$0x1F950] =	vst v39;
	s29 =	sand.u32 $0x7800, s2;
	v39 =	vmul.f32 v38, v3;
	v8 =	vadd.f32 v32, v8;
	v32 =	vld [tilespmem:$0x1F770]  }
0x3dd: {  	v16 =	vadd.f32 v21, v16;
	v21 =	vmul.f32 v37, v5;
	v37 =	vld [tilespmem:s29+$0xE320]  }
0x3de: {  	v61 =	vadd.f32 v39, v61;
	v39 =	vmul.f32 v46, v5;
	v46 =	vld [tilespmem:s8+$0xE6A0]  }
0x3df: {  	v2 =	vmul.f32 v25, v3;
	v1 =	vmul.f32 v24, v3;
	v24 =	vld [tilespmem:$0x1F760]  }
0x3e0: {  	v49 =	vadd.f32 v29, v49;
	v14 =	vadd.f32 v23, v14;
	v23 =	vld [tilespmem:$0x1F790]  }
0x3e1: {  	v13 =	vadd.f32 v19, v13;
	v2 =	vadd.f32 v2, v7;
	v7 =	vmul.f32 v54, v5;
	v54 =	vld [tilespmem:s8+$0xE6B0]  }
0x3e2: {  	v19 =	vadd.f32 v0, v18;
	v18 =	vadd.f32 v21, v12;
	v12 =	vld [tilespmem:$0x1F7B0]  }
0x3e3: {  	v38 =	vmul.f32 v36, v3;
	v36 =	vld [tilespmem:s29+$0xE330];
	v20 =	vadd.f32 v1, v17  }
0x3e4: {  	v1 =	vadd.f32 v33, v11;
	v11 =	vadd.f32 v39, v49;
	v39 =	vld [tilespmem:s29+$0xE300]  }
0x3e5: {  	v19 =	vadd.f32 v31, v19;
	v31 =	vmul.f32 v22, v5;
	v22 =	vld [tilespmem:$0x1F7C0]  }
0x3e6: {  	v29 =	vmul.f32 v28, v3;
	v3 =	vmul.f32 v50, v3;
	v50 =	vld [tilespmem:s8+$0xE690]  }
0x3e7: {  	v28 =	vmul.f32 v40, v5;
	v40 =	vld [tilespmem:s8+$0xE6D0]  }
0x3e8: {  	v17 =	vadd.f32 v38, v35;
	v38 =	vld [tilespmem:s29+$0xE310]  }
0x3e9: {  	v33 =	vmul.f32 v32, v5;
	v32 =	vld [tilespmem:s29+$0xE350]  }
0x3ea: {  	s31 =	sshll.u32 s30, $0x7;
	v15 =	vadd.f32 v29, v15;
	v29 =	vmul.f32 v55, v5;
	v55 =	vld [tilespmem:s8+$0xE6E0]  }
0x3eb: {  	s9 =	sand.u32 $0x3FFFFE00, s31;
	v25 =	vadd.f32 v3, v10;
	v10 =	vadd.f32 v7, v6;
	v6 =	vld [tilespmem:$0x1F780]  }
0x3ec: {  	v3 =	vld [tilespmem:s9+$0x3900]  }
0x3ed: {  	v9 =	vadd.f32 v26, v9;
	v26 =	vmul.f32 v24, v5;
	v20 =	vadd.f32 v33, v20;
	v33 =	vld [tilespmem:s29+$0xE340]  }
0x3ee: {  	v24 =	vmul.f32 v23, v5;
	v21 =	vmul.f32 v12, v5;
	v12 =	vld [tilespmem:$0x1F7F0]  }
0x3ef: {  	v16 =	vadd.f32 v29, v16;
	v29 =	vld [tilespmem:$0x1F7A0]  }
0x3f0: {  	v35 =	vadd.f32 v26, v61;
	v26 =	vmul.f32 v30, v5;
	v49 =	vadd.f32 v24, v9;
	v24 =	vld [tilespmem:$0x1F7D0]  }
0x3f1: {  	v13 =	vadd.f32 v28, v13;
	v28 =	vmul.f32 v27, v5;
	v17 =	vadd.f32 v31, v17;
	v31 =	vld [tilespmem:s29+$0xE360]  }
0x3f2: {  	v23 =	vmul.f32 v22, v34;
	v7 =	vmul.f32 v6, v5;
	v6 =	vadd.f32 v26, v15;
	v26 =	vld [tilespmem:$0x1F7E0]  }
0x3f3: {  	v25 =	vadd.f32 v21, v25;
	v15 =	vadd.f32 v28, v8;
	v28 =	vld [tilespmem:$0x1F800]  }
0x3f4: {  	v21 =	vadd.f32 v23, v11;
	v23 =	vmul.f32 v12, v34;
	v30 =	vmul.f32 v29, v5;
	v29 =	vld [tilespmem:$0x1F810]  }
0x3f5: {  	v0 =	vmul.f32 v24, v34;
	v24 =	vld [tilespmem:$0x1F840]  }
0x3f6: {  	v9 =	vadd.f32 v23, v14;
	v23 =	vld [tilespmem:$0x1F830]  }
0x3f7: {  	v5 =	vadd.f32 v30, v1;
	v30 =	vld [tilespmem:$0x1F820];
	v27 =	vmul.f32 v26, v34  }
0x3f8: {  	v8 =	vmul.f32 v28, v34;
	v28 =	vld [tilespmem:s2+$0xE300]  }
0x3f9: {  	v18 =	vadd.f32 v27, v18;
	v27 =	vld [tilespmem:s29+$0xE370]  }
0x3fa: {  	v11 =	vmul.f32 v29, v34;
	v29 =	vld [tilespmem:s2+$0xE310]  }
0x3fb: {  	v22 =	vadd.f32 v0, v10;
	v35 =	vadd.f32 v8, v35;
	v8 =	vld [tilespmem:$0x1F890];
	v0 =	vmul.f32 v23, v34  }
0x3fc: {  	v61 =	vadd.f32 v7, v2;
	v7 =	vmul.f32 v30, v34;
	v30 =	vld [tilespmem:$0x1F850]  }
0x3fd: {  	v26 =	vmul.f32 v24, v34;
	v12 =	vadd.f32 v0, v19;
	v19 =	vld [tilespmem:$0x1F870]  }
0x3fe: {  	v24 =	vld [tilespmem:s2+$0xE350]  }
0x3ff: {  	v10 =	vadd.f32 v26, v20;
	v26 =	vld [tilespmem:s2+$0xE330]  }
0x400: {  	v23 =	vadd.f32 v7, v16;
	v16 =	vld [tilespmem:$0x1F860]  }
0x401: {  	v7 =	vmul.f32 v30, v34;
	v30 =	vld [tilespmem:s2+$0xE320]  }
0x402: {  	v20 =	vmul.f32 v19, v34;
	v19 =	vld [tilespmem:$0x1F8A0]  }
0x403: {  	v14 =	vadd.f32 v7, v61;
	v7 =	vld [tilespmem:$0x1F880]  }
0x404: {  	v11 =	vadd.f32 v11, v13;
	v13 =	vadd.f32 v20, v6;
	v20 =	vld [tilespmem:$0x1F8B0]  }
0x405: {  	v16 =	vmul.f32 v16, v34;
	v61 =	vld [tilespmem:s2+$0xE340]  }
0x406: {  	v1 =	vmul.f32 v8, v34;
	v6 =	vld [tilespmem:$0x1F8D0]  }
0x407: {  	v49 =	vadd.f32 v16, v49;
	v16 =	vmul.f32 v19, v34;
	v19 =	vld [tilespmem:s2+$0xE370]  }
0x408: {  	v0 =	vmul.f32 v7, v34;
	v7 =	vadd.f32 v1, v5;
	v5 =	vld [tilespmem:$0x1F8C0]  }
0x409: {  	s30 =	sadd.s32 $0x3D, s0;
	v1 =	vmul.f32 v20, v34;
	v20 =	vld [tilespmem:s2+$0xE360]  }
0x40a: {  	v60 =	vmul.f32 v60, v48;
	s8 =	sshll.u32 s30, $0x8;
	v34 =	vadd.f32 v16, v17;
	v16 =	vld [tilespmem:$0x1F8F0]  }
0x40b: {  	s31 =	sshll.u32 s30, $0x7;
	v44 =	vmul.f32 v44, v48;
	s8 =	sand.u32 $0x7800, s8;
	v8 =	vadd.f32 v0, v15;
	v15 =	vld [tilespmem:$0x1F8E0]  }
0x40c: {  	s9 =	sand.u32 $0x3FFFFE80, s31;
	v7 =	vadd.f32 v60, v7;
	v60 =	vmul.f32 v47, v4;
	v47 =	vld [tilespmem:s8+$0xE7A0];
	v25 =	vadd.f32 v1, v25  }
0x40d: {  	v1 =	vld [tilespmem:s9+$0x3900]  }
0x40e: {  	v17 =	vmul.f32 v5, v48;
	v5 =	vmul.f32 v6, v48;
	v25 =	vadd.f32 v44, v25;
	v44 =	vld [tilespmem:s8+$0xE790]  }
0x40f: {  	v2 =	vmul.f32 v16, v48;
	v16 =	vld [tilespmem:$0x1F930]  }
0x410: {  	v5 =	vadd.f32 v5, v22;
	v22 =	vld [tilespmem:$0x1F900]  }
0x411: {  	v0 =	vmul.f32 v15, v48;
	v15 =	vld [tilespmem:$0x1F920]  }
0x412: {  	v2 =	vadd.f32 v2, v9;
	v9 =	vld [tilespmem:$0x1F910]  }
0x413: {  	v45 =	vmul.f32 v45, v4;
	v21 =	vadd.f32 v17, v21;
	v17 =	vld [tilespmem:s8+$0xE380];
	v6 =	vadd.f32 v0, v18  }
0x414: {  	v18 =	vld [tilespmem:s8+$0xE390];
	v5 =	vadd.f32 v60, v5;
	v60 =	vmul.f32 v56, v4;
	v56 =	vmul.f32 v57, v4  }
0x415: {  	v57 =	vmul.f32 v41, v4;
	v41 =	vld [tilespmem:s8+$0xE7D0];
	v22 =	vmul.f32 v22, v48  }
0x416: {  	v21 =	vadd.f32 v45, v21;
	v45 =	vmul.f32 v51, v4;
	v51 =	vld [tilespmem:s8+$0xE7F0]  }
0x417: {  	v9 =	vmul.f32 v9, v48;
	v22 =	vadd.f32 v22, v35;
	v35 =	vmul.f32 v15, v48;
	v15 =	vld [tilespmem:$0x1F940]  }
0x418: {  	v63 =	vmul.f32 v63, v48;
	v0 =	vmul.f32 v16, v48;
	v16 =	vld [tilespmem:s8+$0xE3A0]  }
0x419: {  	v59 =	vmul.f32 v59, v48;
	v2 =	vadd.f32 v45, v2;
	v45 =	vld [tilespmem:s8+$0xE7C0];
	v9 =	vadd.f32 v9, v11  }
0x41a: {  	v42 =	vmul.f32 v42, v4;
	v53 =	vmul.f32 v53, v4;
	s29 =	sadd.s32 $0x3E, s0;
	v23 =	vadd.f32 v35, v23;
	v35 =	vld [tilespmem:$0x1F950]  }
0x41b: {  	v32 =	vmul.f32 v32, v3;
	s2 =	sshll.u32 s29, $0x8;
	v9 =	vadd.f32 v60, v9;
	v60 =	vmul.f32 v50, v4;
	v50 =	vld [tilespmem:s8+$0xE7E0]  }
0x41c: {  	v31 =	vmul.f32 v31, v3;
	s30 =	sshll.u32 s29, $0x7;
	s29 =	sor.u32 $0x720, s2;
	v23 =	vadd.f32 v56, v23;
	v11 =	vmul.f32 v15, v48;
	v15 =	vld [tilespmem:s8+$0xE3B0]  }
0x41d: {  	v46 =	vmul.f32 v46, v4;
	v54 =	vmul.f32 v54, v4;
	s31 =	sor.u32 $0x700, s2;
	v9 =	vadd.f32 v32, v9;
	v32 =	vld [tilespmem:s29+$0xE100]  }
0x41e: {  	v40 =	vmul.f32 v40, v4;
	v0 =	vadd.f32 v0, v12;
	v23 =	vadd.f32 v31, v23;
	v31 =	vld [tilespmem:s31+$0xE100]  }
0x41f: {  	s29 =	sor.u32 $0x760, s2;
	v12 =	vmul.f32 v35, v48;
	v10 =	vadd.f32 v11, v10;
	v11 =	vadd.f32 v63, v14;
	v63 =	vld [tilespmem:$0x1F960]  }
0x420: {  	v39 =	vmul.f32 v39, v3;
	v6 =	vadd.f32 v42, v6;
	v42 =	vmul.f32 v16, v1;
	v16 =	vld [tilespmem:s29+$0xE100]  }
0x421: {  	v38 =	vmul.f32 v38, v3;
	v35 =	vld [tilespmem:s8+$0xE3C0];
	v12 =	vadd.f32 v12, v49;
	v49 =	vmul.f32 v62, v48  }
0x422: {  	v36 =	vmul.f32 v36, v3;
	v27 =	vmul.f32 v27, v3;
	v62 =	vld [tilespmem:s8+$0xE3E0]  }
0x423: {  	v24 =	vmul.f32 v24, v3;
	v7 =	vadd.f32 v40, v7;
	v8 =	vadd.f32 v49, v8;
	v49 =	vld [tilespmem:s8+$0xE780]  }
0x424: {  	v29 =	vmul.f32 v29, v3;
	v14 =	vmul.f32 v63, v48;
	v63 =	vld [tilespmem:s8+$0xE3D0]  }
0x425: {  	v26 =	vmul.f32 v26, v3;
	v7 =	vadd.f32 v24, v7;
	v21 =	vadd.f32 v39, v21;
	v48 =	vld [tilespmem:s8+$0xE3F0]  }
0x426: {  	s9 =	sand.u32 $0x3FFFFF00, s30;
	v13 =	vadd.f32 v14, v13;
	v14 =	vadd.f32 v59, v34;
	v59 =	vmul.f32 v52, v4;
	v52 =	vld [tilespmem:s8+$0xE7B0]  }
0x427: {  	v20 =	vmul.f32 v20, v3;
	v5 =	vadd.f32 v38, v5;
	v34 =	vadd.f32 v57, v0;
	v0 =	vld [tilespmem:s9+$0x3900];
	s8 =	sand.u32 $0x7800, s2  }
0x428: {  	v39 =	vmul.f32 v61, v3;
	v17 =	vmul.f32 v17, v1;
	v12 =	vadd.f32 v46, v12;
	v46 =	vld [tilespmem:s8+$0xE410]  }
0x429: {  	v2 =	vadd.f32 v36, v2;
	v18 =	vmul.f32 v18, v1;
	v11 =	vadd.f32 v60, v11;
	v40 =	vld [tilespmem:s8+$0xE420]  }
0x42a: {  	v17 =	vadd.f32 v17, v21;
	v15 =	vmul.f32 v15, v1;
	v57 =	vmul.f32 v37, v3;
	v37 =	vld [tilespmem:s8+$0xE430]  }
0x42b: {  	v5 =	vadd.f32 v18, v5;
	v60 =	vmul.f32 v30, v3;
	v11 =	vadd.f32 v29, v11;
	v38 =	vld [tilespmem:s8+$0xE440]  }
0x42c: {  	v56 =	vmul.f32 v55, v4;
	v2 =	vadd.f32 v15, v2;
	v8 =	vadd.f32 v53, v8;
	s9 =	sor.u32 $0x710, s2;
	v36 =	vld [tilespmem:s8+$0xE460]  }
0x42d: {  	v12 =	vadd.f32 v60, v12;
	v53 =	vmul.f32 v35, v1;
	v60 =	vmul.f32 v47, v1;
	v30 =	vld [tilespmem:s9+$0xE100]  }
0x42e: {  	s30 =	sor.u32 $0x730, s2;
	v55 =	vmul.f32 v62, v1;
	v22 =	vadd.f32 v59, v22;
	v59 =	vmul.f32 v43, v4;
	v43 =	vld [tilespmem:s8+$0xE400]  }
0x42f: {  	s31 =	sor.u32 $0x740, s2;
	v8 =	vadd.f32 v39, v8;
	s9 =	sor.u32 $0x750, s2;
	s2 =	sor.u32 $0x770, s2;
	v4 =	vmul.f32 v58, v4;
	v58 =	vmul.f32 v33, v3;
	v33 =	vld [tilespmem:s8+$0xE450]  }
0x430: {  	v62 =	vmul.f32 v45, v1;
	v12 =	vadd.f32 v60, v12;
	v13 =	vadd.f32 v54, v13;
	v21 =	vld [tilespmem:s2+$0xE100]  }
0x431: {  	v14 =	vadd.f32 v56, v14;
	v10 =	vadd.f32 v59, v10;
	v59 =	vmul.f32 v28, v3;
	v28 =	vld [tilespmem:s8+$0xE470]  }
0x432: {  	s0 =	sadd.s32 $0x3F, s0;
	v6 =	vadd.f32 v57, v6;
	v57 =	vmul.f32 v49, v1;
	v4 =	vadd.f32 v4, v25;
	v25 =	vld [tilespmem:s30+$0xE100]  }
0x433: {  	v27 =	vadd.f32 v27, v34;
	v54 =	vmul.f32 v63, v1;
	v3 =	vmul.f32 v19, v3;
	v19 =	vld [tilespmem:s31+$0xE100];
	s30 =	sshll.u32 s0, $0x7  }
0x434: {  	v63 =	vmul.f32 v41, v1;
	v8 =	vadd.f32 v62, v8;
	v14 =	vadd.f32 v20, v14;
	v20 =	vld [tilespmem:s9+$0xE100];
	s0 =	sshll.u32 s0, $0x8;
	s31 =	sand.u32 $0x3FFFFF80, s30  }
0x435: {  	v56 =	vmul.f32 v48, v1;
	v22 =	vadd.f32 v58, v22;
	v13 =	vadd.f32 v26, v13;
	s8 =	sand.u32 $0x7800, s0;
	v15 =	vld [tilespmem:s31+$0x3900]  }
0x436: {  	v58 =	vmul.f32 v44, v1;
	v44 =	vmul.f32 v50, v1;
	v7 =	vadd.f32 v63, v7;
	v26 =	vld [tilespmem:s8+$0xE480]  }
0x437: {  	v61 =	vmul.f32 v52, v1;
	v10 =	vadd.f32 v59, v10;
	v3 =	vadd.f32 v3, v4;
	v34 =	vld [tilespmem:s8+$0xE490]  }
0x438: {  	v1 =	vmul.f32 v51, v1;
	v4 =	vadd.f32 v42, v6;
	v59 =	vadd.f32 v56, v27;
	v27 =	vld [tilespmem:s8+$0xE4A0]  }
0x439: {  	v18 =	vadd.f32 v53, v22;
	v6 =	vadd.f32 v54, v9;
	v29 =	vld [tilespmem:s8+$0xE4B0];
	v47 =	vmul.f32 v46, v0  }
0x43a: {  	v22 =	vadd.f32 v55, v23;
	v39 =	vld [tilespmem:s8+$0xE4C0];
	v49 =	vmul.f32 v40, v0;
	v37 =	vmul.f32 v37, v0  }
0x43b: {  	v41 =	vld [tilespmem:s8+$0xE4D0];
	v51 =	vmul.f32 v38, v0;
	v9 =	vadd.f32 v57, v10;
	v10 =	vadd.f32 v58, v11  }
0x43c: {  	v35 =	vld [tilespmem:s8+$0xE4E0];
	v53 =	vmul.f32 v36, v0;
	v11 =	vadd.f32 v61, v13;
	v13 =	vadd.f32 v44, v14  }
0x43d: {  	s9 =	sor.u32 $0x780, s0;
	v48 =	vld [tilespmem:s8+$0xE4F0];
	v42 =	vmul.f32 v32, v0;
	v1 =	vadd.f32 v1, v3;
	v3 =	vadd.f32 v47, v5  }
0x43e: {  	s29 =	sor.u32 $0x790, s0;
	v50 =	vld [tilespmem:s9+$0xE100];
	v45 =	vmul.f32 v43, v0;
	v4 =	vadd.f32 v49, v4;
	v2 =	vadd.f32 v37, v2  }
0x43f: {  	s30 =	sor.u32 $0x7A0, s0;
	v52 =	vld [tilespmem:s29+$0xE100];
	v33 =	vmul.f32 v33, v0;
	v5 =	vadd.f32 v51, v18;
	v22 =	vadd.f32 v53, v22  }
0x440: {  	v54 =	vld [tilespmem:s30+$0xE100];
	s31 =	sor.u32 $0x7B0, s0;
	v57 =	vmul.f32 v31, v0;
	v17 =	vadd.f32 v45, v17;
	v55 =	vmul.f32 v28, v0  }
0x441: {  	s29 =	sor.u32 $0x7E0, s0;
	v56 =	vld [tilespmem:s31+$0xE100];
	v6 =	vadd.f32 v33, v6;
	v44 =	vmul.f32 v25, v0;
	v26 =	vmul.f32 v26, v15  }
0x442: {  	s8 =	sor.u32 $0x7C0, s0;
	v63 =	vld [tilespmem:s29+$0xE100];
	v9 =	vadd.f32 v57, v9;
	v18 =	vadd.f32 v55, v59;
	v60 =	vmul.f32 v34, v15  }
0x443: {  	s9 =	sor.u32 $0x7D0, s0;
	s30 =	sshll.u32 s28, $0x7;
	v58 =	vld [tilespmem:s8+$0xE100];
	v59 =	vmul.f32 v30, v0;
	v62 =	vmul.f32 v27, v15;
	v17 =	vadd.f32 v26, v17  }
0x444: {  	s0 =	sor.u32 $0x7F0, s0;
	s31 =	sand.u32 $0x3FFFFF80, s30;
	v61 =	vld [tilespmem:s9+$0xE100];
	v34 =	vmul.f32 v29, v15;
	v43 =	vmul.f32 v39, v15;
	v3 =	vadd.f32 v60, v3  }
0x445: {  	v37 =	vld [tilespmem:s0+$0xE100];
	v45 =	vmul.f32 v41, v15;
	v46 =	vmul.f32 v35, v15;
	v4 =	vadd.f32 v62, v4;
	[tilespmem:s31+$0x15900] =	vst v17  }
0x446: {  	v47 =	vmul.f32 v48, v15;
	v48 =	vmul.f32 v19, v0;
	v2 =	vadd.f32 v34, v2;
	[tilespmem:s31+$0x15910] =	vst v3  }
0x447: {  	v49 =	vmul.f32 v50, v15;
	v50 =	vmul.f32 v20, v0;
	v5 =	vadd.f32 v43, v5;
	[tilespmem:s31+$0x15920] =	vst v4  }
0x448: {  	v51 =	vmul.f32 v52, v15;
	v53 =	vmul.f32 v54, v15;
	v6 =	vadd.f32 v45, v6;
	[tilespmem:s31+$0x15930] =	vst v2  }
0x449: {  	v55 =	vmul.f32 v56, v15;
	v56 =	vmul.f32 v16, v0;
	v52 =	vadd.f32 v49, v9;
	[tilespmem:s31+$0x15940] =	vst v5  }
0x44a: {  	v0 =	vmul.f32 v21, v0;
	v10 =	vadd.f32 v59, v10;
	v4 =	vadd.f32 v46, v22;
	[tilespmem:s31+$0x15950] =	vst v6  }
0x44b: {  	v60 =	vmul.f32 v63, v15;
	v59 =	vadd.f32 v56, v13;
	v2 =	vadd.f32 v47, v18;
	[tilespmem:s31+$0x15D00] =	vst v52  }
0x44c: {  	v62 =	vmul.f32 v37, v15;
	v0 =	vadd.f32 v0, v1;
	v54 =	vadd.f32 v51, v10;
	[tilespmem:s31+$0x15960] =	vst v4  }
0x44d: {  	v12 =	vadd.f32 v42, v12;
	v63 =	vadd.f32 v60, v59;
	[tilespmem:s31+$0x15970] =	vst v2  }
0x44e: {  	v3 =	vadd.f32 v44, v11;
	v0 =	vadd.f32 v62, v0;
	[tilespmem:s31+$0x15D10] =	vst v54  }
0x44f: {  	p0 =	sne.s32 s28, $0x6;
	v57 =	vmul.f32 v58, v15;
	v5 =	vadd.f32 v48, v8;
	v4 =	vadd.f32 v53, v12;
	[tilespmem:s31+$0x15D60] =	vst v63  }
.Ltmp4:
0x450: {  	v58 =	vmul.f32 v61, v15;
	v6 =	vadd.f32 v50, v7;
	v2 =	vadd.f32 v55, v3;
	[tilespmem:s31+$0x15D70] =	vst v0;
	(pc) =	sbr.rel @p0 .LBB2_9-.Ltmp4, $4  }
0x451: {  	v5 =	vadd.f32 v57, v5;
	[tilespmem:s31+$0x15D20] =	vst v4  }
0x452: {  	v61 =	vadd.f32 v58, v6;
	[tilespmem:s31+$0x15D30] =	vst v2  }
0x453: {  	[tilespmem:s31+$0x15D40] =	vst v5  }
0x454: {  	s28 =	sadd.s32 $0x1, s28;
	[tilespmem:s31+$0x15D50] =	vst v61  }
0x455: {  	s24 =	sadd.s32 $0x1, s24  }
0x456: {  	s0 =	smul.u32 $0x3800, s26;
	p0 =	sne.s32 s24, $0x38  }
.Ltmp5:
0x457: {  	s2 =	sshll.u32 s25, $0xB;
	(pc) =	sbr.rel @p0 .LBB2_2-.Ltmp5, $4  }
0x458: {  	s0 =	sadd.s32 s2, s0  }
0x459: {  	s0 =	sshrl.u32 s0, $0x3  }
0x45a: {  	s0 =	sadd.s32 s6, s0  }
0x45b: {  	[hbm4b:s0+s1] =	stream.linear.scatter [tilespmem:s23], [sflag:$0x4], $0x800, $0x38;
	[tilespmem:$0x16100] =	vst v63  }
0x45c: {  	s0 =	simm.s32 $0x3  }
0x45d: {  	_ =	swait.ge [sflag:s0], $0x800  }
0x45e: {  	[sflag:s0] =	ssyncset.done $0x0  }
0x45f: {  	[sflag:s0] =	ssyncadd.s32 $0xFFFFF800  }
0x460: {  	_ =	swait.ge [sflag:s22], $0x800  }
0x461: {  	s2 =	rddreg [dreg:$0x5]  }
0x462: {  	s31 =	rddreg [dreg:$0x4];
	s2 =	sadd.s32 $0x1, s2  }
0x463: {  	p0 =	sne.s32 s2, s31  }
.Ltmp6:
0x464: {  	_ = 	snop;
	(pc) =	sbr.rel @p0 .LBB2_1-.Ltmp6, $3  }
0x465: {  	_ =	sdelay $0x1  }
0x466: {  	[sflag:s22] =	ssyncset.done $0x0  }
0x467: {  	[sflag:s22] =	ssyncadd.s32 $0xFFFFF800  }
0x468: {  	_ =	sfence.sel $0x180000  }
0x469: {  	[bflag:$0x0] =	sbarrier.arrive $0xFFFF  }
0x46a: {  	_ =	strace $0x90000047  }
0x46b: {  	s0 =	stileid.u32;
	[bflag:$0x2] =	sbarrier.arrive $0xFFFF  }
0x46c: {  	p0 =	sne.s32 s0, $0x0;
	s0 =	rddreg [dreg:$0x1]  }
0x46d: {  	s0 =	sadd.s32 @!p0 $0x100000, s0  }
0x46e: {  	[sflag:s0] =	ssyncadd.tile.s32 @!p0 $0x1;
	_ =	shalt  }
.Lfunc_end2:
_tile_overlayer_lowered:
.L_overlay_start_2:
0x46f: {  	(tag) =	ssettag $0x2  }
0x470: {  	s0 =	rddreg [dreg:$0x0];
	s2 =	stileid.u32  }
0x471: {  	s1 =	rddreg [dreg:$0x1];
	p0 =	sne.s32 s2, $0x0  }
0x472: {  	s3 =	rddreg [dreg:$0x2];
	[bflag:$0x3] =	sbarrier.arrive $0xFFFF;
	s2 =	simm.s32 @!p0 $0x1C05  }
0x473: {  	[timem:s3], [sflag:s2] =	dma.local @!p0 [hbm:s0], s1  }
0x474: {  	s0 =	simm.s32 @!p0 $0x5  }
0x475: {  	_ =	swait.ge @!p0 [sflag:s0], s1  }
0x476: {  	s1 =	ssub.s32 @!p0 $0x0, s1;
	[sflag:s0] =	ssyncset.done @!p0 $0x0  }
0x477: {  	[sflag:s0] =	ssyncadd.s32 @!p0 s1  }
0x478: {  	[bflag:$0x3] =	sbarrier.arrive $0xFFFF  }
0x479: {  	_ =	shalt  }

</sc_bundles>
